<compile_context>
chip_gen: v7x
topology: tpu7x:2x2x1
jax: 0.10.2.dev20260603
libtpu: 0.0.44.dev20260713+nightly
codegen_flags: <defaults>
</compile_context>

<pallas_src>
import functools

import numpy as np
import jax
import jax.numpy as jnp
from jax import lax
from jax.experimental import pallas as pl
from jax.experimental.pallas import tpu as pltpu
from jax.experimental.pallas import tpu_sc as plsc


def _sinusoidal_pe(seq_len, d_model):
    pos = np.arange(seq_len, dtype=np.float32)[:, None]
    div = np.exp(np.arange(0, d_model, 2, dtype=np.float32) * (-np.log(10000.0) / d_model))
    pe = np.zeros((seq_len, d_model), dtype=np.float32)
    pe[:, 0::2] = np.sin(pos * div)
    pe[:, 1::2] = np.cos(pos * div)
    return pe




def _transform(table, pe, w, b):
    v, e = table.shape
    s = pe.shape[0]
    bm = 2000
    assert v % bm == 0
    nblk = v // bm

    def body(x_ref, pe_ref, w_ref, b_ref, o_ref):
        pid = pl.program_id(0)

        @pl.when(pid < nblk)
        def _():
            o_ref[...] = jnp.dot(
                x_ref[...], w_ref[:e, :], preferred_element_type=jnp.float32
            )

        @pl.when(pid == nblk)
        def _():
            o_ref[:s, :] = (
                jnp.dot(pe_ref[...], w_ref[e:, :], preferred_element_type=jnp.float32)
                + b_ref[...]
            )

    return pl.pallas_call(
        body,
        grid=(nblk + 1,),
        in_specs=[
            pl.BlockSpec((bm, e), lambda i: (jnp.minimum(i, nblk - 1), 0)),
            pl.BlockSpec((s, e), lambda i: (0, 0)),
            pl.BlockSpec((2 * e, e), lambda i: (0, 0)),
            pl.BlockSpec((1, e), lambda i: (0, 0)),
        ],
        out_specs=pl.BlockSpec((bm, e), lambda i: (i, 0)),
        out_shape=jax.ShapeDtypeStruct((v + bm, e), jnp.float32),
    )(table, pe, w, b.reshape(1, e))




def _sc_gather(idx, table2, V, B, S, E):
    info = plsc.get_sparse_core_info()
    NC, NS = info.num_cores, info.num_subcores
    NW = NC * NS
    U0 = 104
    U1 = S - U0
    NBB = 3
    bpw = B // NW
    T = 2 * bpw

    mesh = plsc.VectorSubcoreMesh(core_axis_name="c", subcore_axis_name="s")

    @functools.partial(
        pl.kernel,
        mesh=mesh,
        out_type=jax.ShapeDtypeStruct((B * S, E), jnp.float32),
        scratch_types=[
            pltpu.VMEM((bpw * S,), jnp.int32),
            pltpu.VMEM((S, E), jnp.float32),
            [pltpu.VMEM((S, E), jnp.float32)] * 3,
            pltpu.SemaphoreType.DMA,
            pltpu.SemaphoreType.DMA,
        ],
    )
    def k(idx_hbm, table2_hbm, out_hbm, idx_v, pos_v, bufs, sem_g, sem_w):
        wid = lax.axis_index("s") * NC + lax.axis_index("c")
        base_b = wid * bpw
        pltpu.sync_copy(table2_hbm.at[pl.ds(V, S)], pos_v)
        pltpu.sync_copy(idx_hbm.at[pl.ds(base_b * S, bpw * S)], idx_v)

        def halves(t, h):
            off = h * U0
            ln = U0 if h == 0 else U1
            return off, ln

        def gather_desc(bi, h, buf):
            off, ln = halves(bi, h)
            return pltpu.make_async_copy(
                table2_hbm.at[idx_v.at[pl.ds(bi * S + off, ln)]],
                buf.at[pl.ds(off, ln)],
                sem_g,
            )

        def out_desc(bi, h, buf):
            off, ln = halves(bi, h)
            return pltpu.make_async_copy(
                buf.at[pl.ds(off, ln)],
                out_hbm.at[pl.ds((base_b + bi) * S + off, ln)],
                sem_w,
            )

        def add_pos(buf, h):
            off, ln = halves(0, h)

            def rbody(r4, c2):
                for dr in range(4):
                    r = off + r4 * 4 + dr
                    for c in range(E // 16):
                        plsc.addupdate(
                            buf.at[r, pl.ds(c * 16, 16)], pos_v[r, pl.ds(c * 16, 16)]
                        )
                return c2

            lax.fori_loop(0, ln // 4, rbody, 0)

        def step(bi, h, h3, fire, guard_recycle):
            buf = bufs[h3]
            gather_desc(bi, h, buf).wait()
            if fire:
                nbi_d = (h + 3) // 2
                nh = (h + 3) % 2
                nb3 = (h3 + nbi_d) % NBB
                rbi_d = (h - 3) // 2
                rh = (h - 3) % 2
                rec = bi + rbi_d
                if guard_recycle:

                    @pl.when(rec >= 0)
                    def _():
                        out_desc(rec, rh, bufs[nb3]).wait()

                else:
                    out_desc(rec, rh, bufs[nb3]).wait()
                gather_desc(bi + nbi_d, nh, bufs[nb3]).start()
            add_pos(buf, h)
            out_desc(bi, h, buf).start()

        gather_desc(0, 0, bufs[0]).start()
        gather_desc(0, 1, bufs[0]).start()
        gather_desc(1, 0, bufs[1]).start()

        def body(j, carry):
            for hh in range(6):
                step(
                    j * 3 + hh // 2,
                    h=hh % 2,
                    h3=(hh // 2) % NBB,
                    fire=True,
                    guard_recycle=True,
                )
            return carry

        nmain = (T - 4) // 6
        lax.fori_loop(0, nmain, body, 0)
        for t in range(nmain * 6, T):
            step(
                t // 2,
                h=t % 2,
                h3=(t // 2) % NBB,
                fire=(t + 3 < T),
                guard_recycle=False,
            )
        for t in range(T - 6, T):
            out_desc(t // 2, t % 2, bufs[(t // 2) % NBB]).wait()

    return k(idx.reshape(B * S), table2)


def kernel(pre_embedding, preembed_mask, embed_table, W, b):
    B, S = pre_embedding.shape
    V, E = embed_table.shape
    pe = jnp.asarray(_sinusoidal_pe(S, E))

    table2 = _transform(embed_table, pe, W, b)
    idx = pre_embedding.astype(jnp.int32)
    out = _sc_gather(idx, table2, V, B, S, E)
    return (out.reshape(B, S, E), preembed_mask)

# --- scband reference (transcript-rebuilt; emitter-appended) ---
"""Pipeline reference for scband-discrete-input-pos-appender-2688649527396 (READ-ONLY COPY).

The authoritative reference and input builder live on the scoring server;
editing this copy changes nothing except your own understanding.
"""

import jax, jax.numpy as jnp
import numpy as np


def sinusoidal_pe(seq_len, d_model):
    pos = np.arange(seq_len, dtype=np.float32)[:, None]
    div = np.exp(np.arange(0, d_model, 2, dtype=np.float32) * (-np.log(10000.0) / d_model))
    pe = np.zeros((seq_len, d_model), dtype=np.float32)
    pe[:, 0::2] = np.sin(pos * div)
    pe[:, 1::2] = np.cos(pos * div)
    return jnp.asarray(pe)


def setup_inputs(seed: int = 0) -> dict:
    key = jax.random.key(seed)
    k1, k2, k3, k4, k5 = jax.random.split(key, 5)
    num_embeddings, embedding_dim = 100000, 128
    B, S = 4096, 200
    pre_embedding = jax.random.randint(k1, (B, S), 0, num_embeddings, dtype=jnp.int64 if jax.config.read('jax_enable_x64') else jnp.int32)
    preembed_mask = jnp.ones((B, S), dtype=jnp.bool_)
    embed_table = jax.random.normal(k2, (num_embeddings, embedding_dim), dtype=jnp.float32)
    # nn.Linear(2*E, E): weight [E, 2E]; store transposed for x @ W
    W = jax.random.normal(k3, (2 * embedding_dim, embedding_dim), dtype=jnp.float32) * (1.0 / np.sqrt(2 * embedding_dim))
    b = jax.random.normal(k4, (embedding_dim,), dtype=jnp.float32) * 0.01
    return {"pre_embedding": pre_embedding, "preembed_mask": preembed_mask, "embed_table": embed_table, "W": W, "b": b}


def reference(pre_embedding, preembed_mask, embed_table, W, b):
    # embedding = self.embed(pre_embedding)  -> gather
    embedding = jnp.take(embed_table, pre_embedding, axis=0)  # (B, S, E)
    B, S, E = embedding.shape
    # positional = self.pos_enc(zeros_like(embedding)) -> 0 + pe (dropout in eval = identity)
    pe = sinusoidal_pe(S, E)
    positional = jnp.broadcast_to(pe[None, :, :], (B, S, E))
    cat = jnp.concatenate((embedding, positional), axis=-1)  # (B, S, 2E)
    out = cat @ W + b  # (B, S, E)
    return (out, preembed_mask)

if __name__ == "__main__":
    import jax
    _d = setup_inputs()
    print(jax.jit(kernel)(*tuple(_d.values())))

</pallas_src>

<mosaic_0001>
#map = affine_map<(d0, d1) -> (0)>
#map1 = affine_map<(d0, d1) -> (0, 0)>
module attributes {stable_mosaic.version = 14 : i64} {
  func.func @k(%arg0: i32, %arg1: i32, %arg2: memref<819200xi32, #tpu.memory_space<hbm>>, %arg3: memref<102000x128xf32, #tpu.memory_space<hbm>>, %arg4: memref<819200x128xf32, #tpu.memory_space<hbm>>, %arg5: memref<25600xi32, #tpu.memory_space<vmem>>, %arg6: memref<200x128xf32, #tpu.memory_space<vmem>>, %arg7: memref<200x128xf32, #tpu.memory_space<vmem>>, %arg8: memref<200x128xf32, #tpu.memory_space<vmem>>, %arg9: memref<200x128xf32, #tpu.memory_space<vmem>>, %arg10: memref<!tpu.dma_semaphore, #tpu.memory_space<semaphore_mem>>, %arg11: memref<!tpu.dma_semaphore, #tpu.memory_space<semaphore_mem>>) attributes {dimension_semantics = [#tpu.dimension_semantics<core_parallel>, #tpu.dimension_semantics<subcore_parallel>], iteration_bounds = array<i64: 2, 16>, scalar_prefetch = 0 : i64, scratch_operands = 7 : i64, tpu.core_type = #tpu.core_type<sc_vector_subcore>, window_params = [{transform_indices = #map}, {transform_indices = #map1}, {transform_indices = #map1}]} {
    %mul3A = arith.constant 2 : i32
    %mul3A_0 = arith.muli %arg1, %mul3A : i32
    %add3A = arith.addi %mul3A_0, %arg0 : i32
    %mul3A_1 = arith.constant 128 : i32
    %mul3A_2 = arith.muli %add3A, %mul3A_1 : i32
    "tpu.region"() ({
      %run_scoped3A = tpu.sem_alloc : memref<!tpu.dma_semaphore, #tpu.memory_space<semaphore_mem>>
      %dma_start3A_272 = arith.constant 100000 : i32
      %dma_start3A_273 = arith.constant 0 : i32
      %dma_start3A_274 = tpu.memref_slice %arg3[%dma_start3A_272, %dma_start3A_273] : memref<102000x128xf32, #tpu.memory_space<hbm>> -> memref<200x128xf32, #tpu.memory_space<hbm>>
      %dma_start3A_275 = arith.constant 100000 : i32
      %dma_start3A_276 = arith.constant 0 : i32
      %dma_start3A_277 = tpu.memref_slice %arg3[%dma_start3A_275, %dma_start3A_276] : memref<102000x128xf32, #tpu.memory_space<hbm>> -> memref<200x128xf32, #tpu.memory_space<hbm>>
      tpu.enqueue_dma source(%dma_start3A_277 : memref<200x128xf32, #tpu.memory_space<hbm>>) target(%arg6 : memref<200x128xf32, #tpu.memory_space<vmem>>) target_semaphore(%run_scoped3A : memref<!tpu.dma_semaphore, #tpu.memory_space<semaphore_mem>>)
      %dma_wait3A_278 = arith.constant 100000 : i32
      %dma_wait3A_279 = arith.constant 0 : i32
      %dma_wait3A_280 = tpu.memref_slice %arg3[%dma_wait3A_278, %dma_wait3A_279] : memref<102000x128xf32, #tpu.memory_space<hbm>> -> memref<200x128xf32, #tpu.memory_space<hbm>>
      %dma_wait3A_281 = arith.constant 100000 : i32
      %dma_wait3A_282 = arith.constant 0 : i32
      %dma_wait3A_283 = tpu.memref_slice %arg3[%dma_wait3A_281, %dma_wait3A_282] : memref<102000x128xf32, #tpu.memory_space<hbm>> -> memref<200x128xf32, #tpu.memory_space<hbm>>
      tpu.wait_dma2 semaphore(%run_scoped3A : memref<!tpu.dma_semaphore, #tpu.memory_space<semaphore_mem>>) src(%dma_wait3A_283 : memref<200x128xf32, #tpu.memory_space<hbm>>) dst(%arg6 : memref<200x128xf32, #tpu.memory_space<vmem>>)
      tpu.yield
    }) : () -> ()
    %mul3A_3 = arith.constant 200 : i32
    %mul3A_4 = arith.muli %mul3A_2, %mul3A_3 : i32
    "tpu.region"() ({
      %run_scoped3A = tpu.sem_alloc : memref<!tpu.dma_semaphore, #tpu.memory_space<semaphore_mem>>
      %dma_start3A_272 = tpu.memref_slice %arg2[%mul3A_4] : memref<819200xi32, #tpu.memory_space<hbm>> -> memref<25600xi32, #tpu.memory_space<hbm>>
      %dma_start3A_273 = tpu.memref_slice %arg2[%mul3A_4] : memref<819200xi32, #tpu.memory_space<hbm>> -> memref<25600xi32, #tpu.memory_space<hbm>>
      tpu.enqueue_dma source(%dma_start3A_273 : memref<25600xi32, #tpu.memory_space<hbm>>) target(%arg5 : memref<25600xi32, #tpu.memory_space<vmem>>) target_semaphore(%run_scoped3A : memref<!tpu.dma_semaphore, #tpu.memory_space<semaphore_mem>>)
      %dma_wait3A_274 = tpu.memref_slice %arg2[%mul3A_4] : memref<819200xi32, #tpu.memory_space<hbm>> -> memref<25600xi32, #tpu.memory_space<hbm>>
      %dma_wait3A_275 = tpu.memref_slice %arg2[%mul3A_4] : memref<819200xi32, #tpu.memory_space<hbm>> -> memref<25600xi32, #tpu.memory_space<hbm>>
      tpu.wait_dma2 semaphore(%run_scoped3A : memref<!tpu.dma_semaphore, #tpu.memory_space<semaphore_mem>>) src(%dma_wait3A_275 : memref<25600xi32, #tpu.memory_space<hbm>>) dst(%arg5 : memref<25600xi32, #tpu.memory_space<vmem>>)
      tpu.yield
    }) : () -> ()
    %dma_start3A = arith.constant 0 : i32
    %dma_start3A_5 = arith.constant 0 : i32
    %dma_start3A_6 = tpu.memref_slice %arg7[%dma_start3A, %dma_start3A_5] : memref<200x128xf32, #tpu.memory_space<vmem>> -> memref<104x128xf32, #tpu.memory_space<vmem>>
    %dma_start3A_7 = arith.constant 0 : i32
    %dma_start3A_8 = tpu.memref_slice %arg5[%dma_start3A_7] : memref<25600xi32, #tpu.memory_space<vmem>> -> memref<104xi32, #tpu.memory_space<vmem>>
    %dma_start3A_9 = arith.constant 0 : i32
    %dma_start3A_10 = arith.constant 0 : i32
    %dma_start3A_11 = tpu.memref_slice %arg3[%dma_start3A_9, %dma_start3A_10] : memref<102000x128xf32, #tpu.memory_space<hbm>> -> memref<102000x128xf32, #tpu.memory_space<hbm>>
    tpu.enqueue_indirect_dma source(%dma_start3A_11 : memref<102000x128xf32, #tpu.memory_space<hbm>>) target(%dma_start3A_6 : memref<104x128xf32, #tpu.memory_space<vmem>>) offsets(%dma_start3A_8 : memref<104xi32, #tpu.memory_space<vmem>>) semaphore(%arg10 : memref<!tpu.dma_semaphore, #tpu.memory_space<semaphore_mem>>)
    %dma_start3A_12 = arith.constant 104 : i32
    %dma_start3A_13 = arith.constant 0 : i32
    %dma_start3A_14 = tpu.memref_slice %arg7[%dma_start3A_12, %dma_start3A_13] : memref<200x128xf32, #tpu.memory_space<vmem>> -> memref<96x128xf32, #tpu.memory_space<vmem>>
    %dma_start3A_15 = arith.constant 104 : i32
    %dma_start3A_16 = tpu.memref_slice %arg5[%dma_start3A_15] : memref<25600xi32, #tpu.memory_space<vmem>> -> memref<96xi32, #tpu.memory_space<vmem>>
    %dma_start3A_17 = arith.constant 0 : i32
    %dma_start3A_18 = arith.constant 0 : i32
    %dma_start3A_19 = tpu.memref_slice %arg3[%dma_start3A_17, %dma_start3A_18] : memref<102000x128xf32, #tpu.memory_space<hbm>> -> memref<102000x128xf32, #tpu.memory_space<hbm>>
    tpu.enqueue_indirect_dma source(%dma_start3A_19 : memref<102000x128xf32, #tpu.memory_space<hbm>>) target(%dma_start3A_14 : memref<96x128xf32, #tpu.memory_space<vmem>>) offsets(%dma_start3A_16 : memref<96xi32, #tpu.memory_space<vmem>>) semaphore(%arg10 : memref<!tpu.dma_semaphore, #tpu.memory_space<semaphore_mem>>)
    %dma_start3A_20 = arith.constant 0 : i32
    %dma_start3A_21 = arith.constant 0 : i32
    %dma_start3A_22 = tpu.memref_slice %arg8[%dma_start3A_20, %dma_start3A_21] : memref<200x128xf32, #tpu.memory_space<vmem>> -> memref<104x128xf32, #tpu.memory_space<vmem>>
    %dma_start3A_23 = arith.constant 200 : i32
    %dma_start3A_24 = tpu.memref_slice %arg5[%dma_start3A_23] : memref<25600xi32, #tpu.memory_space<vmem>> -> memref<104xi32, #tpu.memory_space<vmem>>
    %dma_start3A_25 = arith.constant 0 : i32
    %dma_start3A_26 = arith.constant 0 : i32
    %dma_start3A_27 = tpu.memref_slice %arg3[%dma_start3A_25, %dma_start3A_26] : memref<102000x128xf32, #tpu.memory_space<hbm>> -> memref<102000x128xf32, #tpu.memory_space<hbm>>
    tpu.enqueue_indirect_dma source(%dma_start3A_27 : memref<102000x128xf32, #tpu.memory_space<hbm>>) target(%dma_start3A_22 : memref<104x128xf32, #tpu.memory_space<vmem>>) offsets(%dma_start3A_24 : memref<104xi32, #tpu.memory_space<vmem>>) semaphore(%arg10 : memref<!tpu.dma_semaphore, #tpu.memory_space<semaphore_mem>>)
    %scan3A = arith.constant 0 : i32
    %scan3A_28 = arith.constant 0 : i32
    %scan3A_29 = arith.constant 42 : i32
    %scan3A_30 = arith.addi %scan3A_28, %scan3A_29 : i32
    %scan3A_31 = arith.constant 1 : i32
    scf.for %scan3A_272 = %scan3A_28 to %scan3A_30 step %scan3A_31  : i32 {
      %mul3A_273 = arith.constant 3 : i32
      %mul3A_274 = arith.muli %scan3A_272, %mul3A_273 : i32
      %add3A_275 = arith.constant 0 : i32
      %add3A_276 = arith.addi %mul3A_274, %add3A_275 : i32
      %mul3A_277 = arith.constant 200 : i32
      %mul3A_278 = arith.muli %add3A_276, %mul3A_277 : i32
      %add3A_279 = arith.constant 0 : i32
      %add3A_280 = arith.addi %mul3A_278, %add3A_279 : i32
      %dma_wait3A_281 = arith.constant 0 : i32
      %dma_wait3A_282 = arith.constant 0 : i32
      %dma_wait3A_283 = tpu.memref_slice %arg7[%dma_wait3A_281, %dma_wait3A_282] : memref<200x128xf32, #tpu.memory_space<vmem>> -> memref<104x128xf32, #tpu.memory_space<vmem>>
      %dma_wait3A_284 = tpu.memref_slice %arg5[%add3A_280] : memref<25600xi32, #tpu.memory_space<vmem>> -> memref<104xi32, #tpu.memory_space<vmem>>
      %dma_wait3A_285 = arith.constant 0 : i32
      %dma_wait3A_286 = arith.constant 0 : i32
      %dma_wait3A_287 = tpu.memref_slice %arg3[%dma_wait3A_285, %dma_wait3A_286] : memref<102000x128xf32, #tpu.memory_space<hbm>> -> memref<102000x128xf32, #tpu.memory_space<hbm>>
      tpu.wait_indirect_dma semaphore(%arg10 : memref<!tpu.dma_semaphore, #tpu.memory_space<semaphore_mem>>) src(%dma_wait3A_287 : memref<102000x128xf32, #tpu.memory_space<hbm>>) dst(%dma_wait3A_283 : memref<104x128xf32, #tpu.memory_space<vmem>>)
      %add3A_288 = arith.constant -2 : i32
      %add3A_289 = arith.addi %add3A_276, %add3A_288 : i32
      %ge3A = arith.constant 0 : i32
      %ge3A_290 = arith.cmpi sge, %add3A_289, %ge3A : i32
      %convert_element_type3A = arith.extui %ge3A_290 : i1 to i32
      %cond3A = arith.constant 0 : i32
      %cond3A_291 = arith.cmpi ne, %convert_element_type3A, %cond3A : i32
      scf.if %cond3A_291 {
        %add3A_606 = arith.addi %mul3A_2, %add3A_289 : i32
        %mul3A_607 = arith.constant 200 : i32
        %mul3A_608 = arith.muli %add3A_606, %mul3A_607 : i32
        %add3A_609 = arith.constant 104 : i32
        %add3A_610 = arith.addi %mul3A_608, %add3A_609 : i32
        %dma_wait3A_611 = arith.constant 104 : i32
        %dma_wait3A_612 = arith.constant 0 : i32
        %dma_wait3A_613 = tpu.memref_slice %arg8[%dma_wait3A_611, %dma_wait3A_612] : memref<200x128xf32, #tpu.memory_space<vmem>> -> memref<96x128xf32, #tpu.memory_space<vmem>>
        %dma_wait3A_614 = arith.constant 0 : i32
        %dma_wait3A_615 = tpu.memref_slice %arg4[%add3A_610, %dma_wait3A_614] : memref<819200x128xf32, #tpu.memory_space<hbm>> -> memref<96x128xf32, #tpu.memory_space<hbm>>
        %dma_wait3A_616 = arith.constant 0 : i32
        %dma_wait3A_617 = tpu.memref_slice %arg4[%add3A_610, %dma_wait3A_616] : memref<819200x128xf32, #tpu.memory_space<hbm>> -> memref<96x128xf32, #tpu.memory_space<hbm>>
        %dma_wait3A_618 = arith.constant 104 : i32
        %dma_wait3A_619 = arith.constant 0 : i32
        %dma_wait3A_620 = tpu.memref_slice %arg8[%dma_wait3A_618, %dma_wait3A_619] : memref<200x128xf32, #tpu.memory_space<vmem>> -> memref<96x128xf32, #tpu.memory_space<vmem>>
        tpu.wait_dma2 semaphore(%arg11 : memref<!tpu.dma_semaphore, #tpu.memory_space<semaphore_mem>>) src(%dma_wait3A_620 : memref<96x128xf32, #tpu.memory_space<vmem>>) dst(%dma_wait3A_617 : memref<96x128xf32, #tpu.memory_space<hbm>>)
      } else {
      }
      %add3A_292 = arith.constant 1 : i32
      %add3A_293 = arith.addi %add3A_276, %add3A_292 : i32
      %mul3A_294 = arith.constant 200 : i32
      %mul3A_295 = arith.muli %add3A_293, %mul3A_294 : i32
      %add3A_296 = arith.constant 104 : i32
      %add3A_297 = arith.addi %mul3A_295, %add3A_296 : i32
      %dma_start3A_298 = arith.constant 104 : i32
      %dma_start3A_299 = arith.constant 0 : i32
      %dma_start3A_300 = tpu.memref_slice %arg8[%dma_start3A_298, %dma_start3A_299] : memref<200x128xf32, #tpu.memory_space<vmem>> -> memref<96x128xf32, #tpu.memory_space<vmem>>
      %dma_start3A_301 = tpu.memref_slice %arg5[%add3A_297] : memref<25600xi32, #tpu.memory_space<vmem>> -> memref<96xi32, #tpu.memory_space<vmem>>
      %dma_start3A_302 = arith.constant 0 : i32
      %dma_start3A_303 = arith.constant 0 : i32
      %dma_start3A_304 = tpu.memref_slice %arg3[%dma_start3A_302, %dma_start3A_303] : memref<102000x128xf32, #tpu.memory_space<hbm>> -> memref<102000x128xf32, #tpu.memory_space<hbm>>
      tpu.enqueue_indirect_dma source(%dma_start3A_304 : memref<102000x128xf32, #tpu.memory_space<hbm>>) target(%dma_start3A_300 : memref<96x128xf32, #tpu.memory_space<vmem>>) offsets(%dma_start3A_301 : memref<96xi32, #tpu.memory_space<vmem>>) semaphore(%arg10 : memref<!tpu.dma_semaphore, #tpu.memory_space<semaphore_mem>>)
      %scan3A_305 = arith.constant 0 : i32
      %scan3A_306 = arith.constant 0 : i32
      %scan3A_307 = arith.constant 26 : i32
      %scan3A_308 = arith.addi %scan3A_306, %scan3A_307 : i32
      %scan3A_309 = arith.constant 1 : i32
      scf.for %scan3A_606 = %scan3A_306 to %scan3A_308 step %scan3A_309  : i32 {
        %mul3A_607 = arith.constant 4 : i32
        %mul3A_608 = arith.muli %scan3A_606, %mul3A_607 : i32
        %add3A_609 = arith.constant 0 : i32
        %add3A_610 = arith.addi %add3A_609, %mul3A_608 : i32
        %add3A_611 = arith.constant 0 : i32
        %add3A_612 = arith.addi %add3A_610, %add3A_611 : i32
        %get3A = arith.index_cast %add3A_612 : i32 to index
        %get3A_613 = arith.constant 0 : index
        %get3A_614 = tpu.vector_load %arg6[%get3A, %get3A_613] {strides = array<i32>} : memref<200x128xf32, #tpu.memory_space<vmem>>, vector<1x16xf32>,
        %get3A_615 = vector.shape_cast %get3A_614 : vector<1x16xf32> to vector<16xf32>
        %swap3A = arith.index_cast %add3A_612 : i32 to index
        %swap3A_616 = arith.constant 0 : index
        %swap3A_617 = tpu.vector_load %arg7[%swap3A, %swap3A_616] {strides = array<i32>} : memref<200x128xf32, #tpu.memory_space<vmem>>, vector<1x16xf32>,
        %swap3A_618 = vector.shape_cast %swap3A_617 : vector<1x16xf32> to vector<16xf32>
        %swap3A_619 = vector.shape_cast %get3A_615 : vector<16xf32> to vector<1x16xf32>
        tpu.vector_store %arg7[%swap3A, %swap3A_616], %swap3A_619 {add = true, strides = array<i32>} : memref<200x128xf32, #tpu.memory_space<vmem>>, vector<1x16xf32>,
        %get3A_620 = arith.index_cast %add3A_612 : i32 to index
        %get3A_621 = arith.constant 16 : index
        %get3A_622 = tpu.vector_load %arg6[%get3A_620, %get3A_621] {strides = array<i32>} : memref<200x128xf32, #tpu.memory_space<vmem>>, vector<1x16xf32>,
        %get3A_623 = vector.shape_cast %get3A_622 : vector<1x16xf32> to vector<16xf32>
        %swap3A_624 = arith.index_cast %add3A_612 : i32 to index
        %swap3A_625 = arith.constant 16 : index
        %swap3A_626 = tpu.vector_load %arg7[%swap3A_624, %swap3A_625] {strides = array<i32>} : memref<200x128xf32, #tpu.memory_space<vmem>>, vector<1x16xf32>,
        %swap3A_627 = vector.shape_cast %swap3A_626 : vector<1x16xf32> to vector<16xf32>
        %swap3A_628 = vector.shape_cast %get3A_623 : vector<16xf32> to vector<1x16xf32>
        tpu.vector_store %arg7[%swap3A_624, %swap3A_625], %swap3A_628 {add = true, strides = array<i32>} : memref<200x128xf32, #tpu.memory_space<vmem>>, vector<1x16xf32>,
        %get3A_629 = arith.index_cast %add3A_612 : i32 to index
        %get3A_630 = arith.constant 32 : index
        %get3A_631 = tpu.vector_load %arg6[%get3A_629, %get3A_630] {strides = array<i32>} : memref<200x128xf32, #tpu.memory_space<vmem>>, vector<1x16xf32>,
        %get3A_632 = vector.shape_cast %get3A_631 : vector<1x16xf32> to vector<16xf32>
        %swap3A_633 = arith.index_cast %add3A_612 : i32 to index
        %swap3A_634 = arith.constant 32 : index
        %swap3A_635 = tpu.vector_load %arg7[%swap3A_633, %swap3A_634] {strides = array<i32>} : memref<200x128xf32, #tpu.memory_space<vmem>>, vector<1x16xf32>,
        %swap3A_636 = vector.shape_cast %swap3A_635 : vector<1x16xf32> to vector<16xf32>
        %swap3A_637 = vector.shape_cast %get3A_632 : vector<16xf32> to vector<1x16xf32>
        tpu.vector_store %arg7[%swap3A_633, %swap3A_634], %swap3A_637 {add = true, strides = array<i32>} : memref<200x128xf32, #tpu.memory_space<vmem>>, vector<1x16xf32>,
        %get3A_638 = arith.index_cast %add3A_612 : i32 to index
        %get3A_639 = arith.constant 48 : index
        %get3A_640 = tpu.vector_load %arg6[%get3A_638, %get3A_639] {strides = array<i32>} : memref<200x128xf32, #tpu.memory_space<vmem>>, vector<1x16xf32>,
        %get3A_641 = vector.shape_cast %get3A_640 : vector<1x16xf32> to vector<16xf32>
        %swap3A_642 = arith.index_cast %add3A_612 : i32 to index
        %swap3A_643 = arith.constant 48 : index
        %swap3A_644 = tpu.vector_load %arg7[%swap3A_642, %swap3A_643] {strides = array<i32>} : memref<200x128xf32, #tpu.memory_space<vmem>>, vector<1x16xf32>,
        %swap3A_645 = vector.shape_cast %swap3A_644 : vector<1x16xf32> to vector<16xf32>
        %swap3A_646 = vector.shape_cast %get3A_641 : vector<16xf32> to vector<1x16xf32>
        tpu.vector_store %arg7[%swap3A_642, %swap3A_643], %swap3A_646 {add = true, strides = array<i32>} : memref<200x128xf32, #tpu.memory_space<vmem>>, vector<1x16xf32>,
        %get3A_647 = arith.index_cast %add3A_612 : i32 to index
        %get3A_648 = arith.constant 64 : index
        %get3A_649 = tpu.vector_load %arg6[%get3A_647, %get3A_648] {strides = array<i32>} : memref<200x128xf32, #tpu.memory_space<vmem>>, vector<1x16xf32>,
        %get3A_650 = vector.shape_cast %get3A_649 : vector<1x16xf32> to vector<16xf32>
        %swap3A_651 = arith.index_cast %add3A_612 : i32 to index
        %swap3A_652 = arith.constant 64 : index
        %swap3A_653 = tpu.vector_load %arg7[%swap3A_651, %swap3A_652] {strides = array<i32>} : memref<200x128xf32, #tpu.memory_space<vmem>>, vector<1x16xf32>,
        %swap3A_654 = vector.shape_cast %swap3A_653 : vector<1x16xf32> to vector<16xf32>
        %swap3A_655 = vector.shape_cast %get3A_650 : vector<16xf32> to vector<1x16xf32>
        tpu.vector_store %arg7[%swap3A_651, %swap3A_652], %swap3A_655 {add = true, strides = array<i32>} : memref<200x128xf32, #tpu.memory_space<vmem>>, vector<1x16xf32>,
        %get3A_656 = arith.index_cast %add3A_612 : i32 to index
        %get3A_657 = arith.constant 80 : index
        %get3A_658 = tpu.vector_load %arg6[%get3A_656, %get3A_657] {strides = array<i32>} : memref<200x128xf32, #tpu.memory_space<vmem>>, vector<1x16xf32>,
        %get3A_659 = vector.shape_cast %get3A_658 : vector<1x16xf32> to vector<16xf32>
        %swap3A_660 = arith.index_cast %add3A_612 : i32 to index
        %swap3A_661 = arith.constant 80 : index
        %swap3A_662 = tpu.vector_load %arg7[%swap3A_660, %swap3A_661] {strides = array<i32>} : memref<200x128xf32, #tpu.memory_space<vmem>>, vector<1x16xf32>,
        %swap3A_663 = vector.shape_cast %swap3A_662 : vector<1x16xf32> to vector<16xf32>
        %swap3A_664 = vector.shape_cast %get3A_659 : vector<16xf32> to vector<1x16xf32>
        tpu.vector_store %arg7[%swap3A_660, %swap3A_661], %swap3A_664 {add = true, strides = array<i32>} : memref<200x128xf32, #tpu.memory_space<vmem>>, vector<1x16xf32>,
        %get3A_665 = arith.index_cast %add3A_612 : i32 to index
        %get3A_666 = arith.constant 96 : index
        %get3A_667 = tpu.vector_load %arg6[%get3A_665, %get3A_666] {strides = array<i32>} : memref<200x128xf32, #tpu.memory_space<vmem>>, vector<1x16xf32>,
        %get3A_668 = vector.shape_cast %get3A_667 : vector<1x16xf32> to vector<16xf32>
        %swap3A_669 = arith.index_cast %add3A_612 : i32 to index
        %swap3A_670 = arith.constant 96 : index
        %swap3A_671 = tpu.vector_load %arg7[%swap3A_669, %swap3A_670] {strides = array<i32>} : memref<200x128xf32, #tpu.memory_space<vmem>>, vector<1x16xf32>,
        %swap3A_672 = vector.shape_cast %swap3A_671 : vector<1x16xf32> to vector<16xf32>
        %swap3A_673 = vector.shape_cast %get3A_668 : vector<16xf32> to vector<1x16xf32>
        tpu.vector_store %arg7[%swap3A_669, %swap3A_670], %swap3A_673 {add = true, strides = array<i32>} : memref<200x128xf32, #tpu.memory_space<vmem>>, vector<1x16xf32>,
        %get3A_674 = arith.index_cast %add3A_612 : i32 to index
        %get3A_675 = arith.constant 112 : index
        %get3A_676 = tpu.vector_load %arg6[%get3A_674, %get3A_675] {strides = array<i32>} : memref<200x128xf32, #tpu.memory_space<vmem>>, vector<1x16xf32>,
        %get3A_677 = vector.shape_cast %get3A_676 : vector<1x16xf32> to vector<16xf32>
        %swap3A_678 = arith.index_cast %add3A_612 : i32 to index
        %swap3A_679 = arith.constant 112 : index
        %swap3A_680 = tpu.vector_load %arg7[%swap3A_678, %swap3A_679] {strides = array<i32>} : memref<200x128xf32, #tpu.memory_space<vmem>>, vector<1x16xf32>,
        %swap3A_681 = vector.shape_cast %swap3A_680 : vector<1x16xf32> to vector<16xf32>
        %swap3A_682 = vector.shape_cast %get3A_677 : vector<16xf32> to vector<1x16xf32>
        tpu.vector_store %arg7[%swap3A_678, %swap3A_679], %swap3A_682 {add = true, strides = array<i32>} : memref<200x128xf32, #tpu.memory_space<vmem>>, vector<1x16xf32>,
        %mul3A_683 = arith.constant 4 : i32
        %mul3A_684 = arith.muli %scan3A_606, %mul3A_683 : i32
        %add3A_685 = arith.constant 0 : i32
        %add3A_686 = arith.addi %add3A_685, %mul3A_684 : i32
        %add3A_687 = arith.constant 1 : i32
        %add3A_688 = arith.addi %add3A_686, %add3A_687 : i32
        %get3A_689 = arith.index_cast %add3A_688 : i32 to index
        %get3A_690 = arith.constant 0 : index
        %get3A_691 = tpu.vector_load %arg6[%get3A_689, %get3A_690] {strides = array<i32>} : memref<200x128xf32, #tpu.memory_space<vmem>>, vector<1x16xf32>,
        %get3A_692 = vector.shape_cast %get3A_691 : vector<1x16xf32> to vector<16xf32>
        %swap3A_693 = arith.index_cast %add3A_688 : i32 to index
        %swap3A_694 = arith.constant 0 : index
        %swap3A_695 = tpu.vector_load %arg7[%swap3A_693, %swap3A_694] {strides = array<i32>} : memref<200x128xf32, #tpu.memory_space<vmem>>, vector<1x16xf32>,
        %swap3A_696 = vector.shape_cast %swap3A_695 : vector<1x16xf32> to vector<16xf32>
        %swap3A_697 = vector.shape_cast %get3A_692 : vector<16xf32> to vector<1x16xf32>
        tpu.vector_store %arg7[%swap3A_693, %swap3A_694], %swap3A_697 {add = true, strides = array<i32>} : memref<200x128xf32, #tpu.memory_space<vmem>>, vector<1x16xf32>,
        %get3A_698 = arith.index_cast %add3A_688 : i32 to index
        %get3A_699 = arith.constant 16 : index
        %get3A_700 = tpu.vector_load %arg6[%get3A_698, %get3A_699] {strides = array<i32>} : memref<200x128xf32, #tpu.memory_space<vmem>>, vector<1x16xf32>,
        %get3A_701 = vector.shape_cast %get3A_700 : vector<1x16xf32> to vector<16xf32>
        %swap3A_702 = arith.index_cast %add3A_688 : i32 to index
        %swap3A_703 = arith.constant 16 : index
        %swap3A_704 = tpu.vector_load %arg7[%swap3A_702, %swap3A_703] {strides = array<i32>} : memref<200x128xf32, #tpu.memory_space<vmem>>, vector<1x16xf32>,
        %swap3A_705 = vector.shape_cast %swap3A_704 : vector<1x16xf32> to vector<16xf32>
        %swap3A_706 = vector.shape_cast %get3A_701 : vector<16xf32> to vector<1x16xf32>
        tpu.vector_store %arg7[%swap3A_702, %swap3A_703], %swap3A_706 {add = true, strides = array<i32>} : memref<200x128xf32, #tpu.memory_space<vmem>>, vector<1x16xf32>,
        %get3A_707 = arith.index_cast %add3A_688 : i32 to index
        %get3A_708 = arith.constant 32 : index
        %get3A_709 = tpu.vector_load %arg6[%get3A_707, %get3A_708] {strides = array<i32>} : memref<200x128xf32, #tpu.memory_space<vmem>>, vector<1x16xf32>,
        %get3A_710 = vector.shape_cast %get3A_709 : vector<1x16xf32> to vector<16xf32>
        %swap3A_711 = arith.index_cast %add3A_688 : i32 to index
        %swap3A_712 = arith.constant 32 : index
        %swap3A_713 = tpu.vector_load %arg7[%swap3A_711, %swap3A_712] {strides = array<i32>} : memref<200x128xf32, #tpu.memory_space<vmem>>, vector<1x16xf32>,
        %swap3A_714 = vector.shape_cast %swap3A_713 : vector<1x16xf32> to vector<16xf32>
        %swap3A_715 = vector.shape_cast %get3A_710 : vector<16xf32> to vector<1x16xf32>
        tpu.vector_store %arg7[%swap3A_711, %swap3A_712], %swap3A_715 {add = true, strides = array<i32>} : memref<200x128xf32, #tpu.memory_space<vmem>>, vector<1x16xf32>,
        %get3A_716 = arith.index_cast %add3A_688 : i32 to index
        %get3A_717 = arith.constant 48 : index
        %get3A_718 = tpu.vector_load %arg6[%get3A_716, %get3A_717] {strides = array<i32>} : memref<200x128xf32, #tpu.memory_space<vmem>>, vector<1x16xf32>,
        %get3A_719 = vector.shape_cast %get3A_718 : vector<1x16xf32> to vector<16xf32>
        %swap3A_720 = arith.index_cast %add3A_688 : i32 to index
        %swap3A_721 = arith.constant 48 : index
        %swap3A_722 = tpu.vector_load %arg7[%swap3A_720, %swap3A_721] {strides = array<i32>} : memref<200x128xf32, #tpu.memory_space<vmem>>, vector<1x16xf32>,
        %swap3A_723 = vector.shape_cast %swap3A_722 : vector<1x16xf32> to vector<16xf32>
        %swap3A_724 = vector.shape_cast %get3A_719 : vector<16xf32> to vector<1x16xf32>
        tpu.vector_store %arg7[%swap3A_720, %swap3A_721], %swap3A_724 {add = true, strides = array<i32>} : memref<200x128xf32, #tpu.memory_space<vmem>>, vector<1x16xf32>,
        %get3A_725 = arith.index_cast %add3A_688 : i32 to index
        %get3A_726 = arith.constant 64 : index
        %get3A_727 = tpu.vector_load %arg6[%get3A_725, %get3A_726] {strides = array<i32>} : memref<200x128xf32, #tpu.memory_space<vmem>>, vector<1x16xf32>,
        %get3A_728 = vector.shape_cast %get3A_727 : vector<1x16xf32> to vector<16xf32>
        %swap3A_729 = arith.index_cast %add3A_688 : i32 to index
        %swap3A_730 = arith.constant 64 : index
        %swap3A_731 = tpu.vector_load %arg7[%swap3A_729, %swap3A_730] {strides = array<i32>} : memref<200x128xf32, #tpu.memory_space<vmem>>, vector<1x16xf32>,
        %swap3A_732 = vector.shape_cast %swap3A_731 : vector<1x16xf32> to vector<16xf32>
        %swap3A_733 = vector.shape_cast %get3A_728 : vector<16xf32> to vector<1x16xf32>
        tpu.vector_store %arg7[%swap3A_729, %swap3A_730], %swap3A_733 {add = true, strides = array<i32>} : memref<200x128xf32, #tpu.memory_space<vmem>>, vector<1x16xf32>,
        %get3A_734 = arith.index_cast %add3A_688 : i32 to index
        %get3A_735 = arith.constant 80 : index
        %get3A_736 = tpu.vector_load %arg6[%get3A_734, %get3A_735] {strides = array<i32>} : memref<200x128xf32, #tpu.memory_space<vmem>>, vector<1x16xf32>,
        %get3A_737 = vector.shape_cast %get3A_736 : vector<1x16xf32> to vector<16xf32>
        %swap3A_738 = arith.index_cast %add3A_688 : i32 to index
        %swap3A_739 = arith.constant 80 : index
        %swap3A_740 = tpu.vector_load %arg7[%swap3A_738, %swap3A_739] {strides = array<i32>} : memref<200x128xf32, #tpu.memory_space<vmem>>, vector<1x16xf32>,
        %swap3A_741 = vector.shape_cast %swap3A_740 : vector<1x16xf32> to vector<16xf32>
        %swap3A_742 = vector.shape_cast %get3A_737 : vector<16xf32> to vector<1x16xf32>
        tpu.vector_store %arg7[%swap3A_738, %swap3A_739], %swap3A_742 {add = true, strides = array<i32>} : memref<200x128xf32, #tpu.memory_space<vmem>>, vector<1x16xf32>,
        %get3A_743 = arith.index_cast %add3A_688 : i32 to index
        %get3A_744 = arith.constant 96 : index
        %get3A_745 = tpu.vector_load %arg6[%get3A_743, %get3A_744] {strides = array<i32>} : memref<200x128xf32, #tpu.memory_space<vmem>>, vector<1x16xf32>,
        %get3A_746 = vector.shape_cast %get3A_745 : vector<1x16xf32> to vector<16xf32>
        %swap3A_747 = arith.index_cast %add3A_688 : i32 to index
        %swap3A_748 = arith.constant 96 : index
        %swap3A_749 = tpu.vector_load %arg7[%swap3A_747, %swap3A_748] {strides = array<i32>} : memref<200x128xf32, #tpu.memory_space<vmem>>, vector<1x16xf32>,
        %swap3A_750 = vector.shape_cast %swap3A_749 : vector<1x16xf32> to vector<16xf32>
        %swap3A_751 = vector.shape_cast %get3A_746 : vector<16xf32> to vector<1x16xf32>
        tpu.vector_store %arg7[%swap3A_747, %swap3A_748], %swap3A_751 {add = true, strides = array<i32>} : memref<200x128xf32, #tpu.memory_space<vmem>>, vector<1x16xf32>,
        %get3A_752 = arith.index_cast %add3A_688 : i32 to index
        %get3A_753 = arith.constant 112 : index
        %get3A_754 = tpu.vector_load %arg6[%get3A_752, %get3A_753] {strides = array<i32>} : memref<200x128xf32, #tpu.memory_space<vmem>>, vector<1x16xf32>,
        %get3A_755 = vector.shape_cast %get3A_754 : vector<1x16xf32> to vector<16xf32>
        %swap3A_756 = arith.index_cast %add3A_688 : i32 to index
        %swap3A_757 = arith.constant 112 : index
        %swap3A_758 = tpu.vector_load %arg7[%swap3A_756, %swap3A_757] {strides = array<i32>} : memref<200x128xf32, #tpu.memory_space<vmem>>, vector<1x16xf32>,
        %swap3A_759 = vector.shape_cast %swap3A_758 : vector<1x16xf32> to vector<16xf32>
        %swap3A_760 = vector.shape_cast %get3A_755 : vector<16xf32> to vector<1x16xf32>
        tpu.vector_store %arg7[%swap3A_756, %swap3A_757], %swap3A_760 {add = true, strides = array<i32>} : memref<200x128xf32, #tpu.memory_space<vmem>>, vector<1x16xf32>,
        %mul3A_761 = arith.constant 4 : i32
        %mul3A_762 = arith.muli %scan3A_606, %mul3A_761 : i32
        %add3A_763 = arith.constant 0 : i32
        %add3A_764 = arith.addi %add3A_763, %mul3A_762 : i32
        %add3A_765 = arith.constant 2 : i32
        %add3A_766 = arith.addi %add3A_764, %add3A_765 : i32
        %get3A_767 = arith.index_cast %add3A_766 : i32 to index
        %get3A_768 = arith.constant 0 : index
        %get3A_769 = tpu.vector_load %arg6[%get3A_767, %get3A_768] {strides = array<i32>} : memref<200x128xf32, #tpu.memory_space<vmem>>, vector<1x16xf32>,
        %get3A_770 = vector.shape_cast %get3A_769 : vector<1x16xf32> to vector<16xf32>
        %swap3A_771 = arith.index_cast %add3A_766 : i32 to index
        %swap3A_772 = arith.constant 0 : index
        %swap3A_773 = tpu.vector_load %arg7[%swap3A_771, %swap3A_772] {strides = array<i32>} : memref<200x128xf32, #tpu.memory_space<vmem>>, vector<1x16xf32>,
        %swap3A_774 = vector.shape_cast %swap3A_773 : vector<1x16xf32> to vector<16xf32>
        %swap3A_775 = vector.shape_cast %get3A_770 : vector<16xf32> to vector<1x16xf32>
        tpu.vector_store %arg7[%swap3A_771, %swap3A_772], %swap3A_775 {add = true, strides = array<i32>} : memref<200x128xf32, #tpu.memory_space<vmem>>, vector<1x16xf32>,
        %get3A_776 = arith.index_cast %add3A_766 : i32 to index
        %get3A_777 = arith.constant 16 : index
        %get3A_778 = tpu.vector_load %arg6[%get3A_776, %get3A_777] {strides = array<i32>} : memref<200x128xf32, #tpu.memory_space<vmem>>, vector<1x16xf32>,
        %get3A_779 = vector.shape_cast %get3A_778 : vector<1x16xf32> to vector<16xf32>
        %swap3A_780 = arith.index_cast %add3A_766 : i32 to index
        %swap3A_781 = arith.constant 16 : index
        %swap3A_782 = tpu.vector_load %arg7[%swap3A_780, %swap3A_781] {strides = array<i32>} : memref<200x128xf32, #tpu.memory_space<vmem>>, vector<1x16xf32>,
        %swap3A_783 = vector.shape_cast %swap3A_782 : vector<1x16xf32> to vector<16xf32>
        %swap3A_784 = vector.shape_cast %get3A_779 : vector<16xf32> to vector<1x16xf32>
        tpu.vector_store %arg7[%swap3A_780, %swap3A_781], %swap3A_784 {add = true, strides = array<i32>} : memref<200x128xf32, #tpu.memory_space<vmem>>, vector<1x16xf32>,
        %get3A_785 = arith.index_cast %add3A_766 : i32 to index
        %get3A_786 = arith.constant 32 : index
        %get3A_787 = tpu.vector_load %arg6[%get3A_785, %get3A_786] {strides = array<i32>} : memref<200x128xf32, #tpu.memory_space<vmem>>, vector<1x16xf32>,
        %get3A_788 = vector.shape_cast %get3A_787 : vector<1x16xf32> to vector<16xf32>
        %swap3A_789 = arith.index_cast %add3A_766 : i32 to index
        %swap3A_790 = arith.constant 32 : index
        %swap3A_791 = tpu.vector_load %arg7[%swap3A_789, %swap3A_790] {strides = array<i32>} : memref<200x128xf32, #tpu.memory_space<vmem>>, vector<1x16xf32>,
        %swap3A_792 = vector.shape_cast %swap3A_791 : vector<1x16xf32> to vector<16xf32>
        %swap3A_793 = vector.shape_cast %get3A_788 : vector<16xf32> to vector<1x16xf32>
        tpu.vector_store %arg7[%swap3A_789, %swap3A_790], %swap3A_793 {add = true, strides = array<i32>} : memref<200x128xf32, #tpu.memory_space<vmem>>, vector<1x16xf32>,
        %get3A_794 = arith.index_cast %add3A_766 : i32 to index
        %get3A_795 = arith.constant 48 : index
        %get3A_796 = tpu.vector_load %arg6[%get3A_794, %get3A_795] {strides = array<i32>} : memref<200x128xf32, #tpu.memory_space<vmem>>, vector<1x16xf32>,
        %get3A_797 = vector.shape_cast %get3A_796 : vector<1x16xf32> to vector<16xf32>
        %swap3A_798 = arith.index_cast %add3A_766 : i32 to index
        %swap3A_799 = arith.constant 48 : index
        %swap3A_800 = tpu.vector_load %arg7[%swap3A_798, %swap3A_799] {strides = array<i32>} : memref<200x128xf32, #tpu.memory_space<vmem>>, vector<1x16xf32>,
        %swap3A_801 = vector.shape_cast %swap3A_800 : vector<1x16xf32> to vector<16xf32>
        %swap3A_802 = vector.shape_cast %get3A_797 : vector<16xf32> to vector<1x16xf32>
        tpu.vector_store %arg7[%swap3A_798, %swap3A_799], %swap3A_802 {add = true, strides = array<i32>} : memref<200x128xf32, #tpu.memory_space<vmem>>, vector<1x16xf32>,
        %get3A_803 = arith.index_cast %add3A_766 : i32 to index
        %get3A_804 = arith.constant 64 : index
        %get3A_805 = tpu.vector_load %arg6[%get3A_803, %get3A_804] {strides = array<i32>} : memref<200x128xf32, #tpu.memory_space<vmem>>, vector<1x16xf32>,
        %get3A_806 = vector.shape_cast %get3A_805 : vector<1x16xf32> to vector<16xf32>
        %swap3A_807 = arith.index_cast %add3A_766 : i32 to index
        %swap3A_808 = arith.constant 64 : index
        %swap3A_809 = tpu.vector_load %arg7[%swap3A_807, %swap3A_808] {strides = array<i32>} : memref<200x128xf32, #tpu.memory_space<vmem>>, vector<1x16xf32>,
        %swap3A_810 = vector.shape_cast %swap3A_809 : vector<1x16xf32> to vector<16xf32>
        %swap3A_811 = vector.shape_cast %get3A_806 : vector<16xf32> to vector<1x16xf32>
        tpu.vector_store %arg7[%swap3A_807, %swap3A_808], %swap3A_811 {add = true, strides = array<i32>} : memref<200x128xf32, #tpu.memory_space<vmem>>, vector<1x16xf32>,
        %get3A_812 = arith.index_cast %add3A_766 : i32 to index
        %get3A_813 = arith.constant 80 : index
        %get3A_814 = tpu.vector_load %arg6[%get3A_812, %get3A_813] {strides = array<i32>} : memref<200x128xf32, #tpu.memory_space<vmem>>, vector<1x16xf32>,
        %get3A_815 = vector.shape_cast %get3A_814 : vector<1x16xf32> to vector<16xf32>
        %swap3A_816 = arith.index_cast %add3A_766 : i32 to index
        %swap3A_817 = arith.constant 80 : index
        %swap3A_818 = tpu.vector_load %arg7[%swap3A_816, %swap3A_817] {strides = array<i32>} : memref<200x128xf32, #tpu.memory_space<vmem>>, vector<1x16xf32>,
        %swap3A_819 = vector.shape_cast %swap3A_818 : vector<1x16xf32> to vector<16xf32>
        %swap3A_820 = vector.shape_cast %get3A_815 : vector<16xf32> to vector<1x16xf32>
        tpu.vector_store %arg7[%swap3A_816, %swap3A_817], %swap3A_820 {add = true, strides = array<i32>} : memref<200x128xf32, #tpu.memory_space<vmem>>, vector<1x16xf32>,
        %get3A_821 = arith.index_cast %add3A_766 : i32 to index
        %get3A_822 = arith.constant 96 : index
        %get3A_823 = tpu.vector_load %arg6[%get3A_821, %get3A_822] {strides = array<i32>} : memref<200x128xf32, #tpu.memory_space<vmem>>, vector<1x16xf32>,
        %get3A_824 = vector.shape_cast %get3A_823 : vector<1x16xf32> to vector<16xf32>
        %swap3A_825 = arith.index_cast %add3A_766 : i32 to index
        %swap3A_826 = arith.constant 96 : index
        %swap3A_827 = tpu.vector_load %arg7[%swap3A_825, %swap3A_826] {strides = array<i32>} : memref<200x128xf32, #tpu.memory_space<vmem>>, vector<1x16xf32>,
        %swap3A_828 = vector.shape_cast %swap3A_827 : vector<1x16xf32> to vector<16xf32>
        %swap3A_829 = vector.shape_cast %get3A_824 : vector<16xf32> to vector<1x16xf32>
        tpu.vector_store %arg7[%swap3A_825, %swap3A_826], %swap3A_829 {add = true, strides = array<i32>} : memref<200x128xf32, #tpu.memory_space<vmem>>, vector<1x16xf32>,
        %get3A_830 = arith.index_cast %add3A_766 : i32 to index
        %get3A_831 = arith.constant 112 : index
        %get3A_832 = tpu.vector_load %arg6[%get3A_830, %get3A_831] {strides = array<i32>} : memref<200x128xf32, #tpu.memory_space<vmem>>, vector<1x16xf32>,
        %get3A_833 = vector.shape_cast %get3A_832 : vector<1x16xf32> to vector<16xf32>
        %swap3A_834 = arith.index_cast %add3A_766 : i32 to index
        %swap3A_835 = arith.constant 112 : index
        %swap3A_836 = tpu.vector_load %arg7[%swap3A_834, %swap3A_835] {strides = array<i32>} : memref<200x128xf32, #tpu.memory_space<vmem>>, vector<1x16xf32>,
        %swap3A_837 = vector.shape_cast %swap3A_836 : vector<1x16xf32> to vector<16xf32>
        %swap3A_838 = vector.shape_cast %get3A_833 : vector<16xf32> to vector<1x16xf32>
        tpu.vector_store %arg7[%swap3A_834, %swap3A_835], %swap3A_838 {add = true, strides = array<i32>} : memref<200x128xf32, #tpu.memory_space<vmem>>, vector<1x16xf32>,
        %mul3A_839 = arith.constant 4 : i32
        %mul3A_840 = arith.muli %scan3A_606, %mul3A_839 : i32
        %add3A_841 = arith.constant 0 : i32
        %add3A_842 = arith.addi %add3A_841, %mul3A_840 : i32
        %add3A_843 = arith.constant 3 : i32
        %add3A_844 = arith.addi %add3A_842, %add3A_843 : i32
        %get3A_845 = arith.index_cast %add3A_844 : i32 to index
        %get3A_846 = arith.constant 0 : index
        %get3A_847 = tpu.vector_load %arg6[%get3A_845, %get3A_846] {strides = array<i32>} : memref<200x128xf32, #tpu.memory_space<vmem>>, vector<1x16xf32>,
        %get3A_848 = vector.shape_cast %get3A_847 : vector<1x16xf32> to vector<16xf32>
        %swap3A_849 = arith.index_cast %add3A_844 : i32 to index
        %swap3A_850 = arith.constant 0 : index
        %swap3A_851 = tpu.vector_load %arg7[%swap3A_849, %swap3A_850] {strides = array<i32>} : memref<200x128xf32, #tpu.memory_space<vmem>>, vector<1x16xf32>,
        %swap3A_852 = vector.shape_cast %swap3A_851 : vector<1x16xf32> to vector<16xf32>
        %swap3A_853 = vector.shape_cast %get3A_848 : vector<16xf32> to vector<1x16xf32>
        tpu.vector_store %arg7[%swap3A_849, %swap3A_850], %swap3A_853 {add = true, strides = array<i32>} : memref<200x128xf32, #tpu.memory_space<vmem>>, vector<1x16xf32>,
        %get3A_854 = arith.index_cast %add3A_844 : i32 to index
        %get3A_855 = arith.constant 16 : index
        %get3A_856 = tpu.vector_load %arg6[%get3A_854, %get3A_855] {strides = array<i32>} : memref<200x128xf32, #tpu.memory_space<vmem>>, vector<1x16xf32>,
        %get3A_857 = vector.shape_cast %get3A_856 : vector<1x16xf32> to vector<16xf32>
        %swap3A_858 = arith.index_cast %add3A_844 : i32 to index
        %swap3A_859 = arith.constant 16 : index
        %swap3A_860 = tpu.vector_load %arg7[%swap3A_858, %swap3A_859] {strides = array<i32>} : memref<200x128xf32, #tpu.memory_space<vmem>>, vector<1x16xf32>,
        %swap3A_861 = vector.shape_cast %swap3A_860 : vector<1x16xf32> to vector<16xf32>
        %swap3A_862 = vector.shape_cast %get3A_857 : vector<16xf32> to vector<1x16xf32>
        tpu.vector_store %arg7[%swap3A_858, %swap3A_859], %swap3A_862 {add = true, strides = array<i32>} : memref<200x128xf32, #tpu.memory_space<vmem>>, vector<1x16xf32>,
        %get3A_863 = arith.index_cast %add3A_844 : i32 to index
        %get3A_864 = arith.constant 32 : index
        %get3A_865 = tpu.vector_load %arg6[%get3A_863, %get3A_864] {strides = array<i32>} : memref<200x128xf32, #tpu.memory_space<vmem>>, vector<1x16xf32>,
        %get3A_866 = vector.shape_cast %get3A_865 : vector<1x16xf32> to vector<16xf32>
        %swap3A_867 = arith.index_cast %add3A_844 : i32 to index
        %swap3A_868 = arith.constant 32 : index
        %swap3A_869 = tpu.vector_load %arg7[%swap3A_867, %swap3A_868] {strides = array<i32>} : memref<200x128xf32, #tpu.memory_space<vmem>>, vector<1x16xf32>,
        %swap3A_870 = vector.shape_cast %swap3A_869 : vector<1x16xf32> to vector<16xf32>
        %swap3A_871 = vector.shape_cast %get3A_866 : vector<16xf32> to vector<1x16xf32>
        tpu.vector_store %arg7[%swap3A_867, %swap3A_868], %swap3A_871 {add = true, strides = array<i32>} : memref<200x128xf32, #tpu.memory_space<vmem>>, vector<1x16xf32>,
        %get3A_872 = arith.index_cast %add3A_844 : i32 to index
        %get3A_873 = arith.constant 48 : index
        %get3A_874 = tpu.vector_load %arg6[%get3A_872, %get3A_873] {strides = array<i32>} : memref<200x128xf32, #tpu.memory_space<vmem>>, vector<1x16xf32>,
        %get3A_875 = vector.shape_cast %get3A_874 : vector<1x16xf32> to vector<16xf32>
        %swap3A_876 = arith.index_cast %add3A_844 : i32 to index
        %swap3A_877 = arith.constant 48 : index
        %swap3A_878 = tpu.vector_load %arg7[%swap3A_876, %swap3A_877] {strides = array<i32>} : memref<200x128xf32, #tpu.memory_space<vmem>>, vector<1x16xf32>,
        %swap3A_879 = vector.shape_cast %swap3A_878 : vector<1x16xf32> to vector<16xf32>
        %swap3A_880 = vector.shape_cast %get3A_875 : vector<16xf32> to vector<1x16xf32>
        tpu.vector_store %arg7[%swap3A_876, %swap3A_877], %swap3A_880 {add = true, strides = array<i32>} : memref<200x128xf32, #tpu.memory_space<vmem>>, vector<1x16xf32>,
        %get3A_881 = arith.index_cast %add3A_844 : i32 to index
        %get3A_882 = arith.constant 64 : index
        %get3A_883 = tpu.vector_load %arg6[%get3A_881, %get3A_882] {strides = array<i32>} : memref<200x128xf32, #tpu.memory_space<vmem>>, vector<1x16xf32>,
        %get3A_884 = vector.shape_cast %get3A_883 : vector<1x16xf32> to vector<16xf32>
        %swap3A_885 = arith.index_cast %add3A_844 : i32 to index
        %swap3A_886 = arith.constant 64 : index
        %swap3A_887 = tpu.vector_load %arg7[%swap3A_885, %swap3A_886] {strides = array<i32>} : memref<200x128xf32, #tpu.memory_space<vmem>>, vector<1x16xf32>,
        %swap3A_888 = vector.shape_cast %swap3A_887 : vector<1x16xf32> to vector<16xf32>
        %swap3A_889 = vector.shape_cast %get3A_884 : vector<16xf32> to vector<1x16xf32>
        tpu.vector_store %arg7[%swap3A_885, %swap3A_886], %swap3A_889 {add = true, strides = array<i32>} : memref<200x128xf32, #tpu.memory_space<vmem>>, vector<1x16xf32>,
        %get3A_890 = arith.index_cast %add3A_844 : i32 to index
        %get3A_891 = arith.constant 80 : index
        %get3A_892 = tpu.vector_load %arg6[%get3A_890, %get3A_891] {strides = array<i32>} : memref<200x128xf32, #tpu.memory_space<vmem>>, vector<1x16xf32>,
        %get3A_893 = vector.shape_cast %get3A_892 : vector<1x16xf32> to vector<16xf32>
        %swap3A_894 = arith.index_cast %add3A_844 : i32 to index
        %swap3A_895 = arith.constant 80 : index
        %swap3A_896 = tpu.vector_load %arg7[%swap3A_894, %swap3A_895] {strides = array<i32>} : memref<200x128xf32, #tpu.memory_space<vmem>>, vector<1x16xf32>,
        %swap3A_897 = vector.shape_cast %swap3A_896 : vector<1x16xf32> to vector<16xf32>
        %swap3A_898 = vector.shape_cast %get3A_893 : vector<16xf32> to vector<1x16xf32>
        tpu.vector_store %arg7[%swap3A_894, %swap3A_895], %swap3A_898 {add = true, strides = array<i32>} : memref<200x128xf32, #tpu.memory_space<vmem>>, vector<1x16xf32>,
        %get3A_899 = arith.index_cast %add3A_844 : i32 to index
        %get3A_900 = arith.constant 96 : index
        %get3A_901 = tpu.vector_load %arg6[%get3A_899, %get3A_900] {strides = array<i32>} : memref<200x128xf32, #tpu.memory_space<vmem>>, vector<1x16xf32>,
        %get3A_902 = vector.shape_cast %get3A_901 : vector<1x16xf32> to vector<16xf32>
        %swap3A_903 = arith.index_cast %add3A_844 : i32 to index
        %swap3A_904 = arith.constant 96 : index
        %swap3A_905 = tpu.vector_load %arg7[%swap3A_903, %swap3A_904] {strides = array<i32>} : memref<200x128xf32, #tpu.memory_space<vmem>>, vector<1x16xf32>,
        %swap3A_906 = vector.shape_cast %swap3A_905 : vector<1x16xf32> to vector<16xf32>
        %swap3A_907 = vector.shape_cast %get3A_902 : vector<16xf32> to vector<1x16xf32>
        tpu.vector_store %arg7[%swap3A_903, %swap3A_904], %swap3A_907 {add = true, strides = array<i32>} : memref<200x128xf32, #tpu.memory_space<vmem>>, vector<1x16xf32>,
        %get3A_908 = arith.index_cast %add3A_844 : i32 to index
        %get3A_909 = arith.constant 112 : index
        %get3A_910 = tpu.vector_load %arg6[%get3A_908, %get3A_909] {strides = array<i32>} : memref<200x128xf32, #tpu.memory_space<vmem>>, vector<1x16xf32>,
        %get3A_911 = vector.shape_cast %get3A_910 : vector<1x16xf32> to vector<16xf32>
        %swap3A_912 = arith.index_cast %add3A_844 : i32 to index
        %swap3A_913 = arith.constant 112 : index
        %swap3A_914 = tpu.vector_load %arg7[%swap3A_912, %swap3A_913] {strides = array<i32>} : memref<200x128xf32, #tpu.memory_space<vmem>>, vector<1x16xf32>,
        %swap3A_915 = vector.shape_cast %swap3A_914 : vector<1x16xf32> to vector<16xf32>
        %swap3A_916 = vector.shape_cast %get3A_911 : vector<16xf32> to vector<1x16xf32>
        tpu.vector_store %arg7[%swap3A_912, %swap3A_913], %swap3A_916 {add = true, strides = array<i32>} : memref<200x128xf32, #tpu.memory_space<vmem>>, vector<1x16xf32>,
      }
      %scan3A_310 = arith.constant 26 : i32
      %add3A_311 = arith.addi %mul3A_2, %add3A_276 : i32
      %mul3A_312 = arith.constant 200 : i32
      %mul3A_313 = arith.muli %add3A_311, %mul3A_312 : i32
      %add3A_314 = arith.constant 0 : i32
      %add3A_315 = arith.addi %mul3A_313, %add3A_314 : i32
      %dma_start3A_316 = arith.constant 0 : i32
      %dma_start3A_317 = arith.constant 0 : i32
      %dma_start3A_318 = tpu.memref_slice %arg7[%dma_start3A_316, %dma_start3A_317] : memref<200x128xf32, #tpu.memory_space<vmem>> -> memref<104x128xf32, #tpu.memory_space<vmem>>
      %dma_start3A_319 = arith.constant 0 : i32
      %dma_start3A_320 = tpu.memref_slice %arg4[%add3A_315, %dma_start3A_319] : memref<819200x128xf32, #tpu.memory_space<hbm>> -> memref<104x128xf32, #tpu.memory_space<hbm>>
      %dma_start3A_321 = arith.constant 0 : i32
      %dma_start3A_322 = tpu.memref_slice %arg4[%add3A_315, %dma_start3A_321] : memref<819200x128xf32, #tpu.memory_space<hbm>> -> memref<104x128xf32, #tpu.memory_space<hbm>>
      %dma_start3A_323 = arith.constant 0 : i32
      %dma_start3A_324 = arith.constant 0 : i32
      %dma_start3A_325 = tpu.memref_slice %arg7[%dma_start3A_323, %dma_start3A_324] : memref<200x128xf32, #tpu.memory_space<vmem>> -> memref<104x128xf32, #tpu.memory_space<vmem>>
      tpu.enqueue_dma source(%dma_start3A_325 : memref<104x128xf32, #tpu.memory_space<vmem>>) target(%dma_start3A_322 : memref<104x128xf32, #tpu.memory_space<hbm>>) target_semaphore(%arg11 : memref<!tpu.dma_semaphore, #tpu.memory_space<semaphore_mem>>)
      %mul3A_326 = arith.constant 3 : i32
      %mul3A_327 = arith.muli %scan3A_272, %mul3A_326 : i32
      %add3A_328 = arith.constant 0 : i32
      %add3A_329 = arith.addi %mul3A_327, %add3A_328 : i32
      %mul3A_330 = arith.constant 200 : i32
      %mul3A_331 = arith.muli %add3A_329, %mul3A_330 : i32
      %add3A_332 = arith.constant 104 : i32
      %add3A_333 = arith.addi %mul3A_331, %add3A_332 : i32
      %dma_wait3A_334 = arith.constant 104 : i32
      %dma_wait3A_335 = arith.constant 0 : i32
      %dma_wait3A_336 = tpu.memref_slice %arg7[%dma_wait3A_334, %dma_wait3A_335] : memref<200x128xf32, #tpu.memory_space<vmem>> -> memref<96x128xf32, #tpu.memory_space<vmem>>
      %dma_wait3A_337 = tpu.memref_slice %arg5[%add3A_333] : memref<25600xi32, #tpu.memory_space<vmem>> -> memref<96xi32, #tpu.memory_space<vmem>>
      %dma_wait3A_338 = arith.constant 0 : i32
      %dma_wait3A_339 = arith.constant 0 : i32
      %dma_wait3A_340 = tpu.memref_slice %arg3[%dma_wait3A_338, %dma_wait3A_339] : memref<102000x128xf32, #tpu.memory_space<hbm>> -> memref<102000x128xf32, #tpu.memory_space<hbm>>
      tpu.wait_indirect_dma semaphore(%arg10 : memref<!tpu.dma_semaphore, #tpu.memory_space<semaphore_mem>>) src(%dma_wait3A_340 : memref<102000x128xf32, #tpu.memory_space<hbm>>) dst(%dma_wait3A_336 : memref<96x128xf32, #tpu.memory_space<vmem>>)
      %add3A_341 = arith.constant -1 : i32
      %add3A_342 = arith.addi %add3A_329, %add3A_341 : i32
      %ge3A_343 = arith.constant 0 : i32
      %ge3A_344 = arith.cmpi sge, %add3A_342, %ge3A_343 : i32
      %convert_element_type3A_345 = arith.extui %ge3A_344 : i1 to i32
      %cond3A_346 = arith.constant 0 : i32
      %cond3A_347 = arith.cmpi ne, %convert_element_type3A_345, %cond3A_346 : i32
      scf.if %cond3A_347 {
        %add3A_606 = arith.addi %mul3A_2, %add3A_342 : i32
        %mul3A_607 = arith.constant 200 : i32
        %mul3A_608 = arith.muli %add3A_606, %mul3A_607 : i32
        %add3A_609 = arith.constant 0 : i32
        %add3A_610 = arith.addi %mul3A_608, %add3A_609 : i32
        %dma_wait3A_611 = arith.constant 0 : i32
        %dma_wait3A_612 = arith.constant 0 : i32
        %dma_wait3A_613 = tpu.memref_slice %arg9[%dma_wait3A_611, %dma_wait3A_612] : memref<200x128xf32, #tpu.memory_space<vmem>> -> memref<104x128xf32, #tpu.memory_space<vmem>>
        %dma_wait3A_614 = arith.constant 0 : i32
        %dma_wait3A_615 = tpu.memref_slice %arg4[%add3A_610, %dma_wait3A_614] : memref<819200x128xf32, #tpu.memory_space<hbm>> -> memref<104x128xf32, #tpu.memory_space<hbm>>
        %dma_wait3A_616 = arith.constant 0 : i32
        %dma_wait3A_617 = tpu.memref_slice %arg4[%add3A_610, %dma_wait3A_616] : memref<819200x128xf32, #tpu.memory_space<hbm>> -> memref<104x128xf32, #tpu.memory_space<hbm>>
        %dma_wait3A_618 = arith.constant 0 : i32
        %dma_wait3A_619 = arith.constant 0 : i32
        %dma_wait3A_620 = tpu.memref_slice %arg9[%dma_wait3A_618, %dma_wait3A_619] : memref<200x128xf32, #tpu.memory_space<vmem>> -> memref<104x128xf32, #tpu.memory_space<vmem>>
        tpu.wait_dma2 semaphore(%arg11 : memref<!tpu.dma_semaphore, #tpu.memory_space<semaphore_mem>>) src(%dma_wait3A_620 : memref<104x128xf32, #tpu.memory_space<vmem>>) dst(%dma_wait3A_617 : memref<104x128xf32, #tpu.memory_space<hbm>>)
      } else {
      }
      %add3A_348 = arith.constant 2 : i32
      %add3A_349 = arith.addi %add3A_329, %add3A_348 : i32
      %mul3A_350 = arith.constant 200 : i32
      %mul3A_351 = arith.muli %add3A_349, %mul3A_350 : i32
      %add3A_352 = arith.constant 0 : i32
      %add3A_353 = arith.addi %mul3A_351, %add3A_352 : i32
      %dma_start3A_354 = arith.constant 0 : i32
      %dma_start3A_355 = arith.constant 0 : i32
      %dma_start3A_356 = tpu.memref_slice %arg9[%dma_start3A_354, %dma_start3A_355] : memref<200x128xf32, #tpu.memory_space<vmem>> -> memref<104x128xf32, #tpu.memory_space<vmem>>
      %dma_start3A_357 = tpu.memref_slice %arg5[%add3A_353] : memref<25600xi32, #tpu.memory_space<vmem>> -> memref<104xi32, #tpu.memory_space<vmem>>
      %dma_start3A_358 = arith.constant 0 : i32
      %dma_start3A_359 = arith.constant 0 : i32
      %dma_start3A_360 = tpu.memref_slice %arg3[%dma_start3A_358, %dma_start3A_359] : memref<102000x128xf32, #tpu.memory_space<hbm>> -> memref<102000x128xf32, #tpu.memory_space<hbm>>
      tpu.enqueue_indirect_dma source(%dma_start3A_360 : memref<102000x128xf32, #tpu.memory_space<hbm>>) target(%dma_start3A_356 : memref<104x128xf32, #tpu.memory_space<vmem>>) offsets(%dma_start3A_357 : memref<104xi32, #tpu.memory_space<vmem>>) semaphore(%arg10 : memref<!tpu.dma_semaphore, #tpu.memory_space<semaphore_mem>>)
      %scan3A_361 = arith.constant 0 : i32
      %scan3A_362 = arith.constant 0 : i32
      %scan3A_363 = arith.constant 24 : i32
      %scan3A_364 = arith.addi %scan3A_362, %scan3A_363 : i32
      %scan3A_365 = arith.constant 1 : i32
      scf.for %scan3A_606 = %scan3A_362 to %scan3A_364 step %scan3A_365  : i32 {
        %mul3A_607 = arith.constant 4 : i32
        %mul3A_608 = arith.muli %scan3A_606, %mul3A_607 : i32
        %add3A_609 = arith.constant 104 : i32
        %add3A_610 = arith.addi %add3A_609, %mul3A_608 : i32
        %add3A_611 = arith.constant 0 : i32
        %add3A_612 = arith.addi %add3A_610, %add3A_611 : i32
        %get3A = arith.index_cast %add3A_612 : i32 to index
        %get3A_613 = arith.constant 0 : index
        %get3A_614 = tpu.vector_load %arg6[%get3A, %get3A_613] {strides = array<i32>} : memref<200x128xf32, #tpu.memory_space<vmem>>, vector<1x16xf32>,
        %get3A_615 = vector.shape_cast %get3A_614 : vector<1x16xf32> to vector<16xf32>
        %swap3A = arith.index_cast %add3A_612 : i32 to index
        %swap3A_616 = arith.constant 0 : index
        %swap3A_617 = tpu.vector_load %arg7[%swap3A, %swap3A_616] {strides = array<i32>} : memref<200x128xf32, #tpu.memory_space<vmem>>, vector<1x16xf32>,
        %swap3A_618 = vector.shape_cast %swap3A_617 : vector<1x16xf32> to vector<16xf32>
        %swap3A_619 = vector.shape_cast %get3A_615 : vector<16xf32> to vector<1x16xf32>
        tpu.vector_store %arg7[%swap3A, %swap3A_616], %swap3A_619 {add = true, strides = array<i32>} : memref<200x128xf32, #tpu.memory_space<vmem>>, vector<1x16xf32>,
        %get3A_620 = arith.index_cast %add3A_612 : i32 to index
        %get3A_621 = arith.constant 16 : index
        %get3A_622 = tpu.vector_load %arg6[%get3A_620, %get3A_621] {strides = array<i32>} : memref<200x128xf32, #tpu.memory_space<vmem>>, vector<1x16xf32>,
        %get3A_623 = vector.shape_cast %get3A_622 : vector<1x16xf32> to vector<16xf32>
        %swap3A_624 = arith.index_cast %add3A_612 : i32 to index
        %swap3A_625 = arith.constant 16 : index
        %swap3A_626 = tpu.vector_load %arg7[%swap3A_624, %swap3A_625] {strides = array<i32>} : memref<200x128xf32, #tpu.memory_space<vmem>>, vector<1x16xf32>,
        %swap3A_627 = vector.shape_cast %swap3A_626 : vector<1x16xf32> to vector<16xf32>
        %swap3A_628 = vector.shape_cast %get3A_623 : vector<16xf32> to vector<1x16xf32>
        tpu.vector_store %arg7[%swap3A_624, %swap3A_625], %swap3A_628 {add = true, strides = array<i32>} : memref<200x128xf32, #tpu.memory_space<vmem>>, vector<1x16xf32>,
        %get3A_629 = arith.index_cast %add3A_612 : i32 to index
        %get3A_630 = arith.constant 32 : index
        %get3A_631 = tpu.vector_load %arg6[%get3A_629, %get3A_630] {strides = array<i32>} : memref<200x128xf32, #tpu.memory_space<vmem>>, vector<1x16xf32>,
        %get3A_632 = vector.shape_cast %get3A_631 : vector<1x16xf32> to vector<16xf32>
        %swap3A_633 = arith.index_cast %add3A_612 : i32 to index
        %swap3A_634 = arith.constant 32 : index
        %swap3A_635 = tpu.vector_load %arg7[%swap3A_633, %swap3A_634] {strides = array<i32>} : memref<200x128xf32, #tpu.memory_space<vmem>>, vector<1x16xf32>,
        %swap3A_636 = vector.shape_cast %swap3A_635 : vector<1x16xf32> to vector<16xf32>
        %swap3A_637 = vector.shape_cast %get3A_632 : vector<16xf32> to vector<1x16xf32>
        tpu.vector_store %arg7[%swap3A_633, %swap3A_634], %swap3A_637 {add = true, strides = array<i32>} : memref<200x128xf32, #tpu.memory_space<vmem>>, vector<1x16xf32>,
        %get3A_638 = arith.index_cast %add3A_612 : i32 to index
        %get3A_639 = arith.constant 48 : index
        %get3A_640 = tpu.vector_load %arg6[%get3A_638, %get3A_639] {strides = array<i32>} : memref<200x128xf32, #tpu.memory_space<vmem>>, vector<1x16xf32>,
        %get3A_641 = vector.shape_cast %get3A_640 : vector<1x16xf32> to vector<16xf32>
        %swap3A_642 = arith.index_cast %add3A_612 : i32 to index
        %swap3A_643 = arith.constant 48 : index
        %swap3A_644 = tpu.vector_load %arg7[%swap3A_642, %swap3A_643] {strides = array<i32>} : memref<200x128xf32, #tpu.memory_space<vmem>>, vector<1x16xf32>,
        %swap3A_645 = vector.shape_cast %swap3A_644 : vector<1x16xf32> to vector<16xf32>
        %swap3A_646 = vector.shape_cast %get3A_641 : vector<16xf32> to vector<1x16xf32>
        tpu.vector_store %arg7[%swap3A_642, %swap3A_643], %swap3A_646 {add = true, strides = array<i32>} : memref<200x128xf32, #tpu.memory_space<vmem>>, vector<1x16xf32>,
        %get3A_647 = arith.index_cast %add3A_612 : i32 to index
        %get3A_648 = arith.constant 64 : index
        %get3A_649 = tpu.vector_load %arg6[%get3A_647, %get3A_648] {strides = array<i32>} : memref<200x128xf32, #tpu.memory_space<vmem>>, vector<1x16xf32>,
        %get3A_650 = vector.shape_cast %get3A_649 : vector<1x16xf32> to vector<16xf32>
        %swap3A_651 = arith.index_cast %add3A_612 : i32 to index
        %swap3A_652 = arith.constant 64 : index
        %swap3A_653 = tpu.vector_load %arg7[%swap3A_651, %swap3A_652] {strides = array<i32>} : memref<200x128xf32, #tpu.memory_space<vmem>>, vector<1x16xf32>,
        %swap3A_654 = vector.shape_cast %swap3A_653 : vector<1x16xf32> to vector<16xf32>
        %swap3A_655 = vector.shape_cast %get3A_650 : vector<16xf32> to vector<1x16xf32>
        tpu.vector_store %arg7[%swap3A_651, %swap3A_652], %swap3A_655 {add = true, strides = array<i32>} : memref<200x128xf32, #tpu.memory_space<vmem>>, vector<1x16xf32>,
        %get3A_656 = arith.index_cast %add3A_612 : i32 to index
        %get3A_657 = arith.constant 80 : index
        %get3A_658 = tpu.vector_load %arg6[%get3A_656, %get3A_657] {strides = array<i32>} : memref<200x128xf32, #tpu.memory_space<vmem>>, vector<1x16xf32>,
        %get3A_659 = vector.shape_cast %get3A_658 : vector<1x16xf32> to vector<16xf32>
        %swap3A_660 = arith.index_cast %add3A_612 : i32 to index
        %swap3A_661 = arith.constant 80 : index
        %swap3A_662 = tpu.vector_load %arg7[%swap3A_660, %swap3A_661] {strides = array<i32>} : memref<200x128xf32, #tpu.memory_space<vmem>>, vector<1x16xf32>,
        %swap3A_663 = vector.shape_cast %swap3A_662 : vector<1x16xf32> to vector<16xf32>
        %swap3A_664 = vector.shape_cast %get3A_659 : vector<16xf32> to vector<1x16xf32>
        tpu.vector_store %arg7[%swap3A_660, %swap3A_661], %swap3A_664 {add = true, strides = array<i32>} : memref<200x128xf32, #tpu.memory_space<vmem>>, vector<1x16xf32>,
        %get3A_665 = arith.index_cast %add3A_612 : i32 to index
        %get3A_666 = arith.constant 96 : index
        %get3A_667 = tpu.vector_load %arg6[%get3A_665, %get3A_666] {strides = array<i32>} : memref<200x128xf32, #tpu.memory_space<vmem>>, vector<1x16xf32>,
        %get3A_668 = vector.shape_cast %get3A_667 : vector<1x16xf32> to vector<16xf32>
        %swap3A_669 = arith.index_cast %add3A_612 : i32 to index
        %swap3A_670 = arith.constant 96 : index
        %swap3A_671 = tpu.vector_load %arg7[%swap3A_669, %swap3A_670] {strides = array<i32>} : memref<200x128xf32, #tpu.memory_space<vmem>>, vector<1x16xf32>,
        %swap3A_672 = vector.shape_cast %swap3A_671 : vector<1x16xf32> to vector<16xf32>
        %swap3A_673 = vector.shape_cast %get3A_668 : vector<16xf32> to vector<1x16xf32>
        tpu.vector_store %arg7[%swap3A_669, %swap3A_670], %swap3A_673 {add = true, strides = array<i32>} : memref<200x128xf32, #tpu.memory_space<vmem>>, vector<1x16xf32>,
        %get3A_674 = arith.index_cast %add3A_612 : i32 to index
        %get3A_675 = arith.constant 112 : index
        %get3A_676 = tpu.vector_load %arg6[%get3A_674, %get3A_675] {strides = array<i32>} : memref<200x128xf32, #tpu.memory_space<vmem>>, vector<1x16xf32>,
        %get3A_677 = vector.shape_cast %get3A_676 : vector<1x16xf32> to vector<16xf32>
        %swap3A_678 = arith.index_cast %add3A_612 : i32 to index
        %swap3A_679 = arith.constant 112 : index
        %swap3A_680 = tpu.vector_load %arg7[%swap3A_678, %swap3A_679] {strides = array<i32>} : memref<200x128xf32, #tpu.memory_space<vmem>>, vector<1x16xf32>,
        %swap3A_681 = vector.shape_cast %swap3A_680 : vector<1x16xf32> to vector<16xf32>
        %swap3A_682 = vector.shape_cast %get3A_677 : vector<16xf32> to vector<1x16xf32>
        tpu.vector_store %arg7[%swap3A_678, %swap3A_679], %swap3A_682 {add = true, strides = array<i32>} : memref<200x128xf32, #tpu.memory_space<vmem>>, vector<1x16xf32>,
        %mul3A_683 = arith.constant 4 : i32
        %mul3A_684 = arith.muli %scan3A_606, %mul3A_683 : i32
        %add3A_685 = arith.constant 104 : i32
        %add3A_686 = arith.addi %add3A_685, %mul3A_684 : i32
        %add3A_687 = arith.constant 1 : i32
        %add3A_688 = arith.addi %add3A_686, %add3A_687 : i32
        %get3A_689 = arith.index_cast %add3A_688 : i32 to index
        %get3A_690 = arith.constant 0 : index
        %get3A_691 = tpu.vector_load %arg6[%get3A_689, %get3A_690] {strides = array<i32>} : memref<200x128xf32, #tpu.memory_space<vmem>>, vector<1x16xf32>,
        %get3A_692 = vector.shape_cast %get3A_691 : vector<1x16xf32> to vector<16xf32>
        %swap3A_693 = arith.index_cast %add3A_688 : i32 to index
        %swap3A_694 = arith.constant 0 : index
        %swap3A_695 = tpu.vector_load %arg7[%swap3A_693, %swap3A_694] {strides = array<i32>} : memref<200x128xf32, #tpu.memory_space<vmem>>, vector<1x16xf32>,
        %swap3A_696 = vector.shape_cast %swap3A_695 : vector<1x16xf32> to vector<16xf32>
        %swap3A_697 = vector.shape_cast %get3A_692 : vector<16xf32> to vector<1x16xf32>
        tpu.vector_store %arg7[%swap3A_693, %swap3A_694], %swap3A_697 {add = true, strides = array<i32>} : memref<200x128xf32, #tpu.memory_space<vmem>>, vector<1x16xf32>,
        %get3A_698 = arith.index_cast %add3A_688 : i32 to index
        %get3A_699 = arith.constant 16 : index
        %get3A_700 = tpu.vector_load %arg6[%get3A_698, %get3A_699] {strides = array<i32>} : memref<200x128xf32, #tpu.memory_space<vmem>>, vector<1x16xf32>,
        %get3A_701 = vector.shape_cast %get3A_700 : vector<1x16xf32> to vector<16xf32>
        %swap3A_702 = arith.index_cast %add3A_688 : i32 to index
        %swap3A_703 = arith.constant 16 : index
        %swap3A_704 = tpu.vector_load %arg7[%swap3A_702, %swap3A_703] {strides = array<i32>} : memref<200x128xf32, #tpu.memory_space<vmem>>, vector<1x16xf32>,
        %swap3A_705 = vector.shape_cast %swap3A_704 : vector<1x16xf32> to vector<16xf32>
        %swap3A_706 = vector.shape_cast %get3A_701 : vector<16xf32> to vector<1x16xf32>
        tpu.vector_store %arg7[%swap3A_702, %swap3A_703], %swap3A_706 {add = true, strides = array<i32>} : memref<200x128xf32, #tpu.memory_space<vmem>>, vector<1x16xf32>,
        %get3A_707 = arith.index_cast %add3A_688 : i32 to index
        %get3A_708 = arith.constant 32 : index
        %get3A_709 = tpu.vector_load %arg6[%get3A_707, %get3A_708] {strides = array<i32>} : memref<200x128xf32, #tpu.memory_space<vmem>>, vector<1x16xf32>,
        %get3A_710 = vector.shape_cast %get3A_709 : vector<1x16xf32> to vector<16xf32>
        %swap3A_711 = arith.index_cast %add3A_688 : i32 to index
        %swap3A_712 = arith.constant 32 : index
        %swap3A_713 = tpu.vector_load %arg7[%swap3A_711, %swap3A_712] {strides = array<i32>} : memref<200x128xf32, #tpu.memory_space<vmem>>, vector<1x16xf32>,
        %swap3A_714 = vector.shape_cast %swap3A_713 : vector<1x16xf32> to vector<16xf32>
        %swap3A_715 = vector.shape_cast %get3A_710 : vector<16xf32> to vector<1x16xf32>
        tpu.vector_store %arg7[%swap3A_711, %swap3A_712], %swap3A_715 {add = true, strides = array<i32>} : memref<200x128xf32, #tpu.memory_space<vmem>>, vector<1x16xf32>,
        %get3A_716 = arith.index_cast %add3A_688 : i32 to index
        %get3A_717 = arith.constant 48 : index
        %get3A_718 = tpu.vector_load %arg6[%get3A_716, %get3A_717] {strides = array<i32>} : memref<200x128xf32, #tpu.memory_space<vmem>>, vector<1x16xf32>,
        %get3A_719 = vector.shape_cast %get3A_718 : vector<1x16xf32> to vector<16xf32>
        %swap3A_720 = arith.index_cast %add3A_688 : i32 to index
        %swap3A_721 = arith.constant 48 : index
        %swap3A_722 = tpu.vector_load %arg7[%swap3A_720, %swap3A_721] {strides = array<i32>} : memref<200x128xf32, #tpu.memory_space<vmem>>, vector<1x16xf32>,
        %swap3A_723 = vector.shape_cast %swap3A_722 : vector<1x16xf32> to vector<16xf32>
        %swap3A_724 = vector.shape_cast %get3A_719 : vector<16xf32> to vector<1x16xf32>
        tpu.vector_store %arg7[%swap3A_720, %swap3A_721], %swap3A_724 {add = true, strides = array<i32>} : memref<200x128xf32, #tpu.memory_space<vmem>>, vector<1x16xf32>,
        %get3A_725 = arith.index_cast %add3A_688 : i32 to index
        %get3A_726 = arith.constant 64 : index
        %get3A_727 = tpu.vector_load %arg6[%get3A_725, %get3A_726] {strides = array<i32>} : memref<200x128xf32, #tpu.memory_space<vmem>>, vector<1x16xf32>,
        %get3A_728 = vector.shape_cast %get3A_727 : vector<1x16xf32> to vector<16xf32>
        %swap3A_729 = arith.index_cast %add3A_688 : i32 to index
        %swap3A_730 = arith.constant 64 : index
        %swap3A_731 = tpu.vector_load %arg7[%swap3A_729, %swap3A_730] {strides = array<i32>} : memref<200x128xf32, #tpu.memory_space<vmem>>, vector<1x16xf32>,
        %swap3A_732 = vector.shape_cast %swap3A_731 : vector<1x16xf32> to vector<16xf32>
        %swap3A_733 = vector.shape_cast %get3A_728 : vector<16xf32> to vector<1x16xf32>
        tpu.vector_store %arg7[%swap3A_729, %swap3A_730], %swap3A_733 {add = true, strides = array<i32>} : memref<200x128xf32, #tpu.memory_space<vmem>>, vector<1x16xf32>,
        %get3A_734 = arith.index_cast %add3A_688 : i32 to index
        %get3A_735 = arith.constant 80 : index
        %get3A_736 = tpu.vector_load %arg6[%get3A_734, %get3A_735] {strides = array<i32>} : memref<200x128xf32, #tpu.memory_space<vmem>>, vector<1x16xf32>,
        %get3A_737 = vector.shape_cast %get3A_736 : vector<1x16xf32> to vector<16xf32>
        %swap3A_738 = arith.index_cast %add3A_688 : i32 to index
        %swap3A_739 = arith.constant 80 : index
        %swap3A_740 = tpu.vector_load %arg7[%swap3A_738, %swap3A_739] {strides = array<i32>} : memref<200x128xf32, #tpu.memory_space<vmem>>, vector<1x16xf32>,
        %swap3A_741 = vector.shape_cast %swap3A_740 : vector<1x16xf32> to vector<16xf32>
        %swap3A_742 = vector.shape_cast %get3A_737 : vector<16xf32> to vector<1x16xf32>
        tpu.vector_store %arg7[%swap3A_738, %swap3A_739], %swap3A_742 {add = true, strides = array<i32>} : memref<200x128xf32, #tpu.memory_space<vmem>>, vector<1x16xf32>,
        %get3A_743 = arith.index_cast %add3A_688 : i32 to index
        %get3A_744 = arith.constant 96 : index
        %get3A_745 = tpu.vector_load %arg6[%get3A_743, %get3A_744] {strides = array<i32>} : memref<200x128xf32, #tpu.memory_space<vmem>>, vector<1x16xf32>,
        %get3A_746 = vector.shape_cast %get3A_745 : vector<1x16xf32> to vector<16xf32>
        %swap3A_747 = arith.index_cast %add3A_688 : i32 to index
        %swap3A_748 = arith.constant 96 : index
        %swap3A_749 = tpu.vector_load %arg7[%swap3A_747, %swap3A_748] {strides = array<i32>} : memref<200x128xf32, #tpu.memory_space<vmem>>, vector<1x16xf32>,
        %swap3A_750 = vector.shape_cast %swap3A_749 : vector<1x16xf32> to vector<16xf32>
        %swap3A_751 = vector.shape_cast %get3A_746 : vector<16xf32> to vector<1x16xf32>
        tpu.vector_store %arg7[%swap3A_747, %swap3A_748], %swap3A_751 {add = true, strides = array<i32>} : memref<200x128xf32, #tpu.memory_space<vmem>>, vector<1x16xf32>,
        %get3A_752 = arith.index_cast %add3A_688 : i32 to index
        %get3A_753 = arith.constant 112 : index
        %get3A_754 = tpu.vector_load %arg6[%get3A_752, %get3A_753] {strides = array<i32>} : memref<200x128xf32, #tpu.memory_space<vmem>>, vector<1x16xf32>,
        %get3A_755 = vector.shape_cast %get3A_754 : vector<1x16xf32> to vector<16xf32>
        %swap3A_756 = arith.index_cast %add3A_688 : i32 to index
        %swap3A_757 = arith.constant 112 : index
        %swap3A_758 = tpu.vector_load %arg7[%swap3A_756, %swap3A_757] {strides = array<i32>} : memref<200x128xf32, #tpu.memory_space<vmem>>, vector<1x16xf32>,
        %swap3A_759 = vector.shape_cast %swap3A_758 : vector<1x16xf32> to vector<16xf32>
        %swap3A_760 = vector.shape_cast %get3A_755 : vector<16xf32> to vector<1x16xf32>
        tpu.vector_store %arg7[%swap3A_756, %swap3A_757], %swap3A_760 {add = true, strides = array<i32>} : memref<200x128xf32, #tpu.memory_space<vmem>>, vector<1x16xf32>,
        %mul3A_761 = arith.constant 4 : i32
        %mul3A_762 = arith.muli %scan3A_606, %mul3A_761 : i32
        %add3A_763 = arith.constant 104 : i32
        %add3A_764 = arith.addi %add3A_763, %mul3A_762 : i32
        %add3A_765 = arith.constant 2 : i32
        %add3A_766 = arith.addi %add3A_764, %add3A_765 : i32
        %get3A_767 = arith.index_cast %add3A_766 : i32 to index
        %get3A_768 = arith.constant 0 : index
        %get3A_769 = tpu.vector_load %arg6[%get3A_767, %get3A_768] {strides = array<i32>} : memref<200x128xf32, #tpu.memory_space<vmem>>, vector<1x16xf32>,
        %get3A_770 = vector.shape_cast %get3A_769 : vector<1x16xf32> to vector<16xf32>
        %swap3A_771 = arith.index_cast %add3A_766 : i32 to index
        %swap3A_772 = arith.constant 0 : index
        %swap3A_773 = tpu.vector_load %arg7[%swap3A_771, %swap3A_772] {strides = array<i32>} : memref<200x128xf32, #tpu.memory_space<vmem>>, vector<1x16xf32>,
        %swap3A_774 = vector.shape_cast %swap3A_773 : vector<1x16xf32> to vector<16xf32>
        %swap3A_775 = vector.shape_cast %get3A_770 : vector<16xf32> to vector<1x16xf32>
        tpu.vector_store %arg7[%swap3A_771, %swap3A_772], %swap3A_775 {add = true, strides = array<i32>} : memref<200x128xf32, #tpu.memory_space<vmem>>, vector<1x16xf32>,
        %get3A_776 = arith.index_cast %add3A_766 : i32 to index
        %get3A_777 = arith.constant 16 : index
        %get3A_778 = tpu.vector_load %arg6[%get3A_776, %get3A_777] {strides = array<i32>} : memref<200x128xf32, #tpu.memory_space<vmem>>, vector<1x16xf32>,
        %get3A_779 = vector.shape_cast %get3A_778 : vector<1x16xf32> to vector<16xf32>
        %swap3A_780 = arith.index_cast %add3A_766 : i32 to index
        %swap3A_781 = arith.constant 16 : index
        %swap3A_782 = tpu.vector_load %arg7[%swap3A_780, %swap3A_781] {strides = array<i32>} : memref<200x128xf32, #tpu.memory_space<vmem>>, vector<1x16xf32>,
        %swap3A_783 = vector.shape_cast %swap3A_782 : vector<1x16xf32> to vector<16xf32>
        %swap3A_784 = vector.shape_cast %get3A_779 : vector<16xf32> to vector<1x16xf32>
        tpu.vector_store %arg7[%swap3A_780, %swap3A_781], %swap3A_784 {add = true, strides = array<i32>} : memref<200x128xf32, #tpu.memory_space<vmem>>, vector<1x16xf32>,
        %get3A_785 = arith.index_cast %add3A_766 : i32 to index
        %get3A_786 = arith.constant 32 : index
        %get3A_787 = tpu.vector_load %arg6[%get3A_785, %get3A_786] {strides = array<i32>} : memref<200x128xf32, #tpu.memory_space<vmem>>, vector<1x16xf32>,
        %get3A_788 = vector.shape_cast %get3A_787 : vector<1x16xf32> to vector<16xf32>
        %swap3A_789 = arith.index_cast %add3A_766 : i32 to index
        %swap3A_790 = arith.constant 32 : index
        %swap3A_791 = tpu.vector_load %arg7[%swap3A_789, %swap3A_790] {strides = array<i32>} : memref<200x128xf32, #tpu.memory_space<vmem>>, vector<1x16xf32>,
        %swap3A_792 = vector.shape_cast %swap3A_791 : vector<1x16xf32> to vector<16xf32>
        %swap3A_793 = vector.shape_cast %get3A_788 : vector<16xf32> to vector<1x16xf32>
        tpu.vector_store %arg7[%swap3A_789, %swap3A_790], %swap3A_793 {add = true, strides = array<i32>} : memref<200x128xf32, #tpu.memory_space<vmem>>, vector<1x16xf32>,
        %get3A_794 = arith.index_cast %add3A_766 : i32 to index
        %get3A_795 = arith.constant 48 : index
        %get3A_796 = tpu.vector_load %arg6[%get3A_794, %get3A_795] {strides = array<i32>} : memref<200x128xf32, #tpu.memory_space<vmem>>, vector<1x16xf32>,
        %get3A_797 = vector.shape_cast %get3A_796 : vector<1x16xf32> to vector<16xf32>
        %swap3A_798 = arith.index_cast %add3A_766 : i32 to index
        %swap3A_799 = arith.constant 48 : index
        %swap3A_800 = tpu.vector_load %arg7[%swap3A_798, %swap3A_799] {strides = array<i32>} : memref<200x128xf32, #tpu.memory_space<vmem>>, vector<1x16xf32>,
        %swap3A_801 = vector.shape_cast %swap3A_800 : vector<1x16xf32> to vector<16xf32>
        %swap3A_802 = vector.shape_cast %get3A_797 : vector<16xf32> to vector<1x16xf32>
        tpu.vector_store %arg7[%swap3A_798, %swap3A_799], %swap3A_802 {add = true, strides = array<i32>} : memref<200x128xf32, #tpu.memory_space<vmem>>, vector<1x16xf32>,
        %get3A_803 = arith.index_cast %add3A_766 : i32 to index
        %get3A_804 = arith.constant 64 : index
        %get3A_805 = tpu.vector_load %arg6[%get3A_803, %get3A_804] {strides = array<i32>} : memref<200x128xf32, #tpu.memory_space<vmem>>, vector<1x16xf32>,
        %get3A_806 = vector.shape_cast %get3A_805 : vector<1x16xf32> to vector<16xf32>
        %swap3A_807 = arith.index_cast %add3A_766 : i32 to index
        %swap3A_808 = arith.constant 64 : index
        %swap3A_809 = tpu.vector_load %arg7[%swap3A_807, %swap3A_808] {strides = array<i32>} : memref<200x128xf32, #tpu.memory_space<vmem>>, vector<1x16xf32>,
        %swap3A_810 = vector.shape_cast %swap3A_809 : vector<1x16xf32> to vector<16xf32>
        %swap3A_811 = vector.shape_cast %get3A_806 : vector<16xf32> to vector<1x16xf32>
        tpu.vector_store %arg7[%swap3A_807, %swap3A_808], %swap3A_811 {add = true, strides = array<i32>} : memref<200x128xf32, #tpu.memory_space<vmem>>, vector<1x16xf32>,
        %get3A_812 = arith.index_cast %add3A_766 : i32 to index
        %get3A_813 = arith.constant 80 : index
        %get3A_814 = tpu.vector_load %arg6[%get3A_812, %get3A_813] {strides = array<i32>} : memref<200x128xf32, #tpu.memory_space<vmem>>, vector<1x16xf32>,
        %get3A_815 = vector.shape_cast %get3A_814 : vector<1x16xf32> to vector<16xf32>
        %swap3A_816 = arith.index_cast %add3A_766 : i32 to index
        %swap3A_817 = arith.constant 80 : index
        %swap3A_818 = tpu.vector_load %arg7[%swap3A_816, %swap3A_817] {strides = array<i32>} : memref<200x128xf32, #tpu.memory_space<vmem>>, vector<1x16xf32>,
        %swap3A_819 = vector.shape_cast %swap3A_818 : vector<1x16xf32> to vector<16xf32>
        %swap3A_820 = vector.shape_cast %get3A_815 : vector<16xf32> to vector<1x16xf32>
        tpu.vector_store %arg7[%swap3A_816, %swap3A_817], %swap3A_820 {add = true, strides = array<i32>} : memref<200x128xf32, #tpu.memory_space<vmem>>, vector<1x16xf32>,
        %get3A_821 = arith.index_cast %add3A_766 : i32 to index
        %get3A_822 = arith.constant 96 : index
        %get3A_823 = tpu.vector_load %arg6[%get3A_821, %get3A_822] {strides = array<i32>} : memref<200x128xf32, #tpu.memory_space<vmem>>, vector<1x16xf32>,
        %get3A_824 = vector.shape_cast %get3A_823 : vector<1x16xf32> to vector<16xf32>
        %swap3A_825 = arith.index_cast %add3A_766 : i32 to index
        %swap3A_826 = arith.constant 96 : index
        %swap3A_827 = tpu.vector_load %arg7[%swap3A_825, %swap3A_826] {strides = array<i32>} : memref<200x128xf32, #tpu.memory_space<vmem>>, vector<1x16xf32>,
        %swap3A_828 = vector.shape_cast %swap3A_827 : vector<1x16xf32> to vector<16xf32>
        %swap3A_829 = vector.shape_cast %get3A_824 : vector<16xf32> to vector<1x16xf32>
        tpu.vector_store %arg7[%swap3A_825, %swap3A_826], %swap3A_829 {add = true, strides = array<i32>} : memref<200x128xf32, #tpu.memory_space<vmem>>, vector<1x16xf32>,
        %get3A_830 = arith.index_cast %add3A_766 : i32 to index
        %get3A_831 = arith.constant 112 : index
        %get3A_832 = tpu.vector_load %arg6[%get3A_830, %get3A_831] {strides = array<i32>} : memref<200x128xf32, #tpu.memory_space<vmem>>, vector<1x16xf32>,
        %get3A_833 = vector.shape_cast %get3A_832 : vector<1x16xf32> to vector<16xf32>
        %swap3A_834 = arith.index_cast %add3A_766 : i32 to index
        %swap3A_835 = arith.constant 112 : index
        %swap3A_836 = tpu.vector_load %arg7[%swap3A_834, %swap3A_835] {strides = array<i32>} : memref<200x128xf32, #tpu.memory_space<vmem>>, vector<1x16xf32>,
        %swap3A_837 = vector.shape_cast %swap3A_836 : vector<1x16xf32> to vector<16xf32>
        %swap3A_838 = vector.shape_cast %get3A_833 : vector<16xf32> to vector<1x16xf32>
        tpu.vector_store %arg7[%swap3A_834, %swap3A_835], %swap3A_838 {add = true, strides = array<i32>} : memref<200x128xf32, #tpu.memory_space<vmem>>, vector<1x16xf32>,
        %mul3A_839 = arith.constant 4 : i32
        %mul3A_840 = arith.muli %scan3A_606, %mul3A_839 : i32
        %add3A_841 = arith.constant 104 : i32
        %add3A_842 = arith.addi %add3A_841, %mul3A_840 : i32
        %add3A_843 = arith.constant 3 : i32
        %add3A_844 = arith.addi %add3A_842, %add3A_843 : i32
        %get3A_845 = arith.index_cast %add3A_844 : i32 to index
        %get3A_846 = arith.constant 0 : index
        %get3A_847 = tpu.vector_load %arg6[%get3A_845, %get3A_846] {strides = array<i32>} : memref<200x128xf32, #tpu.memory_space<vmem>>, vector<1x16xf32>,
        %get3A_848 = vector.shape_cast %get3A_847 : vector<1x16xf32> to vector<16xf32>
        %swap3A_849 = arith.index_cast %add3A_844 : i32 to index
        %swap3A_850 = arith.constant 0 : index
        %swap3A_851 = tpu.vector_load %arg7[%swap3A_849, %swap3A_850] {strides = array<i32>} : memref<200x128xf32, #tpu.memory_space<vmem>>, vector<1x16xf32>,
        %swap3A_852 = vector.shape_cast %swap3A_851 : vector<1x16xf32> to vector<16xf32>
        %swap3A_853 = vector.shape_cast %get3A_848 : vector<16xf32> to vector<1x16xf32>
        tpu.vector_store %arg7[%swap3A_849, %swap3A_850], %swap3A_853 {add = true, strides = array<i32>} : memref<200x128xf32, #tpu.memory_space<vmem>>, vector<1x16xf32>,
        %get3A_854 = arith.index_cast %add3A_844 : i32 to index
        %get3A_855 = arith.constant 16 : index
        %get3A_856 = tpu.vector_load %arg6[%get3A_854, %get3A_855] {strides = array<i32>} : memref<200x128xf32, #tpu.memory_space<vmem>>, vector<1x16xf32>,
        %get3A_857 = vector.shape_cast %get3A_856 : vector<1x16xf32> to vector<16xf32>
        %swap3A_858 = arith.index_cast %add3A_844 : i32 to index
        %swap3A_859 = arith.constant 16 : index
        %swap3A_860 = tpu.vector_load %arg7[%swap3A_858, %swap3A_859] {strides = array<i32>} : memref<200x128xf32, #tpu.memory_space<vmem>>, vector<1x16xf32>,
        %swap3A_861 = vector.shape_cast %swap3A_860 : vector<1x16xf32> to vector<16xf32>
        %swap3A_862 = vector.shape_cast %get3A_857 : vector<16xf32> to vector<1x16xf32>
        tpu.vector_store %arg7[%swap3A_858, %swap3A_859], %swap3A_862 {add = true, strides = array<i32>} : memref<200x128xf32, #tpu.memory_space<vmem>>, vector<1x16xf32>,
        %get3A_863 = arith.index_cast %add3A_844 : i32 to index
        %get3A_864 = arith.constant 32 : index
        %get3A_865 = tpu.vector_load %arg6[%get3A_863, %get3A_864] {strides = array<i32>} : memref<200x128xf32, #tpu.memory_space<vmem>>, vector<1x16xf32>,
        %get3A_866 = vector.shape_cast %get3A_865 : vector<1x16xf32> to vector<16xf32>
        %swap3A_867 = arith.index_cast %add3A_844 : i32 to index
        %swap3A_868 = arith.constant 32 : index
        %swap3A_869 = tpu.vector_load %arg7[%swap3A_867, %swap3A_868] {strides = array<i32>} : memref<200x128xf32, #tpu.memory_space<vmem>>, vector<1x16xf32>,
        %swap3A_870 = vector.shape_cast %swap3A_869 : vector<1x16xf32> to vector<16xf32>
        %swap3A_871 = vector.shape_cast %get3A_866 : vector<16xf32> to vector<1x16xf32>
        tpu.vector_store %arg7[%swap3A_867, %swap3A_868], %swap3A_871 {add = true, strides = array<i32>} : memref<200x128xf32, #tpu.memory_space<vmem>>, vector<1x16xf32>,
        %get3A_872 = arith.index_cast %add3A_844 : i32 to index
        %get3A_873 = arith.constant 48 : index
        %get3A_874 = tpu.vector_load %arg6[%get3A_872, %get3A_873] {strides = array<i32>} : memref<200x128xf32, #tpu.memory_space<vmem>>, vector<1x16xf32>,
        %get3A_875 = vector.shape_cast %get3A_874 : vector<1x16xf32> to vector<16xf32>
        %swap3A_876 = arith.index_cast %add3A_844 : i32 to index
        %swap3A_877 = arith.constant 48 : index
        %swap3A_878 = tpu.vector_load %arg7[%swap3A_876, %swap3A_877] {strides = array<i32>} : memref<200x128xf32, #tpu.memory_space<vmem>>, vector<1x16xf32>,
        %swap3A_879 = vector.shape_cast %swap3A_878 : vector<1x16xf32> to vector<16xf32>
        %swap3A_880 = vector.shape_cast %get3A_875 : vector<16xf32> to vector<1x16xf32>
        tpu.vector_store %arg7[%swap3A_876, %swap3A_877], %swap3A_880 {add = true, strides = array<i32>} : memref<200x128xf32, #tpu.memory_space<vmem>>, vector<1x16xf32>,
        %get3A_881 = arith.index_cast %add3A_844 : i32 to index
        %get3A_882 = arith.constant 64 : index
        %get3A_883 = tpu.vector_load %arg6[%get3A_881, %get3A_882] {strides = array<i32>} : memref<200x128xf32, #tpu.memory_space<vmem>>, vector<1x16xf32>,
        %get3A_884 = vector.shape_cast %get3A_883 : vector<1x16xf32> to vector<16xf32>
        %swap3A_885 = arith.index_cast %add3A_844 : i32 to index
        %swap3A_886 = arith.constant 64 : index
        %swap3A_887 = tpu.vector_load %arg7[%swap3A_885, %swap3A_886] {strides = array<i32>} : memref<200x128xf32, #tpu.memory_space<vmem>>, vector<1x16xf32>,
        %swap3A_888 = vector.shape_cast %swap3A_887 : vector<1x16xf32> to vector<16xf32>
        %swap3A_889 = vector.shape_cast %get3A_884 : vector<16xf32> to vector<1x16xf32>
        tpu.vector_store %arg7[%swap3A_885, %swap3A_886], %swap3A_889 {add = true, strides = array<i32>} : memref<200x128xf32, #tpu.memory_space<vmem>>, vector<1x16xf32>,
        %get3A_890 = arith.index_cast %add3A_844 : i32 to index
        %get3A_891 = arith.constant 80 : index
        %get3A_892 = tpu.vector_load %arg6[%get3A_890, %get3A_891] {strides = array<i32>} : memref<200x128xf32, #tpu.memory_space<vmem>>, vector<1x16xf32>,
        %get3A_893 = vector.shape_cast %get3A_892 : vector<1x16xf32> to vector<16xf32>
        %swap3A_894 = arith.index_cast %add3A_844 : i32 to index
        %swap3A_895 = arith.constant 80 : index
        %swap3A_896 = tpu.vector_load %arg7[%swap3A_894, %swap3A_895] {strides = array<i32>} : memref<200x128xf32, #tpu.memory_space<vmem>>, vector<1x16xf32>,
        %swap3A_897 = vector.shape_cast %swap3A_896 : vector<1x16xf32> to vector<16xf32>
        %swap3A_898 = vector.shape_cast %get3A_893 : vector<16xf32> to vector<1x16xf32>
        tpu.vector_store %arg7[%swap3A_894, %swap3A_895], %swap3A_898 {add = true, strides = array<i32>} : memref<200x128xf32, #tpu.memory_space<vmem>>, vector<1x16xf32>,
        %get3A_899 = arith.index_cast %add3A_844 : i32 to index
        %get3A_900 = arith.constant 96 : index
        %get3A_901 = tpu.vector_load %arg6[%get3A_899, %get3A_900] {strides = array<i32>} : memref<200x128xf32, #tpu.memory_space<vmem>>, vector<1x16xf32>,
        %get3A_902 = vector.shape_cast %get3A_901 : vector<1x16xf32> to vector<16xf32>
        %swap3A_903 = arith.index_cast %add3A_844 : i32 to index
        %swap3A_904 = arith.constant 96 : index
        %swap3A_905 = tpu.vector_load %arg7[%swap3A_903, %swap3A_904] {strides = array<i32>} : memref<200x128xf32, #tpu.memory_space<vmem>>, vector<1x16xf32>,
        %swap3A_906 = vector.shape_cast %swap3A_905 : vector<1x16xf32> to vector<16xf32>
        %swap3A_907 = vector.shape_cast %get3A_902 : vector<16xf32> to vector<1x16xf32>
        tpu.vector_store %arg7[%swap3A_903, %swap3A_904], %swap3A_907 {add = true, strides = array<i32>} : memref<200x128xf32, #tpu.memory_space<vmem>>, vector<1x16xf32>,
        %get3A_908 = arith.index_cast %add3A_844 : i32 to index
        %get3A_909 = arith.constant 112 : index
        %get3A_910 = tpu.vector_load %arg6[%get3A_908, %get3A_909] {strides = array<i32>} : memref<200x128xf32, #tpu.memory_space<vmem>>, vector<1x16xf32>,
        %get3A_911 = vector.shape_cast %get3A_910 : vector<1x16xf32> to vector<16xf32>
        %swap3A_912 = arith.index_cast %add3A_844 : i32 to index
        %swap3A_913 = arith.constant 112 : index
        %swap3A_914 = tpu.vector_load %arg7[%swap3A_912, %swap3A_913] {strides = array<i32>} : memref<200x128xf32, #tpu.memory_space<vmem>>, vector<1x16xf32>,
        %swap3A_915 = vector.shape_cast %swap3A_914 : vector<1x16xf32> to vector<16xf32>
        %swap3A_916 = vector.shape_cast %get3A_911 : vector<16xf32> to vector<1x16xf32>
        tpu.vector_store %arg7[%swap3A_912, %swap3A_913], %swap3A_916 {add = true, strides = array<i32>} : memref<200x128xf32, #tpu.memory_space<vmem>>, vector<1x16xf32>,
      }
      %scan3A_366 = arith.constant 24 : i32
      %add3A_367 = arith.addi %mul3A_2, %add3A_329 : i32
      %mul3A_368 = arith.constant 200 : i32
      %mul3A_369 = arith.muli %add3A_367, %mul3A_368 : i32
      %add3A_370 = arith.constant 104 : i32
      %add3A_371 = arith.addi %mul3A_369, %add3A_370 : i32
      %dma_start3A_372 = arith.constant 104 : i32
      %dma_start3A_373 = arith.constant 0 : i32
      %dma_start3A_374 = tpu.memref_slice %arg7[%dma_start3A_372, %dma_start3A_373] : memref<200x128xf32, #tpu.memory_space<vmem>> -> memref<96x128xf32, #tpu.memory_space<vmem>>
      %dma_start3A_375 = arith.constant 0 : i32
      %dma_start3A_376 = tpu.memref_slice %arg4[%add3A_371, %dma_start3A_375] : memref<819200x128xf32, #tpu.memory_space<hbm>> -> memref<96x128xf32, #tpu.memory_space<hbm>>
      %dma_start3A_377 = arith.constant 0 : i32
      %dma_start3A_378 = tpu.memref_slice %arg4[%add3A_371, %dma_start3A_377] : memref<819200x128xf32, #tpu.memory_space<hbm>> -> memref<96x128xf32, #tpu.memory_space<hbm>>
      %dma_start3A_379 = arith.constant 104 : i32
      %dma_start3A_380 = arith.constant 0 : i32
      %dma_start3A_381 = tpu.memref_slice %arg7[%dma_start3A_379, %dma_start3A_380] : memref<200x128xf32, #tpu.memory_space<vmem>> -> memref<96x128xf32, #tpu.memory_space<vmem>>
      tpu.enqueue_dma source(%dma_start3A_381 : memref<96x128xf32, #tpu.memory_space<vmem>>) target(%dma_start3A_378 : memref<96x128xf32, #tpu.memory_space<hbm>>) target_semaphore(%arg11 : memref<!tpu.dma_semaphore, #tpu.memory_space<semaphore_mem>>)
      %mul3A_382 = arith.constant 3 : i32
      %mul3A_383 = arith.muli %scan3A_272, %mul3A_382 : i32
      %add3A_384 = arith.constant 1 : i32
      %add3A_385 = arith.addi %mul3A_383, %add3A_384 : i32
      %mul3A_386 = arith.constant 200 : i32
      %mul3A_387 = arith.muli %add3A_385, %mul3A_386 : i32
      %add3A_388 = arith.constant 0 : i32
      %add3A_389 = arith.addi %mul3A_387, %add3A_388 : i32
      %dma_wait3A_390 = arith.constant 0 : i32
      %dma_wait3A_391 = arith.constant 0 : i32
      %dma_wait3A_392 = tpu.memref_slice %arg8[%dma_wait3A_390, %dma_wait3A_391] : memref<200x128xf32, #tpu.memory_space<vmem>> -> memref<104x128xf32, #tpu.memory_space<vmem>>
      %dma_wait3A_393 = tpu.memref_slice %arg5[%add3A_389] : memref<25600xi32, #tpu.memory_space<vmem>> -> memref<104xi32, #tpu.memory_space<vmem>>
      %dma_wait3A_394 = arith.constant 0 : i32
      %dma_wait3A_395 = arith.constant 0 : i32
      %dma_wait3A_396 = tpu.memref_slice %arg3[%dma_wait3A_394, %dma_wait3A_395] : memref<102000x128xf32, #tpu.memory_space<hbm>> -> memref<102000x128xf32, #tpu.memory_space<hbm>>
      tpu.wait_indirect_dma semaphore(%arg10 : memref<!tpu.dma_semaphore, #tpu.memory_space<semaphore_mem>>) src(%dma_wait3A_396 : memref<102000x128xf32, #tpu.memory_space<hbm>>) dst(%dma_wait3A_392 : memref<104x128xf32, #tpu.memory_space<vmem>>)
      %add3A_397 = arith.constant -2 : i32
      %add3A_398 = arith.addi %add3A_385, %add3A_397 : i32
      %ge3A_399 = arith.constant 0 : i32
      %ge3A_400 = arith.cmpi sge, %add3A_398, %ge3A_399 : i32
      %convert_element_type3A_401 = arith.extui %ge3A_400 : i1 to i32
      %cond3A_402 = arith.constant 0 : i32
      %cond3A_403 = arith.cmpi ne, %convert_element_type3A_401, %cond3A_402 : i32
      scf.if %cond3A_403 {
        %add3A_606 = arith.addi %mul3A_2, %add3A_398 : i32
        %mul3A_607 = arith.constant 200 : i32
        %mul3A_608 = arith.muli %add3A_606, %mul3A_607 : i32
        %add3A_609 = arith.constant 104 : i32
        %add3A_610 = arith.addi %mul3A_608, %add3A_609 : i32
        %dma_wait3A_611 = arith.constant 104 : i32
        %dma_wait3A_612 = arith.constant 0 : i32
        %dma_wait3A_613 = tpu.memref_slice %arg9[%dma_wait3A_611, %dma_wait3A_612] : memref<200x128xf32, #tpu.memory_space<vmem>> -> memref<96x128xf32, #tpu.memory_space<vmem>>
        %dma_wait3A_614 = arith.constant 0 : i32
        %dma_wait3A_615 = tpu.memref_slice %arg4[%add3A_610, %dma_wait3A_614] : memref<819200x128xf32, #tpu.memory_space<hbm>> -> memref<96x128xf32, #tpu.memory_space<hbm>>
        %dma_wait3A_616 = arith.constant 0 : i32
        %dma_wait3A_617 = tpu.memref_slice %arg4[%add3A_610, %dma_wait3A_616] : memref<819200x128xf32, #tpu.memory_space<hbm>> -> memref<96x128xf32, #tpu.memory_space<hbm>>
        %dma_wait3A_618 = arith.constant 104 : i32
        %dma_wait3A_619 = arith.constant 0 : i32
        %dma_wait3A_620 = tpu.memref_slice %arg9[%dma_wait3A_618, %dma_wait3A_619] : memref<200x128xf32, #tpu.memory_space<vmem>> -> memref<96x128xf32, #tpu.memory_space<vmem>>
        tpu.wait_dma2 semaphore(%arg11 : memref<!tpu.dma_semaphore, #tpu.memory_space<semaphore_mem>>) src(%dma_wait3A_620 : memref<96x128xf32, #tpu.memory_space<vmem>>) dst(%dma_wait3A_617 : memref<96x128xf32, #tpu.memory_space<hbm>>)
      } else {
      }
      %add3A_404 = arith.constant 1 : i32
      %add3A_405 = arith.addi %add3A_385, %add3A_404 : i32
      %mul3A_406 = arith.constant 200 : i32
      %mul3A_407 = arith.muli %add3A_405, %mul3A_406 : i32
      %add3A_408 = arith.constant 104 : i32
      %add3A_409 = arith.addi %mul3A_407, %add3A_408 : i32
      %dma_start3A_410 = arith.constant 104 : i32
      %dma_start3A_411 = arith.constant 0 : i32
      %dma_start3A_412 = tpu.memref_slice %arg9[%dma_start3A_410, %dma_start3A_411] : memref<200x128xf32, #tpu.memory_space<vmem>> -> memref<96x128xf32, #tpu.memory_space<vmem>>
      %dma_start3A_413 = tpu.memref_slice %arg5[%add3A_409] : memref<25600xi32, #tpu.memory_space<vmem>> -> memref<96xi32, #tpu.memory_space<vmem>>
      %dma_start3A_414 = arith.constant 0 : i32
      %dma_start3A_415 = arith.constant 0 : i32
      %dma_start3A_416 = tpu.memref_slice %arg3[%dma_start3A_414, %dma_start3A_415] : memref<102000x128xf32, #tpu.memory_space<hbm>> -> memref<102000x128xf32, #tpu.memory_space<hbm>>
      tpu.enqueue_indirect_dma source(%dma_start3A_416 : memref<102000x128xf32, #tpu.memory_space<hbm>>) target(%dma_start3A_412 : memref<96x128xf32, #tpu.memory_space<vmem>>) offsets(%dma_start3A_413 : memref<96xi32, #tpu.memory_space<vmem>>) semaphore(%arg10 : memref<!tpu.dma_semaphore, #tpu.memory_space<semaphore_mem>>)
      %scan3A_417 = arith.constant 0 : i32
      %scan3A_418 = arith.constant 0 : i32
      %scan3A_419 = arith.constant 26 : i32
      %scan3A_420 = arith.addi %scan3A_418, %scan3A_419 : i32
      %scan3A_421 = arith.constant 1 : i32
      scf.for %scan3A_606 = %scan3A_418 to %scan3A_420 step %scan3A_421  : i32 {
        %mul3A_607 = arith.constant 4 : i32
        %mul3A_608 = arith.muli %scan3A_606, %mul3A_607 : i32
        %add3A_609 = arith.constant 0 : i32
        %add3A_610 = arith.addi %add3A_609, %mul3A_608 : i32
        %add3A_611 = arith.constant 0 : i32
        %add3A_612 = arith.addi %add3A_610, %add3A_611 : i32
        %get3A = arith.index_cast %add3A_612 : i32 to index
        %get3A_613 = arith.constant 0 : index
        %get3A_614 = tpu.vector_load %arg6[%get3A, %get3A_613] {strides = array<i32>} : memref<200x128xf32, #tpu.memory_space<vmem>>, vector<1x16xf32>,
        %get3A_615 = vector.shape_cast %get3A_614 : vector<1x16xf32> to vector<16xf32>
        %swap3A = arith.index_cast %add3A_612 : i32 to index
        %swap3A_616 = arith.constant 0 : index
        %swap3A_617 = tpu.vector_load %arg8[%swap3A, %swap3A_616] {strides = array<i32>} : memref<200x128xf32, #tpu.memory_space<vmem>>, vector<1x16xf32>,
        %swap3A_618 = vector.shape_cast %swap3A_617 : vector<1x16xf32> to vector<16xf32>
        %swap3A_619 = vector.shape_cast %get3A_615 : vector<16xf32> to vector<1x16xf32>
        tpu.vector_store %arg8[%swap3A, %swap3A_616], %swap3A_619 {add = true, strides = array<i32>} : memref<200x128xf32, #tpu.memory_space<vmem>>, vector<1x16xf32>,
        %get3A_620 = arith.index_cast %add3A_612 : i32 to index
        %get3A_621 = arith.constant 16 : index
        %get3A_622 = tpu.vector_load %arg6[%get3A_620, %get3A_621] {strides = array<i32>} : memref<200x128xf32, #tpu.memory_space<vmem>>, vector<1x16xf32>,
        %get3A_623 = vector.shape_cast %get3A_622 : vector<1x16xf32> to vector<16xf32>
        %swap3A_624 = arith.index_cast %add3A_612 : i32 to index
        %swap3A_625 = arith.constant 16 : index
        %swap3A_626 = tpu.vector_load %arg8[%swap3A_624, %swap3A_625] {strides = array<i32>} : memref<200x128xf32, #tpu.memory_space<vmem>>, vector<1x16xf32>,
        %swap3A_627 = vector.shape_cast %swap3A_626 : vector<1x16xf32> to vector<16xf32>
        %swap3A_628 = vector.shape_cast %get3A_623 : vector<16xf32> to vector<1x16xf32>
        tpu.vector_store %arg8[%swap3A_624, %swap3A_625], %swap3A_628 {add = true, strides = array<i32>} : memref<200x128xf32, #tpu.memory_space<vmem>>, vector<1x16xf32>,
        %get3A_629 = arith.index_cast %add3A_612 : i32 to index
        %get3A_630 = arith.constant 32 : index
        %get3A_631 = tpu.vector_load %arg6[%get3A_629, %get3A_630] {strides = array<i32>} : memref<200x128xf32, #tpu.memory_space<vmem>>, vector<1x16xf32>,
        %get3A_632 = vector.shape_cast %get3A_631 : vector<1x16xf32> to vector<16xf32>
        %swap3A_633 = arith.index_cast %add3A_612 : i32 to index
        %swap3A_634 = arith.constant 32 : index
        %swap3A_635 = tpu.vector_load %arg8[%swap3A_633, %swap3A_634] {strides = array<i32>} : memref<200x128xf32, #tpu.memory_space<vmem>>, vector<1x16xf32>,
        %swap3A_636 = vector.shape_cast %swap3A_635 : vector<1x16xf32> to vector<16xf32>
        %swap3A_637 = vector.shape_cast %get3A_632 : vector<16xf32> to vector<1x16xf32>
        tpu.vector_store %arg8[%swap3A_633, %swap3A_634], %swap3A_637 {add = true, strides = array<i32>} : memref<200x128xf32, #tpu.memory_space<vmem>>, vector<1x16xf32>,
        %get3A_638 = arith.index_cast %add3A_612 : i32 to index
        %get3A_639 = arith.constant 48 : index
        %get3A_640 = tpu.vector_load %arg6[%get3A_638, %get3A_639] {strides = array<i32>} : memref<200x128xf32, #tpu.memory_space<vmem>>, vector<1x16xf32>,
        %get3A_641 = vector.shape_cast %get3A_640 : vector<1x16xf32> to vector<16xf32>
        %swap3A_642 = arith.index_cast %add3A_612 : i32 to index
        %swap3A_643 = arith.constant 48 : index
        %swap3A_644 = tpu.vector_load %arg8[%swap3A_642, %swap3A_643] {strides = array<i32>} : memref<200x128xf32, #tpu.memory_space<vmem>>, vector<1x16xf32>,
        %swap3A_645 = vector.shape_cast %swap3A_644 : vector<1x16xf32> to vector<16xf32>
        %swap3A_646 = vector.shape_cast %get3A_641 : vector<16xf32> to vector<1x16xf32>
        tpu.vector_store %arg8[%swap3A_642, %swap3A_643], %swap3A_646 {add = true, strides = array<i32>} : memref<200x128xf32, #tpu.memory_space<vmem>>, vector<1x16xf32>,
        %get3A_647 = arith.index_cast %add3A_612 : i32 to index
        %get3A_648 = arith.constant 64 : index
        %get3A_649 = tpu.vector_load %arg6[%get3A_647, %get3A_648] {strides = array<i32>} : memref<200x128xf32, #tpu.memory_space<vmem>>, vector<1x16xf32>,
        %get3A_650 = vector.shape_cast %get3A_649 : vector<1x16xf32> to vector<16xf32>
        %swap3A_651 = arith.index_cast %add3A_612 : i32 to index
        %swap3A_652 = arith.constant 64 : index
        %swap3A_653 = tpu.vector_load %arg8[%swap3A_651, %swap3A_652] {strides = array<i32>} : memref<200x128xf32, #tpu.memory_space<vmem>>, vector<1x16xf32>,
        %swap3A_654 = vector.shape_cast %swap3A_653 : vector<1x16xf32> to vector<16xf32>
        %swap3A_655 = vector.shape_cast %get3A_650 : vector<16xf32> to vector<1x16xf32>
        tpu.vector_store %arg8[%swap3A_651, %swap3A_652], %swap3A_655 {add = true, strides = array<i32>} : memref<200x128xf32, #tpu.memory_space<vmem>>, vector<1x16xf32>,
        %get3A_656 = arith.index_cast %add3A_612 : i32 to index
        %get3A_657 = arith.constant 80 : index
        %get3A_658 = tpu.vector_load %arg6[%get3A_656, %get3A_657] {strides = array<i32>} : memref<200x128xf32, #tpu.memory_space<vmem>>, vector<1x16xf32>,
        %get3A_659 = vector.shape_cast %get3A_658 : vector<1x16xf32> to vector<16xf32>
        %swap3A_660 = arith.index_cast %add3A_612 : i32 to index
        %swap3A_661 = arith.constant 80 : index
        %swap3A_662 = tpu.vector_load %arg8[%swap3A_660, %swap3A_661] {strides = array<i32>} : memref<200x128xf32, #tpu.memory_space<vmem>>, vector<1x16xf32>,
        %swap3A_663 = vector.shape_cast %swap3A_662 : vector<1x16xf32> to vector<16xf32>
        %swap3A_664 = vector.shape_cast %get3A_659 : vector<16xf32> to vector<1x16xf32>
        tpu.vector_store %arg8[%swap3A_660, %swap3A_661], %swap3A_664 {add = true, strides = array<i32>} : memref<200x128xf32, #tpu.memory_space<vmem>>, vector<1x16xf32>,
        %get3A_665 = arith.index_cast %add3A_612 : i32 to index
        %get3A_666 = arith.constant 96 : index
        %get3A_667 = tpu.vector_load %arg6[%get3A_665, %get3A_666] {strides = array<i32>} : memref<200x128xf32, #tpu.memory_space<vmem>>, vector<1x16xf32>,
        %get3A_668 = vector.shape_cast %get3A_667 : vector<1x16xf32> to vector<16xf32>
        %swap3A_669 = arith.index_cast %add3A_612 : i32 to index
        %swap3A_670 = arith.constant 96 : index
        %swap3A_671 = tpu.vector_load %arg8[%swap3A_669, %swap3A_670] {strides = array<i32>} : memref<200x128xf32, #tpu.memory_space<vmem>>, vector<1x16xf32>,
        %swap3A_672 = vector.shape_cast %swap3A_671 : vector<1x16xf32> to vector<16xf32>
        %swap3A_673 = vector.shape_cast %get3A_668 : vector<16xf32> to vector<1x16xf32>
        tpu.vector_store %arg8[%swap3A_669, %swap3A_670], %swap3A_673 {add = true, strides = array<i32>} : memref<200x128xf32, #tpu.memory_space<vmem>>, vector<1x16xf32>,
        %get3A_674 = arith.index_cast %add3A_612 : i32 to index
        %get3A_675 = arith.constant 112 : index
        %get3A_676 = tpu.vector_load %arg6[%get3A_674, %get3A_675] {strides = array<i32>} : memref<200x128xf32, #tpu.memory_space<vmem>>, vector<1x16xf32>,
        %get3A_677 = vector.shape_cast %get3A_676 : vector<1x16xf32> to vector<16xf32>
        %swap3A_678 = arith.index_cast %add3A_612 : i32 to index
        %swap3A_679 = arith.constant 112 : index
        %swap3A_680 = tpu.vector_load %arg8[%swap3A_678, %swap3A_679] {strides = array<i32>} : memref<200x128xf32, #tpu.memory_space<vmem>>, vector<1x16xf32>,
        %swap3A_681 = vector.shape_cast %swap3A_680 : vector<1x16xf32> to vector<16xf32>
        %swap3A_682 = vector.shape_cast %get3A_677 : vector<16xf32> to vector<1x16xf32>
        tpu.vector_store %arg8[%swap3A_678, %swap3A_679], %swap3A_682 {add = true, strides = array<i32>} : memref<200x128xf32, #tpu.memory_space<vmem>>, vector<1x16xf32>,
        %mul3A_683 = arith.constant 4 : i32
        %mul3A_684 = arith.muli %scan3A_606, %mul3A_683 : i32
        %add3A_685 = arith.constant 0 : i32
        %add3A_686 = arith.addi %add3A_685, %mul3A_684 : i32
        %add3A_687 = arith.constant 1 : i32
        %add3A_688 = arith.addi %add3A_686, %add3A_687 : i32
        %get3A_689 = arith.index_cast %add3A_688 : i32 to index
        %get3A_690 = arith.constant 0 : index
        %get3A_691 = tpu.vector_load %arg6[%get3A_689, %get3A_690] {strides = array<i32>} : memref<200x128xf32, #tpu.memory_space<vmem>>, vector<1x16xf32>,
        %get3A_692 = vector.shape_cast %get3A_691 : vector<1x16xf32> to vector<16xf32>
        %swap3A_693 = arith.index_cast %add3A_688 : i32 to index
        %swap3A_694 = arith.constant 0 : index
        %swap3A_695 = tpu.vector_load %arg8[%swap3A_693, %swap3A_694] {strides = array<i32>} : memref<200x128xf32, #tpu.memory_space<vmem>>, vector<1x16xf32>,
        %swap3A_696 = vector.shape_cast %swap3A_695 : vector<1x16xf32> to vector<16xf32>
        %swap3A_697 = vector.shape_cast %get3A_692 : vector<16xf32> to vector<1x16xf32>
        tpu.vector_store %arg8[%swap3A_693, %swap3A_694], %swap3A_697 {add = true, strides = array<i32>} : memref<200x128xf32, #tpu.memory_space<vmem>>, vector<1x16xf32>,
        %get3A_698 = arith.index_cast %add3A_688 : i32 to index
        %get3A_699 = arith.constant 16 : index
        %get3A_700 = tpu.vector_load %arg6[%get3A_698, %get3A_699] {strides = array<i32>} : memref<200x128xf32, #tpu.memory_space<vmem>>, vector<1x16xf32>,
        %get3A_701 = vector.shape_cast %get3A_700 : vector<1x16xf32> to vector<16xf32>
        %swap3A_702 = arith.index_cast %add3A_688 : i32 to index
        %swap3A_703 = arith.constant 16 : index
        %swap3A_704 = tpu.vector_load %arg8[%swap3A_702, %swap3A_703] {strides = array<i32>} : memref<200x128xf32, #tpu.memory_space<vmem>>, vector<1x16xf32>,
        %swap3A_705 = vector.shape_cast %swap3A_704 : vector<1x16xf32> to vector<16xf32>
        %swap3A_706 = vector.shape_cast %get3A_701 : vector<16xf32> to vector<1x16xf32>
        tpu.vector_store %arg8[%swap3A_702, %swap3A_703], %swap3A_706 {add = true, strides = array<i32>} : memref<200x128xf32, #tpu.memory_space<vmem>>, vector<1x16xf32>,
        %get3A_707 = arith.index_cast %add3A_688 : i32 to index
        %get3A_708 = arith.constant 32 : index
        %get3A_709 = tpu.vector_load %arg6[%get3A_707, %get3A_708] {strides = array<i32>} : memref<200x128xf32, #tpu.memory_space<vmem>>, vector<1x16xf32>,
        %get3A_710 = vector.shape_cast %get3A_709 : vector<1x16xf32> to vector<16xf32>
        %swap3A_711 = arith.index_cast %add3A_688 : i32 to index
        %swap3A_712 = arith.constant 32 : index
        %swap3A_713 = tpu.vector_load %arg8[%swap3A_711, %swap3A_712] {strides = array<i32>} : memref<200x128xf32, #tpu.memory_space<vmem>>, vector<1x16xf32>,
        %swap3A_714 = vector.shape_cast %swap3A_713 : vector<1x16xf32> to vector<16xf32>
        %swap3A_715 = vector.shape_cast %get3A_710 : vector<16xf32> to vector<1x16xf32>
        tpu.vector_store %arg8[%swap3A_711, %swap3A_712], %swap3A_715 {add = true, strides = array<i32>} : memref<200x128xf32, #tpu.memory_space<vmem>>, vector<1x16xf32>,
        %get3A_716 = arith.index_cast %add3A_688 : i32 to index
        %get3A_717 = arith.constant 48 : index
        %get3A_718 = tpu.vector_load %arg6[%get3A_716, %get3A_717] {strides = array<i32>} : memref<200x128xf32, #tpu.memory_space<vmem>>, vector<1x16xf32>,
        %get3A_719 = vector.shape_cast %get3A_718 : vector<1x16xf32> to vector<16xf32>
        %swap3A_720 = arith.index_cast %add3A_688 : i32 to index
        %swap3A_721 = arith.constant 48 : index
        %swap3A_722 = tpu.vector_load %arg8[%swap3A_720, %swap3A_721] {strides = array<i32>} : memref<200x128xf32, #tpu.memory_space<vmem>>, vector<1x16xf32>,
        %swap3A_723 = vector.shape_cast %swap3A_722 : vector<1x16xf32> to vector<16xf32>
        %swap3A_724 = vector.shape_cast %get3A_719 : vector<16xf32> to vector<1x16xf32>
        tpu.vector_store %arg8[%swap3A_720, %swap3A_721], %swap3A_724 {add = true, strides = array<i32>} : memref<200x128xf32, #tpu.memory_space<vmem>>, vector<1x16xf32>,
        %get3A_725 = arith.index_cast %add3A_688 : i32 to index
        %get3A_726 = arith.constant 64 : index
        %get3A_727 = tpu.vector_load %arg6[%get3A_725, %get3A_726] {strides = array<i32>} : memref<200x128xf32, #tpu.memory_space<vmem>>, vector<1x16xf32>,
        %get3A_728 = vector.shape_cast %get3A_727 : vector<1x16xf32> to vector<16xf32>
        %swap3A_729 = arith.index_cast %add3A_688 : i32 to index
        %swap3A_730 = arith.constant 64 : index
        %swap3A_731 = tpu.vector_load %arg8[%swap3A_729, %swap3A_730] {strides = array<i32>} : memref<200x128xf32, #tpu.memory_space<vmem>>, vector<1x16xf32>,
        %swap3A_732 = vector.shape_cast %swap3A_731 : vector<1x16xf32> to vector<16xf32>
        %swap3A_733 = vector.shape_cast %get3A_728 : vector<16xf32> to vector<1x16xf32>
        tpu.vector_store %arg8[%swap3A_729, %swap3A_730], %swap3A_733 {add = true, strides = array<i32>} : memref<200x128xf32, #tpu.memory_space<vmem>>, vector<1x16xf32>,
        %get3A_734 = arith.index_cast %add3A_688 : i32 to index
        %get3A_735 = arith.constant 80 : index
        %get3A_736 = tpu.vector_load %arg6[%get3A_734, %get3A_735] {strides = array<i32>} : memref<200x128xf32, #tpu.memory_space<vmem>>, vector<1x16xf32>,
        %get3A_737 = vector.shape_cast %get3A_736 : vector<1x16xf32> to vector<16xf32>
        %swap3A_738 = arith.index_cast %add3A_688 : i32 to index
        %swap3A_739 = arith.constant 80 : index
        %swap3A_740 = tpu.vector_load %arg8[%swap3A_738, %swap3A_739] {strides = array<i32>} : memref<200x128xf32, #tpu.memory_space<vmem>>, vector<1x16xf32>,
        %swap3A_741 = vector.shape_cast %swap3A_740 : vector<1x16xf32> to vector<16xf32>
        %swap3A_742 = vector.shape_cast %get3A_737 : vector<16xf32> to vector<1x16xf32>
        tpu.vector_store %arg8[%swap3A_738, %swap3A_739], %swap3A_742 {add = true, strides = array<i32>} : memref<200x128xf32, #tpu.memory_space<vmem>>, vector<1x16xf32>,
        %get3A_743 = arith.index_cast %add3A_688 : i32 to index
        %get3A_744 = arith.constant 96 : index
        %get3A_745 = tpu.vector_load %arg6[%get3A_743, %get3A_744] {strides = array<i32>} : memref<200x128xf32, #tpu.memory_space<vmem>>, vector<1x16xf32>,
        %get3A_746 = vector.shape_cast %get3A_745 : vector<1x16xf32> to vector<16xf32>
        %swap3A_747 = arith.index_cast %add3A_688 : i32 to index
        %swap3A_748 = arith.constant 96 : index
        %swap3A_749 = tpu.vector_load %arg8[%swap3A_747, %swap3A_748] {strides = array<i32>} : memref<200x128xf32, #tpu.memory_space<vmem>>, vector<1x16xf32>,
        %swap3A_750 = vector.shape_cast %swap3A_749 : vector<1x16xf32> to vector<16xf32>
        %swap3A_751 = vector.shape_cast %get3A_746 : vector<16xf32> to vector<1x16xf32>
        tpu.vector_store %arg8[%swap3A_747, %swap3A_748], %swap3A_751 {add = true, strides = array<i32>} : memref<200x128xf32, #tpu.memory_space<vmem>>, vector<1x16xf32>,
        %get3A_752 = arith.index_cast %add3A_688 : i32 to index
        %get3A_753 = arith.constant 112 : index
        %get3A_754 = tpu.vector_load %arg6[%get3A_752, %get3A_753] {strides = array<i32>} : memref<200x128xf32, #tpu.memory_space<vmem>>, vector<1x16xf32>,
        %get3A_755 = vector.shape_cast %get3A_754 : vector<1x16xf32> to vector<16xf32>
        %swap3A_756 = arith.index_cast %add3A_688 : i32 to index
        %swap3A_757 = arith.constant 112 : index
        %swap3A_758 = tpu.vector_load %arg8[%swap3A_756, %swap3A_757] {strides = array<i32>} : memref<200x128xf32, #tpu.memory_space<vmem>>, vector<1x16xf32>,
        %swap3A_759 = vector.shape_cast %swap3A_758 : vector<1x16xf32> to vector<16xf32>
        %swap3A_760 = vector.shape_cast %get3A_755 : vector<16xf32> to vector<1x16xf32>
        tpu.vector_store %arg8[%swap3A_756, %swap3A_757], %swap3A_760 {add = true, strides = array<i32>} : memref<200x128xf32, #tpu.memory_space<vmem>>, vector<1x16xf32>,
        %mul3A_761 = arith.constant 4 : i32
        %mul3A_762 = arith.muli %scan3A_606, %mul3A_761 : i32
        %add3A_763 = arith.constant 0 : i32
        %add3A_764 = arith.addi %add3A_763, %mul3A_762 : i32
        %add3A_765 = arith.constant 2 : i32
        %add3A_766 = arith.addi %add3A_764, %add3A_765 : i32
        %get3A_767 = arith.index_cast %add3A_766 : i32 to index
        %get3A_768 = arith.constant 0 : index
        %get3A_769 = tpu.vector_load %arg6[%get3A_767, %get3A_768] {strides = array<i32>} : memref<200x128xf32, #tpu.memory_space<vmem>>, vector<1x16xf32>,
        %get3A_770 = vector.shape_cast %get3A_769 : vector<1x16xf32> to vector<16xf32>
        %swap3A_771 = arith.index_cast %add3A_766 : i32 to index
        %swap3A_772 = arith.constant 0 : index
        %swap3A_773 = tpu.vector_load %arg8[%swap3A_771, %swap3A_772] {strides = array<i32>} : memref<200x128xf32, #tpu.memory_space<vmem>>, vector<1x16xf32>,
        %swap3A_774 = vector.shape_cast %swap3A_773 : vector<1x16xf32> to vector<16xf32>
        %swap3A_775 = vector.shape_cast %get3A_770 : vector<16xf32> to vector<1x16xf32>
        tpu.vector_store %arg8[%swap3A_771, %swap3A_772], %swap3A_775 {add = true, strides = array<i32>} : memref<200x128xf32, #tpu.memory_space<vmem>>, vector<1x16xf32>,
        %get3A_776 = arith.index_cast %add3A_766 : i32 to index
        %get3A_777 = arith.constant 16 : index
        %get3A_778 = tpu.vector_load %arg6[%get3A_776, %get3A_777] {strides = array<i32>} : memref<200x128xf32, #tpu.memory_space<vmem>>, vector<1x16xf32>,
        %get3A_779 = vector.shape_cast %get3A_778 : vector<1x16xf32> to vector<16xf32>
        %swap3A_780 = arith.index_cast %add3A_766 : i32 to index
        %swap3A_781 = arith.constant 16 : index
        %swap3A_782 = tpu.vector_load %arg8[%swap3A_780, %swap3A_781] {strides = array<i32>} : memref<200x128xf32, #tpu.memory_space<vmem>>, vector<1x16xf32>,
        %swap3A_783 = vector.shape_cast %swap3A_782 : vector<1x16xf32> to vector<16xf32>
        %swap3A_784 = vector.shape_cast %get3A_779 : vector<16xf32> to vector<1x16xf32>
        tpu.vector_store %arg8[%swap3A_780, %swap3A_781], %swap3A_784 {add = true, strides = array<i32>} : memref<200x128xf32, #tpu.memory_space<vmem>>, vector<1x16xf32>,
        %get3A_785 = arith.index_cast %add3A_766 : i32 to index
        %get3A_786 = arith.constant 32 : index
        %get3A_787 = tpu.vector_load %arg6[%get3A_785, %get3A_786] {strides = array<i32>} : memref<200x128xf32, #tpu.memory_space<vmem>>, vector<1x16xf32>,
        %get3A_788 = vector.shape_cast %get3A_787 : vector<1x16xf32> to vector<16xf32>
        %swap3A_789 = arith.index_cast %add3A_766 : i32 to index
        %swap3A_790 = arith.constant 32 : index
        %swap3A_791 = tpu.vector_load %arg8[%swap3A_789, %swap3A_790] {strides = array<i32>} : memref<200x128xf32, #tpu.memory_space<vmem>>, vector<1x16xf32>,
        %swap3A_792 = vector.shape_cast %swap3A_791 : vector<1x16xf32> to vector<16xf32>
        %swap3A_793 = vector.shape_cast %get3A_788 : vector<16xf32> to vector<1x16xf32>
        tpu.vector_store %arg8[%swap3A_789, %swap3A_790], %swap3A_793 {add = true, strides = array<i32>} : memref<200x128xf32, #tpu.memory_space<vmem>>, vector<1x16xf32>,
        %get3A_794 = arith.index_cast %add3A_766 : i32 to index
        %get3A_795 = arith.constant 48 : index
        %get3A_796 = tpu.vector_load %arg6[%get3A_794, %get3A_795] {strides = array<i32>} : memref<200x128xf32, #tpu.memory_space<vmem>>, vector<1x16xf32>,
        %get3A_797 = vector.shape_cast %get3A_796 : vector<1x16xf32> to vector<16xf32>
        %swap3A_798 = arith.index_cast %add3A_766 : i32 to index
        %swap3A_799 = arith.constant 48 : index
        %swap3A_800 = tpu.vector_load %arg8[%swap3A_798, %swap3A_799] {strides = array<i32>} : memref<200x128xf32, #tpu.memory_space<vmem>>, vector<1x16xf32>,
        %swap3A_801 = vector.shape_cast %swap3A_800 : vector<1x16xf32> to vector<16xf32>
        %swap3A_802 = vector.shape_cast %get3A_797 : vector<16xf32> to vector<1x16xf32>
        tpu.vector_store %arg8[%swap3A_798, %swap3A_799], %swap3A_802 {add = true, strides = array<i32>} : memref<200x128xf32, #tpu.memory_space<vmem>>, vector<1x16xf32>,
        %get3A_803 = arith.index_cast %add3A_766 : i32 to index
        %get3A_804 = arith.constant 64 : index
        %get3A_805 = tpu.vector_load %arg6[%get3A_803, %get3A_804] {strides = array<i32>} : memref<200x128xf32, #tpu.memory_space<vmem>>, vector<1x16xf32>,
        %get3A_806 = vector.shape_cast %get3A_805 : vector<1x16xf32> to vector<16xf32>
        %swap3A_807 = arith.index_cast %add3A_766 : i32 to index
        %swap3A_808 = arith.constant 64 : index
        %swap3A_809 = tpu.vector_load %arg8[%swap3A_807, %swap3A_808] {strides = array<i32>} : memref<200x128xf32, #tpu.memory_space<vmem>>, vector<1x16xf32>,
        %swap3A_810 = vector.shape_cast %swap3A_809 : vector<1x16xf32> to vector<16xf32>
        %swap3A_811 = vector.shape_cast %get3A_806 : vector<16xf32> to vector<1x16xf32>
        tpu.vector_store %arg8[%swap3A_807, %swap3A_808], %swap3A_811 {add = true, strides = array<i32>} : memref<200x128xf32, #tpu.memory_space<vmem>>, vector<1x16xf32>,
        %get3A_812 = arith.index_cast %add3A_766 : i32 to index
        %get3A_813 = arith.constant 80 : index
        %get3A_814 = tpu.vector_load %arg6[%get3A_812, %get3A_813] {strides = array<i32>} : memref<200x128xf32, #tpu.memory_space<vmem>>, vector<1x16xf32>,
        %get3A_815 = vector.shape_cast %get3A_814 : vector<1x16xf32> to vector<16xf32>
        %swap3A_816 = arith.index_cast %add3A_766 : i32 to index
        %swap3A_817 = arith.constant 80 : index
        %swap3A_818 = tpu.vector_load %arg8[%swap3A_816, %swap3A_817] {strides = array<i32>} : memref<200x128xf32, #tpu.memory_space<vmem>>, vector<1x16xf32>,
        %swap3A_819 = vector.shape_cast %swap3A_818 : vector<1x16xf32> to vector<16xf32>
        %swap3A_820 = vector.shape_cast %get3A_815 : vector<16xf32> to vector<1x16xf32>
        tpu.vector_store %arg8[%swap3A_816, %swap3A_817], %swap3A_820 {add = true, strides = array<i32>} : memref<200x128xf32, #tpu.memory_space<vmem>>, vector<1x16xf32>,
        %get3A_821 = arith.index_cast %add3A_766 : i32 to index
        %get3A_822 = arith.constant 96 : index
        %get3A_823 = tpu.vector_load %arg6[%get3A_821, %get3A_822] {strides = array<i32>} : memref<200x128xf32, #tpu.memory_space<vmem>>, vector<1x16xf32>,
        %get3A_824 = vector.shape_cast %get3A_823 : vector<1x16xf32> to vector<16xf32>
        %swap3A_825 = arith.index_cast %add3A_766 : i32 to index
        %swap3A_826 = arith.constant 96 : index
        %swap3A_827 = tpu.vector_load %arg8[%swap3A_825, %swap3A_826] {strides = array<i32>} : memref<200x128xf32, #tpu.memory_space<vmem>>, vector<1x16xf32>,
        %swap3A_828 = vector.shape_cast %swap3A_827 : vector<1x16xf32> to vector<16xf32>
        %swap3A_829 = vector.shape_cast %get3A_824 : vector<16xf32> to vector<1x16xf32>
        tpu.vector_store %arg8[%swap3A_825, %swap3A_826], %swap3A_829 {add = true, strides = array<i32>} : memref<200x128xf32, #tpu.memory_space<vmem>>, vector<1x16xf32>,
        %get3A_830 = arith.index_cast %add3A_766 : i32 to index
        %get3A_831 = arith.constant 112 : index
        %get3A_832 = tpu.vector_load %arg6[%get3A_830, %get3A_831] {strides = array<i32>} : memref<200x128xf32, #tpu.memory_space<vmem>>, vector<1x16xf32>,
        %get3A_833 = vector.shape_cast %get3A_832 : vector<1x16xf32> to vector<16xf32>
        %swap3A_834 = arith.index_cast %add3A_766 : i32 to index
        %swap3A_835 = arith.constant 112 : index
        %swap3A_836 = tpu.vector_load %arg8[%swap3A_834, %swap3A_835] {strides = array<i32>} : memref<200x128xf32, #tpu.memory_space<vmem>>, vector<1x16xf32>,
        %swap3A_837 = vector.shape_cast %swap3A_836 : vector<1x16xf32> to vector<16xf32>
        %swap3A_838 = vector.shape_cast %get3A_833 : vector<16xf32> to vector<1x16xf32>
        tpu.vector_store %arg8[%swap3A_834, %swap3A_835], %swap3A_838 {add = true, strides = array<i32>} : memref<200x128xf32, #tpu.memory_space<vmem>>, vector<1x16xf32>,
        %mul3A_839 = arith.constant 4 : i32
        %mul3A_840 = arith.muli %scan3A_606, %mul3A_839 : i32
        %add3A_841 = arith.constant 0 : i32
        %add3A_842 = arith.addi %add3A_841, %mul3A_840 : i32
        %add3A_843 = arith.constant 3 : i32
        %add3A_844 = arith.addi %add3A_842, %add3A_843 : i32
        %get3A_845 = arith.index_cast %add3A_844 : i32 to index
        %get3A_846 = arith.constant 0 : index
        %get3A_847 = tpu.vector_load %arg6[%get3A_845, %get3A_846] {strides = array<i32>} : memref<200x128xf32, #tpu.memory_space<vmem>>, vector<1x16xf32>,
        %get3A_848 = vector.shape_cast %get3A_847 : vector<1x16xf32> to vector<16xf32>
        %swap3A_849 = arith.index_cast %add3A_844 : i32 to index
        %swap3A_850 = arith.constant 0 : index
        %swap3A_851 = tpu.vector_load %arg8[%swap3A_849, %swap3A_850] {strides = array<i32>} : memref<200x128xf32, #tpu.memory_space<vmem>>, vector<1x16xf32>,
        %swap3A_852 = vector.shape_cast %swap3A_851 : vector<1x16xf32> to vector<16xf32>
        %swap3A_853 = vector.shape_cast %get3A_848 : vector<16xf32> to vector<1x16xf32>
        tpu.vector_store %arg8[%swap3A_849, %swap3A_850], %swap3A_853 {add = true, strides = array<i32>} : memref<200x128xf32, #tpu.memory_space<vmem>>, vector<1x16xf32>,
        %get3A_854 = arith.index_cast %add3A_844 : i32 to index
        %get3A_855 = arith.constant 16 : index
        %get3A_856 = tpu.vector_load %arg6[%get3A_854, %get3A_855] {strides = array<i32>} : memref<200x128xf32, #tpu.memory_space<vmem>>, vector<1x16xf32>,
        %get3A_857 = vector.shape_cast %get3A_856 : vector<1x16xf32> to vector<16xf32>
        %swap3A_858 = arith.index_cast %add3A_844 : i32 to index
        %swap3A_859 = arith.constant 16 : index
        %swap3A_860 = tpu.vector_load %arg8[%swap3A_858, %swap3A_859] {strides = array<i32>} : memref<200x128xf32, #tpu.memory_space<vmem>>, vector<1x16xf32>,
        %swap3A_861 = vector.shape_cast %swap3A_860 : vector<1x16xf32> to vector<16xf32>
        %swap3A_862 = vector.shape_cast %get3A_857 : vector<16xf32> to vector<1x16xf32>
        tpu.vector_store %arg8[%swap3A_858, %swap3A_859], %swap3A_862 {add = true, strides = array<i32>} : memref<200x128xf32, #tpu.memory_space<vmem>>, vector<1x16xf32>,
        %get3A_863 = arith.index_cast %add3A_844 : i32 to index
        %get3A_864 = arith.constant 32 : index
        %get3A_865 = tpu.vector_load %arg6[%get3A_863, %get3A_864] {strides = array<i32>} : memref<200x128xf32, #tpu.memory_space<vmem>>, vector<1x16xf32>,
        %get3A_866 = vector.shape_cast %get3A_865 : vector<1x16xf32> to vector<16xf32>
        %swap3A_867 = arith.index_cast %add3A_844 : i32 to index
        %swap3A_868 = arith.constant 32 : index
        %swap3A_869 = tpu.vector_load %arg8[%swap3A_867, %swap3A_868] {strides = array<i32>} : memref<200x128xf32, #tpu.memory_space<vmem>>, vector<1x16xf32>,
        %swap3A_870 = vector.shape_cast %swap3A_869 : vector<1x16xf32> to vector<16xf32>
        %swap3A_871 = vector.shape_cast %get3A_866 : vector<16xf32> to vector<1x16xf32>
        tpu.vector_store %arg8[%swap3A_867, %swap3A_868], %swap3A_871 {add = true, strides = array<i32>} : memref<200x128xf32, #tpu.memory_space<vmem>>, vector<1x16xf32>,
        %get3A_872 = arith.index_cast %add3A_844 : i32 to index
        %get3A_873 = arith.constant 48 : index
        %get3A_874 = tpu.vector_load %arg6[%get3A_872, %get3A_873] {strides = array<i32>} : memref<200x128xf32, #tpu.memory_space<vmem>>, vector<1x16xf32>,
        %get3A_875 = vector.shape_cast %get3A_874 : vector<1x16xf32> to vector<16xf32>
        %swap3A_876 = arith.index_cast %add3A_844 : i32 to index
        %swap3A_877 = arith.constant 48 : index
        %swap3A_878 = tpu.vector_load %arg8[%swap3A_876, %swap3A_877] {strides = array<i32>} : memref<200x128xf32, #tpu.memory_space<vmem>>, vector<1x16xf32>,
        %swap3A_879 = vector.shape_cast %swap3A_878 : vector<1x16xf32> to vector<16xf32>
        %swap3A_880 = vector.shape_cast %get3A_875 : vector<16xf32> to vector<1x16xf32>
        tpu.vector_store %arg8[%swap3A_876, %swap3A_877], %swap3A_880 {add = true, strides = array<i32>} : memref<200x128xf32, #tpu.memory_space<vmem>>, vector<1x16xf32>,
        %get3A_881 = arith.index_cast %add3A_844 : i32 to index
        %get3A_882 = arith.constant 64 : index
        %get3A_883 = tpu.vector_load %arg6[%get3A_881, %get3A_882] {strides = array<i32>} : memref<200x128xf32, #tpu.memory_space<vmem>>, vector<1x16xf32>,
        %get3A_884 = vector.shape_cast %get3A_883 : vector<1x16xf32> to vector<16xf32>
        %swap3A_885 = arith.index_cast %add3A_844 : i32 to index
        %swap3A_886 = arith.constant 64 : index
        %swap3A_887 = tpu.vector_load %arg8[%swap3A_885, %swap3A_886] {strides = array<i32>} : memref<200x128xf32, #tpu.memory_space<vmem>>, vector<1x16xf32>,
        %swap3A_888 = vector.shape_cast %swap3A_887 : vector<1x16xf32> to vector<16xf32>
        %swap3A_889 = vector.shape_cast %get3A_884 : vector<16xf32> to vector<1x16xf32>
        tpu.vector_store %arg8[%swap3A_885, %swap3A_886], %swap3A_889 {add = true, strides = array<i32>} : memref<200x128xf32, #tpu.memory_space<vmem>>, vector<1x16xf32>,
        %get3A_890 = arith.index_cast %add3A_844 : i32 to index
        %get3A_891 = arith.constant 80 : index
        %get3A_892 = tpu.vector_load %arg6[%get3A_890, %get3A_891] {strides = array<i32>} : memref<200x128xf32, #tpu.memory_space<vmem>>, vector<1x16xf32>,
        %get3A_893 = vector.shape_cast %get3A_892 : vector<1x16xf32> to vector<16xf32>
        %swap3A_894 = arith.index_cast %add3A_844 : i32 to index
        %swap3A_895 = arith.constant 80 : index
        %swap3A_896 = tpu.vector_load %arg8[%swap3A_894, %swap3A_895] {strides = array<i32>} : memref<200x128xf32, #tpu.memory_space<vmem>>, vector<1x16xf32>,
        %swap3A_897 = vector.shape_cast %swap3A_896 : vector<1x16xf32> to vector<16xf32>
        %swap3A_898 = vector.shape_cast %get3A_893 : vector<16xf32> to vector<1x16xf32>
        tpu.vector_store %arg8[%swap3A_894, %swap3A_895], %swap3A_898 {add = true, strides = array<i32>} : memref<200x128xf32, #tpu.memory_space<vmem>>, vector<1x16xf32>,
        %get3A_899 = arith.index_cast %add3A_844 : i32 to index
        %get3A_900 = arith.constant 96 : index
        %get3A_901 = tpu.vector_load %arg6[%get3A_899, %get3A_900] {strides = array<i32>} : memref<200x128xf32, #tpu.memory_space<vmem>>, vector<1x16xf32>,
        %get3A_902 = vector.shape_cast %get3A_901 : vector<1x16xf32> to vector<16xf32>
        %swap3A_903 = arith.index_cast %add3A_844 : i32 to index
        %swap3A_904 = arith.constant 96 : index
        %swap3A_905 = tpu.vector_load %arg8[%swap3A_903, %swap3A_904] {strides = array<i32>} : memref<200x128xf32, #tpu.memory_space<vmem>>, vector<1x16xf32>,
        %swap3A_906 = vector.shape_cast %swap3A_905 : vector<1x16xf32> to vector<16xf32>
        %swap3A_907 = vector.shape_cast %get3A_902 : vector<16xf32> to vector<1x16xf32>
        tpu.vector_store %arg8[%swap3A_903, %swap3A_904], %swap3A_907 {add = true, strides = array<i32>} : memref<200x128xf32, #tpu.memory_space<vmem>>, vector<1x16xf32>,
        %get3A_908 = arith.index_cast %add3A_844 : i32 to index
        %get3A_909 = arith.constant 112 : index
        %get3A_910 = tpu.vector_load %arg6[%get3A_908, %get3A_909] {strides = array<i32>} : memref<200x128xf32, #tpu.memory_space<vmem>>, vector<1x16xf32>,
        %get3A_911 = vector.shape_cast %get3A_910 : vector<1x16xf32> to vector<16xf32>
        %swap3A_912 = arith.index_cast %add3A_844 : i32 to index
        %swap3A_913 = arith.constant 112 : index
        %swap3A_914 = tpu.vector_load %arg8[%swap3A_912, %swap3A_913] {strides = array<i32>} : memref<200x128xf32, #tpu.memory_space<vmem>>, vector<1x16xf32>,
        %swap3A_915 = vector.shape_cast %swap3A_914 : vector<1x16xf32> to vector<16xf32>
        %swap3A_916 = vector.shape_cast %get3A_911 : vector<16xf32> to vector<1x16xf32>
        tpu.vector_store %arg8[%swap3A_912, %swap3A_913], %swap3A_916 {add = true, strides = array<i32>} : memref<200x128xf32, #tpu.memory_space<vmem>>, vector<1x16xf32>,
      }
      %scan3A_422 = arith.constant 26 : i32
      %add3A_423 = arith.addi %mul3A_2, %add3A_385 : i32
      %mul3A_424 = arith.constant 200 : i32
      %mul3A_425 = arith.muli %add3A_423, %mul3A_424 : i32
      %add3A_426 = arith.constant 0 : i32
      %add3A_427 = arith.addi %mul3A_425, %add3A_426 : i32
      %dma_start3A_428 = arith.constant 0 : i32
      %dma_start3A_429 = arith.constant 0 : i32
      %dma_start3A_430 = tpu.memref_slice %arg8[%dma_start3A_428, %dma_start3A_429] : memref<200x128xf32, #tpu.memory_space<vmem>> -> memref<104x128xf32, #tpu.memory_space<vmem>>
      %dma_start3A_431 = arith.constant 0 : i32
      %dma_start3A_432 = tpu.memref_slice %arg4[%add3A_427, %dma_start3A_431] : memref<819200x128xf32, #tpu.memory_space<hbm>> -> memref<104x128xf32, #tpu.memory_space<hbm>>
      %dma_start3A_433 = arith.constant 0 : i32
      %dma_start3A_434 = tpu.memref_slice %arg4[%add3A_427, %dma_start3A_433] : memref<819200x128xf32, #tpu.memory_space<hbm>> -> memref<104x128xf32, #tpu.memory_space<hbm>>
      %dma_start3A_435 = arith.constant 0 : i32
      %dma_start3A_436 = arith.constant 0 : i32
      %dma_start3A_437 = tpu.memref_slice %arg8[%dma_start3A_435, %dma_start3A_436] : memref<200x128xf32, #tpu.memory_space<vmem>> -> memref<104x128xf32, #tpu.memory_space<vmem>>
      tpu.enqueue_dma source(%dma_start3A_437 : memref<104x128xf32, #tpu.memory_space<vmem>>) target(%dma_start3A_434 : memref<104x128xf32, #tpu.memory_space<hbm>>) target_semaphore(%arg11 : memref<!tpu.dma_semaphore, #tpu.memory_space<semaphore_mem>>)
      %mul3A_438 = arith.constant 3 : i32
      %mul3A_439 = arith.muli %scan3A_272, %mul3A_438 : i32
      %add3A_440 = arith.constant 1 : i32
      %add3A_441 = arith.addi %mul3A_439, %add3A_440 : i32
      %mul3A_442 = arith.constant 200 : i32
      %mul3A_443 = arith.muli %add3A_441, %mul3A_442 : i32
      %add3A_444 = arith.constant 104 : i32
      %add3A_445 = arith.addi %mul3A_443, %add3A_444 : i32
      %dma_wait3A_446 = arith.constant 104 : i32
      %dma_wait3A_447 = arith.constant 0 : i32
      %dma_wait3A_448 = tpu.memref_slice %arg8[%dma_wait3A_446, %dma_wait3A_447] : memref<200x128xf32, #tpu.memory_space<vmem>> -> memref<96x128xf32, #tpu.memory_space<vmem>>
      %dma_wait3A_449 = tpu.memref_slice %arg5[%add3A_445] : memref<25600xi32, #tpu.memory_space<vmem>> -> memref<96xi32, #tpu.memory_space<vmem>>
      %dma_wait3A_450 = arith.constant 0 : i32
      %dma_wait3A_451 = arith.constant 0 : i32
      %dma_wait3A_452 = tpu.memref_slice %arg3[%dma_wait3A_450, %dma_wait3A_451] : memref<102000x128xf32, #tpu.memory_space<hbm>> -> memref<102000x128xf32, #tpu.memory_space<hbm>>
      tpu.wait_indirect_dma semaphore(%arg10 : memref<!tpu.dma_semaphore, #tpu.memory_space<semaphore_mem>>) src(%dma_wait3A_452 : memref<102000x128xf32, #tpu.memory_space<hbm>>) dst(%dma_wait3A_448 : memref<96x128xf32, #tpu.memory_space<vmem>>)
      %add3A_453 = arith.constant -1 : i32
      %add3A_454 = arith.addi %add3A_441, %add3A_453 : i32
      %ge3A_455 = arith.constant 0 : i32
      %ge3A_456 = arith.cmpi sge, %add3A_454, %ge3A_455 : i32
      %convert_element_type3A_457 = arith.extui %ge3A_456 : i1 to i32
      %cond3A_458 = arith.constant 0 : i32
      %cond3A_459 = arith.cmpi ne, %convert_element_type3A_457, %cond3A_458 : i32
      scf.if %cond3A_459 {
        %add3A_606 = arith.addi %mul3A_2, %add3A_454 : i32
        %mul3A_607 = arith.constant 200 : i32
        %mul3A_608 = arith.muli %add3A_606, %mul3A_607 : i32
        %add3A_609 = arith.constant 0 : i32
        %add3A_610 = arith.addi %mul3A_608, %add3A_609 : i32
        %dma_wait3A_611 = arith.constant 0 : i32
        %dma_wait3A_612 = arith.constant 0 : i32
        %dma_wait3A_613 = tpu.memref_slice %arg7[%dma_wait3A_611, %dma_wait3A_612] : memref<200x128xf32, #tpu.memory_space<vmem>> -> memref<104x128xf32, #tpu.memory_space<vmem>>
        %dma_wait3A_614 = arith.constant 0 : i32
        %dma_wait3A_615 = tpu.memref_slice %arg4[%add3A_610, %dma_wait3A_614] : memref<819200x128xf32, #tpu.memory_space<hbm>> -> memref<104x128xf32, #tpu.memory_space<hbm>>
        %dma_wait3A_616 = arith.constant 0 : i32
        %dma_wait3A_617 = tpu.memref_slice %arg4[%add3A_610, %dma_wait3A_616] : memref<819200x128xf32, #tpu.memory_space<hbm>> -> memref<104x128xf32, #tpu.memory_space<hbm>>
        %dma_wait3A_618 = arith.constant 0 : i32
        %dma_wait3A_619 = arith.constant 0 : i32
        %dma_wait3A_620 = tpu.memref_slice %arg7[%dma_wait3A_618, %dma_wait3A_619] : memref<200x128xf32, #tpu.memory_space<vmem>> -> memref<104x128xf32, #tpu.memory_space<vmem>>
        tpu.wait_dma2 semaphore(%arg11 : memref<!tpu.dma_semaphore, #tpu.memory_space<semaphore_mem>>) src(%dma_wait3A_620 : memref<104x128xf32, #tpu.memory_space<vmem>>) dst(%dma_wait3A_617 : memref<104x128xf32, #tpu.memory_space<hbm>>)
      } else {
      }
      %add3A_460 = arith.constant 2 : i32
      %add3A_461 = arith.addi %add3A_441, %add3A_460 : i32
      %mul3A_462 = arith.constant 200 : i32
      %mul3A_463 = arith.muli %add3A_461, %mul3A_462 : i32
      %add3A_464 = arith.constant 0 : i32
      %add3A_465 = arith.addi %mul3A_463, %add3A_464 : i32
      %dma_start3A_466 = arith.constant 0 : i32
      %dma_start3A_467 = arith.constant 0 : i32
      %dma_start3A_468 = tpu.memref_slice %arg7[%dma_start3A_466, %dma_start3A_467] : memref<200x128xf32, #tpu.memory_space<vmem>> -> memref<104x128xf32, #tpu.memory_space<vmem>>
      %dma_start3A_469 = tpu.memref_slice %arg5[%add3A_465] : memref<25600xi32, #tpu.memory_space<vmem>> -> memref<104xi32, #tpu.memory_space<vmem>>
      %dma_start3A_470 = arith.constant 0 : i32
      %dma_start3A_471 = arith.constant 0 : i32
      %dma_start3A_472 = tpu.memref_slice %arg3[%dma_start3A_470, %dma_start3A_471] : memref<102000x128xf32, #tpu.memory_space<hbm>> -> memref<102000x128xf32, #tpu.memory_space<hbm>>
      tpu.enqueue_indirect_dma source(%dma_start3A_472 : memref<102000x128xf32, #tpu.memory_space<hbm>>) target(%dma_start3A_468 : memref<104x128xf32, #tpu.memory_space<vmem>>) offsets(%dma_start3A_469 : memref<104xi32, #tpu.memory_space<vmem>>) semaphore(%arg10 : memref<!tpu.dma_semaphore, #tpu.memory_space<semaphore_mem>>)
      %scan3A_473 = arith.constant 0 : i32
      %scan3A_474 = arith.constant 0 : i32
      %scan3A_475 = arith.constant 24 : i32
      %scan3A_476 = arith.addi %scan3A_474, %scan3A_475 : i32
      %scan3A_477 = arith.constant 1 : i32
      scf.for %scan3A_606 = %scan3A_474 to %scan3A_476 step %scan3A_477  : i32 {
        %mul3A_607 = arith.constant 4 : i32
        %mul3A_608 = arith.muli %scan3A_606, %mul3A_607 : i32
        %add3A_609 = arith.constant 104 : i32
        %add3A_610 = arith.addi %add3A_609, %mul3A_608 : i32
        %add3A_611 = arith.constant 0 : i32
        %add3A_612 = arith.addi %add3A_610, %add3A_611 : i32
        %get3A = arith.index_cast %add3A_612 : i32 to index
        %get3A_613 = arith.constant 0 : index
        %get3A_614 = tpu.vector_load %arg6[%get3A, %get3A_613] {strides = array<i32>} : memref<200x128xf32, #tpu.memory_space<vmem>>, vector<1x16xf32>,
        %get3A_615 = vector.shape_cast %get3A_614 : vector<1x16xf32> to vector<16xf32>
        %swap3A = arith.index_cast %add3A_612 : i32 to index
        %swap3A_616 = arith.constant 0 : index
        %swap3A_617 = tpu.vector_load %arg8[%swap3A, %swap3A_616] {strides = array<i32>} : memref<200x128xf32, #tpu.memory_space<vmem>>, vector<1x16xf32>,
        %swap3A_618 = vector.shape_cast %swap3A_617 : vector<1x16xf32> to vector<16xf32>
        %swap3A_619 = vector.shape_cast %get3A_615 : vector<16xf32> to vector<1x16xf32>
        tpu.vector_store %arg8[%swap3A, %swap3A_616], %swap3A_619 {add = true, strides = array<i32>} : memref<200x128xf32, #tpu.memory_space<vmem>>, vector<1x16xf32>,
        %get3A_620 = arith.index_cast %add3A_612 : i32 to index
        %get3A_621 = arith.constant 16 : index
        %get3A_622 = tpu.vector_load %arg6[%get3A_620, %get3A_621] {strides = array<i32>} : memref<200x128xf32, #tpu.memory_space<vmem>>, vector<1x16xf32>,
        %get3A_623 = vector.shape_cast %get3A_622 : vector<1x16xf32> to vector<16xf32>
        %swap3A_624 = arith.index_cast %add3A_612 : i32 to index
        %swap3A_625 = arith.constant 16 : index
        %swap3A_626 = tpu.vector_load %arg8[%swap3A_624, %swap3A_625] {strides = array<i32>} : memref<200x128xf32, #tpu.memory_space<vmem>>, vector<1x16xf32>,
        %swap3A_627 = vector.shape_cast %swap3A_626 : vector<1x16xf32> to vector<16xf32>
        %swap3A_628 = vector.shape_cast %get3A_623 : vector<16xf32> to vector<1x16xf32>
        tpu.vector_store %arg8[%swap3A_624, %swap3A_625], %swap3A_628 {add = true, strides = array<i32>} : memref<200x128xf32, #tpu.memory_space<vmem>>, vector<1x16xf32>,
        %get3A_629 = arith.index_cast %add3A_612 : i32 to index
        %get3A_630 = arith.constant 32 : index
        %get3A_631 = tpu.vector_load %arg6[%get3A_629, %get3A_630] {strides = array<i32>} : memref<200x128xf32, #tpu.memory_space<vmem>>, vector<1x16xf32>,
        %get3A_632 = vector.shape_cast %get3A_631 : vector<1x16xf32> to vector<16xf32>
        %swap3A_633 = arith.index_cast %add3A_612 : i32 to index
        %swap3A_634 = arith.constant 32 : index
        %swap3A_635 = tpu.vector_load %arg8[%swap3A_633, %swap3A_634] {strides = array<i32>} : memref<200x128xf32, #tpu.memory_space<vmem>>, vector<1x16xf32>,
        %swap3A_636 = vector.shape_cast %swap3A_635 : vector<1x16xf32> to vector<16xf32>
        %swap3A_637 = vector.shape_cast %get3A_632 : vector<16xf32> to vector<1x16xf32>
        tpu.vector_store %arg8[%swap3A_633, %swap3A_634], %swap3A_637 {add = true, strides = array<i32>} : memref<200x128xf32, #tpu.memory_space<vmem>>, vector<1x16xf32>,
        %get3A_638 = arith.index_cast %add3A_612 : i32 to index
        %get3A_639 = arith.constant 48 : index
        %get3A_640 = tpu.vector_load %arg6[%get3A_638, %get3A_639] {strides = array<i32>} : memref<200x128xf32, #tpu.memory_space<vmem>>, vector<1x16xf32>,
        %get3A_641 = vector.shape_cast %get3A_640 : vector<1x16xf32> to vector<16xf32>
        %swap3A_642 = arith.index_cast %add3A_612 : i32 to index
        %swap3A_643 = arith.constant 48 : index
        %swap3A_644 = tpu.vector_load %arg8[%swap3A_642, %swap3A_643] {strides = array<i32>} : memref<200x128xf32, #tpu.memory_space<vmem>>, vector<1x16xf32>,
        %swap3A_645 = vector.shape_cast %swap3A_644 : vector<1x16xf32> to vector<16xf32>
        %swap3A_646 = vector.shape_cast %get3A_641 : vector<16xf32> to vector<1x16xf32>
        tpu.vector_store %arg8[%swap3A_642, %swap3A_643], %swap3A_646 {add = true, strides = array<i32>} : memref<200x128xf32, #tpu.memory_space<vmem>>, vector<1x16xf32>,
        %get3A_647 = arith.index_cast %add3A_612 : i32 to index
        %get3A_648 = arith.constant 64 : index
        %get3A_649 = tpu.vector_load %arg6[%get3A_647, %get3A_648] {strides = array<i32>} : memref<200x128xf32, #tpu.memory_space<vmem>>, vector<1x16xf32>,
        %get3A_650 = vector.shape_cast %get3A_649 : vector<1x16xf32> to vector<16xf32>
        %swap3A_651 = arith.index_cast %add3A_612 : i32 to index
        %swap3A_652 = arith.constant 64 : index
        %swap3A_653 = tpu.vector_load %arg8[%swap3A_651, %swap3A_652] {strides = array<i32>} : memref<200x128xf32, #tpu.memory_space<vmem>>, vector<1x16xf32>,
        %swap3A_654 = vector.shape_cast %swap3A_653 : vector<1x16xf32> to vector<16xf32>
        %swap3A_655 = vector.shape_cast %get3A_650 : vector<16xf32> to vector<1x16xf32>
        tpu.vector_store %arg8[%swap3A_651, %swap3A_652], %swap3A_655 {add = true, strides = array<i32>} : memref<200x128xf32, #tpu.memory_space<vmem>>, vector<1x16xf32>,
        %get3A_656 = arith.index_cast %add3A_612 : i32 to index
        %get3A_657 = arith.constant 80 : index
        %get3A_658 = tpu.vector_load %arg6[%get3A_656, %get3A_657] {strides = array<i32>} : memref<200x128xf32, #tpu.memory_space<vmem>>, vector<1x16xf32>,
        %get3A_659 = vector.shape_cast %get3A_658 : vector<1x16xf32> to vector<16xf32>
        %swap3A_660 = arith.index_cast %add3A_612 : i32 to index
        %swap3A_661 = arith.constant 80 : index
        %swap3A_662 = tpu.vector_load %arg8[%swap3A_660, %swap3A_661] {strides = array<i32>} : memref<200x128xf32, #tpu.memory_space<vmem>>, vector<1x16xf32>,
        %swap3A_663 = vector.shape_cast %swap3A_662 : vector<1x16xf32> to vector<16xf32>
        %swap3A_664 = vector.shape_cast %get3A_659 : vector<16xf32> to vector<1x16xf32>
        tpu.vector_store %arg8[%swap3A_660, %swap3A_661], %swap3A_664 {add = true, strides = array<i32>} : memref<200x128xf32, #tpu.memory_space<vmem>>, vector<1x16xf32>,
        %get3A_665 = arith.index_cast %add3A_612 : i32 to index
        %get3A_666 = arith.constant 96 : index
        %get3A_667 = tpu.vector_load %arg6[%get3A_665, %get3A_666] {strides = array<i32>} : memref<200x128xf32, #tpu.memory_space<vmem>>, vector<1x16xf32>,
        %get3A_668 = vector.shape_cast %get3A_667 : vector<1x16xf32> to vector<16xf32>
        %swap3A_669 = arith.index_cast %add3A_612 : i32 to index
        %swap3A_670 = arith.constant 96 : index
        %swap3A_671 = tpu.vector_load %arg8[%swap3A_669, %swap3A_670] {strides = array<i32>} : memref<200x128xf32, #tpu.memory_space<vmem>>, vector<1x16xf32>,
        %swap3A_672 = vector.shape_cast %swap3A_671 : vector<1x16xf32> to vector<16xf32>
        %swap3A_673 = vector.shape_cast %get3A_668 : vector<16xf32> to vector<1x16xf32>
        tpu.vector_store %arg8[%swap3A_669, %swap3A_670], %swap3A_673 {add = true, strides = array<i32>} : memref<200x128xf32, #tpu.memory_space<vmem>>, vector<1x16xf32>,
        %get3A_674 = arith.index_cast %add3A_612 : i32 to index
        %get3A_675 = arith.constant 112 : index
        %get3A_676 = tpu.vector_load %arg6[%get3A_674, %get3A_675] {strides = array<i32>} : memref<200x128xf32, #tpu.memory_space<vmem>>, vector<1x16xf32>,
        %get3A_677 = vector.shape_cast %get3A_676 : vector<1x16xf32> to vector<16xf32>
        %swap3A_678 = arith.index_cast %add3A_612 : i32 to index
        %swap3A_679 = arith.constant 112 : index
        %swap3A_680 = tpu.vector_load %arg8[%swap3A_678, %swap3A_679] {strides = array<i32>} : memref<200x128xf32, #tpu.memory_space<vmem>>, vector<1x16xf32>,
        %swap3A_681 = vector.shape_cast %swap3A_680 : vector<1x16xf32> to vector<16xf32>
        %swap3A_682 = vector.shape_cast %get3A_677 : vector<16xf32> to vector<1x16xf32>
        tpu.vector_store %arg8[%swap3A_678, %swap3A_679], %swap3A_682 {add = true, strides = array<i32>} : memref<200x128xf32, #tpu.memory_space<vmem>>, vector<1x16xf32>,
        %mul3A_683 = arith.constant 4 : i32
        %mul3A_684 = arith.muli %scan3A_606, %mul3A_683 : i32
        %add3A_685 = arith.constant 104 : i32
        %add3A_686 = arith.addi %add3A_685, %mul3A_684 : i32
        %add3A_687 = arith.constant 1 : i32
        %add3A_688 = arith.addi %add3A_686, %add3A_687 : i32
        %get3A_689 = arith.index_cast %add3A_688 : i32 to index
        %get3A_690 = arith.constant 0 : index
        %get3A_691 = tpu.vector_load %arg6[%get3A_689, %get3A_690] {strides = array<i32>} : memref<200x128xf32, #tpu.memory_space<vmem>>, vector<1x16xf32>,
        %get3A_692 = vector.shape_cast %get3A_691 : vector<1x16xf32> to vector<16xf32>
        %swap3A_693 = arith.index_cast %add3A_688 : i32 to index
        %swap3A_694 = arith.constant 0 : index
        %swap3A_695 = tpu.vector_load %arg8[%swap3A_693, %swap3A_694] {strides = array<i32>} : memref<200x128xf32, #tpu.memory_space<vmem>>, vector<1x16xf32>,
        %swap3A_696 = vector.shape_cast %swap3A_695 : vector<1x16xf32> to vector<16xf32>
        %swap3A_697 = vector.shape_cast %get3A_692 : vector<16xf32> to vector<1x16xf32>
        tpu.vector_store %arg8[%swap3A_693, %swap3A_694], %swap3A_697 {add = true, strides = array<i32>} : memref<200x128xf32, #tpu.memory_space<vmem>>, vector<1x16xf32>,
        %get3A_698 = arith.index_cast %add3A_688 : i32 to index
        %get3A_699 = arith.constant 16 : index
        %get3A_700 = tpu.vector_load %arg6[%get3A_698, %get3A_699] {strides = array<i32>} : memref<200x128xf32, #tpu.memory_space<vmem>>, vector<1x16xf32>,
        %get3A_701 = vector.shape_cast %get3A_700 : vector<1x16xf32> to vector<16xf32>
        %swap3A_702 = arith.index_cast %add3A_688 : i32 to index
        %swap3A_703 = arith.constant 16 : index
        %swap3A_704 = tpu.vector_load %arg8[%swap3A_702, %swap3A_703] {strides = array<i32>} : memref<200x128xf32, #tpu.memory_space<vmem>>, vector<1x16xf32>,
        %swap3A_705 = vector.shape_cast %swap3A_704 : vector<1x16xf32> to vector<16xf32>
        %swap3A_706 = vector.shape_cast %get3A_701 : vector<16xf32> to vector<1x16xf32>
        tpu.vector_store %arg8[%swap3A_702, %swap3A_703], %swap3A_706 {add = true, strides = array<i32>} : memref<200x128xf32, #tpu.memory_space<vmem>>, vector<1x16xf32>,
        %get3A_707 = arith.index_cast %add3A_688 : i32 to index
        %get3A_708 = arith.constant 32 : index
        %get3A_709 = tpu.vector_load %arg6[%get3A_707, %get3A_708] {strides = array<i32>} : memref<200x128xf32, #tpu.memory_space<vmem>>, vector<1x16xf32>,
        %get3A_710 = vector.shape_cast %get3A_709 : vector<1x16xf32> to vector<16xf32>
        %swap3A_711 = arith.index_cast %add3A_688 : i32 to index
        %swap3A_712 = arith.constant 32 : index
        %swap3A_713 = tpu.vector_load %arg8[%swap3A_711, %swap3A_712] {strides = array<i32>} : memref<200x128xf32, #tpu.memory_space<vmem>>, vector<1x16xf32>,
        %swap3A_714 = vector.shape_cast %swap3A_713 : vector<1x16xf32> to vector<16xf32>
        %swap3A_715 = vector.shape_cast %get3A_710 : vector<16xf32> to vector<1x16xf32>
        tpu.vector_store %arg8[%swap3A_711, %swap3A_712], %swap3A_715 {add = true, strides = array<i32>} : memref<200x128xf32, #tpu.memory_space<vmem>>, vector<1x16xf32>,
        %get3A_716 = arith.index_cast %add3A_688 : i32 to index
        %get3A_717 = arith.constant 48 : index
        %get3A_718 = tpu.vector_load %arg6[%get3A_716, %get3A_717] {strides = array<i32>} : memref<200x128xf32, #tpu.memory_space<vmem>>, vector<1x16xf32>,
        %get3A_719 = vector.shape_cast %get3A_718 : vector<1x16xf32> to vector<16xf32>
        %swap3A_720 = arith.index_cast %add3A_688 : i32 to index
        %swap3A_721 = arith.constant 48 : index
        %swap3A_722 = tpu.vector_load %arg8[%swap3A_720, %swap3A_721] {strides = array<i32>} : memref<200x128xf32, #tpu.memory_space<vmem>>, vector<1x16xf32>,
        %swap3A_723 = vector.shape_cast %swap3A_722 : vector<1x16xf32> to vector<16xf32>
        %swap3A_724 = vector.shape_cast %get3A_719 : vector<16xf32> to vector<1x16xf32>
        tpu.vector_store %arg8[%swap3A_720, %swap3A_721], %swap3A_724 {add = true, strides = array<i32>} : memref<200x128xf32, #tpu.memory_space<vmem>>, vector<1x16xf32>,
        %get3A_725 = arith.index_cast %add3A_688 : i32 to index
        %get3A_726 = arith.constant 64 : index
        %get3A_727 = tpu.vector_load %arg6[%get3A_725, %get3A_726] {strides = array<i32>} : memref<200x128xf32, #tpu.memory_space<vmem>>, vector<1x16xf32>,
        %get3A_728 = vector.shape_cast %get3A_727 : vector<1x16xf32> to vector<16xf32>
        %swap3A_729 = arith.index_cast %add3A_688 : i32 to index
        %swap3A_730 = arith.constant 64 : index
        %swap3A_731 = tpu.vector_load %arg8[%swap3A_729, %swap3A_730] {strides = array<i32>} : memref<200x128xf32, #tpu.memory_space<vmem>>, vector<1x16xf32>,
        %swap3A_732 = vector.shape_cast %swap3A_731 : vector<1x16xf32> to vector<16xf32>
        %swap3A_733 = vector.shape_cast %get3A_728 : vector<16xf32> to vector<1x16xf32>
        tpu.vector_store %arg8[%swap3A_729, %swap3A_730], %swap3A_733 {add = true, strides = array<i32>} : memref<200x128xf32, #tpu.memory_space<vmem>>, vector<1x16xf32>,
        %get3A_734 = arith.index_cast %add3A_688 : i32 to index
        %get3A_735 = arith.constant 80 : index
        %get3A_736 = tpu.vector_load %arg6[%get3A_734, %get3A_735] {strides = array<i32>} : memref<200x128xf32, #tpu.memory_space<vmem>>, vector<1x16xf32>,
        %get3A_737 = vector.shape_cast %get3A_736 : vector<1x16xf32> to vector<16xf32>
        %swap3A_738 = arith.index_cast %add3A_688 : i32 to index
        %swap3A_739 = arith.constant 80 : index
        %swap3A_740 = tpu.vector_load %arg8[%swap3A_738, %swap3A_739] {strides = array<i32>} : memref<200x128xf32, #tpu.memory_space<vmem>>, vector<1x16xf32>,
        %swap3A_741 = vector.shape_cast %swap3A_740 : vector<1x16xf32> to vector<16xf32>
        %swap3A_742 = vector.shape_cast %get3A_737 : vector<16xf32> to vector<1x16xf32>
        tpu.vector_store %arg8[%swap3A_738, %swap3A_739], %swap3A_742 {add = true, strides = array<i32>} : memref<200x128xf32, #tpu.memory_space<vmem>>, vector<1x16xf32>,
        %get3A_743 = arith.index_cast %add3A_688 : i32 to index
        %get3A_744 = arith.constant 96 : index
        %get3A_745 = tpu.vector_load %arg6[%get3A_743, %get3A_744] {strides = array<i32>} : memref<200x128xf32, #tpu.memory_space<vmem>>, vector<1x16xf32>,
        %get3A_746 = vector.shape_cast %get3A_745 : vector<1x16xf32> to vector<16xf32>
        %swap3A_747 = arith.index_cast %add3A_688 : i32 to index
        %swap3A_748 = arith.constant 96 : index
        %swap3A_749 = tpu.vector_load %arg8[%swap3A_747, %swap3A_748] {strides = array<i32>} : memref<200x128xf32, #tpu.memory_space<vmem>>, vector<1x16xf32>,
        %swap3A_750 = vector.shape_cast %swap3A_749 : vector<1x16xf32> to vector<16xf32>
        %swap3A_751 = vector.shape_cast %get3A_746 : vector<16xf32> to vector<1x16xf32>
        tpu.vector_store %arg8[%swap3A_747, %swap3A_748], %swap3A_751 {add = true, strides = array<i32>} : memref<200x128xf32, #tpu.memory_space<vmem>>, vector<1x16xf32>,
        %get3A_752 = arith.index_cast %add3A_688 : i32 to index
        %get3A_753 = arith.constant 112 : index
        %get3A_754 = tpu.vector_load %arg6[%get3A_752, %get3A_753] {strides = array<i32>} : memref<200x128xf32, #tpu.memory_space<vmem>>, vector<1x16xf32>,
        %get3A_755 = vector.shape_cast %get3A_754 : vector<1x16xf32> to vector<16xf32>
        %swap3A_756 = arith.index_cast %add3A_688 : i32 to index
        %swap3A_757 = arith.constant 112 : index
        %swap3A_758 = tpu.vector_load %arg8[%swap3A_756, %swap3A_757] {strides = array<i32>} : memref<200x128xf32, #tpu.memory_space<vmem>>, vector<1x16xf32>,
        %swap3A_759 = vector.shape_cast %swap3A_758 : vector<1x16xf32> to vector<16xf32>
        %swap3A_760 = vector.shape_cast %get3A_755 : vector<16xf32> to vector<1x16xf32>
        tpu.vector_store %arg8[%swap3A_756, %swap3A_757], %swap3A_760 {add = true, strides = array<i32>} : memref<200x128xf32, #tpu.memory_space<vmem>>, vector<1x16xf32>,
        %mul3A_761 = arith.constant 4 : i32
        %mul3A_762 = arith.muli %scan3A_606, %mul3A_761 : i32
        %add3A_763 = arith.constant 104 : i32
        %add3A_764 = arith.addi %add3A_763, %mul3A_762 : i32
        %add3A_765 = arith.constant 2 : i32
        %add3A_766 = arith.addi %add3A_764, %add3A_765 : i32
        %get3A_767 = arith.index_cast %add3A_766 : i32 to index
        %get3A_768 = arith.constant 0 : index
        %get3A_769 = tpu.vector_load %arg6[%get3A_767, %get3A_768] {strides = array<i32>} : memref<200x128xf32, #tpu.memory_space<vmem>>, vector<1x16xf32>,
        %get3A_770 = vector.shape_cast %get3A_769 : vector<1x16xf32> to vector<16xf32>
        %swap3A_771 = arith.index_cast %add3A_766 : i32 to index
        %swap3A_772 = arith.constant 0 : index
        %swap3A_773 = tpu.vector_load %arg8[%swap3A_771, %swap3A_772] {strides = array<i32>} : memref<200x128xf32, #tpu.memory_space<vmem>>, vector<1x16xf32>,
        %swap3A_774 = vector.shape_cast %swap3A_773 : vector<1x16xf32> to vector<16xf32>
        %swap3A_775 = vector.shape_cast %get3A_770 : vector<16xf32> to vector<1x16xf32>
        tpu.vector_store %arg8[%swap3A_771, %swap3A_772], %swap3A_775 {add = true, strides = array<i32>} : memref<200x128xf32, #tpu.memory_space<vmem>>, vector<1x16xf32>,
        %get3A_776 = arith.index_cast %add3A_766 : i32 to index
        %get3A_777 = arith.constant 16 : index
        %get3A_778 = tpu.vector_load %arg6[%get3A_776, %get3A_777] {strides = array<i32>} : memref<200x128xf32, #tpu.memory_space<vmem>>, vector<1x16xf32>,
        %get3A_779 = vector.shape_cast %get3A_778 : vector<1x16xf32> to vector<16xf32>
        %swap3A_780 = arith.index_cast %add3A_766 : i32 to index
        %swap3A_781 = arith.constant 16 : index
        %swap3A_782 = tpu.vector_load %arg8[%swap3A_780, %swap3A_781] {strides = array<i32>} : memref<200x128xf32, #tpu.memory_space<vmem>>, vector<1x16xf32>,
        %swap3A_783 = vector.shape_cast %swap3A_782 : vector<1x16xf32> to vector<16xf32>
        %swap3A_784 = vector.shape_cast %get3A_779 : vector<16xf32> to vector<1x16xf32>
        tpu.vector_store %arg8[%swap3A_780, %swap3A_781], %swap3A_784 {add = true, strides = array<i32>} : memref<200x128xf32, #tpu.memory_space<vmem>>, vector<1x16xf32>,
        %get3A_785 = arith.index_cast %add3A_766 : i32 to index
        %get3A_786 = arith.constant 32 : index
        %get3A_787 = tpu.vector_load %arg6[%get3A_785, %get3A_786] {strides = array<i32>} : memref<200x128xf32, #tpu.memory_space<vmem>>, vector<1x16xf32>,
        %get3A_788 = vector.shape_cast %get3A_787 : vector<1x16xf32> to vector<16xf32>
        %swap3A_789 = arith.index_cast %add3A_766 : i32 to index
        %swap3A_790 = arith.constant 32 : index
        %swap3A_791 = tpu.vector_load %arg8[%swap3A_789, %swap3A_790] {strides = array<i32>} : memref<200x128xf32, #tpu.memory_space<vmem>>, vector<1x16xf32>,
        %swap3A_792 = vector.shape_cast %swap3A_791 : vector<1x16xf32> to vector<16xf32>
        %swap3A_793 = vector.shape_cast %get3A_788 : vector<16xf32> to vector<1x16xf32>
        tpu.vector_store %arg8[%swap3A_789, %swap3A_790], %swap3A_793 {add = true, strides = array<i32>} : memref<200x128xf32, #tpu.memory_space<vmem>>, vector<1x16xf32>,
        %get3A_794 = arith.index_cast %add3A_766 : i32 to index
        %get3A_795 = arith.constant 48 : index
        %get3A_796 = tpu.vector_load %arg6[%get3A_794, %get3A_795] {strides = array<i32>} : memref<200x128xf32, #tpu.memory_space<vmem>>, vector<1x16xf32>,
        %get3A_797 = vector.shape_cast %get3A_796 : vector<1x16xf32> to vector<16xf32>
        %swap3A_798 = arith.index_cast %add3A_766 : i32 to index
        %swap3A_799 = arith.constant 48 : index
        %swap3A_800 = tpu.vector_load %arg8[%swap3A_798, %swap3A_799] {strides = array<i32>} : memref<200x128xf32, #tpu.memory_space<vmem>>, vector<1x16xf32>,
        %swap3A_801 = vector.shape_cast %swap3A_800 : vector<1x16xf32> to vector<16xf32>
        %swap3A_802 = vector.shape_cast %get3A_797 : vector<16xf32> to vector<1x16xf32>
        tpu.vector_store %arg8[%swap3A_798, %swap3A_799], %swap3A_802 {add = true, strides = array<i32>} : memref<200x128xf32, #tpu.memory_space<vmem>>, vector<1x16xf32>,
        %get3A_803 = arith.index_cast %add3A_766 : i32 to index
        %get3A_804 = arith.constant 64 : index
        %get3A_805 = tpu.vector_load %arg6[%get3A_803, %get3A_804] {strides = array<i32>} : memref<200x128xf32, #tpu.memory_space<vmem>>, vector<1x16xf32>,
        %get3A_806 = vector.shape_cast %get3A_805 : vector<1x16xf32> to vector<16xf32>
        %swap3A_807 = arith.index_cast %add3A_766 : i32 to index
        %swap3A_808 = arith.constant 64 : index
        %swap3A_809 = tpu.vector_load %arg8[%swap3A_807, %swap3A_808] {strides = array<i32>} : memref<200x128xf32, #tpu.memory_space<vmem>>, vector<1x16xf32>,
        %swap3A_810 = vector.shape_cast %swap3A_809 : vector<1x16xf32> to vector<16xf32>
        %swap3A_811 = vector.shape_cast %get3A_806 : vector<16xf32> to vector<1x16xf32>
        tpu.vector_store %arg8[%swap3A_807, %swap3A_808], %swap3A_811 {add = true, strides = array<i32>} : memref<200x128xf32, #tpu.memory_space<vmem>>, vector<1x16xf32>,
        %get3A_812 = arith.index_cast %add3A_766 : i32 to index
        %get3A_813 = arith.constant 80 : index
        %get3A_814 = tpu.vector_load %arg6[%get3A_812, %get3A_813] {strides = array<i32>} : memref<200x128xf32, #tpu.memory_space<vmem>>, vector<1x16xf32>,
        %get3A_815 = vector.shape_cast %get3A_814 : vector<1x16xf32> to vector<16xf32>
        %swap3A_816 = arith.index_cast %add3A_766 : i32 to index
        %swap3A_817 = arith.constant 80 : index
        %swap3A_818 = tpu.vector_load %arg8[%swap3A_816, %swap3A_817] {strides = array<i32>} : memref<200x128xf32, #tpu.memory_space<vmem>>, vector<1x16xf32>,
        %swap3A_819 = vector.shape_cast %swap3A_818 : vector<1x16xf32> to vector<16xf32>
        %swap3A_820 = vector.shape_cast %get3A_815 : vector<16xf32> to vector<1x16xf32>
        tpu.vector_store %arg8[%swap3A_816, %swap3A_817], %swap3A_820 {add = true, strides = array<i32>} : memref<200x128xf32, #tpu.memory_space<vmem>>, vector<1x16xf32>,
        %get3A_821 = arith.index_cast %add3A_766 : i32 to index
        %get3A_822 = arith.constant 96 : index
        %get3A_823 = tpu.vector_load %arg6[%get3A_821, %get3A_822] {strides = array<i32>} : memref<200x128xf32, #tpu.memory_space<vmem>>, vector<1x16xf32>,
        %get3A_824 = vector.shape_cast %get3A_823 : vector<1x16xf32> to vector<16xf32>
        %swap3A_825 = arith.index_cast %add3A_766 : i32 to index
        %swap3A_826 = arith.constant 96 : index
        %swap3A_827 = tpu.vector_load %arg8[%swap3A_825, %swap3A_826] {strides = array<i32>} : memref<200x128xf32, #tpu.memory_space<vmem>>, vector<1x16xf32>,
        %swap3A_828 = vector.shape_cast %swap3A_827 : vector<1x16xf32> to vector<16xf32>
        %swap3A_829 = vector.shape_cast %get3A_824 : vector<16xf32> to vector<1x16xf32>
        tpu.vector_store %arg8[%swap3A_825, %swap3A_826], %swap3A_829 {add = true, strides = array<i32>} : memref<200x128xf32, #tpu.memory_space<vmem>>, vector<1x16xf32>,
        %get3A_830 = arith.index_cast %add3A_766 : i32 to index
        %get3A_831 = arith.constant 112 : index
        %get3A_832 = tpu.vector_load %arg6[%get3A_830, %get3A_831] {strides = array<i32>} : memref<200x128xf32, #tpu.memory_space<vmem>>, vector<1x16xf32>,
        %get3A_833 = vector.shape_cast %get3A_832 : vector<1x16xf32> to vector<16xf32>
        %swap3A_834 = arith.index_cast %add3A_766 : i32 to index
        %swap3A_835 = arith.constant 112 : index
        %swap3A_836 = tpu.vector_load %arg8[%swap3A_834, %swap3A_835] {strides = array<i32>} : memref<200x128xf32, #tpu.memory_space<vmem>>, vector<1x16xf32>,
        %swap3A_837 = vector.shape_cast %swap3A_836 : vector<1x16xf32> to vector<16xf32>
        %swap3A_838 = vector.shape_cast %get3A_833 : vector<16xf32> to vector<1x16xf32>
        tpu.vector_store %arg8[%swap3A_834, %swap3A_835], %swap3A_838 {add = true, strides = array<i32>} : memref<200x128xf32, #tpu.memory_space<vmem>>, vector<1x16xf32>,
        %mul3A_839 = arith.constant 4 : i32
        %mul3A_840 = arith.muli %scan3A_606, %mul3A_839 : i32
        %add3A_841 = arith.constant 104 : i32
        %add3A_842 = arith.addi %add3A_841, %mul3A_840 : i32
        %add3A_843 = arith.constant 3 : i32
        %add3A_844 = arith.addi %add3A_842, %add3A_843 : i32
        %get3A_845 = arith.index_cast %add3A_844 : i32 to index
        %get3A_846 = arith.constant 0 : index
        %get3A_847 = tpu.vector_load %arg6[%get3A_845, %get3A_846] {strides = array<i32>} : memref<200x128xf32, #tpu.memory_space<vmem>>, vector<1x16xf32>,
        %get3A_848 = vector.shape_cast %get3A_847 : vector<1x16xf32> to vector<16xf32>
        %swap3A_849 = arith.index_cast %add3A_844 : i32 to index
        %swap3A_850 = arith.constant 0 : index
        %swap3A_851 = tpu.vector_load %arg8[%swap3A_849, %swap3A_850] {strides = array<i32>} : memref<200x128xf32, #tpu.memory_space<vmem>>, vector<1x16xf32>,
        %swap3A_852 = vector.shape_cast %swap3A_851 : vector<1x16xf32> to vector<16xf32>
        %swap3A_853 = vector.shape_cast %get3A_848 : vector<16xf32> to vector<1x16xf32>
        tpu.vector_store %arg8[%swap3A_849, %swap3A_850], %swap3A_853 {add = true, strides = array<i32>} : memref<200x128xf32, #tpu.memory_space<vmem>>, vector<1x16xf32>,
        %get3A_854 = arith.index_cast %add3A_844 : i32 to index
        %get3A_855 = arith.constant 16 : index
        %get3A_856 = tpu.vector_load %arg6[%get3A_854, %get3A_855] {strides = array<i32>} : memref<200x128xf32, #tpu.memory_space<vmem>>, vector<1x16xf32>,
        %get3A_857 = vector.shape_cast %get3A_856 : vector<1x16xf32> to vector<16xf32>
        %swap3A_858 = arith.index_cast %add3A_844 : i32 to index
        %swap3A_859 = arith.constant 16 : index
        %swap3A_860 = tpu.vector_load %arg8[%swap3A_858, %swap3A_859] {strides = array<i32>} : memref<200x128xf32, #tpu.memory_space<vmem>>, vector<1x16xf32>,
        %swap3A_861 = vector.shape_cast %swap3A_860 : vector<1x16xf32> to vector<16xf32>
        %swap3A_862 = vector.shape_cast %get3A_857 : vector<16xf32> to vector<1x16xf32>
        tpu.vector_store %arg8[%swap3A_858, %swap3A_859], %swap3A_862 {add = true, strides = array<i32>} : memref<200x128xf32, #tpu.memory_space<vmem>>, vector<1x16xf32>,
        %get3A_863 = arith.index_cast %add3A_844 : i32 to index
        %get3A_864 = arith.constant 32 : index
        %get3A_865 = tpu.vector_load %arg6[%get3A_863, %get3A_864] {strides = array<i32>} : memref<200x128xf32, #tpu.memory_space<vmem>>, vector<1x16xf32>,
        %get3A_866 = vector.shape_cast %get3A_865 : vector<1x16xf32> to vector<16xf32>
        %swap3A_867 = arith.index_cast %add3A_844 : i32 to index
        %swap3A_868 = arith.constant 32 : index
        %swap3A_869 = tpu.vector_load %arg8[%swap3A_867, %swap3A_868] {strides = array<i32>} : memref<200x128xf32, #tpu.memory_space<vmem>>, vector<1x16xf32>,
        %swap3A_870 = vector.shape_cast %swap3A_869 : vector<1x16xf32> to vector<16xf32>
        %swap3A_871 = vector.shape_cast %get3A_866 : vector<16xf32> to vector<1x16xf32>
        tpu.vector_store %arg8[%swap3A_867, %swap3A_868], %swap3A_871 {add = true, strides = array<i32>} : memref<200x128xf32, #tpu.memory_space<vmem>>, vector<1x16xf32>,
        %get3A_872 = arith.index_cast %add3A_844 : i32 to index
        %get3A_873 = arith.constant 48 : index
        %get3A_874 = tpu.vector_load %arg6[%get3A_872, %get3A_873] {strides = array<i32>} : memref<200x128xf32, #tpu.memory_space<vmem>>, vector<1x16xf32>,
        %get3A_875 = vector.shape_cast %get3A_874 : vector<1x16xf32> to vector<16xf32>
        %swap3A_876 = arith.index_cast %add3A_844 : i32 to index
        %swap3A_877 = arith.constant 48 : index
        %swap3A_878 = tpu.vector_load %arg8[%swap3A_876, %swap3A_877] {strides = array<i32>} : memref<200x128xf32, #tpu.memory_space<vmem>>, vector<1x16xf32>,
        %swap3A_879 = vector.shape_cast %swap3A_878 : vector<1x16xf32> to vector<16xf32>
        %swap3A_880 = vector.shape_cast %get3A_875 : vector<16xf32> to vector<1x16xf32>
        tpu.vector_store %arg8[%swap3A_876, %swap3A_877], %swap3A_880 {add = true, strides = array<i32>} : memref<200x128xf32, #tpu.memory_space<vmem>>, vector<1x16xf32>,
        %get3A_881 = arith.index_cast %add3A_844 : i32 to index
        %get3A_882 = arith.constant 64 : index
        %get3A_883 = tpu.vector_load %arg6[%get3A_881, %get3A_882] {strides = array<i32>} : memref<200x128xf32, #tpu.memory_space<vmem>>, vector<1x16xf32>,
        %get3A_884 = vector.shape_cast %get3A_883 : vector<1x16xf32> to vector<16xf32>
        %swap3A_885 = arith.index_cast %add3A_844 : i32 to index
        %swap3A_886 = arith.constant 64 : index
        %swap3A_887 = tpu.vector_load %arg8[%swap3A_885, %swap3A_886] {strides = array<i32>} : memref<200x128xf32, #tpu.memory_space<vmem>>, vector<1x16xf32>,
        %swap3A_888 = vector.shape_cast %swap3A_887 : vector<1x16xf32> to vector<16xf32>
        %swap3A_889 = vector.shape_cast %get3A_884 : vector<16xf32> to vector<1x16xf32>
        tpu.vector_store %arg8[%swap3A_885, %swap3A_886], %swap3A_889 {add = true, strides = array<i32>} : memref<200x128xf32, #tpu.memory_space<vmem>>, vector<1x16xf32>,
        %get3A_890 = arith.index_cast %add3A_844 : i32 to index
        %get3A_891 = arith.constant 80 : index
        %get3A_892 = tpu.vector_load %arg6[%get3A_890, %get3A_891] {strides = array<i32>} : memref<200x128xf32, #tpu.memory_space<vmem>>, vector<1x16xf32>,
        %get3A_893 = vector.shape_cast %get3A_892 : vector<1x16xf32> to vector<16xf32>
        %swap3A_894 = arith.index_cast %add3A_844 : i32 to index
        %swap3A_895 = arith.constant 80 : index
        %swap3A_896 = tpu.vector_load %arg8[%swap3A_894, %swap3A_895] {strides = array<i32>} : memref<200x128xf32, #tpu.memory_space<vmem>>, vector<1x16xf32>,
        %swap3A_897 = vector.shape_cast %swap3A_896 : vector<1x16xf32> to vector<16xf32>
        %swap3A_898 = vector.shape_cast %get3A_893 : vector<16xf32> to vector<1x16xf32>
        tpu.vector_store %arg8[%swap3A_894, %swap3A_895], %swap3A_898 {add = true, strides = array<i32>} : memref<200x128xf32, #tpu.memory_space<vmem>>, vector<1x16xf32>,
        %get3A_899 = arith.index_cast %add3A_844 : i32 to index
        %get3A_900 = arith.constant 96 : index
        %get3A_901 = tpu.vector_load %arg6[%get3A_899, %get3A_900] {strides = array<i32>} : memref<200x128xf32, #tpu.memory_space<vmem>>, vector<1x16xf32>,
        %get3A_902 = vector.shape_cast %get3A_901 : vector<1x16xf32> to vector<16xf32>
        %swap3A_903 = arith.index_cast %add3A_844 : i32 to index
        %swap3A_904 = arith.constant 96 : index
        %swap3A_905 = tpu.vector_load %arg8[%swap3A_903, %swap3A_904] {strides = array<i32>} : memref<200x128xf32, #tpu.memory_space<vmem>>, vector<1x16xf32>,
        %swap3A_906 = vector.shape_cast %swap3A_905 : vector<1x16xf32> to vector<16xf32>
        %swap3A_907 = vector.shape_cast %get3A_902 : vector<16xf32> to vector<1x16xf32>
        tpu.vector_store %arg8[%swap3A_903, %swap3A_904], %swap3A_907 {add = true, strides = array<i32>} : memref<200x128xf32, #tpu.memory_space<vmem>>, vector<1x16xf32>,
        %get3A_908 = arith.index_cast %add3A_844 : i32 to index
        %get3A_909 = arith.constant 112 : index
        %get3A_910 = tpu.vector_load %arg6[%get3A_908, %get3A_909] {strides = array<i32>} : memref<200x128xf32, #tpu.memory_space<vmem>>, vector<1x16xf32>,
        %get3A_911 = vector.shape_cast %get3A_910 : vector<1x16xf32> to vector<16xf32>
        %swap3A_912 = arith.index_cast %add3A_844 : i32 to index
        %swap3A_913 = arith.constant 112 : index
        %swap3A_914 = tpu.vector_load %arg8[%swap3A_912, %swap3A_913] {strides = array<i32>} : memref<200x128xf32, #tpu.memory_space<vmem>>, vector<1x16xf32>,
        %swap3A_915 = vector.shape_cast %swap3A_914 : vector<1x16xf32> to vector<16xf32>
        %swap3A_916 = vector.shape_cast %get3A_911 : vector<16xf32> to vector<1x16xf32>
        tpu.vector_store %arg8[%swap3A_912, %swap3A_913], %swap3A_916 {add = true, strides = array<i32>} : memref<200x128xf32, #tpu.memory_space<vmem>>, vector<1x16xf32>,
      }
      %scan3A_478 = arith.constant 24 : i32
      %add3A_479 = arith.addi %mul3A_2, %add3A_441 : i32
      %mul3A_480 = arith.constant 200 : i32
      %mul3A_481 = arith.muli %add3A_479, %mul3A_480 : i32
      %add3A_482 = arith.constant 104 : i32
      %add3A_483 = arith.addi %mul3A_481, %add3A_482 : i32
      %dma_start3A_484 = arith.constant 104 : i32
      %dma_start3A_485 = arith.constant 0 : i32
      %dma_start3A_486 = tpu.memref_slice %arg8[%dma_start3A_484, %dma_start3A_485] : memref<200x128xf32, #tpu.memory_space<vmem>> -> memref<96x128xf32, #tpu.memory_space<vmem>>
      %dma_start3A_487 = arith.constant 0 : i32
      %dma_start3A_488 = tpu.memref_slice %arg4[%add3A_483, %dma_start3A_487] : memref<819200x128xf32, #tpu.memory_space<hbm>> -> memref<96x128xf32, #tpu.memory_space<hbm>>
      %dma_start3A_489 = arith.constant 0 : i32
      %dma_start3A_490 = tpu.memref_slice %arg4[%add3A_483, %dma_start3A_489] : memref<819200x128xf32, #tpu.memory_space<hbm>> -> memref<96x128xf32, #tpu.memory_space<hbm>>
      %dma_start3A_491 = arith.constant 104 : i32
      %dma_start3A_492 = arith.constant 0 : i32
      %dma_start3A_493 = tpu.memref_slice %arg8[%dma_start3A_491, %dma_start3A_492] : memref<200x128xf32, #tpu.memory_space<vmem>> -> memref<96x128xf32, #tpu.memory_space<vmem>>
      tpu.enqueue_dma source(%dma_start3A_493 : memref<96x128xf32, #tpu.memory_space<vmem>>) target(%dma_start3A_490 : memref<96x128xf32, #tpu.memory_space<hbm>>) target_semaphore(%arg11 : memref<!tpu.dma_semaphore, #tpu.memory_space<semaphore_mem>>)
      %mul3A_494 = arith.constant 3 : i32
      %mul3A_495 = arith.muli %scan3A_272, %mul3A_494 : i32
      %add3A_496 = arith.constant 2 : i32
      %add3A_497 = arith.addi %mul3A_495, %add3A_496 : i32
      %mul3A_498 = arith.constant 200 : i32
      %mul3A_499 = arith.muli %add3A_497, %mul3A_498 : i32
      %add3A_500 = arith.constant 0 : i32
      %add3A_501 = arith.addi %mul3A_499, %add3A_500 : i32
      %dma_wait3A_502 = arith.constant 0 : i32
      %dma_wait3A_503 = arith.constant 0 : i32
      %dma_wait3A_504 = tpu.memref_slice %arg9[%dma_wait3A_502, %dma_wait3A_503] : memref<200x128xf32, #tpu.memory_space<vmem>> -> memref<104x128xf32, #tpu.memory_space<vmem>>
      %dma_wait3A_505 = tpu.memref_slice %arg5[%add3A_501] : memref<25600xi32, #tpu.memory_space<vmem>> -> memref<104xi32, #tpu.memory_space<vmem>>
      %dma_wait3A_506 = arith.constant 0 : i32
      %dma_wait3A_507 = arith.constant 0 : i32
      %dma_wait3A_508 = tpu.memref_slice %arg3[%dma_wait3A_506, %dma_wait3A_507] : memref<102000x128xf32, #tpu.memory_space<hbm>> -> memref<102000x128xf32, #tpu.memory_space<hbm>>
      tpu.wait_indirect_dma semaphore(%arg10 : memref<!tpu.dma_semaphore, #tpu.memory_space<semaphore_mem>>) src(%dma_wait3A_508 : memref<102000x128xf32, #tpu.memory_space<hbm>>) dst(%dma_wait3A_504 : memref<104x128xf32, #tpu.memory_space<vmem>>)
      %add3A_509 = arith.constant -2 : i32
      %add3A_510 = arith.addi %add3A_497, %add3A_509 : i32
      %ge3A_511 = arith.constant 0 : i32
      %ge3A_512 = arith.cmpi sge, %add3A_510, %ge3A_511 : i32
      %convert_element_type3A_513 = arith.extui %ge3A_512 : i1 to i32
      %cond3A_514 = arith.constant 0 : i32
      %cond3A_515 = arith.cmpi ne, %convert_element_type3A_513, %cond3A_514 : i32
      scf.if %cond3A_515 {
        %add3A_606 = arith.addi %mul3A_2, %add3A_510 : i32
        %mul3A_607 = arith.constant 200 : i32
        %mul3A_608 = arith.muli %add3A_606, %mul3A_607 : i32
        %add3A_609 = arith.constant 104 : i32
        %add3A_610 = arith.addi %mul3A_608, %add3A_609 : i32
        %dma_wait3A_611 = arith.constant 104 : i32
        %dma_wait3A_612 = arith.constant 0 : i32
        %dma_wait3A_613 = tpu.memref_slice %arg7[%dma_wait3A_611, %dma_wait3A_612] : memref<200x128xf32, #tpu.memory_space<vmem>> -> memref<96x128xf32, #tpu.memory_space<vmem>>
        %dma_wait3A_614 = arith.constant 0 : i32
        %dma_wait3A_615 = tpu.memref_slice %arg4[%add3A_610, %dma_wait3A_614] : memref<819200x128xf32, #tpu.memory_space<hbm>> -> memref<96x128xf32, #tpu.memory_space<hbm>>
        %dma_wait3A_616 = arith.constant 0 : i32
        %dma_wait3A_617 = tpu.memref_slice %arg4[%add3A_610, %dma_wait3A_616] : memref<819200x128xf32, #tpu.memory_space<hbm>> -> memref<96x128xf32, #tpu.memory_space<hbm>>
        %dma_wait3A_618 = arith.constant 104 : i32
        %dma_wait3A_619 = arith.constant 0 : i32
        %dma_wait3A_620 = tpu.memref_slice %arg7[%dma_wait3A_618, %dma_wait3A_619] : memref<200x128xf32, #tpu.memory_space<vmem>> -> memref<96x128xf32, #tpu.memory_space<vmem>>
        tpu.wait_dma2 semaphore(%arg11 : memref<!tpu.dma_semaphore, #tpu.memory_space<semaphore_mem>>) src(%dma_wait3A_620 : memref<96x128xf32, #tpu.memory_space<vmem>>) dst(%dma_wait3A_617 : memref<96x128xf32, #tpu.memory_space<hbm>>)
      } else {
      }
      %add3A_516 = arith.constant 1 : i32
      %add3A_517 = arith.addi %add3A_497, %add3A_516 : i32
      %mul3A_518 = arith.constant 200 : i32
      %mul3A_519 = arith.muli %add3A_517, %mul3A_518 : i32
      %add3A_520 = arith.constant 104 : i32
      %add3A_521 = arith.addi %mul3A_519, %add3A_520 : i32
      %dma_start3A_522 = arith.constant 104 : i32
      %dma_start3A_523 = arith.constant 0 : i32
      %dma_start3A_524 = tpu.memref_slice %arg7[%dma_start3A_522, %dma_start3A_523] : memref<200x128xf32, #tpu.memory_space<vmem>> -> memref<96x128xf32, #tpu.memory_space<vmem>>
      %dma_start3A_525 = tpu.memref_slice %arg5[%add3A_521] : memref<25600xi32, #tpu.memory_space<vmem>> -> memref<96xi32, #tpu.memory_space<vmem>>
      %dma_start3A_526 = arith.constant 0 : i32
      %dma_start3A_527 = arith.constant 0 : i32
      %dma_start3A_528 = tpu.memref_slice %arg3[%dma_start3A_526, %dma_start3A_527] : memref<102000x128xf32, #tpu.memory_space<hbm>> -> memref<102000x128xf32, #tpu.memory_space<hbm>>
      tpu.enqueue_indirect_dma source(%dma_start3A_528 : memref<102000x128xf32, #tpu.memory_space<hbm>>) target(%dma_start3A_524 : memref<96x128xf32, #tpu.memory_space<vmem>>) offsets(%dma_start3A_525 : memref<96xi32, #tpu.memory_space<vmem>>) semaphore(%arg10 : memref<!tpu.dma_semaphore, #tpu.memory_space<semaphore_mem>>)
      %scan3A_529 = arith.constant 0 : i32
      %scan3A_530 = arith.constant 0 : i32
      %scan3A_531 = arith.constant 26 : i32
      %scan3A_532 = arith.addi %scan3A_530, %scan3A_531 : i32
      %scan3A_533 = arith.constant 1 : i32
      scf.for %scan3A_606 = %scan3A_530 to %scan3A_532 step %scan3A_533  : i32 {
        %mul3A_607 = arith.constant 4 : i32
        %mul3A_608 = arith.muli %scan3A_606, %mul3A_607 : i32
        %add3A_609 = arith.constant 0 : i32
        %add3A_610 = arith.addi %add3A_609, %mul3A_608 : i32
        %add3A_611 = arith.constant 0 : i32
        %add3A_612 = arith.addi %add3A_610, %add3A_611 : i32
        %get3A = arith.index_cast %add3A_612 : i32 to index
        %get3A_613 = arith.constant 0 : index
        %get3A_614 = tpu.vector_load %arg6[%get3A, %get3A_613] {strides = array<i32>} : memref<200x128xf32, #tpu.memory_space<vmem>>, vector<1x16xf32>,
        %get3A_615 = vector.shape_cast %get3A_614 : vector<1x16xf32> to vector<16xf32>
        %swap3A = arith.index_cast %add3A_612 : i32 to index
        %swap3A_616 = arith.constant 0 : index
        %swap3A_617 = tpu.vector_load %arg9[%swap3A, %swap3A_616] {strides = array<i32>} : memref<200x128xf32, #tpu.memory_space<vmem>>, vector<1x16xf32>,
        %swap3A_618 = vector.shape_cast %swap3A_617 : vector<1x16xf32> to vector<16xf32>
        %swap3A_619 = vector.shape_cast %get3A_615 : vector<16xf32> to vector<1x16xf32>
        tpu.vector_store %arg9[%swap3A, %swap3A_616], %swap3A_619 {add = true, strides = array<i32>} : memref<200x128xf32, #tpu.memory_space<vmem>>, vector<1x16xf32>,
        %get3A_620 = arith.index_cast %add3A_612 : i32 to index
        %get3A_621 = arith.constant 16 : index
        %get3A_622 = tpu.vector_load %arg6[%get3A_620, %get3A_621] {strides = array<i32>} : memref<200x128xf32, #tpu.memory_space<vmem>>, vector<1x16xf32>,
        %get3A_623 = vector.shape_cast %get3A_622 : vector<1x16xf32> to vector<16xf32>
        %swap3A_624 = arith.index_cast %add3A_612 : i32 to index
        %swap3A_625 = arith.constant 16 : index
        %swap3A_626 = tpu.vector_load %arg9[%swap3A_624, %swap3A_625] {strides = array<i32>} : memref<200x128xf32, #tpu.memory_space<vmem>>, vector<1x16xf32>,
        %swap3A_627 = vector.shape_cast %swap3A_626 : vector<1x16xf32> to vector<16xf32>
        %swap3A_628 = vector.shape_cast %get3A_623 : vector<16xf32> to vector<1x16xf32>
        tpu.vector_store %arg9[%swap3A_624, %swap3A_625], %swap3A_628 {add = true, strides = array<i32>} : memref<200x128xf32, #tpu.memory_space<vmem>>, vector<1x16xf32>,
        %get3A_629 = arith.index_cast %add3A_612 : i32 to index
        %get3A_630 = arith.constant 32 : index
        %get3A_631 = tpu.vector_load %arg6[%get3A_629, %get3A_630] {strides = array<i32>} : memref<200x128xf32, #tpu.memory_space<vmem>>, vector<1x16xf32>,
        %get3A_632 = vector.shape_cast %get3A_631 : vector<1x16xf32> to vector<16xf32>
        %swap3A_633 = arith.index_cast %add3A_612 : i32 to index
        %swap3A_634 = arith.constant 32 : index
        %swap3A_635 = tpu.vector_load %arg9[%swap3A_633, %swap3A_634] {strides = array<i32>} : memref<200x128xf32, #tpu.memory_space<vmem>>, vector<1x16xf32>,
        %swap3A_636 = vector.shape_cast %swap3A_635 : vector<1x16xf32> to vector<16xf32>
        %swap3A_637 = vector.shape_cast %get3A_632 : vector<16xf32> to vector<1x16xf32>
        tpu.vector_store %arg9[%swap3A_633, %swap3A_634], %swap3A_637 {add = true, strides = array<i32>} : memref<200x128xf32, #tpu.memory_space<vmem>>, vector<1x16xf32>,
        %get3A_638 = arith.index_cast %add3A_612 : i32 to index
        %get3A_639 = arith.constant 48 : index
        %get3A_640 = tpu.vector_load %arg6[%get3A_638, %get3A_639] {strides = array<i32>} : memref<200x128xf32, #tpu.memory_space<vmem>>, vector<1x16xf32>,
        %get3A_641 = vector.shape_cast %get3A_640 : vector<1x16xf32> to vector<16xf32>
        %swap3A_642 = arith.index_cast %add3A_612 : i32 to index
        %swap3A_643 = arith.constant 48 : index
        %swap3A_644 = tpu.vector_load %arg9[%swap3A_642, %swap3A_643] {strides = array<i32>} : memref<200x128xf32, #tpu.memory_space<vmem>>, vector<1x16xf32>,
        %swap3A_645 = vector.shape_cast %swap3A_644 : vector<1x16xf32> to vector<16xf32>
        %swap3A_646 = vector.shape_cast %get3A_641 : vector<16xf32> to vector<1x16xf32>
        tpu.vector_store %arg9[%swap3A_642, %swap3A_643], %swap3A_646 {add = true, strides = array<i32>} : memref<200x128xf32, #tpu.memory_space<vmem>>, vector<1x16xf32>,
        %get3A_647 = arith.index_cast %add3A_612 : i32 to index
        %get3A_648 = arith.constant 64 : index
        %get3A_649 = tpu.vector_load %arg6[%get3A_647, %get3A_648] {strides = array<i32>} : memref<200x128xf32, #tpu.memory_space<vmem>>, vector<1x16xf32>,
        %get3A_650 = vector.shape_cast %get3A_649 : vector<1x16xf32> to vector<16xf32>
        %swap3A_651 = arith.index_cast %add3A_612 : i32 to index
        %swap3A_652 = arith.constant 64 : index
        %swap3A_653 = tpu.vector_load %arg9[%swap3A_651, %swap3A_652] {strides = array<i32>} : memref<200x128xf32, #tpu.memory_space<vmem>>, vector<1x16xf32>,
        %swap3A_654 = vector.shape_cast %swap3A_653 : vector<1x16xf32> to vector<16xf32>
        %swap3A_655 = vector.shape_cast %get3A_650 : vector<16xf32> to vector<1x16xf32>
        tpu.vector_store %arg9[%swap3A_651, %swap3A_652], %swap3A_655 {add = true, strides = array<i32>} : memref<200x128xf32, #tpu.memory_space<vmem>>, vector<1x16xf32>,
        %get3A_656 = arith.index_cast %add3A_612 : i32 to index
        %get3A_657 = arith.constant 80 : index
        %get3A_658 = tpu.vector_load %arg6[%get3A_656, %get3A_657] {strides = array<i32>} : memref<200x128xf32, #tpu.memory_space<vmem>>, vector<1x16xf32>,
        %get3A_659 = vector.shape_cast %get3A_658 : vector<1x16xf32> to vector<16xf32>
        %swap3A_660 = arith.index_cast %add3A_612 : i32 to index
        %swap3A_661 = arith.constant 80 : index
        %swap3A_662 = tpu.vector_load %arg9[%swap3A_660, %swap3A_661] {strides = array<i32>} : memref<200x128xf32, #tpu.memory_space<vmem>>, vector<1x16xf32>,
        %swap3A_663 = vector.shape_cast %swap3A_662 : vector<1x16xf32> to vector<16xf32>
        %swap3A_664 = vector.shape_cast %get3A_659 : vector<16xf32> to vector<1x16xf32>
        tpu.vector_store %arg9[%swap3A_660, %swap3A_661], %swap3A_664 {add = true, strides = array<i32>} : memref<200x128xf32, #tpu.memory_space<vmem>>, vector<1x16xf32>,
        %get3A_665 = arith.index_cast %add3A_612 : i32 to index
        %get3A_666 = arith.constant 96 : index
        %get3A_667 = tpu.vector_load %arg6[%get3A_665, %get3A_666] {strides = array<i32>} : memref<200x128xf32, #tpu.memory_space<vmem>>, vector<1x16xf32>,
        %get3A_668 = vector.shape_cast %get3A_667 : vector<1x16xf32> to vector<16xf32>
        %swap3A_669 = arith.index_cast %add3A_612 : i32 to index
        %swap3A_670 = arith.constant 96 : index
        %swap3A_671 = tpu.vector_load %arg9[%swap3A_669, %swap3A_670] {strides = array<i32>} : memref<200x128xf32, #tpu.memory_space<vmem>>, vector<1x16xf32>,
        %swap3A_672 = vector.shape_cast %swap3A_671 : vector<1x16xf32> to vector<16xf32>
        %swap3A_673 = vector.shape_cast %get3A_668 : vector<16xf32> to vector<1x16xf32>
        tpu.vector_store %arg9[%swap3A_669, %swap3A_670], %swap3A_673 {add = true, strides = array<i32>} : memref<200x128xf32, #tpu.memory_space<vmem>>, vector<1x16xf32>,
        %get3A_674 = arith.index_cast %add3A_612 : i32 to index
        %get3A_675 = arith.constant 112 : index
        %get3A_676 = tpu.vector_load %arg6[%get3A_674, %get3A_675] {strides = array<i32>} : memref<200x128xf32, #tpu.memory_space<vmem>>, vector<1x16xf32>,
        %get3A_677 = vector.shape_cast %get3A_676 : vector<1x16xf32> to vector<16xf32>
        %swap3A_678 = arith.index_cast %add3A_612 : i32 to index
        %swap3A_679 = arith.constant 112 : index
        %swap3A_680 = tpu.vector_load %arg9[%swap3A_678, %swap3A_679] {strides = array<i32>} : memref<200x128xf32, #tpu.memory_space<vmem>>, vector<1x16xf32>,
        %swap3A_681 = vector.shape_cast %swap3A_680 : vector<1x16xf32> to vector<16xf32>
        %swap3A_682 = vector.shape_cast %get3A_677 : vector<16xf32> to vector<1x16xf32>
        tpu.vector_store %arg9[%swap3A_678, %swap3A_679], %swap3A_682 {add = true, strides = array<i32>} : memref<200x128xf32, #tpu.memory_space<vmem>>, vector<1x16xf32>,
        %mul3A_683 = arith.constant 4 : i32
        %mul3A_684 = arith.muli %scan3A_606, %mul3A_683 : i32
        %add3A_685 = arith.constant 0 : i32
        %add3A_686 = arith.addi %add3A_685, %mul3A_684 : i32
        %add3A_687 = arith.constant 1 : i32
        %add3A_688 = arith.addi %add3A_686, %add3A_687 : i32
        %get3A_689 = arith.index_cast %add3A_688 : i32 to index
        %get3A_690 = arith.constant 0 : index
        %get3A_691 = tpu.vector_load %arg6[%get3A_689, %get3A_690] {strides = array<i32>} : memref<200x128xf32, #tpu.memory_space<vmem>>, vector<1x16xf32>,
        %get3A_692 = vector.shape_cast %get3A_691 : vector<1x16xf32> to vector<16xf32>
        %swap3A_693 = arith.index_cast %add3A_688 : i32 to index
        %swap3A_694 = arith.constant 0 : index
        %swap3A_695 = tpu.vector_load %arg9[%swap3A_693, %swap3A_694] {strides = array<i32>} : memref<200x128xf32, #tpu.memory_space<vmem>>, vector<1x16xf32>,
        %swap3A_696 = vector.shape_cast %swap3A_695 : vector<1x16xf32> to vector<16xf32>
        %swap3A_697 = vector.shape_cast %get3A_692 : vector<16xf32> to vector<1x16xf32>
        tpu.vector_store %arg9[%swap3A_693, %swap3A_694], %swap3A_697 {add = true, strides = array<i32>} : memref<200x128xf32, #tpu.memory_space<vmem>>, vector<1x16xf32>,
        %get3A_698 = arith.index_cast %add3A_688 : i32 to index
        %get3A_699 = arith.constant 16 : index
        %get3A_700 = tpu.vector_load %arg6[%get3A_698, %get3A_699] {strides = array<i32>} : memref<200x128xf32, #tpu.memory_space<vmem>>, vector<1x16xf32>,
        %get3A_701 = vector.shape_cast %get3A_700 : vector<1x16xf32> to vector<16xf32>
        %swap3A_702 = arith.index_cast %add3A_688 : i32 to index
        %swap3A_703 = arith.constant 16 : index
        %swap3A_704 = tpu.vector_load %arg9[%swap3A_702, %swap3A_703] {strides = array<i32>} : memref<200x128xf32, #tpu.memory_space<vmem>>, vector<1x16xf32>,
        %swap3A_705 = vector.shape_cast %swap3A_704 : vector<1x16xf32> to vector<16xf32>
        %swap3A_706 = vector.shape_cast %get3A_701 : vector<16xf32> to vector<1x16xf32>
        tpu.vector_store %arg9[%swap3A_702, %swap3A_703], %swap3A_706 {add = true, strides = array<i32>} : memref<200x128xf32, #tpu.memory_space<vmem>>, vector<1x16xf32>,
        %get3A_707 = arith.index_cast %add3A_688 : i32 to index
        %get3A_708 = arith.constant 32 : index
        %get3A_709 = tpu.vector_load %arg6[%get3A_707, %get3A_708] {strides = array<i32>} : memref<200x128xf32, #tpu.memory_space<vmem>>, vector<1x16xf32>,
        %get3A_710 = vector.shape_cast %get3A_709 : vector<1x16xf32> to vector<16xf32>
        %swap3A_711 = arith.index_cast %add3A_688 : i32 to index
        %swap3A_712 = arith.constant 32 : index
        %swap3A_713 = tpu.vector_load %arg9[%swap3A_711, %swap3A_712] {strides = array<i32>} : memref<200x128xf32, #tpu.memory_space<vmem>>, vector<1x16xf32>,
        %swap3A_714 = vector.shape_cast %swap3A_713 : vector<1x16xf32> to vector<16xf32>
        %swap3A_715 = vector.shape_cast %get3A_710 : vector<16xf32> to vector<1x16xf32>
        tpu.vector_store %arg9[%swap3A_711, %swap3A_712], %swap3A_715 {add = true, strides = array<i32>} : memref<200x128xf32, #tpu.memory_space<vmem>>, vector<1x16xf32>,
        %get3A_716 = arith.index_cast %add3A_688 : i32 to index
        %get3A_717 = arith.constant 48 : index
        %get3A_718 = tpu.vector_load %arg6[%get3A_716, %get3A_717] {strides = array<i32>} : memref<200x128xf32, #tpu.memory_space<vmem>>, vector<1x16xf32>,
        %get3A_719 = vector.shape_cast %get3A_718 : vector<1x16xf32> to vector<16xf32>
        %swap3A_720 = arith.index_cast %add3A_688 : i32 to index
        %swap3A_721 = arith.constant 48 : index
        %swap3A_722 = tpu.vector_load %arg9[%swap3A_720, %swap3A_721] {strides = array<i32>} : memref<200x128xf32, #tpu.memory_space<vmem>>, vector<1x16xf32>,
        %swap3A_723 = vector.shape_cast %swap3A_722 : vector<1x16xf32> to vector<16xf32>
        %swap3A_724 = vector.shape_cast %get3A_719 : vector<16xf32> to vector<1x16xf32>
        tpu.vector_store %arg9[%swap3A_720, %swap3A_721], %swap3A_724 {add = true, strides = array<i32>} : memref<200x128xf32, #tpu.memory_space<vmem>>, vector<1x16xf32>,
        %get3A_725 = arith.index_cast %add3A_688 : i32 to index
        %get3A_726 = arith.constant 64 : index
        %get3A_727 = tpu.vector_load %arg6[%get3A_725, %get3A_726] {strides = array<i32>} : memref<200x128xf32, #tpu.memory_space<vmem>>, vector<1x16xf32>,
        %get3A_728 = vector.shape_cast %get3A_727 : vector<1x16xf32> to vector<16xf32>
        %swap3A_729 = arith.index_cast %add3A_688 : i32 to index
        %swap3A_730 = arith.constant 64 : index
        %swap3A_731 = tpu.vector_load %arg9[%swap3A_729, %swap3A_730] {strides = array<i32>} : memref<200x128xf32, #tpu.memory_space<vmem>>, vector<1x16xf32>,
        %swap3A_732 = vector.shape_cast %swap3A_731 : vector<1x16xf32> to vector<16xf32>
        %swap3A_733 = vector.shape_cast %get3A_728 : vector<16xf32> to vector<1x16xf32>
        tpu.vector_store %arg9[%swap3A_729, %swap3A_730], %swap3A_733 {add = true, strides = array<i32>} : memref<200x128xf32, #tpu.memory_space<vmem>>, vector<1x16xf32>,
        %get3A_734 = arith.index_cast %add3A_688 : i32 to index
        %get3A_735 = arith.constant 80 : index
        %get3A_736 = tpu.vector_load %arg6[%get3A_734, %get3A_735] {strides = array<i32>} : memref<200x128xf32, #tpu.memory_space<vmem>>, vector<1x16xf32>,
        %get3A_737 = vector.shape_cast %get3A_736 : vector<1x16xf32> to vector<16xf32>
        %swap3A_738 = arith.index_cast %add3A_688 : i32 to index
        %swap3A_739 = arith.constant 80 : index
        %swap3A_740 = tpu.vector_load %arg9[%swap3A_738, %swap3A_739] {strides = array<i32>} : memref<200x128xf32, #tpu.memory_space<vmem>>, vector<1x16xf32>,
        %swap3A_741 = vector.shape_cast %swap3A_740 : vector<1x16xf32> to vector<16xf32>
        %swap3A_742 = vector.shape_cast %get3A_737 : vector<16xf32> to vector<1x16xf32>
        tpu.vector_store %arg9[%swap3A_738, %swap3A_739], %swap3A_742 {add = true, strides = array<i32>} : memref<200x128xf32, #tpu.memory_space<vmem>>, vector<1x16xf32>,
        %get3A_743 = arith.index_cast %add3A_688 : i32 to index
        %get3A_744 = arith.constant 96 : index
        %get3A_745 = tpu.vector_load %arg6[%get3A_743, %get3A_744] {strides = array<i32>} : memref<200x128xf32, #tpu.memory_space<vmem>>, vector<1x16xf32>,
        %get3A_746 = vector.shape_cast %get3A_745 : vector<1x16xf32> to vector<16xf32>
        %swap3A_747 = arith.index_cast %add3A_688 : i32 to index
        %swap3A_748 = arith.constant 96 : index
        %swap3A_749 = tpu.vector_load %arg9[%swap3A_747, %swap3A_748] {strides = array<i32>} : memref<200x128xf32, #tpu.memory_space<vmem>>, vector<1x16xf32>,
        %swap3A_750 = vector.shape_cast %swap3A_749 : vector<1x16xf32> to vector<16xf32>
        %swap3A_751 = vector.shape_cast %get3A_746 : vector<16xf32> to vector<1x16xf32>
        tpu.vector_store %arg9[%swap3A_747, %swap3A_748], %swap3A_751 {add = true, strides = array<i32>} : memref<200x128xf32, #tpu.memory_space<vmem>>, vector<1x16xf32>,
        %get3A_752 = arith.index_cast %add3A_688 : i32 to index
        %get3A_753 = arith.constant 112 : index
        %get3A_754 = tpu.vector_load %arg6[%get3A_752, %get3A_753] {strides = array<i32>} : memref<200x128xf32, #tpu.memory_space<vmem>>, vector<1x16xf32>,
        %get3A_755 = vector.shape_cast %get3A_754 : vector<1x16xf32> to vector<16xf32>
        %swap3A_756 = arith.index_cast %add3A_688 : i32 to index
        %swap3A_757 = arith.constant 112 : index
        %swap3A_758 = tpu.vector_load %arg9[%swap3A_756, %swap3A_757] {strides = array<i32>} : memref<200x128xf32, #tpu.memory_space<vmem>>, vector<1x16xf32>,
        %swap3A_759 = vector.shape_cast %swap3A_758 : vector<1x16xf32> to vector<16xf32>
        %swap3A_760 = vector.shape_cast %get3A_755 : vector<16xf32> to vector<1x16xf32>
        tpu.vector_store %arg9[%swap3A_756, %swap3A_757], %swap3A_760 {add = true, strides = array<i32>} : memref<200x128xf32, #tpu.memory_space<vmem>>, vector<1x16xf32>,
        %mul3A_761 = arith.constant 4 : i32
        %mul3A_762 = arith.muli %scan3A_606, %mul3A_761 : i32
        %add3A_763 = arith.constant 0 : i32
        %add3A_764 = arith.addi %add3A_763, %mul3A_762 : i32
        %add3A_765 = arith.constant 2 : i32
        %add3A_766 = arith.addi %add3A_764, %add3A_765 : i32
        %get3A_767 = arith.index_cast %add3A_766 : i32 to index
        %get3A_768 = arith.constant 0 : index
        %get3A_769 = tpu.vector_load %arg6[%get3A_767, %get3A_768] {strides = array<i32>} : memref<200x128xf32, #tpu.memory_space<vmem>>, vector<1x16xf32>,
        %get3A_770 = vector.shape_cast %get3A_769 : vector<1x16xf32> to vector<16xf32>
        %swap3A_771 = arith.index_cast %add3A_766 : i32 to index
        %swap3A_772 = arith.constant 0 : index
        %swap3A_773 = tpu.vector_load %arg9[%swap3A_771, %swap3A_772] {strides = array<i32>} : memref<200x128xf32, #tpu.memory_space<vmem>>, vector<1x16xf32>,
        %swap3A_774 = vector.shape_cast %swap3A_773 : vector<1x16xf32> to vector<16xf32>
        %swap3A_775 = vector.shape_cast %get3A_770 : vector<16xf32> to vector<1x16xf32>
        tpu.vector_store %arg9[%swap3A_771, %swap3A_772], %swap3A_775 {add = true, strides = array<i32>} : memref<200x128xf32, #tpu.memory_space<vmem>>, vector<1x16xf32>,
        %get3A_776 = arith.index_cast %add3A_766 : i32 to index
        %get3A_777 = arith.constant 16 : index
        %get3A_778 = tpu.vector_load %arg6[%get3A_776, %get3A_777] {strides = array<i32>} : memref<200x128xf32, #tpu.memory_space<vmem>>, vector<1x16xf32>,
        %get3A_779 = vector.shape_cast %get3A_778 : vector<1x16xf32> to vector<16xf32>
        %swap3A_780 = arith.index_cast %add3A_766 : i32 to index
        %swap3A_781 = arith.constant 16 : index
        %swap3A_782 = tpu.vector_load %arg9[%swap3A_780, %swap3A_781] {strides = array<i32>} : memref<200x128xf32, #tpu.memory_space<vmem>>, vector<1x16xf32>,
        %swap3A_783 = vector.shape_cast %swap3A_782 : vector<1x16xf32> to vector<16xf32>
        %swap3A_784 = vector.shape_cast %get3A_779 : vector<16xf32> to vector<1x16xf32>
        tpu.vector_store %arg9[%swap3A_780, %swap3A_781], %swap3A_784 {add = true, strides = array<i32>} : memref<200x128xf32, #tpu.memory_space<vmem>>, vector<1x16xf32>,
        %get3A_785 = arith.index_cast %add3A_766 : i32 to index
        %get3A_786 = arith.constant 32 : index
        %get3A_787 = tpu.vector_load %arg6[%get3A_785, %get3A_786] {strides = array<i32>} : memref<200x128xf32, #tpu.memory_space<vmem>>, vector<1x16xf32>,
        %get3A_788 = vector.shape_cast %get3A_787 : vector<1x16xf32> to vector<16xf32>
        %swap3A_789 = arith.index_cast %add3A_766 : i32 to index
        %swap3A_790 = arith.constant 32 : index
        %swap3A_791 = tpu.vector_load %arg9[%swap3A_789, %swap3A_790] {strides = array<i32>} : memref<200x128xf32, #tpu.memory_space<vmem>>, vector<1x16xf32>,
        %swap3A_792 = vector.shape_cast %swap3A_791 : vector<1x16xf32> to vector<16xf32>
        %swap3A_793 = vector.shape_cast %get3A_788 : vector<16xf32> to vector<1x16xf32>
        tpu.vector_store %arg9[%swap3A_789, %swap3A_790], %swap3A_793 {add = true, strides = array<i32>} : memref<200x128xf32, #tpu.memory_space<vmem>>, vector<1x16xf32>,
        %get3A_794 = arith.index_cast %add3A_766 : i32 to index
        %get3A_795 = arith.constant 48 : index
        %get3A_796 = tpu.vector_load %arg6[%get3A_794, %get3A_795] {strides = array<i32>} : memref<200x128xf32, #tpu.memory_space<vmem>>, vector<1x16xf32>,
        %get3A_797 = vector.shape_cast %get3A_796 : vector<1x16xf32> to vector<16xf32>
        %swap3A_798 = arith.index_cast %add3A_766 : i32 to index
        %swap3A_799 = arith.constant 48 : index
        %swap3A_800 = tpu.vector_load %arg9[%swap3A_798, %swap3A_799] {strides = array<i32>} : memref<200x128xf32, #tpu.memory_space<vmem>>, vector<1x16xf32>,
        %swap3A_801 = vector.shape_cast %swap3A_800 : vector<1x16xf32> to vector<16xf32>
        %swap3A_802 = vector.shape_cast %get3A_797 : vector<16xf32> to vector<1x16xf32>
        tpu.vector_store %arg9[%swap3A_798, %swap3A_799], %swap3A_802 {add = true, strides = array<i32>} : memref<200x128xf32, #tpu.memory_space<vmem>>, vector<1x16xf32>,
        %get3A_803 = arith.index_cast %add3A_766 : i32 to index
        %get3A_804 = arith.constant 64 : index
        %get3A_805 = tpu.vector_load %arg6[%get3A_803, %get3A_804] {strides = array<i32>} : memref<200x128xf32, #tpu.memory_space<vmem>>, vector<1x16xf32>,
        %get3A_806 = vector.shape_cast %get3A_805 : vector<1x16xf32> to vector<16xf32>
        %swap3A_807 = arith.index_cast %add3A_766 : i32 to index
        %swap3A_808 = arith.constant 64 : index
        %swap3A_809 = tpu.vector_load %arg9[%swap3A_807, %swap3A_808] {strides = array<i32>} : memref<200x128xf32, #tpu.memory_space<vmem>>, vector<1x16xf32>,
        %swap3A_810 = vector.shape_cast %swap3A_809 : vector<1x16xf32> to vector<16xf32>
        %swap3A_811 = vector.shape_cast %get3A_806 : vector<16xf32> to vector<1x16xf32>
        tpu.vector_store %arg9[%swap3A_807, %swap3A_808], %swap3A_811 {add = true, strides = array<i32>} : memref<200x128xf32, #tpu.memory_space<vmem>>, vector<1x16xf32>,
        %get3A_812 = arith.index_cast %add3A_766 : i32 to index
        %get3A_813 = arith.constant 80 : index
        %get3A_814 = tpu.vector_load %arg6[%get3A_812, %get3A_813] {strides = array<i32>} : memref<200x128xf32, #tpu.memory_space<vmem>>, vector<1x16xf32>,
        %get3A_815 = vector.shape_cast %get3A_814 : vector<1x16xf32> to vector<16xf32>
        %swap3A_816 = arith.index_cast %add3A_766 : i32 to index
        %swap3A_817 = arith.constant 80 : index
        %swap3A_818 = tpu.vector_load %arg9[%swap3A_816, %swap3A_817] {strides = array<i32>} : memref<200x128xf32, #tpu.memory_space<vmem>>, vector<1x16xf32>,
        %swap3A_819 = vector.shape_cast %swap3A_818 : vector<1x16xf32> to vector<16xf32>
        %swap3A_820 = vector.shape_cast %get3A_815 : vector<16xf32> to vector<1x16xf32>
        tpu.vector_store %arg9[%swap3A_816, %swap3A_817], %swap3A_820 {add = true, strides = array<i32>} : memref<200x128xf32, #tpu.memory_space<vmem>>, vector<1x16xf32>,
        %get3A_821 = arith.index_cast %add3A_766 : i32 to index
        %get3A_822 = arith.constant 96 : index
        %get3A_823 = tpu.vector_load %arg6[%get3A_821, %get3A_822] {strides = array<i32>} : memref<200x128xf32, #tpu.memory_space<vmem>>, vector<1x16xf32>,
        %get3A_824 = vector.shape_cast %get3A_823 : vector<1x16xf32> to vector<16xf32>
        %swap3A_825 = arith.index_cast %add3A_766 : i32 to index
        %swap3A_826 = arith.constant 96 : index
        %swap3A_827 = tpu.vector_load %arg9[%swap3A_825, %swap3A_826] {strides = array<i32>} : memref<200x128xf32, #tpu.memory_space<vmem>>, vector<1x16xf32>,
        %swap3A_828 = vector.shape_cast %swap3A_827 : vector<1x16xf32> to vector<16xf32>
        %swap3A_829 = vector.shape_cast %get3A_824 : vector<16xf32> to vector<1x16xf32>
        tpu.vector_store %arg9[%swap3A_825, %swap3A_826], %swap3A_829 {add = true, strides = array<i32>} : memref<200x128xf32, #tpu.memory_space<vmem>>, vector<1x16xf32>,
        %get3A_830 = arith.index_cast %add3A_766 : i32 to index
        %get3A_831 = arith.constant 112 : index
        %get3A_832 = tpu.vector_load %arg6[%get3A_830, %get3A_831] {strides = array<i32>} : memref<200x128xf32, #tpu.memory_space<vmem>>, vector<1x16xf32>,
        %get3A_833 = vector.shape_cast %get3A_832 : vector<1x16xf32> to vector<16xf32>
        %swap3A_834 = arith.index_cast %add3A_766 : i32 to index
        %swap3A_835 = arith.constant 112 : index
        %swap3A_836 = tpu.vector_load %arg9[%swap3A_834, %swap3A_835] {strides = array<i32>} : memref<200x128xf32, #tpu.memory_space<vmem>>, vector<1x16xf32>,
        %swap3A_837 = vector.shape_cast %swap3A_836 : vector<1x16xf32> to vector<16xf32>
        %swap3A_838 = vector.shape_cast %get3A_833 : vector<16xf32> to vector<1x16xf32>
        tpu.vector_store %arg9[%swap3A_834, %swap3A_835], %swap3A_838 {add = true, strides = array<i32>} : memref<200x128xf32, #tpu.memory_space<vmem>>, vector<1x16xf32>,
        %mul3A_839 = arith.constant 4 : i32
        %mul3A_840 = arith.muli %scan3A_606, %mul3A_839 : i32
        %add3A_841 = arith.constant 0 : i32
        %add3A_842 = arith.addi %add3A_841, %mul3A_840 : i32
        %add3A_843 = arith.constant 3 : i32
        %add3A_844 = arith.addi %add3A_842, %add3A_843 : i32
        %get3A_845 = arith.index_cast %add3A_844 : i32 to index
        %get3A_846 = arith.constant 0 : index
        %get3A_847 = tpu.vector_load %arg6[%get3A_845, %get3A_846] {strides = array<i32>} : memref<200x128xf32, #tpu.memory_space<vmem>>, vector<1x16xf32>,
        %get3A_848 = vector.shape_cast %get3A_847 : vector<1x16xf32> to vector<16xf32>
        %swap3A_849 = arith.index_cast %add3A_844 : i32 to index
        %swap3A_850 = arith.constant 0 : index
        %swap3A_851 = tpu.vector_load %arg9[%swap3A_849, %swap3A_850] {strides = array<i32>} : memref<200x128xf32, #tpu.memory_space<vmem>>, vector<1x16xf32>,
        %swap3A_852 = vector.shape_cast %swap3A_851 : vector<1x16xf32> to vector<16xf32>
        %swap3A_853 = vector.shape_cast %get3A_848 : vector<16xf32> to vector<1x16xf32>
        tpu.vector_store %arg9[%swap3A_849, %swap3A_850], %swap3A_853 {add = true, strides = array<i32>} : memref<200x128xf32, #tpu.memory_space<vmem>>, vector<1x16xf32>,
        %get3A_854 = arith.index_cast %add3A_844 : i32 to index
        %get3A_855 = arith.constant 16 : index
        %get3A_856 = tpu.vector_load %arg6[%get3A_854, %get3A_855] {strides = array<i32>} : memref<200x128xf32, #tpu.memory_space<vmem>>, vector<1x16xf32>,
        %get3A_857 = vector.shape_cast %get3A_856 : vector<1x16xf32> to vector<16xf32>
        %swap3A_858 = arith.index_cast %add3A_844 : i32 to index
        %swap3A_859 = arith.constant 16 : index
        %swap3A_860 = tpu.vector_load %arg9[%swap3A_858, %swap3A_859] {strides = array<i32>} : memref<200x128xf32, #tpu.memory_space<vmem>>, vector<1x16xf32>,
        %swap3A_861 = vector.shape_cast %swap3A_860 : vector<1x16xf32> to vector<16xf32>
        %swap3A_862 = vector.shape_cast %get3A_857 : vector<16xf32> to vector<1x16xf32>
        tpu.vector_store %arg9[%swap3A_858, %swap3A_859], %swap3A_862 {add = true, strides = array<i32>} : memref<200x128xf32, #tpu.memory_space<vmem>>, vector<1x16xf32>,
        %get3A_863 = arith.index_cast %add3A_844 : i32 to index
        %get3A_864 = arith.constant 32 : index
        %get3A_865 = tpu.vector_load %arg6[%get3A_863, %get3A_864] {strides = array<i32>} : memref<200x128xf32, #tpu.memory_space<vmem>>, vector<1x16xf32>,
        %get3A_866 = vector.shape_cast %get3A_865 : vector<1x16xf32> to vector<16xf32>
        %swap3A_867 = arith.index_cast %add3A_844 : i32 to index
        %swap3A_868 = arith.constant 32 : index
        %swap3A_869 = tpu.vector_load %arg9[%swap3A_867, %swap3A_868] {strides = array<i32>} : memref<200x128xf32, #tpu.memory_space<vmem>>, vector<1x16xf32>,
        %swap3A_870 = vector.shape_cast %swap3A_869 : vector<1x16xf32> to vector<16xf32>
        %swap3A_871 = vector.shape_cast %get3A_866 : vector<16xf32> to vector<1x16xf32>
        tpu.vector_store %arg9[%swap3A_867, %swap3A_868], %swap3A_871 {add = true, strides = array<i32>} : memref<200x128xf32, #tpu.memory_space<vmem>>, vector<1x16xf32>,
        %get3A_872 = arith.index_cast %add3A_844 : i32 to index
        %get3A_873 = arith.constant 48 : index
        %get3A_874 = tpu.vector_load %arg6[%get3A_872, %get3A_873] {strides = array<i32>} : memref<200x128xf32, #tpu.memory_space<vmem>>, vector<1x16xf32>,
        %get3A_875 = vector.shape_cast %get3A_874 : vector<1x16xf32> to vector<16xf32>
        %swap3A_876 = arith.index_cast %add3A_844 : i32 to index
        %swap3A_877 = arith.constant 48 : index
        %swap3A_878 = tpu.vector_load %arg9[%swap3A_876, %swap3A_877] {strides = array<i32>} : memref<200x128xf32, #tpu.memory_space<vmem>>, vector<1x16xf32>,
        %swap3A_879 = vector.shape_cast %swap3A_878 : vector<1x16xf32> to vector<16xf32>
        %swap3A_880 = vector.shape_cast %get3A_875 : vector<16xf32> to vector<1x16xf32>
        tpu.vector_store %arg9[%swap3A_876, %swap3A_877], %swap3A_880 {add = true, strides = array<i32>} : memref<200x128xf32, #tpu.memory_space<vmem>>, vector<1x16xf32>,
        %get3A_881 = arith.index_cast %add3A_844 : i32 to index
        %get3A_882 = arith.constant 64 : index
        %get3A_883 = tpu.vector_load %arg6[%get3A_881, %get3A_882] {strides = array<i32>} : memref<200x128xf32, #tpu.memory_space<vmem>>, vector<1x16xf32>,
        %get3A_884 = vector.shape_cast %get3A_883 : vector<1x16xf32> to vector<16xf32>
        %swap3A_885 = arith.index_cast %add3A_844 : i32 to index
        %swap3A_886 = arith.constant 64 : index
        %swap3A_887 = tpu.vector_load %arg9[%swap3A_885, %swap3A_886] {strides = array<i32>} : memref<200x128xf32, #tpu.memory_space<vmem>>, vector<1x16xf32>,
        %swap3A_888 = vector.shape_cast %swap3A_887 : vector<1x16xf32> to vector<16xf32>
        %swap3A_889 = vector.shape_cast %get3A_884 : vector<16xf32> to vector<1x16xf32>
        tpu.vector_store %arg9[%swap3A_885, %swap3A_886], %swap3A_889 {add = true, strides = array<i32>} : memref<200x128xf32, #tpu.memory_space<vmem>>, vector<1x16xf32>,
        %get3A_890 = arith.index_cast %add3A_844 : i32 to index
        %get3A_891 = arith.constant 80 : index
        %get3A_892 = tpu.vector_load %arg6[%get3A_890, %get3A_891] {strides = array<i32>} : memref<200x128xf32, #tpu.memory_space<vmem>>, vector<1x16xf32>,
        %get3A_893 = vector.shape_cast %get3A_892 : vector<1x16xf32> to vector<16xf32>
        %swap3A_894 = arith.index_cast %add3A_844 : i32 to index
        %swap3A_895 = arith.constant 80 : index
        %swap3A_896 = tpu.vector_load %arg9[%swap3A_894, %swap3A_895] {strides = array<i32>} : memref<200x128xf32, #tpu.memory_space<vmem>>, vector<1x16xf32>,
        %swap3A_897 = vector.shape_cast %swap3A_896 : vector<1x16xf32> to vector<16xf32>
        %swap3A_898 = vector.shape_cast %get3A_893 : vector<16xf32> to vector<1x16xf32>
        tpu.vector_store %arg9[%swap3A_894, %swap3A_895], %swap3A_898 {add = true, strides = array<i32>} : memref<200x128xf32, #tpu.memory_space<vmem>>, vector<1x16xf32>,
        %get3A_899 = arith.index_cast %add3A_844 : i32 to index
        %get3A_900 = arith.constant 96 : index
        %get3A_901 = tpu.vector_load %arg6[%get3A_899, %get3A_900] {strides = array<i32>} : memref<200x128xf32, #tpu.memory_space<vmem>>, vector<1x16xf32>,
        %get3A_902 = vector.shape_cast %get3A_901 : vector<1x16xf32> to vector<16xf32>
        %swap3A_903 = arith.index_cast %add3A_844 : i32 to index
        %swap3A_904 = arith.constant 96 : index
        %swap3A_905 = tpu.vector_load %arg9[%swap3A_903, %swap3A_904] {strides = array<i32>} : memref<200x128xf32, #tpu.memory_space<vmem>>, vector<1x16xf32>,
        %swap3A_906 = vector.shape_cast %swap3A_905 : vector<1x16xf32> to vector<16xf32>
        %swap3A_907 = vector.shape_cast %get3A_902 : vector<16xf32> to vector<1x16xf32>
        tpu.vector_store %arg9[%swap3A_903, %swap3A_904], %swap3A_907 {add = true, strides = array<i32>} : memref<200x128xf32, #tpu.memory_space<vmem>>, vector<1x16xf32>,
        %get3A_908 = arith.index_cast %add3A_844 : i32 to index
        %get3A_909 = arith.constant 112 : index
        %get3A_910 = tpu.vector_load %arg6[%get3A_908, %get3A_909] {strides = array<i32>} : memref<200x128xf32, #tpu.memory_space<vmem>>, vector<1x16xf32>,
        %get3A_911 = vector.shape_cast %get3A_910 : vector<1x16xf32> to vector<16xf32>
        %swap3A_912 = arith.index_cast %add3A_844 : i32 to index
        %swap3A_913 = arith.constant 112 : index
        %swap3A_914 = tpu.vector_load %arg9[%swap3A_912, %swap3A_913] {strides = array<i32>} : memref<200x128xf32, #tpu.memory_space<vmem>>, vector<1x16xf32>,
        %swap3A_915 = vector.shape_cast %swap3A_914 : vector<1x16xf32> to vector<16xf32>
        %swap3A_916 = vector.shape_cast %get3A_911 : vector<16xf32> to vector<1x16xf32>
        tpu.vector_store %arg9[%swap3A_912, %swap3A_913], %swap3A_916 {add = true, strides = array<i32>} : memref<200x128xf32, #tpu.memory_space<vmem>>, vector<1x16xf32>,
      }
      %scan3A_534 = arith.constant 26 : i32
      %add3A_535 = arith.addi %mul3A_2, %add3A_497 : i32
      %mul3A_536 = arith.constant 200 : i32
      %mul3A_537 = arith.muli %add3A_535, %mul3A_536 : i32
      %add3A_538 = arith.constant 0 : i32
      %add3A_539 = arith.addi %mul3A_537, %add3A_538 : i32
      %dma_start3A_540 = arith.constant 0 : i32
      %dma_start3A_541 = arith.constant 0 : i32
      %dma_start3A_542 = tpu.memref_slice %arg9[%dma_start3A_540, %dma_start3A_541] : memref<200x128xf32, #tpu.memory_space<vmem>> -> memref<104x128xf32, #tpu.memory_space<vmem>>
      %dma_start3A_543 = arith.constant 0 : i32
      %dma_start3A_544 = tpu.memref_slice %arg4[%add3A_539, %dma_start3A_543] : memref<819200x128xf32, #tpu.memory_space<hbm>> -> memref<104x128xf32, #tpu.memory_space<hbm>>
      %dma_start3A_545 = arith.constant 0 : i32
      %dma_start3A_546 = tpu.memref_slice %arg4[%add3A_539, %dma_start3A_545] : memref<819200x128xf32, #tpu.memory_space<hbm>> -> memref<104x128xf32, #tpu.memory_space<hbm>>
      %dma_start3A_547 = arith.constant 0 : i32
      %dma_start3A_548 = arith.constant 0 : i32
      %dma_start3A_549 = tpu.memref_slice %arg9[%dma_start3A_547, %dma_start3A_548] : memref<200x128xf32, #tpu.memory_space<vmem>> -> memref<104x128xf32, #tpu.memory_space<vmem>>
      tpu.enqueue_dma source(%dma_start3A_549 : memref<104x128xf32, #tpu.memory_space<vmem>>) target(%dma_start3A_546 : memref<104x128xf32, #tpu.memory_space<hbm>>) target_semaphore(%arg11 : memref<!tpu.dma_semaphore, #tpu.memory_space<semaphore_mem>>)
      %mul3A_550 = arith.constant 3 : i32
      %mul3A_551 = arith.muli %scan3A_272, %mul3A_550 : i32
      %add3A_552 = arith.constant 2 : i32
      %add3A_553 = arith.addi %mul3A_551, %add3A_552 : i32
      %mul3A_554 = arith.constant 200 : i32
      %mul3A_555 = arith.muli %add3A_553, %mul3A_554 : i32
      %add3A_556 = arith.constant 104 : i32
      %add3A_557 = arith.addi %mul3A_555, %add3A_556 : i32
      %dma_wait3A_558 = arith.constant 104 : i32
      %dma_wait3A_559 = arith.constant 0 : i32
      %dma_wait3A_560 = tpu.memref_slice %arg9[%dma_wait3A_558, %dma_wait3A_559] : memref<200x128xf32, #tpu.memory_space<vmem>> -> memref<96x128xf32, #tpu.memory_space<vmem>>
      %dma_wait3A_561 = tpu.memref_slice %arg5[%add3A_557] : memref<25600xi32, #tpu.memory_space<vmem>> -> memref<96xi32, #tpu.memory_space<vmem>>
      %dma_wait3A_562 = arith.constant 0 : i32
      %dma_wait3A_563 = arith.constant 0 : i32
      %dma_wait3A_564 = tpu.memref_slice %arg3[%dma_wait3A_562, %dma_wait3A_563] : memref<102000x128xf32, #tpu.memory_space<hbm>> -> memref<102000x128xf32, #tpu.memory_space<hbm>>
      tpu.wait_indirect_dma semaphore(%arg10 : memref<!tpu.dma_semaphore, #tpu.memory_space<semaphore_mem>>) src(%dma_wait3A_564 : memref<102000x128xf32, #tpu.memory_space<hbm>>) dst(%dma_wait3A_560 : memref<96x128xf32, #tpu.memory_space<vmem>>)
      %add3A_565 = arith.constant -1 : i32
      %add3A_566 = arith.addi %add3A_553, %add3A_565 : i32
      %ge3A_567 = arith.constant 0 : i32
      %ge3A_568 = arith.cmpi sge, %add3A_566, %ge3A_567 : i32
      %convert_element_type3A_569 = arith.extui %ge3A_568 : i1 to i32
      %cond3A_570 = arith.constant 0 : i32
      %cond3A_571 = arith.cmpi ne, %convert_element_type3A_569, %cond3A_570 : i32
      scf.if %cond3A_571 {
        %add3A_606 = arith.addi %mul3A_2, %add3A_566 : i32
        %mul3A_607 = arith.constant 200 : i32
        %mul3A_608 = arith.muli %add3A_606, %mul3A_607 : i32
        %add3A_609 = arith.constant 0 : i32
        %add3A_610 = arith.addi %mul3A_608, %add3A_609 : i32
        %dma_wait3A_611 = arith.constant 0 : i32
        %dma_wait3A_612 = arith.constant 0 : i32
        %dma_wait3A_613 = tpu.memref_slice %arg8[%dma_wait3A_611, %dma_wait3A_612] : memref<200x128xf32, #tpu.memory_space<vmem>> -> memref<104x128xf32, #tpu.memory_space<vmem>>
        %dma_wait3A_614 = arith.constant 0 : i32
        %dma_wait3A_615 = tpu.memref_slice %arg4[%add3A_610, %dma_wait3A_614] : memref<819200x128xf32, #tpu.memory_space<hbm>> -> memref<104x128xf32, #tpu.memory_space<hbm>>
        %dma_wait3A_616 = arith.constant 0 : i32
        %dma_wait3A_617 = tpu.memref_slice %arg4[%add3A_610, %dma_wait3A_616] : memref<819200x128xf32, #tpu.memory_space<hbm>> -> memref<104x128xf32, #tpu.memory_space<hbm>>
        %dma_wait3A_618 = arith.constant 0 : i32
        %dma_wait3A_619 = arith.constant 0 : i32
        %dma_wait3A_620 = tpu.memref_slice %arg8[%dma_wait3A_618, %dma_wait3A_619] : memref<200x128xf32, #tpu.memory_space<vmem>> -> memref<104x128xf32, #tpu.memory_space<vmem>>
        tpu.wait_dma2 semaphore(%arg11 : memref<!tpu.dma_semaphore, #tpu.memory_space<semaphore_mem>>) src(%dma_wait3A_620 : memref<104x128xf32, #tpu.memory_space<vmem>>) dst(%dma_wait3A_617 : memref<104x128xf32, #tpu.memory_space<hbm>>)
      } else {
      }
      %add3A_572 = arith.constant 2 : i32
      %add3A_573 = arith.addi %add3A_553, %add3A_572 : i32
      %mul3A_574 = arith.constant 200 : i32
      %mul3A_575 = arith.muli %add3A_573, %mul3A_574 : i32
      %add3A_576 = arith.constant 0 : i32
      %add3A_577 = arith.addi %mul3A_575, %add3A_576 : i32
      %dma_start3A_578 = arith.constant 0 : i32
      %dma_start3A_579 = arith.constant 0 : i32
      %dma_start3A_580 = tpu.memref_slice %arg8[%dma_start3A_578, %dma_start3A_579] : memref<200x128xf32, #tpu.memory_space<vmem>> -> memref<104x128xf32, #tpu.memory_space<vmem>>
      %dma_start3A_581 = tpu.memref_slice %arg5[%add3A_577] : memref<25600xi32, #tpu.memory_space<vmem>> -> memref<104xi32, #tpu.memory_space<vmem>>
      %dma_start3A_582 = arith.constant 0 : i32
      %dma_start3A_583 = arith.constant 0 : i32
      %dma_start3A_584 = tpu.memref_slice %arg3[%dma_start3A_582, %dma_start3A_583] : memref<102000x128xf32, #tpu.memory_space<hbm>> -> memref<102000x128xf32, #tpu.memory_space<hbm>>
      tpu.enqueue_indirect_dma source(%dma_start3A_584 : memref<102000x128xf32, #tpu.memory_space<hbm>>) target(%dma_start3A_580 : memref<104x128xf32, #tpu.memory_space<vmem>>) offsets(%dma_start3A_581 : memref<104xi32, #tpu.memory_space<vmem>>) semaphore(%arg10 : memref<!tpu.dma_semaphore, #tpu.memory_space<semaphore_mem>>)
      %scan3A_585 = arith.constant 0 : i32
      %scan3A_586 = arith.constant 0 : i32
      %scan3A_587 = arith.constant 24 : i32
      %scan3A_588 = arith.addi %scan3A_586, %scan3A_587 : i32
      %scan3A_589 = arith.constant 1 : i32
      scf.for %scan3A_606 = %scan3A_586 to %scan3A_588 step %scan3A_589  : i32 {
        %mul3A_607 = arith.constant 4 : i32
        %mul3A_608 = arith.muli %scan3A_606, %mul3A_607 : i32
        %add3A_609 = arith.constant 104 : i32
        %add3A_610 = arith.addi %add3A_609, %mul3A_608 : i32
        %add3A_611 = arith.constant 0 : i32
        %add3A_612 = arith.addi %add3A_610, %add3A_611 : i32
        %get3A = arith.index_cast %add3A_612 : i32 to index
        %get3A_613 = arith.constant 0 : index
        %get3A_614 = tpu.vector_load %arg6[%get3A, %get3A_613] {strides = array<i32>} : memref<200x128xf32, #tpu.memory_space<vmem>>, vector<1x16xf32>,
        %get3A_615 = vector.shape_cast %get3A_614 : vector<1x16xf32> to vector<16xf32>
        %swap3A = arith.index_cast %add3A_612 : i32 to index
        %swap3A_616 = arith.constant 0 : index
        %swap3A_617 = tpu.vector_load %arg9[%swap3A, %swap3A_616] {strides = array<i32>} : memref<200x128xf32, #tpu.memory_space<vmem>>, vector<1x16xf32>,
        %swap3A_618 = vector.shape_cast %swap3A_617 : vector<1x16xf32> to vector<16xf32>
        %swap3A_619 = vector.shape_cast %get3A_615 : vector<16xf32> to vector<1x16xf32>
        tpu.vector_store %arg9[%swap3A, %swap3A_616], %swap3A_619 {add = true, strides = array<i32>} : memref<200x128xf32, #tpu.memory_space<vmem>>, vector<1x16xf32>,
        %get3A_620 = arith.index_cast %add3A_612 : i32 to index
        %get3A_621 = arith.constant 16 : index
        %get3A_622 = tpu.vector_load %arg6[%get3A_620, %get3A_621] {strides = array<i32>} : memref<200x128xf32, #tpu.memory_space<vmem>>, vector<1x16xf32>,
        %get3A_623 = vector.shape_cast %get3A_622 : vector<1x16xf32> to vector<16xf32>
        %swap3A_624 = arith.index_cast %add3A_612 : i32 to index
        %swap3A_625 = arith.constant 16 : index
        %swap3A_626 = tpu.vector_load %arg9[%swap3A_624, %swap3A_625] {strides = array<i32>} : memref<200x128xf32, #tpu.memory_space<vmem>>, vector<1x16xf32>,
        %swap3A_627 = vector.shape_cast %swap3A_626 : vector<1x16xf32> to vector<16xf32>
        %swap3A_628 = vector.shape_cast %get3A_623 : vector<16xf32> to vector<1x16xf32>
        tpu.vector_store %arg9[%swap3A_624, %swap3A_625], %swap3A_628 {add = true, strides = array<i32>} : memref<200x128xf32, #tpu.memory_space<vmem>>, vector<1x16xf32>,
        %get3A_629 = arith.index_cast %add3A_612 : i32 to index
        %get3A_630 = arith.constant 32 : index
        %get3A_631 = tpu.vector_load %arg6[%get3A_629, %get3A_630] {strides = array<i32>} : memref<200x128xf32, #tpu.memory_space<vmem>>, vector<1x16xf32>,
        %get3A_632 = vector.shape_cast %get3A_631 : vector<1x16xf32> to vector<16xf32>
        %swap3A_633 = arith.index_cast %add3A_612 : i32 to index
        %swap3A_634 = arith.constant 32 : index
        %swap3A_635 = tpu.vector_load %arg9[%swap3A_633, %swap3A_634] {strides = array<i32>} : memref<200x128xf32, #tpu.memory_space<vmem>>, vector<1x16xf32>,
        %swap3A_636 = vector.shape_cast %swap3A_635 : vector<1x16xf32> to vector<16xf32>
        %swap3A_637 = vector.shape_cast %get3A_632 : vector<16xf32> to vector<1x16xf32>
        tpu.vector_store %arg9[%swap3A_633, %swap3A_634], %swap3A_637 {add = true, strides = array<i32>} : memref<200x128xf32, #tpu.memory_space<vmem>>, vector<1x16xf32>,
        %get3A_638 = arith.index_cast %add3A_612 : i32 to index
        %get3A_639 = arith.constant 48 : index
        %get3A_640 = tpu.vector_load %arg6[%get3A_638, %get3A_639] {strides = array<i32>} : memref<200x128xf32, #tpu.memory_space<vmem>>, vector<1x16xf32>,
        %get3A_641 = vector.shape_cast %get3A_640 : vector<1x16xf32> to vector<16xf32>
        %swap3A_642 = arith.index_cast %add3A_612 : i32 to index
        %swap3A_643 = arith.constant 48 : index
        %swap3A_644 = tpu.vector_load %arg9[%swap3A_642, %swap3A_643] {strides = array<i32>} : memref<200x128xf32, #tpu.memory_space<vmem>>, vector<1x16xf32>,
        %swap3A_645 = vector.shape_cast %swap3A_644 : vector<1x16xf32> to vector<16xf32>
        %swap3A_646 = vector.shape_cast %get3A_641 : vector<16xf32> to vector<1x16xf32>
        tpu.vector_store %arg9[%swap3A_642, %swap3A_643], %swap3A_646 {add = true, strides = array<i32>} : memref<200x128xf32, #tpu.memory_space<vmem>>, vector<1x16xf32>,
        %get3A_647 = arith.index_cast %add3A_612 : i32 to index
        %get3A_648 = arith.constant 64 : index
        %get3A_649 = tpu.vector_load %arg6[%get3A_647, %get3A_648] {strides = array<i32>} : memref<200x128xf32, #tpu.memory_space<vmem>>, vector<1x16xf32>,
        %get3A_650 = vector.shape_cast %get3A_649 : vector<1x16xf32> to vector<16xf32>
        %swap3A_651 = arith.index_cast %add3A_612 : i32 to index
        %swap3A_652 = arith.constant 64 : index
        %swap3A_653 = tpu.vector_load %arg9[%swap3A_651, %swap3A_652] {strides = array<i32>} : memref<200x128xf32, #tpu.memory_space<vmem>>, vector<1x16xf32>,
        %swap3A_654 = vector.shape_cast %swap3A_653 : vector<1x16xf32> to vector<16xf32>
        %swap3A_655 = vector.shape_cast %get3A_650 : vector<16xf32> to vector<1x16xf32>
        tpu.vector_store %arg9[%swap3A_651, %swap3A_652], %swap3A_655 {add = true, strides = array<i32>} : memref<200x128xf32, #tpu.memory_space<vmem>>, vector<1x16xf32>,
        %get3A_656 = arith.index_cast %add3A_612 : i32 to index
        %get3A_657 = arith.constant 80 : index
        %get3A_658 = tpu.vector_load %arg6[%get3A_656, %get3A_657] {strides = array<i32>} : memref<200x128xf32, #tpu.memory_space<vmem>>, vector<1x16xf32>,
        %get3A_659 = vector.shape_cast %get3A_658 : vector<1x16xf32> to vector<16xf32>
        %swap3A_660 = arith.index_cast %add3A_612 : i32 to index
        %swap3A_661 = arith.constant 80 : index
        %swap3A_662 = tpu.vector_load %arg9[%swap3A_660, %swap3A_661] {strides = array<i32>} : memref<200x128xf32, #tpu.memory_space<vmem>>, vector<1x16xf32>,
        %swap3A_663 = vector.shape_cast %swap3A_662 : vector<1x16xf32> to vector<16xf32>
        %swap3A_664 = vector.shape_cast %get3A_659 : vector<16xf32> to vector<1x16xf32>
        tpu.vector_store %arg9[%swap3A_660, %swap3A_661], %swap3A_664 {add = true, strides = array<i32>} : memref<200x128xf32, #tpu.memory_space<vmem>>, vector<1x16xf32>,
        %get3A_665 = arith.index_cast %add3A_612 : i32 to index
        %get3A_666 = arith.constant 96 : index
        %get3A_667 = tpu.vector_load %arg6[%get3A_665, %get3A_666] {strides = array<i32>} : memref<200x128xf32, #tpu.memory_space<vmem>>, vector<1x16xf32>,
        %get3A_668 = vector.shape_cast %get3A_667 : vector<1x16xf32> to vector<16xf32>
        %swap3A_669 = arith.index_cast %add3A_612 : i32 to index
        %swap3A_670 = arith.constant 96 : index
        %swap3A_671 = tpu.vector_load %arg9[%swap3A_669, %swap3A_670] {strides = array<i32>} : memref<200x128xf32, #tpu.memory_space<vmem>>, vector<1x16xf32>,
        %swap3A_672 = vector.shape_cast %swap3A_671 : vector<1x16xf32> to vector<16xf32>
        %swap3A_673 = vector.shape_cast %get3A_668 : vector<16xf32> to vector<1x16xf32>
        tpu.vector_store %arg9[%swap3A_669, %swap3A_670], %swap3A_673 {add = true, strides = array<i32>} : memref<200x128xf32, #tpu.memory_space<vmem>>, vector<1x16xf32>,
        %get3A_674 = arith.index_cast %add3A_612 : i32 to index
        %get3A_675 = arith.constant 112 : index
        %get3A_676 = tpu.vector_load %arg6[%get3A_674, %get3A_675] {strides = array<i32>} : memref<200x128xf32, #tpu.memory_space<vmem>>, vector<1x16xf32>,
        %get3A_677 = vector.shape_cast %get3A_676 : vector<1x16xf32> to vector<16xf32>
        %swap3A_678 = arith.index_cast %add3A_612 : i32 to index
        %swap3A_679 = arith.constant 112 : index
        %swap3A_680 = tpu.vector_load %arg9[%swap3A_678, %swap3A_679] {strides = array<i32>} : memref<200x128xf32, #tpu.memory_space<vmem>>, vector<1x16xf32>,
        %swap3A_681 = vector.shape_cast %swap3A_680 : vector<1x16xf32> to vector<16xf32>
        %swap3A_682 = vector.shape_cast %get3A_677 : vector<16xf32> to vector<1x16xf32>
        tpu.vector_store %arg9[%swap3A_678, %swap3A_679], %swap3A_682 {add = true, strides = array<i32>} : memref<200x128xf32, #tpu.memory_space<vmem>>, vector<1x16xf32>,
        %mul3A_683 = arith.constant 4 : i32
        %mul3A_684 = arith.muli %scan3A_606, %mul3A_683 : i32
        %add3A_685 = arith.constant 104 : i32
        %add3A_686 = arith.addi %add3A_685, %mul3A_684 : i32
        %add3A_687 = arith.constant 1 : i32
        %add3A_688 = arith.addi %add3A_686, %add3A_687 : i32
        %get3A_689 = arith.index_cast %add3A_688 : i32 to index
        %get3A_690 = arith.constant 0 : index
        %get3A_691 = tpu.vector_load %arg6[%get3A_689, %get3A_690] {strides = array<i32>} : memref<200x128xf32, #tpu.memory_space<vmem>>, vector<1x16xf32>,
        %get3A_692 = vector.shape_cast %get3A_691 : vector<1x16xf32> to vector<16xf32>
        %swap3A_693 = arith.index_cast %add3A_688 : i32 to index
        %swap3A_694 = arith.constant 0 : index
        %swap3A_695 = tpu.vector_load %arg9[%swap3A_693, %swap3A_694] {strides = array<i32>} : memref<200x128xf32, #tpu.memory_space<vmem>>, vector<1x16xf32>,
        %swap3A_696 = vector.shape_cast %swap3A_695 : vector<1x16xf32> to vector<16xf32>
        %swap3A_697 = vector.shape_cast %get3A_692 : vector<16xf32> to vector<1x16xf32>
        tpu.vector_store %arg9[%swap3A_693, %swap3A_694], %swap3A_697 {add = true, strides = array<i32>} : memref<200x128xf32, #tpu.memory_space<vmem>>, vector<1x16xf32>,
        %get3A_698 = arith.index_cast %add3A_688 : i32 to index
        %get3A_699 = arith.constant 16 : index
        %get3A_700 = tpu.vector_load %arg6[%get3A_698, %get3A_699] {strides = array<i32>} : memref<200x128xf32, #tpu.memory_space<vmem>>, vector<1x16xf32>,
        %get3A_701 = vector.shape_cast %get3A_700 : vector<1x16xf32> to vector<16xf32>
        %swap3A_702 = arith.index_cast %add3A_688 : i32 to index
        %swap3A_703 = arith.constant 16 : index
        %swap3A_704 = tpu.vector_load %arg9[%swap3A_702, %swap3A_703] {strides = array<i32>} : memref<200x128xf32, #tpu.memory_space<vmem>>, vector<1x16xf32>,
        %swap3A_705 = vector.shape_cast %swap3A_704 : vector<1x16xf32> to vector<16xf32>
        %swap3A_706 = vector.shape_cast %get3A_701 : vector<16xf32> to vector<1x16xf32>
        tpu.vector_store %arg9[%swap3A_702, %swap3A_703], %swap3A_706 {add = true, strides = array<i32>} : memref<200x128xf32, #tpu.memory_space<vmem>>, vector<1x16xf32>,
        %get3A_707 = arith.index_cast %add3A_688 : i32 to index
        %get3A_708 = arith.constant 32 : index
        %get3A_709 = tpu.vector_load %arg6[%get3A_707, %get3A_708] {strides = array<i32>} : memref<200x128xf32, #tpu.memory_space<vmem>>, vector<1x16xf32>,
        %get3A_710 = vector.shape_cast %get3A_709 : vector<1x16xf32> to vector<16xf32>
        %swap3A_711 = arith.index_cast %add3A_688 : i32 to index
        %swap3A_712 = arith.constant 32 : index
        %swap3A_713 = tpu.vector_load %arg9[%swap3A_711, %swap3A_712] {strides = array<i32>} : memref<200x128xf32, #tpu.memory_space<vmem>>, vector<1x16xf32>,
        %swap3A_714 = vector.shape_cast %swap3A_713 : vector<1x16xf32> to vector<16xf32>
        %swap3A_715 = vector.shape_cast %get3A_710 : vector<16xf32> to vector<1x16xf32>
        tpu.vector_store %arg9[%swap3A_711, %swap3A_712], %swap3A_715 {add = true, strides = array<i32>} : memref<200x128xf32, #tpu.memory_space<vmem>>, vector<1x16xf32>,
        %get3A_716 = arith.index_cast %add3A_688 : i32 to index
        %get3A_717 = arith.constant 48 : index
        %get3A_718 = tpu.vector_load %arg6[%get3A_716, %get3A_717] {strides = array<i32>} : memref<200x128xf32, #tpu.memory_space<vmem>>, vector<1x16xf32>,
        %get3A_719 = vector.shape_cast %get3A_718 : vector<1x16xf32> to vector<16xf32>
        %swap3A_720 = arith.index_cast %add3A_688 : i32 to index
        %swap3A_721 = arith.constant 48 : index
        %swap3A_722 = tpu.vector_load %arg9[%swap3A_720, %swap3A_721] {strides = array<i32>} : memref<200x128xf32, #tpu.memory_space<vmem>>, vector<1x16xf32>,
        %swap3A_723 = vector.shape_cast %swap3A_722 : vector<1x16xf32> to vector<16xf32>
        %swap3A_724 = vector.shape_cast %get3A_719 : vector<16xf32> to vector<1x16xf32>
        tpu.vector_store %arg9[%swap3A_720, %swap3A_721], %swap3A_724 {add = true, strides = array<i32>} : memref<200x128xf32, #tpu.memory_space<vmem>>, vector<1x16xf32>,
        %get3A_725 = arith.index_cast %add3A_688 : i32 to index
        %get3A_726 = arith.constant 64 : index
        %get3A_727 = tpu.vector_load %arg6[%get3A_725, %get3A_726] {strides = array<i32>} : memref<200x128xf32, #tpu.memory_space<vmem>>, vector<1x16xf32>,
        %get3A_728 = vector.shape_cast %get3A_727 : vector<1x16xf32> to vector<16xf32>
        %swap3A_729 = arith.index_cast %add3A_688 : i32 to index
        %swap3A_730 = arith.constant 64 : index
        %swap3A_731 = tpu.vector_load %arg9[%swap3A_729, %swap3A_730] {strides = array<i32>} : memref<200x128xf32, #tpu.memory_space<vmem>>, vector<1x16xf32>,
        %swap3A_732 = vector.shape_cast %swap3A_731 : vector<1x16xf32> to vector<16xf32>
        %swap3A_733 = vector.shape_cast %get3A_728 : vector<16xf32> to vector<1x16xf32>
        tpu.vector_store %arg9[%swap3A_729, %swap3A_730], %swap3A_733 {add = true, strides = array<i32>} : memref<200x128xf32, #tpu.memory_space<vmem>>, vector<1x16xf32>,
        %get3A_734 = arith.index_cast %add3A_688 : i32 to index
        %get3A_735 = arith.constant 80 : index
        %get3A_736 = tpu.vector_load %arg6[%get3A_734, %get3A_735] {strides = array<i32>} : memref<200x128xf32, #tpu.memory_space<vmem>>, vector<1x16xf32>,
        %get3A_737 = vector.shape_cast %get3A_736 : vector<1x16xf32> to vector<16xf32>
        %swap3A_738 = arith.index_cast %add3A_688 : i32 to index
        %swap3A_739 = arith.constant 80 : index
        %swap3A_740 = tpu.vector_load %arg9[%swap3A_738, %swap3A_739] {strides = array<i32>} : memref<200x128xf32, #tpu.memory_space<vmem>>, vector<1x16xf32>,
        %swap3A_741 = vector.shape_cast %swap3A_740 : vector<1x16xf32> to vector<16xf32>
        %swap3A_742 = vector.shape_cast %get3A_737 : vector<16xf32> to vector<1x16xf32>
        tpu.vector_store %arg9[%swap3A_738, %swap3A_739], %swap3A_742 {add = true, strides = array<i32>} : memref<200x128xf32, #tpu.memory_space<vmem>>, vector<1x16xf32>,
        %get3A_743 = arith.index_cast %add3A_688 : i32 to index
        %get3A_744 = arith.constant 96 : index
        %get3A_745 = tpu.vector_load %arg6[%get3A_743, %get3A_744] {strides = array<i32>} : memref<200x128xf32, #tpu.memory_space<vmem>>, vector<1x16xf32>,
        %get3A_746 = vector.shape_cast %get3A_745 : vector<1x16xf32> to vector<16xf32>
        %swap3A_747 = arith.index_cast %add3A_688 : i32 to index
        %swap3A_748 = arith.constant 96 : index
        %swap3A_749 = tpu.vector_load %arg9[%swap3A_747, %swap3A_748] {strides = array<i32>} : memref<200x128xf32, #tpu.memory_space<vmem>>, vector<1x16xf32>,
        %swap3A_750 = vector.shape_cast %swap3A_749 : vector<1x16xf32> to vector<16xf32>
        %swap3A_751 = vector.shape_cast %get3A_746 : vector<16xf32> to vector<1x16xf32>
        tpu.vector_store %arg9[%swap3A_747, %swap3A_748], %swap3A_751 {add = true, strides = array<i32>} : memref<200x128xf32, #tpu.memory_space<vmem>>, vector<1x16xf32>,
        %get3A_752 = arith.index_cast %add3A_688 : i32 to index
        %get3A_753 = arith.constant 112 : index
        %get3A_754 = tpu.vector_load %arg6[%get3A_752, %get3A_753] {strides = array<i32>} : memref<200x128xf32, #tpu.memory_space<vmem>>, vector<1x16xf32>,
        %get3A_755 = vector.shape_cast %get3A_754 : vector<1x16xf32> to vector<16xf32>
        %swap3A_756 = arith.index_cast %add3A_688 : i32 to index
        %swap3A_757 = arith.constant 112 : index
        %swap3A_758 = tpu.vector_load %arg9[%swap3A_756, %swap3A_757] {strides = array<i32>} : memref<200x128xf32, #tpu.memory_space<vmem>>, vector<1x16xf32>,
        %swap3A_759 = vector.shape_cast %swap3A_758 : vector<1x16xf32> to vector<16xf32>
        %swap3A_760 = vector.shape_cast %get3A_755 : vector<16xf32> to vector<1x16xf32>
        tpu.vector_store %arg9[%swap3A_756, %swap3A_757], %swap3A_760 {add = true, strides = array<i32>} : memref<200x128xf32, #tpu.memory_space<vmem>>, vector<1x16xf32>,
        %mul3A_761 = arith.constant 4 : i32
        %mul3A_762 = arith.muli %scan3A_606, %mul3A_761 : i32
        %add3A_763 = arith.constant 104 : i32
        %add3A_764 = arith.addi %add3A_763, %mul3A_762 : i32
        %add3A_765 = arith.constant 2 : i32
        %add3A_766 = arith.addi %add3A_764, %add3A_765 : i32
        %get3A_767 = arith.index_cast %add3A_766 : i32 to index
        %get3A_768 = arith.constant 0 : index
        %get3A_769 = tpu.vector_load %arg6[%get3A_767, %get3A_768] {strides = array<i32>} : memref<200x128xf32, #tpu.memory_space<vmem>>, vector<1x16xf32>,
        %get3A_770 = vector.shape_cast %get3A_769 : vector<1x16xf32> to vector<16xf32>
        %swap3A_771 = arith.index_cast %add3A_766 : i32 to index
        %swap3A_772 = arith.constant 0 : index
        %swap3A_773 = tpu.vector_load %arg9[%swap3A_771, %swap3A_772] {strides = array<i32>} : memref<200x128xf32, #tpu.memory_space<vmem>>, vector<1x16xf32>,
        %swap3A_774 = vector.shape_cast %swap3A_773 : vector<1x16xf32> to vector<16xf32>
        %swap3A_775 = vector.shape_cast %get3A_770 : vector<16xf32> to vector<1x16xf32>
        tpu.vector_store %arg9[%swap3A_771, %swap3A_772], %swap3A_775 {add = true, strides = array<i32>} : memref<200x128xf32, #tpu.memory_space<vmem>>, vector<1x16xf32>,
        %get3A_776 = arith.index_cast %add3A_766 : i32 to index
        %get3A_777 = arith.constant 16 : index
        %get3A_778 = tpu.vector_load %arg6[%get3A_776, %get3A_777] {strides = array<i32>} : memref<200x128xf32, #tpu.memory_space<vmem>>, vector<1x16xf32>,
        %get3A_779 = vector.shape_cast %get3A_778 : vector<1x16xf32> to vector<16xf32>
        %swap3A_780 = arith.index_cast %add3A_766 : i32 to index
        %swap3A_781 = arith.constant 16 : index
        %swap3A_782 = tpu.vector_load %arg9[%swap3A_780, %swap3A_781] {strides = array<i32>} : memref<200x128xf32, #tpu.memory_space<vmem>>, vector<1x16xf32>,
        %swap3A_783 = vector.shape_cast %swap3A_782 : vector<1x16xf32> to vector<16xf32>
        %swap3A_784 = vector.shape_cast %get3A_779 : vector<16xf32> to vector<1x16xf32>
        tpu.vector_store %arg9[%swap3A_780, %swap3A_781], %swap3A_784 {add = true, strides = array<i32>} : memref<200x128xf32, #tpu.memory_space<vmem>>, vector<1x16xf32>,
        %get3A_785 = arith.index_cast %add3A_766 : i32 to index
        %get3A_786 = arith.constant 32 : index
        %get3A_787 = tpu.vector_load %arg6[%get3A_785, %get3A_786] {strides = array<i32>} : memref<200x128xf32, #tpu.memory_space<vmem>>, vector<1x16xf32>,
        %get3A_788 = vector.shape_cast %get3A_787 : vector<1x16xf32> to vector<16xf32>
        %swap3A_789 = arith.index_cast %add3A_766 : i32 to index
        %swap3A_790 = arith.constant 32 : index
        %swap3A_791 = tpu.vector_load %arg9[%swap3A_789, %swap3A_790] {strides = array<i32>} : memref<200x128xf32, #tpu.memory_space<vmem>>, vector<1x16xf32>,
        %swap3A_792 = vector.shape_cast %swap3A_791 : vector<1x16xf32> to vector<16xf32>
        %swap3A_793 = vector.shape_cast %get3A_788 : vector<16xf32> to vector<1x16xf32>
        tpu.vector_store %arg9[%swap3A_789, %swap3A_790], %swap3A_793 {add = true, strides = array<i32>} : memref<200x128xf32, #tpu.memory_space<vmem>>, vector<1x16xf32>,
        %get3A_794 = arith.index_cast %add3A_766 : i32 to index
        %get3A_795 = arith.constant 48 : index
        %get3A_796 = tpu.vector_load %arg6[%get3A_794, %get3A_795] {strides = array<i32>} : memref<200x128xf32, #tpu.memory_space<vmem>>, vector<1x16xf32>,
        %get3A_797 = vector.shape_cast %get3A_796 : vector<1x16xf32> to vector<16xf32>
        %swap3A_798 = arith.index_cast %add3A_766 : i32 to index
        %swap3A_799 = arith.constant 48 : index
        %swap3A_800 = tpu.vector_load %arg9[%swap3A_798, %swap3A_799] {strides = array<i32>} : memref<200x128xf32, #tpu.memory_space<vmem>>, vector<1x16xf32>,
        %swap3A_801 = vector.shape_cast %swap3A_800 : vector<1x16xf32> to vector<16xf32>
        %swap3A_802 = vector.shape_cast %get3A_797 : vector<16xf32> to vector<1x16xf32>
        tpu.vector_store %arg9[%swap3A_798, %swap3A_799], %swap3A_802 {add = true, strides = array<i32>} : memref<200x128xf32, #tpu.memory_space<vmem>>, vector<1x16xf32>,
        %get3A_803 = arith.index_cast %add3A_766 : i32 to index
        %get3A_804 = arith.constant 64 : index
        %get3A_805 = tpu.vector_load %arg6[%get3A_803, %get3A_804] {strides = array<i32>} : memref<200x128xf32, #tpu.memory_space<vmem>>, vector<1x16xf32>,
        %get3A_806 = vector.shape_cast %get3A_805 : vector<1x16xf32> to vector<16xf32>
        %swap3A_807 = arith.index_cast %add3A_766 : i32 to index
        %swap3A_808 = arith.constant 64 : index
        %swap3A_809 = tpu.vector_load %arg9[%swap3A_807, %swap3A_808] {strides = array<i32>} : memref<200x128xf32, #tpu.memory_space<vmem>>, vector<1x16xf32>,
        %swap3A_810 = vector.shape_cast %swap3A_809 : vector<1x16xf32> to vector<16xf32>
        %swap3A_811 = vector.shape_cast %get3A_806 : vector<16xf32> to vector<1x16xf32>
        tpu.vector_store %arg9[%swap3A_807, %swap3A_808], %swap3A_811 {add = true, strides = array<i32>} : memref<200x128xf32, #tpu.memory_space<vmem>>, vector<1x16xf32>,
        %get3A_812 = arith.index_cast %add3A_766 : i32 to index
        %get3A_813 = arith.constant 80 : index
        %get3A_814 = tpu.vector_load %arg6[%get3A_812, %get3A_813] {strides = array<i32>} : memref<200x128xf32, #tpu.memory_space<vmem>>, vector<1x16xf32>,
        %get3A_815 = vector.shape_cast %get3A_814 : vector<1x16xf32> to vector<16xf32>
        %swap3A_816 = arith.index_cast %add3A_766 : i32 to index
        %swap3A_817 = arith.constant 80 : index
        %swap3A_818 = tpu.vector_load %arg9[%swap3A_816, %swap3A_817] {strides = array<i32>} : memref<200x128xf32, #tpu.memory_space<vmem>>, vector<1x16xf32>,
        %swap3A_819 = vector.shape_cast %swap3A_818 : vector<1x16xf32> to vector<16xf32>
        %swap3A_820 = vector.shape_cast %get3A_815 : vector<16xf32> to vector<1x16xf32>
        tpu.vector_store %arg9[%swap3A_816, %swap3A_817], %swap3A_820 {add = true, strides = array<i32>} : memref<200x128xf32, #tpu.memory_space<vmem>>, vector<1x16xf32>,
        %get3A_821 = arith.index_cast %add3A_766 : i32 to index
        %get3A_822 = arith.constant 96 : index
        %get3A_823 = tpu.vector_load %arg6[%get3A_821, %get3A_822] {strides = array<i32>} : memref<200x128xf32, #tpu.memory_space<vmem>>, vector<1x16xf32>,
        %get3A_824 = vector.shape_cast %get3A_823 : vector<1x16xf32> to vector<16xf32>
        %swap3A_825 = arith.index_cast %add3A_766 : i32 to index
        %swap3A_826 = arith.constant 96 : index
        %swap3A_827 = tpu.vector_load %arg9[%swap3A_825, %swap3A_826] {strides = array<i32>} : memref<200x128xf32, #tpu.memory_space<vmem>>, vector<1x16xf32>,
        %swap3A_828 = vector.shape_cast %swap3A_827 : vector<1x16xf32> to vector<16xf32>
        %swap3A_829 = vector.shape_cast %get3A_824 : vector<16xf32> to vector<1x16xf32>
        tpu.vector_store %arg9[%swap3A_825, %swap3A_826], %swap3A_829 {add = true, strides = array<i32>} : memref<200x128xf32, #tpu.memory_space<vmem>>, vector<1x16xf32>,
        %get3A_830 = arith.index_cast %add3A_766 : i32 to index
        %get3A_831 = arith.constant 112 : index
        %get3A_832 = tpu.vector_load %arg6[%get3A_830, %get3A_831] {strides = array<i32>} : memref<200x128xf32, #tpu.memory_space<vmem>>, vector<1x16xf32>,
        %get3A_833 = vector.shape_cast %get3A_832 : vector<1x16xf32> to vector<16xf32>
        %swap3A_834 = arith.index_cast %add3A_766 : i32 to index
        %swap3A_835 = arith.constant 112 : index
        %swap3A_836 = tpu.vector_load %arg9[%swap3A_834, %swap3A_835] {strides = array<i32>} : memref<200x128xf32, #tpu.memory_space<vmem>>, vector<1x16xf32>,
        %swap3A_837 = vector.shape_cast %swap3A_836 : vector<1x16xf32> to vector<16xf32>
        %swap3A_838 = vector.shape_cast %get3A_833 : vector<16xf32> to vector<1x16xf32>
        tpu.vector_store %arg9[%swap3A_834, %swap3A_835], %swap3A_838 {add = true, strides = array<i32>} : memref<200x128xf32, #tpu.memory_space<vmem>>, vector<1x16xf32>,
        %mul3A_839 = arith.constant 4 : i32
        %mul3A_840 = arith.muli %scan3A_606, %mul3A_839 : i32
        %add3A_841 = arith.constant 104 : i32
        %add3A_842 = arith.addi %add3A_841, %mul3A_840 : i32
        %add3A_843 = arith.constant 3 : i32
        %add3A_844 = arith.addi %add3A_842, %add3A_843 : i32
        %get3A_845 = arith.index_cast %add3A_844 : i32 to index
        %get3A_846 = arith.constant 0 : index
        %get3A_847 = tpu.vector_load %arg6[%get3A_845, %get3A_846] {strides = array<i32>} : memref<200x128xf32, #tpu.memory_space<vmem>>, vector<1x16xf32>,
        %get3A_848 = vector.shape_cast %get3A_847 : vector<1x16xf32> to vector<16xf32>
        %swap3A_849 = arith.index_cast %add3A_844 : i32 to index
        %swap3A_850 = arith.constant 0 : index
        %swap3A_851 = tpu.vector_load %arg9[%swap3A_849, %swap3A_850] {strides = array<i32>} : memref<200x128xf32, #tpu.memory_space<vmem>>, vector<1x16xf32>,
        %swap3A_852 = vector.shape_cast %swap3A_851 : vector<1x16xf32> to vector<16xf32>
        %swap3A_853 = vector.shape_cast %get3A_848 : vector<16xf32> to vector<1x16xf32>
        tpu.vector_store %arg9[%swap3A_849, %swap3A_850], %swap3A_853 {add = true, strides = array<i32>} : memref<200x128xf32, #tpu.memory_space<vmem>>, vector<1x16xf32>,
        %get3A_854 = arith.index_cast %add3A_844 : i32 to index
        %get3A_855 = arith.constant 16 : index
        %get3A_856 = tpu.vector_load %arg6[%get3A_854, %get3A_855] {strides = array<i32>} : memref<200x128xf32, #tpu.memory_space<vmem>>, vector<1x16xf32>,
        %get3A_857 = vector.shape_cast %get3A_856 : vector<1x16xf32> to vector<16xf32>
        %swap3A_858 = arith.index_cast %add3A_844 : i32 to index
        %swap3A_859 = arith.constant 16 : index
        %swap3A_860 = tpu.vector_load %arg9[%swap3A_858, %swap3A_859] {strides = array<i32>} : memref<200x128xf32, #tpu.memory_space<vmem>>, vector<1x16xf32>,
        %swap3A_861 = vector.shape_cast %swap3A_860 : vector<1x16xf32> to vector<16xf32>
        %swap3A_862 = vector.shape_cast %get3A_857 : vector<16xf32> to vector<1x16xf32>
        tpu.vector_store %arg9[%swap3A_858, %swap3A_859], %swap3A_862 {add = true, strides = array<i32>} : memref<200x128xf32, #tpu.memory_space<vmem>>, vector<1x16xf32>,
        %get3A_863 = arith.index_cast %add3A_844 : i32 to index
        %get3A_864 = arith.constant 32 : index
        %get3A_865 = tpu.vector_load %arg6[%get3A_863, %get3A_864] {strides = array<i32>} : memref<200x128xf32, #tpu.memory_space<vmem>>, vector<1x16xf32>,
        %get3A_866 = vector.shape_cast %get3A_865 : vector<1x16xf32> to vector<16xf32>
        %swap3A_867 = arith.index_cast %add3A_844 : i32 to index
        %swap3A_868 = arith.constant 32 : index
        %swap3A_869 = tpu.vector_load %arg9[%swap3A_867, %swap3A_868] {strides = array<i32>} : memref<200x128xf32, #tpu.memory_space<vmem>>, vector<1x16xf32>,
        %swap3A_870 = vector.shape_cast %swap3A_869 : vector<1x16xf32> to vector<16xf32>
        %swap3A_871 = vector.shape_cast %get3A_866 : vector<16xf32> to vector<1x16xf32>
        tpu.vector_store %arg9[%swap3A_867, %swap3A_868], %swap3A_871 {add = true, strides = array<i32>} : memref<200x128xf32, #tpu.memory_space<vmem>>, vector<1x16xf32>,
        %get3A_872 = arith.index_cast %add3A_844 : i32 to index
        %get3A_873 = arith.constant 48 : index
        %get3A_874 = tpu.vector_load %arg6[%get3A_872, %get3A_873] {strides = array<i32>} : memref<200x128xf32, #tpu.memory_space<vmem>>, vector<1x16xf32>,
        %get3A_875 = vector.shape_cast %get3A_874 : vector<1x16xf32> to vector<16xf32>
        %swap3A_876 = arith.index_cast %add3A_844 : i32 to index
        %swap3A_877 = arith.constant 48 : index
        %swap3A_878 = tpu.vector_load %arg9[%swap3A_876, %swap3A_877] {strides = array<i32>} : memref<200x128xf32, #tpu.memory_space<vmem>>, vector<1x16xf32>,
        %swap3A_879 = vector.shape_cast %swap3A_878 : vector<1x16xf32> to vector<16xf32>
        %swap3A_880 = vector.shape_cast %get3A_875 : vector<16xf32> to vector<1x16xf32>
        tpu.vector_store %arg9[%swap3A_876, %swap3A_877], %swap3A_880 {add = true, strides = array<i32>} : memref<200x128xf32, #tpu.memory_space<vmem>>, vector<1x16xf32>,
        %get3A_881 = arith.index_cast %add3A_844 : i32 to index
        %get3A_882 = arith.constant 64 : index
        %get3A_883 = tpu.vector_load %arg6[%get3A_881, %get3A_882] {strides = array<i32>} : memref<200x128xf32, #tpu.memory_space<vmem>>, vector<1x16xf32>,
        %get3A_884 = vector.shape_cast %get3A_883 : vector<1x16xf32> to vector<16xf32>
        %swap3A_885 = arith.index_cast %add3A_844 : i32 to index
        %swap3A_886 = arith.constant 64 : index
        %swap3A_887 = tpu.vector_load %arg9[%swap3A_885, %swap3A_886] {strides = array<i32>} : memref<200x128xf32, #tpu.memory_space<vmem>>, vector<1x16xf32>,
        %swap3A_888 = vector.shape_cast %swap3A_887 : vector<1x16xf32> to vector<16xf32>
        %swap3A_889 = vector.shape_cast %get3A_884 : vector<16xf32> to vector<1x16xf32>
        tpu.vector_store %arg9[%swap3A_885, %swap3A_886], %swap3A_889 {add = true, strides = array<i32>} : memref<200x128xf32, #tpu.memory_space<vmem>>, vector<1x16xf32>,
        %get3A_890 = arith.index_cast %add3A_844 : i32 to index
        %get3A_891 = arith.constant 80 : index
        %get3A_892 = tpu.vector_load %arg6[%get3A_890, %get3A_891] {strides = array<i32>} : memref<200x128xf32, #tpu.memory_space<vmem>>, vector<1x16xf32>,
        %get3A_893 = vector.shape_cast %get3A_892 : vector<1x16xf32> to vector<16xf32>
        %swap3A_894 = arith.index_cast %add3A_844 : i32 to index
        %swap3A_895 = arith.constant 80 : index
        %swap3A_896 = tpu.vector_load %arg9[%swap3A_894, %swap3A_895] {strides = array<i32>} : memref<200x128xf32, #tpu.memory_space<vmem>>, vector<1x16xf32>,
        %swap3A_897 = vector.shape_cast %swap3A_896 : vector<1x16xf32> to vector<16xf32>
        %swap3A_898 = vector.shape_cast %get3A_893 : vector<16xf32> to vector<1x16xf32>
        tpu.vector_store %arg9[%swap3A_894, %swap3A_895], %swap3A_898 {add = true, strides = array<i32>} : memref<200x128xf32, #tpu.memory_space<vmem>>, vector<1x16xf32>,
        %get3A_899 = arith.index_cast %add3A_844 : i32 to index
        %get3A_900 = arith.constant 96 : index
        %get3A_901 = tpu.vector_load %arg6[%get3A_899, %get3A_900] {strides = array<i32>} : memref<200x128xf32, #tpu.memory_space<vmem>>, vector<1x16xf32>,
        %get3A_902 = vector.shape_cast %get3A_901 : vector<1x16xf32> to vector<16xf32>
        %swap3A_903 = arith.index_cast %add3A_844 : i32 to index
        %swap3A_904 = arith.constant 96 : index
        %swap3A_905 = tpu.vector_load %arg9[%swap3A_903, %swap3A_904] {strides = array<i32>} : memref<200x128xf32, #tpu.memory_space<vmem>>, vector<1x16xf32>,
        %swap3A_906 = vector.shape_cast %swap3A_905 : vector<1x16xf32> to vector<16xf32>
        %swap3A_907 = vector.shape_cast %get3A_902 : vector<16xf32> to vector<1x16xf32>
        tpu.vector_store %arg9[%swap3A_903, %swap3A_904], %swap3A_907 {add = true, strides = array<i32>} : memref<200x128xf32, #tpu.memory_space<vmem>>, vector<1x16xf32>,
        %get3A_908 = arith.index_cast %add3A_844 : i32 to index
        %get3A_909 = arith.constant 112 : index
        %get3A_910 = tpu.vector_load %arg6[%get3A_908, %get3A_909] {strides = array<i32>} : memref<200x128xf32, #tpu.memory_space<vmem>>, vector<1x16xf32>,
        %get3A_911 = vector.shape_cast %get3A_910 : vector<1x16xf32> to vector<16xf32>
        %swap3A_912 = arith.index_cast %add3A_844 : i32 to index
        %swap3A_913 = arith.constant 112 : index
        %swap3A_914 = tpu.vector_load %arg9[%swap3A_912, %swap3A_913] {strides = array<i32>} : memref<200x128xf32, #tpu.memory_space<vmem>>, vector<1x16xf32>,
        %swap3A_915 = vector.shape_cast %swap3A_914 : vector<1x16xf32> to vector<16xf32>
        %swap3A_916 = vector.shape_cast %get3A_911 : vector<16xf32> to vector<1x16xf32>
        tpu.vector_store %arg9[%swap3A_912, %swap3A_913], %swap3A_916 {add = true, strides = array<i32>} : memref<200x128xf32, #tpu.memory_space<vmem>>, vector<1x16xf32>,
      }
      %scan3A_590 = arith.constant 24 : i32
      %add3A_591 = arith.addi %mul3A_2, %add3A_553 : i32
      %mul3A_592 = arith.constant 200 : i32
      %mul3A_593 = arith.muli %add3A_591, %mul3A_592 : i32
      %add3A_594 = arith.constant 104 : i32
      %add3A_595 = arith.addi %mul3A_593, %add3A_594 : i32
      %dma_start3A_596 = arith.constant 104 : i32
      %dma_start3A_597 = arith.constant 0 : i32
      %dma_start3A_598 = tpu.memref_slice %arg9[%dma_start3A_596, %dma_start3A_597] : memref<200x128xf32, #tpu.memory_space<vmem>> -> memref<96x128xf32, #tpu.memory_space<vmem>>
      %dma_start3A_599 = arith.constant 0 : i32
      %dma_start3A_600 = tpu.memref_slice %arg4[%add3A_595, %dma_start3A_599] : memref<819200x128xf32, #tpu.memory_space<hbm>> -> memref<96x128xf32, #tpu.memory_space<hbm>>
      %dma_start3A_601 = arith.constant 0 : i32
      %dma_start3A_602 = tpu.memref_slice %arg4[%add3A_595, %dma_start3A_601] : memref<819200x128xf32, #tpu.memory_space<hbm>> -> memref<96x128xf32, #tpu.memory_space<hbm>>
      %dma_start3A_603 = arith.constant 104 : i32
      %dma_start3A_604 = arith.constant 0 : i32
      %dma_start3A_605 = tpu.memref_slice %arg9[%dma_start3A_603, %dma_start3A_604] : memref<200x128xf32, #tpu.memory_space<vmem>> -> memref<96x128xf32, #tpu.memory_space<vmem>>
      tpu.enqueue_dma source(%dma_start3A_605 : memref<96x128xf32, #tpu.memory_space<vmem>>) target(%dma_start3A_602 : memref<96x128xf32, #tpu.memory_space<hbm>>) target_semaphore(%arg11 : memref<!tpu.dma_semaphore, #tpu.memory_space<semaphore_mem>>)
    }
    %scan3A_32 = arith.constant 42 : i32
    %dma_wait3A = arith.constant 0 : i32
    %dma_wait3A_33 = arith.constant 0 : i32
    %dma_wait3A_34 = tpu.memref_slice %arg7[%dma_wait3A, %dma_wait3A_33] : memref<200x128xf32, #tpu.memory_space<vmem>> -> memref<104x128xf32, #tpu.memory_space<vmem>>
    %dma_wait3A_35 = arith.constant 25200 : i32
    %dma_wait3A_36 = tpu.memref_slice %arg5[%dma_wait3A_35] : memref<25600xi32, #tpu.memory_space<vmem>> -> memref<104xi32, #tpu.memory_space<vmem>>
    %dma_wait3A_37 = arith.constant 0 : i32
    %dma_wait3A_38 = arith.constant 0 : i32
    %dma_wait3A_39 = tpu.memref_slice %arg3[%dma_wait3A_37, %dma_wait3A_38] : memref<102000x128xf32, #tpu.memory_space<hbm>> -> memref<102000x128xf32, #tpu.memory_space<hbm>>
    tpu.wait_indirect_dma semaphore(%arg10 : memref<!tpu.dma_semaphore, #tpu.memory_space<semaphore_mem>>) src(%dma_wait3A_39 : memref<102000x128xf32, #tpu.memory_space<hbm>>) dst(%dma_wait3A_34 : memref<104x128xf32, #tpu.memory_space<vmem>>)
    %add3A_40 = arith.constant 124 : i32
    %add3A_41 = arith.addi %mul3A_2, %add3A_40 : i32
    %mul3A_42 = arith.constant 200 : i32
    %mul3A_43 = arith.muli %add3A_41, %mul3A_42 : i32
    %add3A_44 = arith.constant 104 : i32
    %add3A_45 = arith.addi %mul3A_43, %add3A_44 : i32
    %dma_wait3A_46 = arith.constant 104 : i32
    %dma_wait3A_47 = arith.constant 0 : i32
    %dma_wait3A_48 = tpu.memref_slice %arg8[%dma_wait3A_46, %dma_wait3A_47] : memref<200x128xf32, #tpu.memory_space<vmem>> -> memref<96x128xf32, #tpu.memory_space<vmem>>
    %dma_wait3A_49 = arith.constant 0 : i32
    %dma_wait3A_50 = tpu.memref_slice %arg4[%add3A_45, %dma_wait3A_49] : memref<819200x128xf32, #tpu.memory_space<hbm>> -> memref<96x128xf32, #tpu.memory_space<hbm>>
    %dma_wait3A_51 = arith.constant 0 : i32
    %dma_wait3A_52 = tpu.memref_slice %arg4[%add3A_45, %dma_wait3A_51] : memref<819200x128xf32, #tpu.memory_space<hbm>> -> memref<96x128xf32, #tpu.memory_space<hbm>>
    %dma_wait3A_53 = arith.constant 104 : i32
    %dma_wait3A_54 = arith.constant 0 : i32
    %dma_wait3A_55 = tpu.memref_slice %arg8[%dma_wait3A_53, %dma_wait3A_54] : memref<200x128xf32, #tpu.memory_space<vmem>> -> memref<96x128xf32, #tpu.memory_space<vmem>>
    tpu.wait_dma2 semaphore(%arg11 : memref<!tpu.dma_semaphore, #tpu.memory_space<semaphore_mem>>) src(%dma_wait3A_55 : memref<96x128xf32, #tpu.memory_space<vmem>>) dst(%dma_wait3A_52 : memref<96x128xf32, #tpu.memory_space<hbm>>)
    %dma_start3A_56 = arith.constant 104 : i32
    %dma_start3A_57 = arith.constant 0 : i32
    %dma_start3A_58 = tpu.memref_slice %arg8[%dma_start3A_56, %dma_start3A_57] : memref<200x128xf32, #tpu.memory_space<vmem>> -> memref<96x128xf32, #tpu.memory_space<vmem>>
    %dma_start3A_59 = arith.constant 25504 : i32
    %dma_start3A_60 = tpu.memref_slice %arg5[%dma_start3A_59] : memref<25600xi32, #tpu.memory_space<vmem>> -> memref<96xi32, #tpu.memory_space<vmem>>
    %dma_start3A_61 = arith.constant 0 : i32
    %dma_start3A_62 = arith.constant 0 : i32
    %dma_start3A_63 = tpu.memref_slice %arg3[%dma_start3A_61, %dma_start3A_62] : memref<102000x128xf32, #tpu.memory_space<hbm>> -> memref<102000x128xf32, #tpu.memory_space<hbm>>
    tpu.enqueue_indirect_dma source(%dma_start3A_63 : memref<102000x128xf32, #tpu.memory_space<hbm>>) target(%dma_start3A_58 : memref<96x128xf32, #tpu.memory_space<vmem>>) offsets(%dma_start3A_60 : memref<96xi32, #tpu.memory_space<vmem>>) semaphore(%arg10 : memref<!tpu.dma_semaphore, #tpu.memory_space<semaphore_mem>>)
    %scan3A_64 = arith.constant 0 : i32
    %scan3A_65 = arith.constant 0 : i32
    %scan3A_66 = arith.constant 26 : i32
    %scan3A_67 = arith.addi %scan3A_65, %scan3A_66 : i32
    %scan3A_68 = arith.constant 1 : i32
    scf.for %scan3A_272 = %scan3A_65 to %scan3A_67 step %scan3A_68  : i32 {
      %mul3A_273 = arith.constant 4 : i32
      %mul3A_274 = arith.muli %scan3A_272, %mul3A_273 : i32
      %add3A_275 = arith.constant 0 : i32
      %add3A_276 = arith.addi %add3A_275, %mul3A_274 : i32
      %add3A_277 = arith.constant 0 : i32
      %add3A_278 = arith.addi %add3A_276, %add3A_277 : i32
      %get3A = arith.index_cast %add3A_278 : i32 to index
      %get3A_279 = arith.constant 0 : index
      %get3A_280 = tpu.vector_load %arg6[%get3A, %get3A_279] {strides = array<i32>} : memref<200x128xf32, #tpu.memory_space<vmem>>, vector<1x16xf32>,
      %get3A_281 = vector.shape_cast %get3A_280 : vector<1x16xf32> to vector<16xf32>
      %swap3A = arith.index_cast %add3A_278 : i32 to index
      %swap3A_282 = arith.constant 0 : index
      %swap3A_283 = tpu.vector_load %arg7[%swap3A, %swap3A_282] {strides = array<i32>} : memref<200x128xf32, #tpu.memory_space<vmem>>, vector<1x16xf32>,
      %swap3A_284 = vector.shape_cast %swap3A_283 : vector<1x16xf32> to vector<16xf32>
      %swap3A_285 = vector.shape_cast %get3A_281 : vector<16xf32> to vector<1x16xf32>
      tpu.vector_store %arg7[%swap3A, %swap3A_282], %swap3A_285 {add = true, strides = array<i32>} : memref<200x128xf32, #tpu.memory_space<vmem>>, vector<1x16xf32>,
      %get3A_286 = arith.index_cast %add3A_278 : i32 to index
      %get3A_287 = arith.constant 16 : index
      %get3A_288 = tpu.vector_load %arg6[%get3A_286, %get3A_287] {strides = array<i32>} : memref<200x128xf32, #tpu.memory_space<vmem>>, vector<1x16xf32>,
      %get3A_289 = vector.shape_cast %get3A_288 : vector<1x16xf32> to vector<16xf32>
      %swap3A_290 = arith.index_cast %add3A_278 : i32 to index
      %swap3A_291 = arith.constant 16 : index
      %swap3A_292 = tpu.vector_load %arg7[%swap3A_290, %swap3A_291] {strides = array<i32>} : memref<200x128xf32, #tpu.memory_space<vmem>>, vector<1x16xf32>,
      %swap3A_293 = vector.shape_cast %swap3A_292 : vector<1x16xf32> to vector<16xf32>
      %swap3A_294 = vector.shape_cast %get3A_289 : vector<16xf32> to vector<1x16xf32>
      tpu.vector_store %arg7[%swap3A_290, %swap3A_291], %swap3A_294 {add = true, strides = array<i32>} : memref<200x128xf32, #tpu.memory_space<vmem>>, vector<1x16xf32>,
      %get3A_295 = arith.index_cast %add3A_278 : i32 to index
      %get3A_296 = arith.constant 32 : index
      %get3A_297 = tpu.vector_load %arg6[%get3A_295, %get3A_296] {strides = array<i32>} : memref<200x128xf32, #tpu.memory_space<vmem>>, vector<1x16xf32>,
      %get3A_298 = vector.shape_cast %get3A_297 : vector<1x16xf32> to vector<16xf32>
      %swap3A_299 = arith.index_cast %add3A_278 : i32 to index
      %swap3A_300 = arith.constant 32 : index
      %swap3A_301 = tpu.vector_load %arg7[%swap3A_299, %swap3A_300] {strides = array<i32>} : memref<200x128xf32, #tpu.memory_space<vmem>>, vector<1x16xf32>,
      %swap3A_302 = vector.shape_cast %swap3A_301 : vector<1x16xf32> to vector<16xf32>
      %swap3A_303 = vector.shape_cast %get3A_298 : vector<16xf32> to vector<1x16xf32>
      tpu.vector_store %arg7[%swap3A_299, %swap3A_300], %swap3A_303 {add = true, strides = array<i32>} : memref<200x128xf32, #tpu.memory_space<vmem>>, vector<1x16xf32>,
      %get3A_304 = arith.index_cast %add3A_278 : i32 to index
      %get3A_305 = arith.constant 48 : index
      %get3A_306 = tpu.vector_load %arg6[%get3A_304, %get3A_305] {strides = array<i32>} : memref<200x128xf32, #tpu.memory_space<vmem>>, vector<1x16xf32>,
      %get3A_307 = vector.shape_cast %get3A_306 : vector<1x16xf32> to vector<16xf32>
      %swap3A_308 = arith.index_cast %add3A_278 : i32 to index
      %swap3A_309 = arith.constant 48 : index
      %swap3A_310 = tpu.vector_load %arg7[%swap3A_308, %swap3A_309] {strides = array<i32>} : memref<200x128xf32, #tpu.memory_space<vmem>>, vector<1x16xf32>,
      %swap3A_311 = vector.shape_cast %swap3A_310 : vector<1x16xf32> to vector<16xf32>
      %swap3A_312 = vector.shape_cast %get3A_307 : vector<16xf32> to vector<1x16xf32>
      tpu.vector_store %arg7[%swap3A_308, %swap3A_309], %swap3A_312 {add = true, strides = array<i32>} : memref<200x128xf32, #tpu.memory_space<vmem>>, vector<1x16xf32>,
      %get3A_313 = arith.index_cast %add3A_278 : i32 to index
      %get3A_314 = arith.constant 64 : index
      %get3A_315 = tpu.vector_load %arg6[%get3A_313, %get3A_314] {strides = array<i32>} : memref<200x128xf32, #tpu.memory_space<vmem>>, vector<1x16xf32>,
      %get3A_316 = vector.shape_cast %get3A_315 : vector<1x16xf32> to vector<16xf32>
      %swap3A_317 = arith.index_cast %add3A_278 : i32 to index
      %swap3A_318 = arith.constant 64 : index
      %swap3A_319 = tpu.vector_load %arg7[%swap3A_317, %swap3A_318] {strides = array<i32>} : memref<200x128xf32, #tpu.memory_space<vmem>>, vector<1x16xf32>,
      %swap3A_320 = vector.shape_cast %swap3A_319 : vector<1x16xf32> to vector<16xf32>
      %swap3A_321 = vector.shape_cast %get3A_316 : vector<16xf32> to vector<1x16xf32>
      tpu.vector_store %arg7[%swap3A_317, %swap3A_318], %swap3A_321 {add = true, strides = array<i32>} : memref<200x128xf32, #tpu.memory_space<vmem>>, vector<1x16xf32>,
      %get3A_322 = arith.index_cast %add3A_278 : i32 to index
      %get3A_323 = arith.constant 80 : index
      %get3A_324 = tpu.vector_load %arg6[%get3A_322, %get3A_323] {strides = array<i32>} : memref<200x128xf32, #tpu.memory_space<vmem>>, vector<1x16xf32>,
      %get3A_325 = vector.shape_cast %get3A_324 : vector<1x16xf32> to vector<16xf32>
      %swap3A_326 = arith.index_cast %add3A_278 : i32 to index
      %swap3A_327 = arith.constant 80 : index
      %swap3A_328 = tpu.vector_load %arg7[%swap3A_326, %swap3A_327] {strides = array<i32>} : memref<200x128xf32, #tpu.memory_space<vmem>>, vector<1x16xf32>,
      %swap3A_329 = vector.shape_cast %swap3A_328 : vector<1x16xf32> to vector<16xf32>
      %swap3A_330 = vector.shape_cast %get3A_325 : vector<16xf32> to vector<1x16xf32>
      tpu.vector_store %arg7[%swap3A_326, %swap3A_327], %swap3A_330 {add = true, strides = array<i32>} : memref<200x128xf32, #tpu.memory_space<vmem>>, vector<1x16xf32>,
      %get3A_331 = arith.index_cast %add3A_278 : i32 to index
      %get3A_332 = arith.constant 96 : index
      %get3A_333 = tpu.vector_load %arg6[%get3A_331, %get3A_332] {strides = array<i32>} : memref<200x128xf32, #tpu.memory_space<vmem>>, vector<1x16xf32>,
      %get3A_334 = vector.shape_cast %get3A_333 : vector<1x16xf32> to vector<16xf32>
      %swap3A_335 = arith.index_cast %add3A_278 : i32 to index
      %swap3A_336 = arith.constant 96 : index
      %swap3A_337 = tpu.vector_load %arg7[%swap3A_335, %swap3A_336] {strides = array<i32>} : memref<200x128xf32, #tpu.memory_space<vmem>>, vector<1x16xf32>,
      %swap3A_338 = vector.shape_cast %swap3A_337 : vector<1x16xf32> to vector<16xf32>
      %swap3A_339 = vector.shape_cast %get3A_334 : vector<16xf32> to vector<1x16xf32>
      tpu.vector_store %arg7[%swap3A_335, %swap3A_336], %swap3A_339 {add = true, strides = array<i32>} : memref<200x128xf32, #tpu.memory_space<vmem>>, vector<1x16xf32>,
      %get3A_340 = arith.index_cast %add3A_278 : i32 to index
      %get3A_341 = arith.constant 112 : index
      %get3A_342 = tpu.vector_load %arg6[%get3A_340, %get3A_341] {strides = array<i32>} : memref<200x128xf32, #tpu.memory_space<vmem>>, vector<1x16xf32>,
      %get3A_343 = vector.shape_cast %get3A_342 : vector<1x16xf32> to vector<16xf32>
      %swap3A_344 = arith.index_cast %add3A_278 : i32 to index
      %swap3A_345 = arith.constant 112 : index
      %swap3A_346 = tpu.vector_load %arg7[%swap3A_344, %swap3A_345] {strides = array<i32>} : memref<200x128xf32, #tpu.memory_space<vmem>>, vector<1x16xf32>,
      %swap3A_347 = vector.shape_cast %swap3A_346 : vector<1x16xf32> to vector<16xf32>
      %swap3A_348 = vector.shape_cast %get3A_343 : vector<16xf32> to vector<1x16xf32>
      tpu.vector_store %arg7[%swap3A_344, %swap3A_345], %swap3A_348 {add = true, strides = array<i32>} : memref<200x128xf32, #tpu.memory_space<vmem>>, vector<1x16xf32>,
      %mul3A_349 = arith.constant 4 : i32
      %mul3A_350 = arith.muli %scan3A_272, %mul3A_349 : i32
      %add3A_351 = arith.constant 0 : i32
      %add3A_352 = arith.addi %add3A_351, %mul3A_350 : i32
      %add3A_353 = arith.constant 1 : i32
      %add3A_354 = arith.addi %add3A_352, %add3A_353 : i32
      %get3A_355 = arith.index_cast %add3A_354 : i32 to index
      %get3A_356 = arith.constant 0 : index
      %get3A_357 = tpu.vector_load %arg6[%get3A_355, %get3A_356] {strides = array<i32>} : memref<200x128xf32, #tpu.memory_space<vmem>>, vector<1x16xf32>,
      %get3A_358 = vector.shape_cast %get3A_357 : vector<1x16xf32> to vector<16xf32>
      %swap3A_359 = arith.index_cast %add3A_354 : i32 to index
      %swap3A_360 = arith.constant 0 : index
      %swap3A_361 = tpu.vector_load %arg7[%swap3A_359, %swap3A_360] {strides = array<i32>} : memref<200x128xf32, #tpu.memory_space<vmem>>, vector<1x16xf32>,
      %swap3A_362 = vector.shape_cast %swap3A_361 : vector<1x16xf32> to vector<16xf32>
      %swap3A_363 = vector.shape_cast %get3A_358 : vector<16xf32> to vector<1x16xf32>
      tpu.vector_store %arg7[%swap3A_359, %swap3A_360], %swap3A_363 {add = true, strides = array<i32>} : memref<200x128xf32, #tpu.memory_space<vmem>>, vector<1x16xf32>,
      %get3A_364 = arith.index_cast %add3A_354 : i32 to index
      %get3A_365 = arith.constant 16 : index
      %get3A_366 = tpu.vector_load %arg6[%get3A_364, %get3A_365] {strides = array<i32>} : memref<200x128xf32, #tpu.memory_space<vmem>>, vector<1x16xf32>,
      %get3A_367 = vector.shape_cast %get3A_366 : vector<1x16xf32> to vector<16xf32>
      %swap3A_368 = arith.index_cast %add3A_354 : i32 to index
      %swap3A_369 = arith.constant 16 : index
      %swap3A_370 = tpu.vector_load %arg7[%swap3A_368, %swap3A_369] {strides = array<i32>} : memref<200x128xf32, #tpu.memory_space<vmem>>, vector<1x16xf32>,
      %swap3A_371 = vector.shape_cast %swap3A_370 : vector<1x16xf32> to vector<16xf32>
      %swap3A_372 = vector.shape_cast %get3A_367 : vector<16xf32> to vector<1x16xf32>
      tpu.vector_store %arg7[%swap3A_368, %swap3A_369], %swap3A_372 {add = true, strides = array<i32>} : memref<200x128xf32, #tpu.memory_space<vmem>>, vector<1x16xf32>,
      %get3A_373 = arith.index_cast %add3A_354 : i32 to index
      %get3A_374 = arith.constant 32 : index
      %get3A_375 = tpu.vector_load %arg6[%get3A_373, %get3A_374] {strides = array<i32>} : memref<200x128xf32, #tpu.memory_space<vmem>>, vector<1x16xf32>,
      %get3A_376 = vector.shape_cast %get3A_375 : vector<1x16xf32> to vector<16xf32>
      %swap3A_377 = arith.index_cast %add3A_354 : i32 to index
      %swap3A_378 = arith.constant 32 : index
      %swap3A_379 = tpu.vector_load %arg7[%swap3A_377, %swap3A_378] {strides = array<i32>} : memref<200x128xf32, #tpu.memory_space<vmem>>, vector<1x16xf32>,
      %swap3A_380 = vector.shape_cast %swap3A_379 : vector<1x16xf32> to vector<16xf32>
      %swap3A_381 = vector.shape_cast %get3A_376 : vector<16xf32> to vector<1x16xf32>
      tpu.vector_store %arg7[%swap3A_377, %swap3A_378], %swap3A_381 {add = true, strides = array<i32>} : memref<200x128xf32, #tpu.memory_space<vmem>>, vector<1x16xf32>,
      %get3A_382 = arith.index_cast %add3A_354 : i32 to index
      %get3A_383 = arith.constant 48 : index
      %get3A_384 = tpu.vector_load %arg6[%get3A_382, %get3A_383] {strides = array<i32>} : memref<200x128xf32, #tpu.memory_space<vmem>>, vector<1x16xf32>,
      %get3A_385 = vector.shape_cast %get3A_384 : vector<1x16xf32> to vector<16xf32>
      %swap3A_386 = arith.index_cast %add3A_354 : i32 to index
      %swap3A_387 = arith.constant 48 : index
      %swap3A_388 = tpu.vector_load %arg7[%swap3A_386, %swap3A_387] {strides = array<i32>} : memref<200x128xf32, #tpu.memory_space<vmem>>, vector<1x16xf32>,
      %swap3A_389 = vector.shape_cast %swap3A_388 : vector<1x16xf32> to vector<16xf32>
      %swap3A_390 = vector.shape_cast %get3A_385 : vector<16xf32> to vector<1x16xf32>
      tpu.vector_store %arg7[%swap3A_386, %swap3A_387], %swap3A_390 {add = true, strides = array<i32>} : memref<200x128xf32, #tpu.memory_space<vmem>>, vector<1x16xf32>,
      %get3A_391 = arith.index_cast %add3A_354 : i32 to index
      %get3A_392 = arith.constant 64 : index
      %get3A_393 = tpu.vector_load %arg6[%get3A_391, %get3A_392] {strides = array<i32>} : memref<200x128xf32, #tpu.memory_space<vmem>>, vector<1x16xf32>,
      %get3A_394 = vector.shape_cast %get3A_393 : vector<1x16xf32> to vector<16xf32>
      %swap3A_395 = arith.index_cast %add3A_354 : i32 to index
      %swap3A_396 = arith.constant 64 : index
      %swap3A_397 = tpu.vector_load %arg7[%swap3A_395, %swap3A_396] {strides = array<i32>} : memref<200x128xf32, #tpu.memory_space<vmem>>, vector<1x16xf32>,
      %swap3A_398 = vector.shape_cast %swap3A_397 : vector<1x16xf32> to vector<16xf32>
      %swap3A_399 = vector.shape_cast %get3A_394 : vector<16xf32> to vector<1x16xf32>
      tpu.vector_store %arg7[%swap3A_395, %swap3A_396], %swap3A_399 {add = true, strides = array<i32>} : memref<200x128xf32, #tpu.memory_space<vmem>>, vector<1x16xf32>,
      %get3A_400 = arith.index_cast %add3A_354 : i32 to index
      %get3A_401 = arith.constant 80 : index
      %get3A_402 = tpu.vector_load %arg6[%get3A_400, %get3A_401] {strides = array<i32>} : memref<200x128xf32, #tpu.memory_space<vmem>>, vector<1x16xf32>,
      %get3A_403 = vector.shape_cast %get3A_402 : vector<1x16xf32> to vector<16xf32>
      %swap3A_404 = arith.index_cast %add3A_354 : i32 to index
      %swap3A_405 = arith.constant 80 : index
      %swap3A_406 = tpu.vector_load %arg7[%swap3A_404, %swap3A_405] {strides = array<i32>} : memref<200x128xf32, #tpu.memory_space<vmem>>, vector<1x16xf32>,
      %swap3A_407 = vector.shape_cast %swap3A_406 : vector<1x16xf32> to vector<16xf32>
      %swap3A_408 = vector.shape_cast %get3A_403 : vector<16xf32> to vector<1x16xf32>
      tpu.vector_store %arg7[%swap3A_404, %swap3A_405], %swap3A_408 {add = true, strides = array<i32>} : memref<200x128xf32, #tpu.memory_space<vmem>>, vector<1x16xf32>,
      %get3A_409 = arith.index_cast %add3A_354 : i32 to index
      %get3A_410 = arith.constant 96 : index
      %get3A_411 = tpu.vector_load %arg6[%get3A_409, %get3A_410] {strides = array<i32>} : memref<200x128xf32, #tpu.memory_space<vmem>>, vector<1x16xf32>,
      %get3A_412 = vector.shape_cast %get3A_411 : vector<1x16xf32> to vector<16xf32>
      %swap3A_413 = arith.index_cast %add3A_354 : i32 to index
      %swap3A_414 = arith.constant 96 : index
      %swap3A_415 = tpu.vector_load %arg7[%swap3A_413, %swap3A_414] {strides = array<i32>} : memref<200x128xf32, #tpu.memory_space<vmem>>, vector<1x16xf32>,
      %swap3A_416 = vector.shape_cast %swap3A_415 : vector<1x16xf32> to vector<16xf32>
      %swap3A_417 = vector.shape_cast %get3A_412 : vector<16xf32> to vector<1x16xf32>
      tpu.vector_store %arg7[%swap3A_413, %swap3A_414], %swap3A_417 {add = true, strides = array<i32>} : memref<200x128xf32, #tpu.memory_space<vmem>>, vector<1x16xf32>,
      %get3A_418 = arith.index_cast %add3A_354 : i32 to index
      %get3A_419 = arith.constant 112 : index
      %get3A_420 = tpu.vector_load %arg6[%get3A_418, %get3A_419] {strides = array<i32>} : memref<200x128xf32, #tpu.memory_space<vmem>>, vector<1x16xf32>,
      %get3A_421 = vector.shape_cast %get3A_420 : vector<1x16xf32> to vector<16xf32>
      %swap3A_422 = arith.index_cast %add3A_354 : i32 to index
      %swap3A_423 = arith.constant 112 : index
      %swap3A_424 = tpu.vector_load %arg7[%swap3A_422, %swap3A_423] {strides = array<i32>} : memref<200x128xf32, #tpu.memory_space<vmem>>, vector<1x16xf32>,
      %swap3A_425 = vector.shape_cast %swap3A_424 : vector<1x16xf32> to vector<16xf32>
      %swap3A_426 = vector.shape_cast %get3A_421 : vector<16xf32> to vector<1x16xf32>
      tpu.vector_store %arg7[%swap3A_422, %swap3A_423], %swap3A_426 {add = true, strides = array<i32>} : memref<200x128xf32, #tpu.memory_space<vmem>>, vector<1x16xf32>,
      %mul3A_427 = arith.constant 4 : i32
      %mul3A_428 = arith.muli %scan3A_272, %mul3A_427 : i32
      %add3A_429 = arith.constant 0 : i32
      %add3A_430 = arith.addi %add3A_429, %mul3A_428 : i32
      %add3A_431 = arith.constant 2 : i32
      %add3A_432 = arith.addi %add3A_430, %add3A_431 : i32
      %get3A_433 = arith.index_cast %add3A_432 : i32 to index
      %get3A_434 = arith.constant 0 : index
      %get3A_435 = tpu.vector_load %arg6[%get3A_433, %get3A_434] {strides = array<i32>} : memref<200x128xf32, #tpu.memory_space<vmem>>, vector<1x16xf32>,
      %get3A_436 = vector.shape_cast %get3A_435 : vector<1x16xf32> to vector<16xf32>
      %swap3A_437 = arith.index_cast %add3A_432 : i32 to index
      %swap3A_438 = arith.constant 0 : index
      %swap3A_439 = tpu.vector_load %arg7[%swap3A_437, %swap3A_438] {strides = array<i32>} : memref<200x128xf32, #tpu.memory_space<vmem>>, vector<1x16xf32>,
      %swap3A_440 = vector.shape_cast %swap3A_439 : vector<1x16xf32> to vector<16xf32>
      %swap3A_441 = vector.shape_cast %get3A_436 : vector<16xf32> to vector<1x16xf32>
      tpu.vector_store %arg7[%swap3A_437, %swap3A_438], %swap3A_441 {add = true, strides = array<i32>} : memref<200x128xf32, #tpu.memory_space<vmem>>, vector<1x16xf32>,
      %get3A_442 = arith.index_cast %add3A_432 : i32 to index
      %get3A_443 = arith.constant 16 : index
      %get3A_444 = tpu.vector_load %arg6[%get3A_442, %get3A_443] {strides = array<i32>} : memref<200x128xf32, #tpu.memory_space<vmem>>, vector<1x16xf32>,
      %get3A_445 = vector.shape_cast %get3A_444 : vector<1x16xf32> to vector<16xf32>
      %swap3A_446 = arith.index_cast %add3A_432 : i32 to index
      %swap3A_447 = arith.constant 16 : index
      %swap3A_448 = tpu.vector_load %arg7[%swap3A_446, %swap3A_447] {strides = array<i32>} : memref<200x128xf32, #tpu.memory_space<vmem>>, vector<1x16xf32>,
      %swap3A_449 = vector.shape_cast %swap3A_448 : vector<1x16xf32> to vector<16xf32>
      %swap3A_450 = vector.shape_cast %get3A_445 : vector<16xf32> to vector<1x16xf32>
      tpu.vector_store %arg7[%swap3A_446, %swap3A_447], %swap3A_450 {add = true, strides = array<i32>} : memref<200x128xf32, #tpu.memory_space<vmem>>, vector<1x16xf32>,
      %get3A_451 = arith.index_cast %add3A_432 : i32 to index
      %get3A_452 = arith.constant 32 : index
      %get3A_453 = tpu.vector_load %arg6[%get3A_451, %get3A_452] {strides = array<i32>} : memref<200x128xf32, #tpu.memory_space<vmem>>, vector<1x16xf32>,
      %get3A_454 = vector.shape_cast %get3A_453 : vector<1x16xf32> to vector<16xf32>
      %swap3A_455 = arith.index_cast %add3A_432 : i32 to index
      %swap3A_456 = arith.constant 32 : index
      %swap3A_457 = tpu.vector_load %arg7[%swap3A_455, %swap3A_456] {strides = array<i32>} : memref<200x128xf32, #tpu.memory_space<vmem>>, vector<1x16xf32>,
      %swap3A_458 = vector.shape_cast %swap3A_457 : vector<1x16xf32> to vector<16xf32>
      %swap3A_459 = vector.shape_cast %get3A_454 : vector<16xf32> to vector<1x16xf32>
      tpu.vector_store %arg7[%swap3A_455, %swap3A_456], %swap3A_459 {add = true, strides = array<i32>} : memref<200x128xf32, #tpu.memory_space<vmem>>, vector<1x16xf32>,
      %get3A_460 = arith.index_cast %add3A_432 : i32 to index
      %get3A_461 = arith.constant 48 : index
      %get3A_462 = tpu.vector_load %arg6[%get3A_460, %get3A_461] {strides = array<i32>} : memref<200x128xf32, #tpu.memory_space<vmem>>, vector<1x16xf32>,
      %get3A_463 = vector.shape_cast %get3A_462 : vector<1x16xf32> to vector<16xf32>
      %swap3A_464 = arith.index_cast %add3A_432 : i32 to index
      %swap3A_465 = arith.constant 48 : index
      %swap3A_466 = tpu.vector_load %arg7[%swap3A_464, %swap3A_465] {strides = array<i32>} : memref<200x128xf32, #tpu.memory_space<vmem>>, vector<1x16xf32>,
      %swap3A_467 = vector.shape_cast %swap3A_466 : vector<1x16xf32> to vector<16xf32>
      %swap3A_468 = vector.shape_cast %get3A_463 : vector<16xf32> to vector<1x16xf32>
      tpu.vector_store %arg7[%swap3A_464, %swap3A_465], %swap3A_468 {add = true, strides = array<i32>} : memref<200x128xf32, #tpu.memory_space<vmem>>, vector<1x16xf32>,
      %get3A_469 = arith.index_cast %add3A_432 : i32 to index
      %get3A_470 = arith.constant 64 : index
      %get3A_471 = tpu.vector_load %arg6[%get3A_469, %get3A_470] {strides = array<i32>} : memref<200x128xf32, #tpu.memory_space<vmem>>, vector<1x16xf32>,
      %get3A_472 = vector.shape_cast %get3A_471 : vector<1x16xf32> to vector<16xf32>
      %swap3A_473 = arith.index_cast %add3A_432 : i32 to index
      %swap3A_474 = arith.constant 64 : index
      %swap3A_475 = tpu.vector_load %arg7[%swap3A_473, %swap3A_474] {strides = array<i32>} : memref<200x128xf32, #tpu.memory_space<vmem>>, vector<1x16xf32>,
      %swap3A_476 = vector.shape_cast %swap3A_475 : vector<1x16xf32> to vector<16xf32>
      %swap3A_477 = vector.shape_cast %get3A_472 : vector<16xf32> to vector<1x16xf32>
      tpu.vector_store %arg7[%swap3A_473, %swap3A_474], %swap3A_477 {add = true, strides = array<i32>} : memref<200x128xf32, #tpu.memory_space<vmem>>, vector<1x16xf32>,
      %get3A_478 = arith.index_cast %add3A_432 : i32 to index
      %get3A_479 = arith.constant 80 : index
      %get3A_480 = tpu.vector_load %arg6[%get3A_478, %get3A_479] {strides = array<i32>} : memref<200x128xf32, #tpu.memory_space<vmem>>, vector<1x16xf32>,
      %get3A_481 = vector.shape_cast %get3A_480 : vector<1x16xf32> to vector<16xf32>
      %swap3A_482 = arith.index_cast %add3A_432 : i32 to index
      %swap3A_483 = arith.constant 80 : index
      %swap3A_484 = tpu.vector_load %arg7[%swap3A_482, %swap3A_483] {strides = array<i32>} : memref<200x128xf32, #tpu.memory_space<vmem>>, vector<1x16xf32>,
      %swap3A_485 = vector.shape_cast %swap3A_484 : vector<1x16xf32> to vector<16xf32>
      %swap3A_486 = vector.shape_cast %get3A_481 : vector<16xf32> to vector<1x16xf32>
      tpu.vector_store %arg7[%swap3A_482, %swap3A_483], %swap3A_486 {add = true, strides = array<i32>} : memref<200x128xf32, #tpu.memory_space<vmem>>, vector<1x16xf32>,
      %get3A_487 = arith.index_cast %add3A_432 : i32 to index
      %get3A_488 = arith.constant 96 : index
      %get3A_489 = tpu.vector_load %arg6[%get3A_487, %get3A_488] {strides = array<i32>} : memref<200x128xf32, #tpu.memory_space<vmem>>, vector<1x16xf32>,
      %get3A_490 = vector.shape_cast %get3A_489 : vector<1x16xf32> to vector<16xf32>
      %swap3A_491 = arith.index_cast %add3A_432 : i32 to index
      %swap3A_492 = arith.constant 96 : index
      %swap3A_493 = tpu.vector_load %arg7[%swap3A_491, %swap3A_492] {strides = array<i32>} : memref<200x128xf32, #tpu.memory_space<vmem>>, vector<1x16xf32>,
      %swap3A_494 = vector.shape_cast %swap3A_493 : vector<1x16xf32> to vector<16xf32>
      %swap3A_495 = vector.shape_cast %get3A_490 : vector<16xf32> to vector<1x16xf32>
      tpu.vector_store %arg7[%swap3A_491, %swap3A_492], %swap3A_495 {add = true, strides = array<i32>} : memref<200x128xf32, #tpu.memory_space<vmem>>, vector<1x16xf32>,
      %get3A_496 = arith.index_cast %add3A_432 : i32 to index
      %get3A_497 = arith.constant 112 : index
      %get3A_498 = tpu.vector_load %arg6[%get3A_496, %get3A_497] {strides = array<i32>} : memref<200x128xf32, #tpu.memory_space<vmem>>, vector<1x16xf32>,
      %get3A_499 = vector.shape_cast %get3A_498 : vector<1x16xf32> to vector<16xf32>
      %swap3A_500 = arith.index_cast %add3A_432 : i32 to index
      %swap3A_501 = arith.constant 112 : index
      %swap3A_502 = tpu.vector_load %arg7[%swap3A_500, %swap3A_501] {strides = array<i32>} : memref<200x128xf32, #tpu.memory_space<vmem>>, vector<1x16xf32>,
      %swap3A_503 = vector.shape_cast %swap3A_502 : vector<1x16xf32> to vector<16xf32>
      %swap3A_504 = vector.shape_cast %get3A_499 : vector<16xf32> to vector<1x16xf32>
      tpu.vector_store %arg7[%swap3A_500, %swap3A_501], %swap3A_504 {add = true, strides = array<i32>} : memref<200x128xf32, #tpu.memory_space<vmem>>, vector<1x16xf32>,
      %mul3A_505 = arith.constant 4 : i32
      %mul3A_506 = arith.muli %scan3A_272, %mul3A_505 : i32
      %add3A_507 = arith.constant 0 : i32
      %add3A_508 = arith.addi %add3A_507, %mul3A_506 : i32
      %add3A_509 = arith.constant 3 : i32
      %add3A_510 = arith.addi %add3A_508, %add3A_509 : i32
      %get3A_511 = arith.index_cast %add3A_510 : i32 to index
      %get3A_512 = arith.constant 0 : index
      %get3A_513 = tpu.vector_load %arg6[%get3A_511, %get3A_512] {strides = array<i32>} : memref<200x128xf32, #tpu.memory_space<vmem>>, vector<1x16xf32>,
      %get3A_514 = vector.shape_cast %get3A_513 : vector<1x16xf32> to vector<16xf32>
      %swap3A_515 = arith.index_cast %add3A_510 : i32 to index
      %swap3A_516 = arith.constant 0 : index
      %swap3A_517 = tpu.vector_load %arg7[%swap3A_515, %swap3A_516] {strides = array<i32>} : memref<200x128xf32, #tpu.memory_space<vmem>>, vector<1x16xf32>,
      %swap3A_518 = vector.shape_cast %swap3A_517 : vector<1x16xf32> to vector<16xf32>
      %swap3A_519 = vector.shape_cast %get3A_514 : vector<16xf32> to vector<1x16xf32>
      tpu.vector_store %arg7[%swap3A_515, %swap3A_516], %swap3A_519 {add = true, strides = array<i32>} : memref<200x128xf32, #tpu.memory_space<vmem>>, vector<1x16xf32>,
      %get3A_520 = arith.index_cast %add3A_510 : i32 to index
      %get3A_521 = arith.constant 16 : index
      %get3A_522 = tpu.vector_load %arg6[%get3A_520, %get3A_521] {strides = array<i32>} : memref<200x128xf32, #tpu.memory_space<vmem>>, vector<1x16xf32>,
      %get3A_523 = vector.shape_cast %get3A_522 : vector<1x16xf32> to vector<16xf32>
      %swap3A_524 = arith.index_cast %add3A_510 : i32 to index
      %swap3A_525 = arith.constant 16 : index
      %swap3A_526 = tpu.vector_load %arg7[%swap3A_524, %swap3A_525] {strides = array<i32>} : memref<200x128xf32, #tpu.memory_space<vmem>>, vector<1x16xf32>,
      %swap3A_527 = vector.shape_cast %swap3A_526 : vector<1x16xf32> to vector<16xf32>
      %swap3A_528 = vector.shape_cast %get3A_523 : vector<16xf32> to vector<1x16xf32>
      tpu.vector_store %arg7[%swap3A_524, %swap3A_525], %swap3A_528 {add = true, strides = array<i32>} : memref<200x128xf32, #tpu.memory_space<vmem>>, vector<1x16xf32>,
      %get3A_529 = arith.index_cast %add3A_510 : i32 to index
      %get3A_530 = arith.constant 32 : index
      %get3A_531 = tpu.vector_load %arg6[%get3A_529, %get3A_530] {strides = array<i32>} : memref<200x128xf32, #tpu.memory_space<vmem>>, vector<1x16xf32>,
      %get3A_532 = vector.shape_cast %get3A_531 : vector<1x16xf32> to vector<16xf32>
      %swap3A_533 = arith.index_cast %add3A_510 : i32 to index
      %swap3A_534 = arith.constant 32 : index
      %swap3A_535 = tpu.vector_load %arg7[%swap3A_533, %swap3A_534] {strides = array<i32>} : memref<200x128xf32, #tpu.memory_space<vmem>>, vector<1x16xf32>,
      %swap3A_536 = vector.shape_cast %swap3A_535 : vector<1x16xf32> to vector<16xf32>
      %swap3A_537 = vector.shape_cast %get3A_532 : vector<16xf32> to vector<1x16xf32>
      tpu.vector_store %arg7[%swap3A_533, %swap3A_534], %swap3A_537 {add = true, strides = array<i32>} : memref<200x128xf32, #tpu.memory_space<vmem>>, vector<1x16xf32>,
      %get3A_538 = arith.index_cast %add3A_510 : i32 to index
      %get3A_539 = arith.constant 48 : index
      %get3A_540 = tpu.vector_load %arg6[%get3A_538, %get3A_539] {strides = array<i32>} : memref<200x128xf32, #tpu.memory_space<vmem>>, vector<1x16xf32>,
      %get3A_541 = vector.shape_cast %get3A_540 : vector<1x16xf32> to vector<16xf32>
      %swap3A_542 = arith.index_cast %add3A_510 : i32 to index
      %swap3A_543 = arith.constant 48 : index
      %swap3A_544 = tpu.vector_load %arg7[%swap3A_542, %swap3A_543] {strides = array<i32>} : memref<200x128xf32, #tpu.memory_space<vmem>>, vector<1x16xf32>,
      %swap3A_545 = vector.shape_cast %swap3A_544 : vector<1x16xf32> to vector<16xf32>
      %swap3A_546 = vector.shape_cast %get3A_541 : vector<16xf32> to vector<1x16xf32>
      tpu.vector_store %arg7[%swap3A_542, %swap3A_543], %swap3A_546 {add = true, strides = array<i32>} : memref<200x128xf32, #tpu.memory_space<vmem>>, vector<1x16xf32>,
      %get3A_547 = arith.index_cast %add3A_510 : i32 to index
      %get3A_548 = arith.constant 64 : index
      %get3A_549 = tpu.vector_load %arg6[%get3A_547, %get3A_548] {strides = array<i32>} : memref<200x128xf32, #tpu.memory_space<vmem>>, vector<1x16xf32>,
      %get3A_550 = vector.shape_cast %get3A_549 : vector<1x16xf32> to vector<16xf32>
      %swap3A_551 = arith.index_cast %add3A_510 : i32 to index
      %swap3A_552 = arith.constant 64 : index
      %swap3A_553 = tpu.vector_load %arg7[%swap3A_551, %swap3A_552] {strides = array<i32>} : memref<200x128xf32, #tpu.memory_space<vmem>>, vector<1x16xf32>,
      %swap3A_554 = vector.shape_cast %swap3A_553 : vector<1x16xf32> to vector<16xf32>
      %swap3A_555 = vector.shape_cast %get3A_550 : vector<16xf32> to vector<1x16xf32>
      tpu.vector_store %arg7[%swap3A_551, %swap3A_552], %swap3A_555 {add = true, strides = array<i32>} : memref<200x128xf32, #tpu.memory_space<vmem>>, vector<1x16xf32>,
      %get3A_556 = arith.index_cast %add3A_510 : i32 to index
      %get3A_557 = arith.constant 80 : index
      %get3A_558 = tpu.vector_load %arg6[%get3A_556, %get3A_557] {strides = array<i32>} : memref<200x128xf32, #tpu.memory_space<vmem>>, vector<1x16xf32>,
      %get3A_559 = vector.shape_cast %get3A_558 : vector<1x16xf32> to vector<16xf32>
      %swap3A_560 = arith.index_cast %add3A_510 : i32 to index
      %swap3A_561 = arith.constant 80 : index
      %swap3A_562 = tpu.vector_load %arg7[%swap3A_560, %swap3A_561] {strides = array<i32>} : memref<200x128xf32, #tpu.memory_space<vmem>>, vector<1x16xf32>,
      %swap3A_563 = vector.shape_cast %swap3A_562 : vector<1x16xf32> to vector<16xf32>
      %swap3A_564 = vector.shape_cast %get3A_559 : vector<16xf32> to vector<1x16xf32>
      tpu.vector_store %arg7[%swap3A_560, %swap3A_561], %swap3A_564 {add = true, strides = array<i32>} : memref<200x128xf32, #tpu.memory_space<vmem>>, vector<1x16xf32>,
      %get3A_565 = arith.index_cast %add3A_510 : i32 to index
      %get3A_566 = arith.constant 96 : index
      %get3A_567 = tpu.vector_load %arg6[%get3A_565, %get3A_566] {strides = array<i32>} : memref<200x128xf32, #tpu.memory_space<vmem>>, vector<1x16xf32>,
      %get3A_568 = vector.shape_cast %get3A_567 : vector<1x16xf32> to vector<16xf32>
      %swap3A_569 = arith.index_cast %add3A_510 : i32 to index
      %swap3A_570 = arith.constant 96 : index
      %swap3A_571 = tpu.vector_load %arg7[%swap3A_569, %swap3A_570] {strides = array<i32>} : memref<200x128xf32, #tpu.memory_space<vmem>>, vector<1x16xf32>,
      %swap3A_572 = vector.shape_cast %swap3A_571 : vector<1x16xf32> to vector<16xf32>
      %swap3A_573 = vector.shape_cast %get3A_568 : vector<16xf32> to vector<1x16xf32>
      tpu.vector_store %arg7[%swap3A_569, %swap3A_570], %swap3A_573 {add = true, strides = array<i32>} : memref<200x128xf32, #tpu.memory_space<vmem>>, vector<1x16xf32>,
      %get3A_574 = arith.index_cast %add3A_510 : i32 to index
      %get3A_575 = arith.constant 112 : index
      %get3A_576 = tpu.vector_load %arg6[%get3A_574, %get3A_575] {strides = array<i32>} : memref<200x128xf32, #tpu.memory_space<vmem>>, vector<1x16xf32>,
      %get3A_577 = vector.shape_cast %get3A_576 : vector<1x16xf32> to vector<16xf32>
      %swap3A_578 = arith.index_cast %add3A_510 : i32 to index
      %swap3A_579 = arith.constant 112 : index
      %swap3A_580 = tpu.vector_load %arg7[%swap3A_578, %swap3A_579] {strides = array<i32>} : memref<200x128xf32, #tpu.memory_space<vmem>>, vector<1x16xf32>,
      %swap3A_581 = vector.shape_cast %swap3A_580 : vector<1x16xf32> to vector<16xf32>
      %swap3A_582 = vector.shape_cast %get3A_577 : vector<16xf32> to vector<1x16xf32>
      tpu.vector_store %arg7[%swap3A_578, %swap3A_579], %swap3A_582 {add = true, strides = array<i32>} : memref<200x128xf32, #tpu.memory_space<vmem>>, vector<1x16xf32>,
    }
    %scan3A_69 = arith.constant 26 : i32
    %add3A_70 = arith.constant 126 : i32
    %add3A_71 = arith.addi %mul3A_2, %add3A_70 : i32
    %mul3A_72 = arith.constant 200 : i32
    %mul3A_73 = arith.muli %add3A_71, %mul3A_72 : i32
    %add3A_74 = arith.constant 0 : i32
    %add3A_75 = arith.addi %mul3A_73, %add3A_74 : i32
    %dma_start3A_76 = arith.constant 0 : i32
    %dma_start3A_77 = arith.constant 0 : i32
    %dma_start3A_78 = tpu.memref_slice %arg7[%dma_start3A_76, %dma_start3A_77] : memref<200x128xf32, #tpu.memory_space<vmem>> -> memref<104x128xf32, #tpu.memory_space<vmem>>
    %dma_start3A_79 = arith.constant 0 : i32
    %dma_start3A_80 = tpu.memref_slice %arg4[%add3A_75, %dma_start3A_79] : memref<819200x128xf32, #tpu.memory_space<hbm>> -> memref<104x128xf32, #tpu.memory_space<hbm>>
    %dma_start3A_81 = arith.constant 0 : i32
    %dma_start3A_82 = tpu.memref_slice %arg4[%add3A_75, %dma_start3A_81] : memref<819200x128xf32, #tpu.memory_space<hbm>> -> memref<104x128xf32, #tpu.memory_space<hbm>>
    %dma_start3A_83 = arith.constant 0 : i32
    %dma_start3A_84 = arith.constant 0 : i32
    %dma_start3A_85 = tpu.memref_slice %arg7[%dma_start3A_83, %dma_start3A_84] : memref<200x128xf32, #tpu.memory_space<vmem>> -> memref<104x128xf32, #tpu.memory_space<vmem>>
    tpu.enqueue_dma source(%dma_start3A_85 : memref<104x128xf32, #tpu.memory_space<vmem>>) target(%dma_start3A_82 : memref<104x128xf32, #tpu.memory_space<hbm>>) target_semaphore(%arg11 : memref<!tpu.dma_semaphore, #tpu.memory_space<semaphore_mem>>)
    %dma_wait3A_86 = arith.constant 104 : i32
    %dma_wait3A_87 = arith.constant 0 : i32
    %dma_wait3A_88 = tpu.memref_slice %arg7[%dma_wait3A_86, %dma_wait3A_87] : memref<200x128xf32, #tpu.memory_space<vmem>> -> memref<96x128xf32, #tpu.memory_space<vmem>>
    %dma_wait3A_89 = arith.constant 25304 : i32
    %dma_wait3A_90 = tpu.memref_slice %arg5[%dma_wait3A_89] : memref<25600xi32, #tpu.memory_space<vmem>> -> memref<96xi32, #tpu.memory_space<vmem>>
    %dma_wait3A_91 = arith.constant 0 : i32
    %dma_wait3A_92 = arith.constant 0 : i32
    %dma_wait3A_93 = tpu.memref_slice %arg3[%dma_wait3A_91, %dma_wait3A_92] : memref<102000x128xf32, #tpu.memory_space<hbm>> -> memref<102000x128xf32, #tpu.memory_space<hbm>>
    tpu.wait_indirect_dma semaphore(%arg10 : memref<!tpu.dma_semaphore, #tpu.memory_space<semaphore_mem>>) src(%dma_wait3A_93 : memref<102000x128xf32, #tpu.memory_space<hbm>>) dst(%dma_wait3A_88 : memref<96x128xf32, #tpu.memory_space<vmem>>)
    %scan3A_94 = arith.constant 0 : i32
    %scan3A_95 = arith.constant 0 : i32
    %scan3A_96 = arith.constant 24 : i32
    %scan3A_97 = arith.addi %scan3A_95, %scan3A_96 : i32
    %scan3A_98 = arith.constant 1 : i32
    scf.for %scan3A_272 = %scan3A_95 to %scan3A_97 step %scan3A_98  : i32 {
      %mul3A_273 = arith.constant 4 : i32
      %mul3A_274 = arith.muli %scan3A_272, %mul3A_273 : i32
      %add3A_275 = arith.constant 104 : i32
      %add3A_276 = arith.addi %add3A_275, %mul3A_274 : i32
      %add3A_277 = arith.constant 0 : i32
      %add3A_278 = arith.addi %add3A_276, %add3A_277 : i32
      %get3A = arith.index_cast %add3A_278 : i32 to index
      %get3A_279 = arith.constant 0 : index
      %get3A_280 = tpu.vector_load %arg6[%get3A, %get3A_279] {strides = array<i32>} : memref<200x128xf32, #tpu.memory_space<vmem>>, vector<1x16xf32>,
      %get3A_281 = vector.shape_cast %get3A_280 : vector<1x16xf32> to vector<16xf32>
      %swap3A = arith.index_cast %add3A_278 : i32 to index
      %swap3A_282 = arith.constant 0 : index
      %swap3A_283 = tpu.vector_load %arg7[%swap3A, %swap3A_282] {strides = array<i32>} : memref<200x128xf32, #tpu.memory_space<vmem>>, vector<1x16xf32>,
      %swap3A_284 = vector.shape_cast %swap3A_283 : vector<1x16xf32> to vector<16xf32>
      %swap3A_285 = vector.shape_cast %get3A_281 : vector<16xf32> to vector<1x16xf32>
      tpu.vector_store %arg7[%swap3A, %swap3A_282], %swap3A_285 {add = true, strides = array<i32>} : memref<200x128xf32, #tpu.memory_space<vmem>>, vector<1x16xf32>,
      %get3A_286 = arith.index_cast %add3A_278 : i32 to index
      %get3A_287 = arith.constant 16 : index
      %get3A_288 = tpu.vector_load %arg6[%get3A_286, %get3A_287] {strides = array<i32>} : memref<200x128xf32, #tpu.memory_space<vmem>>, vector<1x16xf32>,
      %get3A_289 = vector.shape_cast %get3A_288 : vector<1x16xf32> to vector<16xf32>
      %swap3A_290 = arith.index_cast %add3A_278 : i32 to index
      %swap3A_291 = arith.constant 16 : index
      %swap3A_292 = tpu.vector_load %arg7[%swap3A_290, %swap3A_291] {strides = array<i32>} : memref<200x128xf32, #tpu.memory_space<vmem>>, vector<1x16xf32>,
      %swap3A_293 = vector.shape_cast %swap3A_292 : vector<1x16xf32> to vector<16xf32>
      %swap3A_294 = vector.shape_cast %get3A_289 : vector<16xf32> to vector<1x16xf32>
      tpu.vector_store %arg7[%swap3A_290, %swap3A_291], %swap3A_294 {add = true, strides = array<i32>} : memref<200x128xf32, #tpu.memory_space<vmem>>, vector<1x16xf32>,
      %get3A_295 = arith.index_cast %add3A_278 : i32 to index
      %get3A_296 = arith.constant 32 : index
      %get3A_297 = tpu.vector_load %arg6[%get3A_295, %get3A_296] {strides = array<i32>} : memref<200x128xf32, #tpu.memory_space<vmem>>, vector<1x16xf32>,
      %get3A_298 = vector.shape_cast %get3A_297 : vector<1x16xf32> to vector<16xf32>
      %swap3A_299 = arith.index_cast %add3A_278 : i32 to index
      %swap3A_300 = arith.constant 32 : index
      %swap3A_301 = tpu.vector_load %arg7[%swap3A_299, %swap3A_300] {strides = array<i32>} : memref<200x128xf32, #tpu.memory_space<vmem>>, vector<1x16xf32>,
      %swap3A_302 = vector.shape_cast %swap3A_301 : vector<1x16xf32> to vector<16xf32>
      %swap3A_303 = vector.shape_cast %get3A_298 : vector<16xf32> to vector<1x16xf32>
      tpu.vector_store %arg7[%swap3A_299, %swap3A_300], %swap3A_303 {add = true, strides = array<i32>} : memref<200x128xf32, #tpu.memory_space<vmem>>, vector<1x16xf32>,
      %get3A_304 = arith.index_cast %add3A_278 : i32 to index
      %get3A_305 = arith.constant 48 : index
      %get3A_306 = tpu.vector_load %arg6[%get3A_304, %get3A_305] {strides = array<i32>} : memref<200x128xf32, #tpu.memory_space<vmem>>, vector<1x16xf32>,
      %get3A_307 = vector.shape_cast %get3A_306 : vector<1x16xf32> to vector<16xf32>
      %swap3A_308 = arith.index_cast %add3A_278 : i32 to index
      %swap3A_309 = arith.constant 48 : index
      %swap3A_310 = tpu.vector_load %arg7[%swap3A_308, %swap3A_309] {strides = array<i32>} : memref<200x128xf32, #tpu.memory_space<vmem>>, vector<1x16xf32>,
      %swap3A_311 = vector.shape_cast %swap3A_310 : vector<1x16xf32> to vector<16xf32>
      %swap3A_312 = vector.shape_cast %get3A_307 : vector<16xf32> to vector<1x16xf32>
      tpu.vector_store %arg7[%swap3A_308, %swap3A_309], %swap3A_312 {add = true, strides = array<i32>} : memref<200x128xf32, #tpu.memory_space<vmem>>, vector<1x16xf32>,
      %get3A_313 = arith.index_cast %add3A_278 : i32 to index
      %get3A_314 = arith.constant 64 : index
      %get3A_315 = tpu.vector_load %arg6[%get3A_313, %get3A_314] {strides = array<i32>} : memref<200x128xf32, #tpu.memory_space<vmem>>, vector<1x16xf32>,
      %get3A_316 = vector.shape_cast %get3A_315 : vector<1x16xf32> to vector<16xf32>
      %swap3A_317 = arith.index_cast %add3A_278 : i32 to index
      %swap3A_318 = arith.constant 64 : index
      %swap3A_319 = tpu.vector_load %arg7[%swap3A_317, %swap3A_318] {strides = array<i32>} : memref<200x128xf32, #tpu.memory_space<vmem>>, vector<1x16xf32>,
      %swap3A_320 = vector.shape_cast %swap3A_319 : vector<1x16xf32> to vector<16xf32>
      %swap3A_321 = vector.shape_cast %get3A_316 : vector<16xf32> to vector<1x16xf32>
      tpu.vector_store %arg7[%swap3A_317, %swap3A_318], %swap3A_321 {add = true, strides = array<i32>} : memref<200x128xf32, #tpu.memory_space<vmem>>, vector<1x16xf32>,
      %get3A_322 = arith.index_cast %add3A_278 : i32 to index
      %get3A_323 = arith.constant 80 : index
      %get3A_324 = tpu.vector_load %arg6[%get3A_322, %get3A_323] {strides = array<i32>} : memref<200x128xf32, #tpu.memory_space<vmem>>, vector<1x16xf32>,
      %get3A_325 = vector.shape_cast %get3A_324 : vector<1x16xf32> to vector<16xf32>
      %swap3A_326 = arith.index_cast %add3A_278 : i32 to index
      %swap3A_327 = arith.constant 80 : index
      %swap3A_328 = tpu.vector_load %arg7[%swap3A_326, %swap3A_327] {strides = array<i32>} : memref<200x128xf32, #tpu.memory_space<vmem>>, vector<1x16xf32>,
      %swap3A_329 = vector.shape_cast %swap3A_328 : vector<1x16xf32> to vector<16xf32>
      %swap3A_330 = vector.shape_cast %get3A_325 : vector<16xf32> to vector<1x16xf32>
      tpu.vector_store %arg7[%swap3A_326, %swap3A_327], %swap3A_330 {add = true, strides = array<i32>} : memref<200x128xf32, #tpu.memory_space<vmem>>, vector<1x16xf32>,
      %get3A_331 = arith.index_cast %add3A_278 : i32 to index
      %get3A_332 = arith.constant 96 : index
      %get3A_333 = tpu.vector_load %arg6[%get3A_331, %get3A_332] {strides = array<i32>} : memref<200x128xf32, #tpu.memory_space<vmem>>, vector<1x16xf32>,
      %get3A_334 = vector.shape_cast %get3A_333 : vector<1x16xf32> to vector<16xf32>
      %swap3A_335 = arith.index_cast %add3A_278 : i32 to index
      %swap3A_336 = arith.constant 96 : index
      %swap3A_337 = tpu.vector_load %arg7[%swap3A_335, %swap3A_336] {strides = array<i32>} : memref<200x128xf32, #tpu.memory_space<vmem>>, vector<1x16xf32>,
      %swap3A_338 = vector.shape_cast %swap3A_337 : vector<1x16xf32> to vector<16xf32>
      %swap3A_339 = vector.shape_cast %get3A_334 : vector<16xf32> to vector<1x16xf32>
      tpu.vector_store %arg7[%swap3A_335, %swap3A_336], %swap3A_339 {add = true, strides = array<i32>} : memref<200x128xf32, #tpu.memory_space<vmem>>, vector<1x16xf32>,
      %get3A_340 = arith.index_cast %add3A_278 : i32 to index
      %get3A_341 = arith.constant 112 : index
      %get3A_342 = tpu.vector_load %arg6[%get3A_340, %get3A_341] {strides = array<i32>} : memref<200x128xf32, #tpu.memory_space<vmem>>, vector<1x16xf32>,
      %get3A_343 = vector.shape_cast %get3A_342 : vector<1x16xf32> to vector<16xf32>
      %swap3A_344 = arith.index_cast %add3A_278 : i32 to index
      %swap3A_345 = arith.constant 112 : index
      %swap3A_346 = tpu.vector_load %arg7[%swap3A_344, %swap3A_345] {strides = array<i32>} : memref<200x128xf32, #tpu.memory_space<vmem>>, vector<1x16xf32>,
      %swap3A_347 = vector.shape_cast %swap3A_346 : vector<1x16xf32> to vector<16xf32>
      %swap3A_348 = vector.shape_cast %get3A_343 : vector<16xf32> to vector<1x16xf32>
      tpu.vector_store %arg7[%swap3A_344, %swap3A_345], %swap3A_348 {add = true, strides = array<i32>} : memref<200x128xf32, #tpu.memory_space<vmem>>, vector<1x16xf32>,
      %mul3A_349 = arith.constant 4 : i32
      %mul3A_350 = arith.muli %scan3A_272, %mul3A_349 : i32
      %add3A_351 = arith.constant 104 : i32
      %add3A_352 = arith.addi %add3A_351, %mul3A_350 : i32
      %add3A_353 = arith.constant 1 : i32
      %add3A_354 = arith.addi %add3A_352, %add3A_353 : i32
      %get3A_355 = arith.index_cast %add3A_354 : i32 to index
      %get3A_356 = arith.constant 0 : index
      %get3A_357 = tpu.vector_load %arg6[%get3A_355, %get3A_356] {strides = array<i32>} : memref<200x128xf32, #tpu.memory_space<vmem>>, vector<1x16xf32>,
      %get3A_358 = vector.shape_cast %get3A_357 : vector<1x16xf32> to vector<16xf32>
      %swap3A_359 = arith.index_cast %add3A_354 : i32 to index
      %swap3A_360 = arith.constant 0 : index
      %swap3A_361 = tpu.vector_load %arg7[%swap3A_359, %swap3A_360] {strides = array<i32>} : memref<200x128xf32, #tpu.memory_space<vmem>>, vector<1x16xf32>,
      %swap3A_362 = vector.shape_cast %swap3A_361 : vector<1x16xf32> to vector<16xf32>
      %swap3A_363 = vector.shape_cast %get3A_358 : vector<16xf32> to vector<1x16xf32>
      tpu.vector_store %arg7[%swap3A_359, %swap3A_360], %swap3A_363 {add = true, strides = array<i32>} : memref<200x128xf32, #tpu.memory_space<vmem>>, vector<1x16xf32>,
      %get3A_364 = arith.index_cast %add3A_354 : i32 to index
      %get3A_365 = arith.constant 16 : index
      %get3A_366 = tpu.vector_load %arg6[%get3A_364, %get3A_365] {strides = array<i32>} : memref<200x128xf32, #tpu.memory_space<vmem>>, vector<1x16xf32>,
      %get3A_367 = vector.shape_cast %get3A_366 : vector<1x16xf32> to vector<16xf32>
      %swap3A_368 = arith.index_cast %add3A_354 : i32 to index
      %swap3A_369 = arith.constant 16 : index
      %swap3A_370 = tpu.vector_load %arg7[%swap3A_368, %swap3A_369] {strides = array<i32>} : memref<200x128xf32, #tpu.memory_space<vmem>>, vector<1x16xf32>,
      %swap3A_371 = vector.shape_cast %swap3A_370 : vector<1x16xf32> to vector<16xf32>
      %swap3A_372 = vector.shape_cast %get3A_367 : vector<16xf32> to vector<1x16xf32>
      tpu.vector_store %arg7[%swap3A_368, %swap3A_369], %swap3A_372 {add = true, strides = array<i32>} : memref<200x128xf32, #tpu.memory_space<vmem>>, vector<1x16xf32>,
      %get3A_373 = arith.index_cast %add3A_354 : i32 to index
      %get3A_374 = arith.constant 32 : index
      %get3A_375 = tpu.vector_load %arg6[%get3A_373, %get3A_374] {strides = array<i32>} : memref<200x128xf32, #tpu.memory_space<vmem>>, vector<1x16xf32>,
      %get3A_376 = vector.shape_cast %get3A_375 : vector<1x16xf32> to vector<16xf32>
      %swap3A_377 = arith.index_cast %add3A_354 : i32 to index
      %swap3A_378 = arith.constant 32 : index
      %swap3A_379 = tpu.vector_load %arg7[%swap3A_377, %swap3A_378] {strides = array<i32>} : memref<200x128xf32, #tpu.memory_space<vmem>>, vector<1x16xf32>,
      %swap3A_380 = vector.shape_cast %swap3A_379 : vector<1x16xf32> to vector<16xf32>
      %swap3A_381 = vector.shape_cast %get3A_376 : vector<16xf32> to vector<1x16xf32>
      tpu.vector_store %arg7[%swap3A_377, %swap3A_378], %swap3A_381 {add = true, strides = array<i32>} : memref<200x128xf32, #tpu.memory_space<vmem>>, vector<1x16xf32>,
      %get3A_382 = arith.index_cast %add3A_354 : i32 to index
      %get3A_383 = arith.constant 48 : index
      %get3A_384 = tpu.vector_load %arg6[%get3A_382, %get3A_383] {strides = array<i32>} : memref<200x128xf32, #tpu.memory_space<vmem>>, vector<1x16xf32>,
      %get3A_385 = vector.shape_cast %get3A_384 : vector<1x16xf32> to vector<16xf32>
      %swap3A_386 = arith.index_cast %add3A_354 : i32 to index
      %swap3A_387 = arith.constant 48 : index
      %swap3A_388 = tpu.vector_load %arg7[%swap3A_386, %swap3A_387] {strides = array<i32>} : memref<200x128xf32, #tpu.memory_space<vmem>>, vector<1x16xf32>,
      %swap3A_389 = vector.shape_cast %swap3A_388 : vector<1x16xf32> to vector<16xf32>
      %swap3A_390 = vector.shape_cast %get3A_385 : vector<16xf32> to vector<1x16xf32>
      tpu.vector_store %arg7[%swap3A_386, %swap3A_387], %swap3A_390 {add = true, strides = array<i32>} : memref<200x128xf32, #tpu.memory_space<vmem>>, vector<1x16xf32>,
      %get3A_391 = arith.index_cast %add3A_354 : i32 to index
      %get3A_392 = arith.constant 64 : index
      %get3A_393 = tpu.vector_load %arg6[%get3A_391, %get3A_392] {strides = array<i32>} : memref<200x128xf32, #tpu.memory_space<vmem>>, vector<1x16xf32>,
      %get3A_394 = vector.shape_cast %get3A_393 : vector<1x16xf32> to vector<16xf32>
      %swap3A_395 = arith.index_cast %add3A_354 : i32 to index
      %swap3A_396 = arith.constant 64 : index
      %swap3A_397 = tpu.vector_load %arg7[%swap3A_395, %swap3A_396] {strides = array<i32>} : memref<200x128xf32, #tpu.memory_space<vmem>>, vector<1x16xf32>,
      %swap3A_398 = vector.shape_cast %swap3A_397 : vector<1x16xf32> to vector<16xf32>
      %swap3A_399 = vector.shape_cast %get3A_394 : vector<16xf32> to vector<1x16xf32>
      tpu.vector_store %arg7[%swap3A_395, %swap3A_396], %swap3A_399 {add = true, strides = array<i32>} : memref<200x128xf32, #tpu.memory_space<vmem>>, vector<1x16xf32>,
      %get3A_400 = arith.index_cast %add3A_354 : i32 to index
      %get3A_401 = arith.constant 80 : index
      %get3A_402 = tpu.vector_load %arg6[%get3A_400, %get3A_401] {strides = array<i32>} : memref<200x128xf32, #tpu.memory_space<vmem>>, vector<1x16xf32>,
      %get3A_403 = vector.shape_cast %get3A_402 : vector<1x16xf32> to vector<16xf32>
      %swap3A_404 = arith.index_cast %add3A_354 : i32 to index
      %swap3A_405 = arith.constant 80 : index
      %swap3A_406 = tpu.vector_load %arg7[%swap3A_404, %swap3A_405] {strides = array<i32>} : memref<200x128xf32, #tpu.memory_space<vmem>>, vector<1x16xf32>,
      %swap3A_407 = vector.shape_cast %swap3A_406 : vector<1x16xf32> to vector<16xf32>
      %swap3A_408 = vector.shape_cast %get3A_403 : vector<16xf32> to vector<1x16xf32>
      tpu.vector_store %arg7[%swap3A_404, %swap3A_405], %swap3A_408 {add = true, strides = array<i32>} : memref<200x128xf32, #tpu.memory_space<vmem>>, vector<1x16xf32>,
      %get3A_409 = arith.index_cast %add3A_354 : i32 to index
      %get3A_410 = arith.constant 96 : index
      %get3A_411 = tpu.vector_load %arg6[%get3A_409, %get3A_410] {strides = array<i32>} : memref<200x128xf32, #tpu.memory_space<vmem>>, vector<1x16xf32>,
      %get3A_412 = vector.shape_cast %get3A_411 : vector<1x16xf32> to vector<16xf32>
      %swap3A_413 = arith.index_cast %add3A_354 : i32 to index
      %swap3A_414 = arith.constant 96 : index
      %swap3A_415 = tpu.vector_load %arg7[%swap3A_413, %swap3A_414] {strides = array<i32>} : memref<200x128xf32, #tpu.memory_space<vmem>>, vector<1x16xf32>,
      %swap3A_416 = vector.shape_cast %swap3A_415 : vector<1x16xf32> to vector<16xf32>
      %swap3A_417 = vector.shape_cast %get3A_412 : vector<16xf32> to vector<1x16xf32>
      tpu.vector_store %arg7[%swap3A_413, %swap3A_414], %swap3A_417 {add = true, strides = array<i32>} : memref<200x128xf32, #tpu.memory_space<vmem>>, vector<1x16xf32>,
      %get3A_418 = arith.index_cast %add3A_354 : i32 to index
      %get3A_419 = arith.constant 112 : index
      %get3A_420 = tpu.vector_load %arg6[%get3A_418, %get3A_419] {strides = array<i32>} : memref<200x128xf32, #tpu.memory_space<vmem>>, vector<1x16xf32>,
      %get3A_421 = vector.shape_cast %get3A_420 : vector<1x16xf32> to vector<16xf32>
      %swap3A_422 = arith.index_cast %add3A_354 : i32 to index
      %swap3A_423 = arith.constant 112 : index
      %swap3A_424 = tpu.vector_load %arg7[%swap3A_422, %swap3A_423] {strides = array<i32>} : memref<200x128xf32, #tpu.memory_space<vmem>>, vector<1x16xf32>,
      %swap3A_425 = vector.shape_cast %swap3A_424 : vector<1x16xf32> to vector<16xf32>
      %swap3A_426 = vector.shape_cast %get3A_421 : vector<16xf32> to vector<1x16xf32>
      tpu.vector_store %arg7[%swap3A_422, %swap3A_423], %swap3A_426 {add = true, strides = array<i32>} : memref<200x128xf32, #tpu.memory_space<vmem>>, vector<1x16xf32>,
      %mul3A_427 = arith.constant 4 : i32
      %mul3A_428 = arith.muli %scan3A_272, %mul3A_427 : i32
      %add3A_429 = arith.constant 104 : i32
      %add3A_430 = arith.addi %add3A_429, %mul3A_428 : i32
      %add3A_431 = arith.constant 2 : i32
      %add3A_432 = arith.addi %add3A_430, %add3A_431 : i32
      %get3A_433 = arith.index_cast %add3A_432 : i32 to index
      %get3A_434 = arith.constant 0 : index
      %get3A_435 = tpu.vector_load %arg6[%get3A_433, %get3A_434] {strides = array<i32>} : memref<200x128xf32, #tpu.memory_space<vmem>>, vector<1x16xf32>,
      %get3A_436 = vector.shape_cast %get3A_435 : vector<1x16xf32> to vector<16xf32>
      %swap3A_437 = arith.index_cast %add3A_432 : i32 to index
      %swap3A_438 = arith.constant 0 : index
      %swap3A_439 = tpu.vector_load %arg7[%swap3A_437, %swap3A_438] {strides = array<i32>} : memref<200x128xf32, #tpu.memory_space<vmem>>, vector<1x16xf32>,
      %swap3A_440 = vector.shape_cast %swap3A_439 : vector<1x16xf32> to vector<16xf32>
      %swap3A_441 = vector.shape_cast %get3A_436 : vector<16xf32> to vector<1x16xf32>
      tpu.vector_store %arg7[%swap3A_437, %swap3A_438], %swap3A_441 {add = true, strides = array<i32>} : memref<200x128xf32, #tpu.memory_space<vmem>>, vector<1x16xf32>,
      %get3A_442 = arith.index_cast %add3A_432 : i32 to index
      %get3A_443 = arith.constant 16 : index
      %get3A_444 = tpu.vector_load %arg6[%get3A_442, %get3A_443] {strides = array<i32>} : memref<200x128xf32, #tpu.memory_space<vmem>>, vector<1x16xf32>,
      %get3A_445 = vector.shape_cast %get3A_444 : vector<1x16xf32> to vector<16xf32>
      %swap3A_446 = arith.index_cast %add3A_432 : i32 to index
      %swap3A_447 = arith.constant 16 : index
      %swap3A_448 = tpu.vector_load %arg7[%swap3A_446, %swap3A_447] {strides = array<i32>} : memref<200x128xf32, #tpu.memory_space<vmem>>, vector<1x16xf32>,
      %swap3A_449 = vector.shape_cast %swap3A_448 : vector<1x16xf32> to vector<16xf32>
      %swap3A_450 = vector.shape_cast %get3A_445 : vector<16xf32> to vector<1x16xf32>
      tpu.vector_store %arg7[%swap3A_446, %swap3A_447], %swap3A_450 {add = true, strides = array<i32>} : memref<200x128xf32, #tpu.memory_space<vmem>>, vector<1x16xf32>,
      %get3A_451 = arith.index_cast %add3A_432 : i32 to index
      %get3A_452 = arith.constant 32 : index
      %get3A_453 = tpu.vector_load %arg6[%get3A_451, %get3A_452] {strides = array<i32>} : memref<200x128xf32, #tpu.memory_space<vmem>>, vector<1x16xf32>,
      %get3A_454 = vector.shape_cast %get3A_453 : vector<1x16xf32> to vector<16xf32>
      %swap3A_455 = arith.index_cast %add3A_432 : i32 to index
      %swap3A_456 = arith.constant 32 : index
      %swap3A_457 = tpu.vector_load %arg7[%swap3A_455, %swap3A_456] {strides = array<i32>} : memref<200x128xf32, #tpu.memory_space<vmem>>, vector<1x16xf32>,
      %swap3A_458 = vector.shape_cast %swap3A_457 : vector<1x16xf32> to vector<16xf32>
      %swap3A_459 = vector.shape_cast %get3A_454 : vector<16xf32> to vector<1x16xf32>
      tpu.vector_store %arg7[%swap3A_455, %swap3A_456], %swap3A_459 {add = true, strides = array<i32>} : memref<200x128xf32, #tpu.memory_space<vmem>>, vector<1x16xf32>,
      %get3A_460 = arith.index_cast %add3A_432 : i32 to index
      %get3A_461 = arith.constant 48 : index
      %get3A_462 = tpu.vector_load %arg6[%get3A_460, %get3A_461] {strides = array<i32>} : memref<200x128xf32, #tpu.memory_space<vmem>>, vector<1x16xf32>,
      %get3A_463 = vector.shape_cast %get3A_462 : vector<1x16xf32> to vector<16xf32>
      %swap3A_464 = arith.index_cast %add3A_432 : i32 to index
      %swap3A_465 = arith.constant 48 : index
      %swap3A_466 = tpu.vector_load %arg7[%swap3A_464, %swap3A_465] {strides = array<i32>} : memref<200x128xf32, #tpu.memory_space<vmem>>, vector<1x16xf32>,
      %swap3A_467 = vector.shape_cast %swap3A_466 : vector<1x16xf32> to vector<16xf32>
      %swap3A_468 = vector.shape_cast %get3A_463 : vector<16xf32> to vector<1x16xf32>
      tpu.vector_store %arg7[%swap3A_464, %swap3A_465], %swap3A_468 {add = true, strides = array<i32>} : memref<200x128xf32, #tpu.memory_space<vmem>>, vector<1x16xf32>,
      %get3A_469 = arith.index_cast %add3A_432 : i32 to index
      %get3A_470 = arith.constant 64 : index
      %get3A_471 = tpu.vector_load %arg6[%get3A_469, %get3A_470] {strides = array<i32>} : memref<200x128xf32, #tpu.memory_space<vmem>>, vector<1x16xf32>,
      %get3A_472 = vector.shape_cast %get3A_471 : vector<1x16xf32> to vector<16xf32>
      %swap3A_473 = arith.index_cast %add3A_432 : i32 to index
      %swap3A_474 = arith.constant 64 : index
      %swap3A_475 = tpu.vector_load %arg7[%swap3A_473, %swap3A_474] {strides = array<i32>} : memref<200x128xf32, #tpu.memory_space<vmem>>, vector<1x16xf32>,
      %swap3A_476 = vector.shape_cast %swap3A_475 : vector<1x16xf32> to vector<16xf32>
      %swap3A_477 = vector.shape_cast %get3A_472 : vector<16xf32> to vector<1x16xf32>
      tpu.vector_store %arg7[%swap3A_473, %swap3A_474], %swap3A_477 {add = true, strides = array<i32>} : memref<200x128xf32, #tpu.memory_space<vmem>>, vector<1x16xf32>,
      %get3A_478 = arith.index_cast %add3A_432 : i32 to index
      %get3A_479 = arith.constant 80 : index
      %get3A_480 = tpu.vector_load %arg6[%get3A_478, %get3A_479] {strides = array<i32>} : memref<200x128xf32, #tpu.memory_space<vmem>>, vector<1x16xf32>,
      %get3A_481 = vector.shape_cast %get3A_480 : vector<1x16xf32> to vector<16xf32>
      %swap3A_482 = arith.index_cast %add3A_432 : i32 to index
      %swap3A_483 = arith.constant 80 : index
      %swap3A_484 = tpu.vector_load %arg7[%swap3A_482, %swap3A_483] {strides = array<i32>} : memref<200x128xf32, #tpu.memory_space<vmem>>, vector<1x16xf32>,
      %swap3A_485 = vector.shape_cast %swap3A_484 : vector<1x16xf32> to vector<16xf32>
      %swap3A_486 = vector.shape_cast %get3A_481 : vector<16xf32> to vector<1x16xf32>
      tpu.vector_store %arg7[%swap3A_482, %swap3A_483], %swap3A_486 {add = true, strides = array<i32>} : memref<200x128xf32, #tpu.memory_space<vmem>>, vector<1x16xf32>,
      %get3A_487 = arith.index_cast %add3A_432 : i32 to index
      %get3A_488 = arith.constant 96 : index
      %get3A_489 = tpu.vector_load %arg6[%get3A_487, %get3A_488] {strides = array<i32>} : memref<200x128xf32, #tpu.memory_space<vmem>>, vector<1x16xf32>,
      %get3A_490 = vector.shape_cast %get3A_489 : vector<1x16xf32> to vector<16xf32>
      %swap3A_491 = arith.index_cast %add3A_432 : i32 to index
      %swap3A_492 = arith.constant 96 : index
      %swap3A_493 = tpu.vector_load %arg7[%swap3A_491, %swap3A_492] {strides = array<i32>} : memref<200x128xf32, #tpu.memory_space<vmem>>, vector<1x16xf32>,
      %swap3A_494 = vector.shape_cast %swap3A_493 : vector<1x16xf32> to vector<16xf32>
      %swap3A_495 = vector.shape_cast %get3A_490 : vector<16xf32> to vector<1x16xf32>
      tpu.vector_store %arg7[%swap3A_491, %swap3A_492], %swap3A_495 {add = true, strides = array<i32>} : memref<200x128xf32, #tpu.memory_space<vmem>>, vector<1x16xf32>,
      %get3A_496 = arith.index_cast %add3A_432 : i32 to index
      %get3A_497 = arith.constant 112 : index
      %get3A_498 = tpu.vector_load %arg6[%get3A_496, %get3A_497] {strides = array<i32>} : memref<200x128xf32, #tpu.memory_space<vmem>>, vector<1x16xf32>,
      %get3A_499 = vector.shape_cast %get3A_498 : vector<1x16xf32> to vector<16xf32>
      %swap3A_500 = arith.index_cast %add3A_432 : i32 to index
      %swap3A_501 = arith.constant 112 : index
      %swap3A_502 = tpu.vector_load %arg7[%swap3A_500, %swap3A_501] {strides = array<i32>} : memref<200x128xf32, #tpu.memory_space<vmem>>, vector<1x16xf32>,
      %swap3A_503 = vector.shape_cast %swap3A_502 : vector<1x16xf32> to vector<16xf32>
      %swap3A_504 = vector.shape_cast %get3A_499 : vector<16xf32> to vector<1x16xf32>
      tpu.vector_store %arg7[%swap3A_500, %swap3A_501], %swap3A_504 {add = true, strides = array<i32>} : memref<200x128xf32, #tpu.memory_space<vmem>>, vector<1x16xf32>,
      %mul3A_505 = arith.constant 4 : i32
      %mul3A_506 = arith.muli %scan3A_272, %mul3A_505 : i32
      %add3A_507 = arith.constant 104 : i32
      %add3A_508 = arith.addi %add3A_507, %mul3A_506 : i32
      %add3A_509 = arith.constant 3 : i32
      %add3A_510 = arith.addi %add3A_508, %add3A_509 : i32
      %get3A_511 = arith.index_cast %add3A_510 : i32 to index
      %get3A_512 = arith.constant 0 : index
      %get3A_513 = tpu.vector_load %arg6[%get3A_511, %get3A_512] {strides = array<i32>} : memref<200x128xf32, #tpu.memory_space<vmem>>, vector<1x16xf32>,
      %get3A_514 = vector.shape_cast %get3A_513 : vector<1x16xf32> to vector<16xf32>
      %swap3A_515 = arith.index_cast %add3A_510 : i32 to index
      %swap3A_516 = arith.constant 0 : index
      %swap3A_517 = tpu.vector_load %arg7[%swap3A_515, %swap3A_516] {strides = array<i32>} : memref<200x128xf32, #tpu.memory_space<vmem>>, vector<1x16xf32>,
      %swap3A_518 = vector.shape_cast %swap3A_517 : vector<1x16xf32> to vector<16xf32>
      %swap3A_519 = vector.shape_cast %get3A_514 : vector<16xf32> to vector<1x16xf32>
      tpu.vector_store %arg7[%swap3A_515, %swap3A_516], %swap3A_519 {add = true, strides = array<i32>} : memref<200x128xf32, #tpu.memory_space<vmem>>, vector<1x16xf32>,
      %get3A_520 = arith.index_cast %add3A_510 : i32 to index
      %get3A_521 = arith.constant 16 : index
      %get3A_522 = tpu.vector_load %arg6[%get3A_520, %get3A_521] {strides = array<i32>} : memref<200x128xf32, #tpu.memory_space<vmem>>, vector<1x16xf32>,
      %get3A_523 = vector.shape_cast %get3A_522 : vector<1x16xf32> to vector<16xf32>
      %swap3A_524 = arith.index_cast %add3A_510 : i32 to index
      %swap3A_525 = arith.constant 16 : index
      %swap3A_526 = tpu.vector_load %arg7[%swap3A_524, %swap3A_525] {strides = array<i32>} : memref<200x128xf32, #tpu.memory_space<vmem>>, vector<1x16xf32>,
      %swap3A_527 = vector.shape_cast %swap3A_526 : vector<1x16xf32> to vector<16xf32>
      %swap3A_528 = vector.shape_cast %get3A_523 : vector<16xf32> to vector<1x16xf32>
      tpu.vector_store %arg7[%swap3A_524, %swap3A_525], %swap3A_528 {add = true, strides = array<i32>} : memref<200x128xf32, #tpu.memory_space<vmem>>, vector<1x16xf32>,
      %get3A_529 = arith.index_cast %add3A_510 : i32 to index
      %get3A_530 = arith.constant 32 : index
      %get3A_531 = tpu.vector_load %arg6[%get3A_529, %get3A_530] {strides = array<i32>} : memref<200x128xf32, #tpu.memory_space<vmem>>, vector<1x16xf32>,
      %get3A_532 = vector.shape_cast %get3A_531 : vector<1x16xf32> to vector<16xf32>
      %swap3A_533 = arith.index_cast %add3A_510 : i32 to index
      %swap3A_534 = arith.constant 32 : index
      %swap3A_535 = tpu.vector_load %arg7[%swap3A_533, %swap3A_534] {strides = array<i32>} : memref<200x128xf32, #tpu.memory_space<vmem>>, vector<1x16xf32>,
      %swap3A_536 = vector.shape_cast %swap3A_535 : vector<1x16xf32> to vector<16xf32>
      %swap3A_537 = vector.shape_cast %get3A_532 : vector<16xf32> to vector<1x16xf32>
      tpu.vector_store %arg7[%swap3A_533, %swap3A_534], %swap3A_537 {add = true, strides = array<i32>} : memref<200x128xf32, #tpu.memory_space<vmem>>, vector<1x16xf32>,
      %get3A_538 = arith.index_cast %add3A_510 : i32 to index
      %get3A_539 = arith.constant 48 : index
      %get3A_540 = tpu.vector_load %arg6[%get3A_538, %get3A_539] {strides = array<i32>} : memref<200x128xf32, #tpu.memory_space<vmem>>, vector<1x16xf32>,
      %get3A_541 = vector.shape_cast %get3A_540 : vector<1x16xf32> to vector<16xf32>
      %swap3A_542 = arith.index_cast %add3A_510 : i32 to index
      %swap3A_543 = arith.constant 48 : index
      %swap3A_544 = tpu.vector_load %arg7[%swap3A_542, %swap3A_543] {strides = array<i32>} : memref<200x128xf32, #tpu.memory_space<vmem>>, vector<1x16xf32>,
      %swap3A_545 = vector.shape_cast %swap3A_544 : vector<1x16xf32> to vector<16xf32>
      %swap3A_546 = vector.shape_cast %get3A_541 : vector<16xf32> to vector<1x16xf32>
      tpu.vector_store %arg7[%swap3A_542, %swap3A_543], %swap3A_546 {add = true, strides = array<i32>} : memref<200x128xf32, #tpu.memory_space<vmem>>, vector<1x16xf32>,
      %get3A_547 = arith.index_cast %add3A_510 : i32 to index
      %get3A_548 = arith.constant 64 : index
      %get3A_549 = tpu.vector_load %arg6[%get3A_547, %get3A_548] {strides = array<i32>} : memref<200x128xf32, #tpu.memory_space<vmem>>, vector<1x16xf32>,
      %get3A_550 = vector.shape_cast %get3A_549 : vector<1x16xf32> to vector<16xf32>
      %swap3A_551 = arith.index_cast %add3A_510 : i32 to index
      %swap3A_552 = arith.constant 64 : index
      %swap3A_553 = tpu.vector_load %arg7[%swap3A_551, %swap3A_552] {strides = array<i32>} : memref<200x128xf32, #tpu.memory_space<vmem>>, vector<1x16xf32>,
      %swap3A_554 = vector.shape_cast %swap3A_553 : vector<1x16xf32> to vector<16xf32>
      %swap3A_555 = vector.shape_cast %get3A_550 : vector<16xf32> to vector<1x16xf32>
      tpu.vector_store %arg7[%swap3A_551, %swap3A_552], %swap3A_555 {add = true, strides = array<i32>} : memref<200x128xf32, #tpu.memory_space<vmem>>, vector<1x16xf32>,
      %get3A_556 = arith.index_cast %add3A_510 : i32 to index
      %get3A_557 = arith.constant 80 : index
      %get3A_558 = tpu.vector_load %arg6[%get3A_556, %get3A_557] {strides = array<i32>} : memref<200x128xf32, #tpu.memory_space<vmem>>, vector<1x16xf32>,
      %get3A_559 = vector.shape_cast %get3A_558 : vector<1x16xf32> to vector<16xf32>
      %swap3A_560 = arith.index_cast %add3A_510 : i32 to index
      %swap3A_561 = arith.constant 80 : index
      %swap3A_562 = tpu.vector_load %arg7[%swap3A_560, %swap3A_561] {strides = array<i32>} : memref<200x128xf32, #tpu.memory_space<vmem>>, vector<1x16xf32>,
      %swap3A_563 = vector.shape_cast %swap3A_562 : vector<1x16xf32> to vector<16xf32>
      %swap3A_564 = vector.shape_cast %get3A_559 : vector<16xf32> to vector<1x16xf32>
      tpu.vector_store %arg7[%swap3A_560, %swap3A_561], %swap3A_564 {add = true, strides = array<i32>} : memref<200x128xf32, #tpu.memory_space<vmem>>, vector<1x16xf32>,
      %get3A_565 = arith.index_cast %add3A_510 : i32 to index
      %get3A_566 = arith.constant 96 : index
      %get3A_567 = tpu.vector_load %arg6[%get3A_565, %get3A_566] {strides = array<i32>} : memref<200x128xf32, #tpu.memory_space<vmem>>, vector<1x16xf32>,
      %get3A_568 = vector.shape_cast %get3A_567 : vector<1x16xf32> to vector<16xf32>
      %swap3A_569 = arith.index_cast %add3A_510 : i32 to index
      %swap3A_570 = arith.constant 96 : index
      %swap3A_571 = tpu.vector_load %arg7[%swap3A_569, %swap3A_570] {strides = array<i32>} : memref<200x128xf32, #tpu.memory_space<vmem>>, vector<1x16xf32>,
      %swap3A_572 = vector.shape_cast %swap3A_571 : vector<1x16xf32> to vector<16xf32>
      %swap3A_573 = vector.shape_cast %get3A_568 : vector<16xf32> to vector<1x16xf32>
      tpu.vector_store %arg7[%swap3A_569, %swap3A_570], %swap3A_573 {add = true, strides = array<i32>} : memref<200x128xf32, #tpu.memory_space<vmem>>, vector<1x16xf32>,
      %get3A_574 = arith.index_cast %add3A_510 : i32 to index
      %get3A_575 = arith.constant 112 : index
      %get3A_576 = tpu.vector_load %arg6[%get3A_574, %get3A_575] {strides = array<i32>} : memref<200x128xf32, #tpu.memory_space<vmem>>, vector<1x16xf32>,
      %get3A_577 = vector.shape_cast %get3A_576 : vector<1x16xf32> to vector<16xf32>
      %swap3A_578 = arith.index_cast %add3A_510 : i32 to index
      %swap3A_579 = arith.constant 112 : index
      %swap3A_580 = tpu.vector_load %arg7[%swap3A_578, %swap3A_579] {strides = array<i32>} : memref<200x128xf32, #tpu.memory_space<vmem>>, vector<1x16xf32>,
      %swap3A_581 = vector.shape_cast %swap3A_580 : vector<1x16xf32> to vector<16xf32>
      %swap3A_582 = vector.shape_cast %get3A_577 : vector<16xf32> to vector<1x16xf32>
      tpu.vector_store %arg7[%swap3A_578, %swap3A_579], %swap3A_582 {add = true, strides = array<i32>} : memref<200x128xf32, #tpu.memory_space<vmem>>, vector<1x16xf32>,
    }
    %scan3A_99 = arith.constant 24 : i32
    %add3A_100 = arith.constant 126 : i32
    %add3A_101 = arith.addi %mul3A_2, %add3A_100 : i32
    %mul3A_102 = arith.constant 200 : i32
    %mul3A_103 = arith.muli %add3A_101, %mul3A_102 : i32
    %add3A_104 = arith.constant 104 : i32
    %add3A_105 = arith.addi %mul3A_103, %add3A_104 : i32
    %dma_start3A_106 = arith.constant 104 : i32
    %dma_start3A_107 = arith.constant 0 : i32
    %dma_start3A_108 = tpu.memref_slice %arg7[%dma_start3A_106, %dma_start3A_107] : memref<200x128xf32, #tpu.memory_space<vmem>> -> memref<96x128xf32, #tpu.memory_space<vmem>>
    %dma_start3A_109 = arith.constant 0 : i32
    %dma_start3A_110 = tpu.memref_slice %arg4[%add3A_105, %dma_start3A_109] : memref<819200x128xf32, #tpu.memory_space<hbm>> -> memref<96x128xf32, #tpu.memory_space<hbm>>
    %dma_start3A_111 = arith.constant 0 : i32
    %dma_start3A_112 = tpu.memref_slice %arg4[%add3A_105, %dma_start3A_111] : memref<819200x128xf32, #tpu.memory_space<hbm>> -> memref<96x128xf32, #tpu.memory_space<hbm>>
    %dma_start3A_113 = arith.constant 104 : i32
    %dma_start3A_114 = arith.constant 0 : i32
    %dma_start3A_115 = tpu.memref_slice %arg7[%dma_start3A_113, %dma_start3A_114] : memref<200x128xf32, #tpu.memory_space<vmem>> -> memref<96x128xf32, #tpu.memory_space<vmem>>
    tpu.enqueue_dma source(%dma_start3A_115 : memref<96x128xf32, #tpu.memory_space<vmem>>) target(%dma_start3A_112 : memref<96x128xf32, #tpu.memory_space<hbm>>) target_semaphore(%arg11 : memref<!tpu.dma_semaphore, #tpu.memory_space<semaphore_mem>>)
    %dma_wait3A_116 = arith.constant 0 : i32
    %dma_wait3A_117 = arith.constant 0 : i32
    %dma_wait3A_118 = tpu.memref_slice %arg8[%dma_wait3A_116, %dma_wait3A_117] : memref<200x128xf32, #tpu.memory_space<vmem>> -> memref<104x128xf32, #tpu.memory_space<vmem>>
    %dma_wait3A_119 = arith.constant 25400 : i32
    %dma_wait3A_120 = tpu.memref_slice %arg5[%dma_wait3A_119] : memref<25600xi32, #tpu.memory_space<vmem>> -> memref<104xi32, #tpu.memory_space<vmem>>
    %dma_wait3A_121 = arith.constant 0 : i32
    %dma_wait3A_122 = arith.constant 0 : i32
    %dma_wait3A_123 = tpu.memref_slice %arg3[%dma_wait3A_121, %dma_wait3A_122] : memref<102000x128xf32, #tpu.memory_space<hbm>> -> memref<102000x128xf32, #tpu.memory_space<hbm>>
    tpu.wait_indirect_dma semaphore(%arg10 : memref<!tpu.dma_semaphore, #tpu.memory_space<semaphore_mem>>) src(%dma_wait3A_123 : memref<102000x128xf32, #tpu.memory_space<hbm>>) dst(%dma_wait3A_118 : memref<104x128xf32, #tpu.memory_space<vmem>>)
    %scan3A_124 = arith.constant 0 : i32
    %scan3A_125 = arith.constant 0 : i32
    %scan3A_126 = arith.constant 26 : i32
    %scan3A_127 = arith.addi %scan3A_125, %scan3A_126 : i32
    %scan3A_128 = arith.constant 1 : i32
    scf.for %scan3A_272 = %scan3A_125 to %scan3A_127 step %scan3A_128  : i32 {
      %mul3A_273 = arith.constant 4 : i32
      %mul3A_274 = arith.muli %scan3A_272, %mul3A_273 : i32
      %add3A_275 = arith.constant 0 : i32
      %add3A_276 = arith.addi %add3A_275, %mul3A_274 : i32
      %add3A_277 = arith.constant 0 : i32
      %add3A_278 = arith.addi %add3A_276, %add3A_277 : i32
      %get3A = arith.index_cast %add3A_278 : i32 to index
      %get3A_279 = arith.constant 0 : index
      %get3A_280 = tpu.vector_load %arg6[%get3A, %get3A_279] {strides = array<i32>} : memref<200x128xf32, #tpu.memory_space<vmem>>, vector<1x16xf32>,
      %get3A_281 = vector.shape_cast %get3A_280 : vector<1x16xf32> to vector<16xf32>
      %swap3A = arith.index_cast %add3A_278 : i32 to index
      %swap3A_282 = arith.constant 0 : index
      %swap3A_283 = tpu.vector_load %arg8[%swap3A, %swap3A_282] {strides = array<i32>} : memref<200x128xf32, #tpu.memory_space<vmem>>, vector<1x16xf32>,
      %swap3A_284 = vector.shape_cast %swap3A_283 : vector<1x16xf32> to vector<16xf32>
      %swap3A_285 = vector.shape_cast %get3A_281 : vector<16xf32> to vector<1x16xf32>
      tpu.vector_store %arg8[%swap3A, %swap3A_282], %swap3A_285 {add = true, strides = array<i32>} : memref<200x128xf32, #tpu.memory_space<vmem>>, vector<1x16xf32>,
      %get3A_286 = arith.index_cast %add3A_278 : i32 to index
      %get3A_287 = arith.constant 16 : index
      %get3A_288 = tpu.vector_load %arg6[%get3A_286, %get3A_287] {strides = array<i32>} : memref<200x128xf32, #tpu.memory_space<vmem>>, vector<1x16xf32>,
      %get3A_289 = vector.shape_cast %get3A_288 : vector<1x16xf32> to vector<16xf32>
      %swap3A_290 = arith.index_cast %add3A_278 : i32 to index
      %swap3A_291 = arith.constant 16 : index
      %swap3A_292 = tpu.vector_load %arg8[%swap3A_290, %swap3A_291] {strides = array<i32>} : memref<200x128xf32, #tpu.memory_space<vmem>>, vector<1x16xf32>,
      %swap3A_293 = vector.shape_cast %swap3A_292 : vector<1x16xf32> to vector<16xf32>
      %swap3A_294 = vector.shape_cast %get3A_289 : vector<16xf32> to vector<1x16xf32>
      tpu.vector_store %arg8[%swap3A_290, %swap3A_291], %swap3A_294 {add = true, strides = array<i32>} : memref<200x128xf32, #tpu.memory_space<vmem>>, vector<1x16xf32>,
      %get3A_295 = arith.index_cast %add3A_278 : i32 to index
      %get3A_296 = arith.constant 32 : index
      %get3A_297 = tpu.vector_load %arg6[%get3A_295, %get3A_296] {strides = array<i32>} : memref<200x128xf32, #tpu.memory_space<vmem>>, vector<1x16xf32>,
      %get3A_298 = vector.shape_cast %get3A_297 : vector<1x16xf32> to vector<16xf32>
      %swap3A_299 = arith.index_cast %add3A_278 : i32 to index
      %swap3A_300 = arith.constant 32 : index
      %swap3A_301 = tpu.vector_load %arg8[%swap3A_299, %swap3A_300] {strides = array<i32>} : memref<200x128xf32, #tpu.memory_space<vmem>>, vector<1x16xf32>,
      %swap3A_302 = vector.shape_cast %swap3A_301 : vector<1x16xf32> to vector<16xf32>
      %swap3A_303 = vector.shape_cast %get3A_298 : vector<16xf32> to vector<1x16xf32>
      tpu.vector_store %arg8[%swap3A_299, %swap3A_300], %swap3A_303 {add = true, strides = array<i32>} : memref<200x128xf32, #tpu.memory_space<vmem>>, vector<1x16xf32>,
      %get3A_304 = arith.index_cast %add3A_278 : i32 to index
      %get3A_305 = arith.constant 48 : index
      %get3A_306 = tpu.vector_load %arg6[%get3A_304, %get3A_305] {strides = array<i32>} : memref<200x128xf32, #tpu.memory_space<vmem>>, vector<1x16xf32>,
      %get3A_307 = vector.shape_cast %get3A_306 : vector<1x16xf32> to vector<16xf32>
      %swap3A_308 = arith.index_cast %add3A_278 : i32 to index
      %swap3A_309 = arith.constant 48 : index
      %swap3A_310 = tpu.vector_load %arg8[%swap3A_308, %swap3A_309] {strides = array<i32>} : memref<200x128xf32, #tpu.memory_space<vmem>>, vector<1x16xf32>,
      %swap3A_311 = vector.shape_cast %swap3A_310 : vector<1x16xf32> to vector<16xf32>
      %swap3A_312 = vector.shape_cast %get3A_307 : vector<16xf32> to vector<1x16xf32>
      tpu.vector_store %arg8[%swap3A_308, %swap3A_309], %swap3A_312 {add = true, strides = array<i32>} : memref<200x128xf32, #tpu.memory_space<vmem>>, vector<1x16xf32>,
      %get3A_313 = arith.index_cast %add3A_278 : i32 to index
      %get3A_314 = arith.constant 64 : index
      %get3A_315 = tpu.vector_load %arg6[%get3A_313, %get3A_314] {strides = array<i32>} : memref<200x128xf32, #tpu.memory_space<vmem>>, vector<1x16xf32>,
      %get3A_316 = vector.shape_cast %get3A_315 : vector<1x16xf32> to vector<16xf32>
      %swap3A_317 = arith.index_cast %add3A_278 : i32 to index
      %swap3A_318 = arith.constant 64 : index
      %swap3A_319 = tpu.vector_load %arg8[%swap3A_317, %swap3A_318] {strides = array<i32>} : memref<200x128xf32, #tpu.memory_space<vmem>>, vector<1x16xf32>,
      %swap3A_320 = vector.shape_cast %swap3A_319 : vector<1x16xf32> to vector<16xf32>
      %swap3A_321 = vector.shape_cast %get3A_316 : vector<16xf32> to vector<1x16xf32>
      tpu.vector_store %arg8[%swap3A_317, %swap3A_318], %swap3A_321 {add = true, strides = array<i32>} : memref<200x128xf32, #tpu.memory_space<vmem>>, vector<1x16xf32>,
      %get3A_322 = arith.index_cast %add3A_278 : i32 to index
      %get3A_323 = arith.constant 80 : index
      %get3A_324 = tpu.vector_load %arg6[%get3A_322, %get3A_323] {strides = array<i32>} : memref<200x128xf32, #tpu.memory_space<vmem>>, vector<1x16xf32>,
      %get3A_325 = vector.shape_cast %get3A_324 : vector<1x16xf32> to vector<16xf32>
      %swap3A_326 = arith.index_cast %add3A_278 : i32 to index
      %swap3A_327 = arith.constant 80 : index
      %swap3A_328 = tpu.vector_load %arg8[%swap3A_326, %swap3A_327] {strides = array<i32>} : memref<200x128xf32, #tpu.memory_space<vmem>>, vector<1x16xf32>,
      %swap3A_329 = vector.shape_cast %swap3A_328 : vector<1x16xf32> to vector<16xf32>
      %swap3A_330 = vector.shape_cast %get3A_325 : vector<16xf32> to vector<1x16xf32>
      tpu.vector_store %arg8[%swap3A_326, %swap3A_327], %swap3A_330 {add = true, strides = array<i32>} : memref<200x128xf32, #tpu.memory_space<vmem>>, vector<1x16xf32>,
      %get3A_331 = arith.index_cast %add3A_278 : i32 to index
      %get3A_332 = arith.constant 96 : index
      %get3A_333 = tpu.vector_load %arg6[%get3A_331, %get3A_332] {strides = array<i32>} : memref<200x128xf32, #tpu.memory_space<vmem>>, vector<1x16xf32>,
      %get3A_334 = vector.shape_cast %get3A_333 : vector<1x16xf32> to vector<16xf32>
      %swap3A_335 = arith.index_cast %add3A_278 : i32 to index
      %swap3A_336 = arith.constant 96 : index
      %swap3A_337 = tpu.vector_load %arg8[%swap3A_335, %swap3A_336] {strides = array<i32>} : memref<200x128xf32, #tpu.memory_space<vmem>>, vector<1x16xf32>,
      %swap3A_338 = vector.shape_cast %swap3A_337 : vector<1x16xf32> to vector<16xf32>
      %swap3A_339 = vector.shape_cast %get3A_334 : vector<16xf32> to vector<1x16xf32>
      tpu.vector_store %arg8[%swap3A_335, %swap3A_336], %swap3A_339 {add = true, strides = array<i32>} : memref<200x128xf32, #tpu.memory_space<vmem>>, vector<1x16xf32>,
      %get3A_340 = arith.index_cast %add3A_278 : i32 to index
      %get3A_341 = arith.constant 112 : index
      %get3A_342 = tpu.vector_load %arg6[%get3A_340, %get3A_341] {strides = array<i32>} : memref<200x128xf32, #tpu.memory_space<vmem>>, vector<1x16xf32>,
      %get3A_343 = vector.shape_cast %get3A_342 : vector<1x16xf32> to vector<16xf32>
      %swap3A_344 = arith.index_cast %add3A_278 : i32 to index
      %swap3A_345 = arith.constant 112 : index
      %swap3A_346 = tpu.vector_load %arg8[%swap3A_344, %swap3A_345] {strides = array<i32>} : memref<200x128xf32, #tpu.memory_space<vmem>>, vector<1x16xf32>,
      %swap3A_347 = vector.shape_cast %swap3A_346 : vector<1x16xf32> to vector<16xf32>
      %swap3A_348 = vector.shape_cast %get3A_343 : vector<16xf32> to vector<1x16xf32>
      tpu.vector_store %arg8[%swap3A_344, %swap3A_345], %swap3A_348 {add = true, strides = array<i32>} : memref<200x128xf32, #tpu.memory_space<vmem>>, vector<1x16xf32>,
      %mul3A_349 = arith.constant 4 : i32
      %mul3A_350 = arith.muli %scan3A_272, %mul3A_349 : i32
      %add3A_351 = arith.constant 0 : i32
      %add3A_352 = arith.addi %add3A_351, %mul3A_350 : i32
      %add3A_353 = arith.constant 1 : i32
      %add3A_354 = arith.addi %add3A_352, %add3A_353 : i32
      %get3A_355 = arith.index_cast %add3A_354 : i32 to index
      %get3A_356 = arith.constant 0 : index
      %get3A_357 = tpu.vector_load %arg6[%get3A_355, %get3A_356] {strides = array<i32>} : memref<200x128xf32, #tpu.memory_space<vmem>>, vector<1x16xf32>,
      %get3A_358 = vector.shape_cast %get3A_357 : vector<1x16xf32> to vector<16xf32>
      %swap3A_359 = arith.index_cast %add3A_354 : i32 to index
      %swap3A_360 = arith.constant 0 : index
      %swap3A_361 = tpu.vector_load %arg8[%swap3A_359, %swap3A_360] {strides = array<i32>} : memref<200x128xf32, #tpu.memory_space<vmem>>, vector<1x16xf32>,
      %swap3A_362 = vector.shape_cast %swap3A_361 : vector<1x16xf32> to vector<16xf32>
      %swap3A_363 = vector.shape_cast %get3A_358 : vector<16xf32> to vector<1x16xf32>
      tpu.vector_store %arg8[%swap3A_359, %swap3A_360], %swap3A_363 {add = true, strides = array<i32>} : memref<200x128xf32, #tpu.memory_space<vmem>>, vector<1x16xf32>,
      %get3A_364 = arith.index_cast %add3A_354 : i32 to index
      %get3A_365 = arith.constant 16 : index
      %get3A_366 = tpu.vector_load %arg6[%get3A_364, %get3A_365] {strides = array<i32>} : memref<200x128xf32, #tpu.memory_space<vmem>>, vector<1x16xf32>,
      %get3A_367 = vector.shape_cast %get3A_366 : vector<1x16xf32> to vector<16xf32>
      %swap3A_368 = arith.index_cast %add3A_354 : i32 to index
      %swap3A_369 = arith.constant 16 : index
      %swap3A_370 = tpu.vector_load %arg8[%swap3A_368, %swap3A_369] {strides = array<i32>} : memref<200x128xf32, #tpu.memory_space<vmem>>, vector<1x16xf32>,
      %swap3A_371 = vector.shape_cast %swap3A_370 : vector<1x16xf32> to vector<16xf32>
      %swap3A_372 = vector.shape_cast %get3A_367 : vector<16xf32> to vector<1x16xf32>
      tpu.vector_store %arg8[%swap3A_368, %swap3A_369], %swap3A_372 {add = true, strides = array<i32>} : memref<200x128xf32, #tpu.memory_space<vmem>>, vector<1x16xf32>,
      %get3A_373 = arith.index_cast %add3A_354 : i32 to index
      %get3A_374 = arith.constant 32 : index
      %get3A_375 = tpu.vector_load %arg6[%get3A_373, %get3A_374] {strides = array<i32>} : memref<200x128xf32, #tpu.memory_space<vmem>>, vector<1x16xf32>,
      %get3A_376 = vector.shape_cast %get3A_375 : vector<1x16xf32> to vector<16xf32>
      %swap3A_377 = arith.index_cast %add3A_354 : i32 to index
      %swap3A_378 = arith.constant 32 : index
      %swap3A_379 = tpu.vector_load %arg8[%swap3A_377, %swap3A_378] {strides = array<i32>} : memref<200x128xf32, #tpu.memory_space<vmem>>, vector<1x16xf32>,
      %swap3A_380 = vector.shape_cast %swap3A_379 : vector<1x16xf32> to vector<16xf32>
      %swap3A_381 = vector.shape_cast %get3A_376 : vector<16xf32> to vector<1x16xf32>
      tpu.vector_store %arg8[%swap3A_377, %swap3A_378], %swap3A_381 {add = true, strides = array<i32>} : memref<200x128xf32, #tpu.memory_space<vmem>>, vector<1x16xf32>,
      %get3A_382 = arith.index_cast %add3A_354 : i32 to index
      %get3A_383 = arith.constant 48 : index
      %get3A_384 = tpu.vector_load %arg6[%get3A_382, %get3A_383] {strides = array<i32>} : memref<200x128xf32, #tpu.memory_space<vmem>>, vector<1x16xf32>,
      %get3A_385 = vector.shape_cast %get3A_384 : vector<1x16xf32> to vector<16xf32>
      %swap3A_386 = arith.index_cast %add3A_354 : i32 to index
      %swap3A_387 = arith.constant 48 : index
      %swap3A_388 = tpu.vector_load %arg8[%swap3A_386, %swap3A_387] {strides = array<i32>} : memref<200x128xf32, #tpu.memory_space<vmem>>, vector<1x16xf32>,
      %swap3A_389 = vector.shape_cast %swap3A_388 : vector<1x16xf32> to vector<16xf32>
      %swap3A_390 = vector.shape_cast %get3A_385 : vector<16xf32> to vector<1x16xf32>
      tpu.vector_store %arg8[%swap3A_386, %swap3A_387], %swap3A_390 {add = true, strides = array<i32>} : memref<200x128xf32, #tpu.memory_space<vmem>>, vector<1x16xf32>,
      %get3A_391 = arith.index_cast %add3A_354 : i32 to index
      %get3A_392 = arith.constant 64 : index
      %get3A_393 = tpu.vector_load %arg6[%get3A_391, %get3A_392] {strides = array<i32>} : memref<200x128xf32, #tpu.memory_space<vmem>>, vector<1x16xf32>,
      %get3A_394 = vector.shape_cast %get3A_393 : vector<1x16xf32> to vector<16xf32>
      %swap3A_395 = arith.index_cast %add3A_354 : i32 to index
      %swap3A_396 = arith.constant 64 : index
      %swap3A_397 = tpu.vector_load %arg8[%swap3A_395, %swap3A_396] {strides = array<i32>} : memref<200x128xf32, #tpu.memory_space<vmem>>, vector<1x16xf32>,
      %swap3A_398 = vector.shape_cast %swap3A_397 : vector<1x16xf32> to vector<16xf32>
      %swap3A_399 = vector.shape_cast %get3A_394 : vector<16xf32> to vector<1x16xf32>
      tpu.vector_store %arg8[%swap3A_395, %swap3A_396], %swap3A_399 {add = true, strides = array<i32>} : memref<200x128xf32, #tpu.memory_space<vmem>>, vector<1x16xf32>,
      %get3A_400 = arith.index_cast %add3A_354 : i32 to index
      %get3A_401 = arith.constant 80 : index
      %get3A_402 = tpu.vector_load %arg6[%get3A_400, %get3A_401] {strides = array<i32>} : memref<200x128xf32, #tpu.memory_space<vmem>>, vector<1x16xf32>,
      %get3A_403 = vector.shape_cast %get3A_402 : vector<1x16xf32> to vector<16xf32>
      %swap3A_404 = arith.index_cast %add3A_354 : i32 to index
      %swap3A_405 = arith.constant 80 : index
      %swap3A_406 = tpu.vector_load %arg8[%swap3A_404, %swap3A_405] {strides = array<i32>} : memref<200x128xf32, #tpu.memory_space<vmem>>, vector<1x16xf32>,
      %swap3A_407 = vector.shape_cast %swap3A_406 : vector<1x16xf32> to vector<16xf32>
      %swap3A_408 = vector.shape_cast %get3A_403 : vector<16xf32> to vector<1x16xf32>
      tpu.vector_store %arg8[%swap3A_404, %swap3A_405], %swap3A_408 {add = true, strides = array<i32>} : memref<200x128xf32, #tpu.memory_space<vmem>>, vector<1x16xf32>,
      %get3A_409 = arith.index_cast %add3A_354 : i32 to index
      %get3A_410 = arith.constant 96 : index
      %get3A_411 = tpu.vector_load %arg6[%get3A_409, %get3A_410] {strides = array<i32>} : memref<200x128xf32, #tpu.memory_space<vmem>>, vector<1x16xf32>,
      %get3A_412 = vector.shape_cast %get3A_411 : vector<1x16xf32> to vector<16xf32>
      %swap3A_413 = arith.index_cast %add3A_354 : i32 to index
      %swap3A_414 = arith.constant 96 : index
      %swap3A_415 = tpu.vector_load %arg8[%swap3A_413, %swap3A_414] {strides = array<i32>} : memref<200x128xf32, #tpu.memory_space<vmem>>, vector<1x16xf32>,
      %swap3A_416 = vector.shape_cast %swap3A_415 : vector<1x16xf32> to vector<16xf32>
      %swap3A_417 = vector.shape_cast %get3A_412 : vector<16xf32> to vector<1x16xf32>
      tpu.vector_store %arg8[%swap3A_413, %swap3A_414], %swap3A_417 {add = true, strides = array<i32>} : memref<200x128xf32, #tpu.memory_space<vmem>>, vector<1x16xf32>,
      %get3A_418 = arith.index_cast %add3A_354 : i32 to index
      %get3A_419 = arith.constant 112 : index
      %get3A_420 = tpu.vector_load %arg6[%get3A_418, %get3A_419] {strides = array<i32>} : memref<200x128xf32, #tpu.memory_space<vmem>>, vector<1x16xf32>,
      %get3A_421 = vector.shape_cast %get3A_420 : vector<1x16xf32> to vector<16xf32>
      %swap3A_422 = arith.index_cast %add3A_354 : i32 to index
      %swap3A_423 = arith.constant 112 : index
      %swap3A_424 = tpu.vector_load %arg8[%swap3A_422, %swap3A_423] {strides = array<i32>} : memref<200x128xf32, #tpu.memory_space<vmem>>, vector<1x16xf32>,
      %swap3A_425 = vector.shape_cast %swap3A_424 : vector<1x16xf32> to vector<16xf32>
      %swap3A_426 = vector.shape_cast %get3A_421 : vector<16xf32> to vector<1x16xf32>
      tpu.vector_store %arg8[%swap3A_422, %swap3A_423], %swap3A_426 {add = true, strides = array<i32>} : memref<200x128xf32, #tpu.memory_space<vmem>>, vector<1x16xf32>,
      %mul3A_427 = arith.constant 4 : i32
      %mul3A_428 = arith.muli %scan3A_272, %mul3A_427 : i32
      %add3A_429 = arith.constant 0 : i32
      %add3A_430 = arith.addi %add3A_429, %mul3A_428 : i32
      %add3A_431 = arith.constant 2 : i32
      %add3A_432 = arith.addi %add3A_430, %add3A_431 : i32
      %get3A_433 = arith.index_cast %add3A_432 : i32 to index
      %get3A_434 = arith.constant 0 : index
      %get3A_435 = tpu.vector_load %arg6[%get3A_433, %get3A_434] {strides = array<i32>} : memref<200x128xf32, #tpu.memory_space<vmem>>, vector<1x16xf32>,
      %get3A_436 = vector.shape_cast %get3A_435 : vector<1x16xf32> to vector<16xf32>
      %swap3A_437 = arith.index_cast %add3A_432 : i32 to index
      %swap3A_438 = arith.constant 0 : index
      %swap3A_439 = tpu.vector_load %arg8[%swap3A_437, %swap3A_438] {strides = array<i32>} : memref<200x128xf32, #tpu.memory_space<vmem>>, vector<1x16xf32>,
      %swap3A_440 = vector.shape_cast %swap3A_439 : vector<1x16xf32> to vector<16xf32>
      %swap3A_441 = vector.shape_cast %get3A_436 : vector<16xf32> to vector<1x16xf32>
      tpu.vector_store %arg8[%swap3A_437, %swap3A_438], %swap3A_441 {add = true, strides = array<i32>} : memref<200x128xf32, #tpu.memory_space<vmem>>, vector<1x16xf32>,
      %get3A_442 = arith.index_cast %add3A_432 : i32 to index
      %get3A_443 = arith.constant 16 : index
      %get3A_444 = tpu.vector_load %arg6[%get3A_442, %get3A_443] {strides = array<i32>} : memref<200x128xf32, #tpu.memory_space<vmem>>, vector<1x16xf32>,
      %get3A_445 = vector.shape_cast %get3A_444 : vector<1x16xf32> to vector<16xf32>
      %swap3A_446 = arith.index_cast %add3A_432 : i32 to index
      %swap3A_447 = arith.constant 16 : index
      %swap3A_448 = tpu.vector_load %arg8[%swap3A_446, %swap3A_447] {strides = array<i32>} : memref<200x128xf32, #tpu.memory_space<vmem>>, vector<1x16xf32>,
      %swap3A_449 = vector.shape_cast %swap3A_448 : vector<1x16xf32> to vector<16xf32>
      %swap3A_450 = vector.shape_cast %get3A_445 : vector<16xf32> to vector<1x16xf32>
      tpu.vector_store %arg8[%swap3A_446, %swap3A_447], %swap3A_450 {add = true, strides = array<i32>} : memref<200x128xf32, #tpu.memory_space<vmem>>, vector<1x16xf32>,
      %get3A_451 = arith.index_cast %add3A_432 : i32 to index
      %get3A_452 = arith.constant 32 : index
      %get3A_453 = tpu.vector_load %arg6[%get3A_451, %get3A_452] {strides = array<i32>} : memref<200x128xf32, #tpu.memory_space<vmem>>, vector<1x16xf32>,
      %get3A_454 = vector.shape_cast %get3A_453 : vector<1x16xf32> to vector<16xf32>
      %swap3A_455 = arith.index_cast %add3A_432 : i32 to index
      %swap3A_456 = arith.constant 32 : index
      %swap3A_457 = tpu.vector_load %arg8[%swap3A_455, %swap3A_456] {strides = array<i32>} : memref<200x128xf32, #tpu.memory_space<vmem>>, vector<1x16xf32>,
      %swap3A_458 = vector.shape_cast %swap3A_457 : vector<1x16xf32> to vector<16xf32>
      %swap3A_459 = vector.shape_cast %get3A_454 : vector<16xf32> to vector<1x16xf32>
      tpu.vector_store %arg8[%swap3A_455, %swap3A_456], %swap3A_459 {add = true, strides = array<i32>} : memref<200x128xf32, #tpu.memory_space<vmem>>, vector<1x16xf32>,
      %get3A_460 = arith.index_cast %add3A_432 : i32 to index
      %get3A_461 = arith.constant 48 : index
      %get3A_462 = tpu.vector_load %arg6[%get3A_460, %get3A_461] {strides = array<i32>} : memref<200x128xf32, #tpu.memory_space<vmem>>, vector<1x16xf32>,
      %get3A_463 = vector.shape_cast %get3A_462 : vector<1x16xf32> to vector<16xf32>
      %swap3A_464 = arith.index_cast %add3A_432 : i32 to index
      %swap3A_465 = arith.constant 48 : index
      %swap3A_466 = tpu.vector_load %arg8[%swap3A_464, %swap3A_465] {strides = array<i32>} : memref<200x128xf32, #tpu.memory_space<vmem>>, vector<1x16xf32>,
      %swap3A_467 = vector.shape_cast %swap3A_466 : vector<1x16xf32> to vector<16xf32>
      %swap3A_468 = vector.shape_cast %get3A_463 : vector<16xf32> to vector<1x16xf32>
      tpu.vector_store %arg8[%swap3A_464, %swap3A_465], %swap3A_468 {add = true, strides = array<i32>} : memref<200x128xf32, #tpu.memory_space<vmem>>, vector<1x16xf32>,
      %get3A_469 = arith.index_cast %add3A_432 : i32 to index
      %get3A_470 = arith.constant 64 : index
      %get3A_471 = tpu.vector_load %arg6[%get3A_469, %get3A_470] {strides = array<i32>} : memref<200x128xf32, #tpu.memory_space<vmem>>, vector<1x16xf32>,
      %get3A_472 = vector.shape_cast %get3A_471 : vector<1x16xf32> to vector<16xf32>
      %swap3A_473 = arith.index_cast %add3A_432 : i32 to index
      %swap3A_474 = arith.constant 64 : index
      %swap3A_475 = tpu.vector_load %arg8[%swap3A_473, %swap3A_474] {strides = array<i32>} : memref<200x128xf32, #tpu.memory_space<vmem>>, vector<1x16xf32>,
      %swap3A_476 = vector.shape_cast %swap3A_475 : vector<1x16xf32> to vector<16xf32>
      %swap3A_477 = vector.shape_cast %get3A_472 : vector<16xf32> to vector<1x16xf32>
      tpu.vector_store %arg8[%swap3A_473, %swap3A_474], %swap3A_477 {add = true, strides = array<i32>} : memref<200x128xf32, #tpu.memory_space<vmem>>, vector<1x16xf32>,
      %get3A_478 = arith.index_cast %add3A_432 : i32 to index
      %get3A_479 = arith.constant 80 : index
      %get3A_480 = tpu.vector_load %arg6[%get3A_478, %get3A_479] {strides = array<i32>} : memref<200x128xf32, #tpu.memory_space<vmem>>, vector<1x16xf32>,
      %get3A_481 = vector.shape_cast %get3A_480 : vector<1x16xf32> to vector<16xf32>
      %swap3A_482 = arith.index_cast %add3A_432 : i32 to index
      %swap3A_483 = arith.constant 80 : index
      %swap3A_484 = tpu.vector_load %arg8[%swap3A_482, %swap3A_483] {strides = array<i32>} : memref<200x128xf32, #tpu.memory_space<vmem>>, vector<1x16xf32>,
      %swap3A_485 = vector.shape_cast %swap3A_484 : vector<1x16xf32> to vector<16xf32>
      %swap3A_486 = vector.shape_cast %get3A_481 : vector<16xf32> to vector<1x16xf32>
      tpu.vector_store %arg8[%swap3A_482, %swap3A_483], %swap3A_486 {add = true, strides = array<i32>} : memref<200x128xf32, #tpu.memory_space<vmem>>, vector<1x16xf32>,
      %get3A_487 = arith.index_cast %add3A_432 : i32 to index
      %get3A_488 = arith.constant 96 : index
      %get3A_489 = tpu.vector_load %arg6[%get3A_487, %get3A_488] {strides = array<i32>} : memref<200x128xf32, #tpu.memory_space<vmem>>, vector<1x16xf32>,
      %get3A_490 = vector.shape_cast %get3A_489 : vector<1x16xf32> to vector<16xf32>
      %swap3A_491 = arith.index_cast %add3A_432 : i32 to index
      %swap3A_492 = arith.constant 96 : index
      %swap3A_493 = tpu.vector_load %arg8[%swap3A_491, %swap3A_492] {strides = array<i32>} : memref<200x128xf32, #tpu.memory_space<vmem>>, vector<1x16xf32>,
      %swap3A_494 = vector.shape_cast %swap3A_493 : vector<1x16xf32> to vector<16xf32>
      %swap3A_495 = vector.shape_cast %get3A_490 : vector<16xf32> to vector<1x16xf32>
      tpu.vector_store %arg8[%swap3A_491, %swap3A_492], %swap3A_495 {add = true, strides = array<i32>} : memref<200x128xf32, #tpu.memory_space<vmem>>, vector<1x16xf32>,
      %get3A_496 = arith.index_cast %add3A_432 : i32 to index
      %get3A_497 = arith.constant 112 : index
      %get3A_498 = tpu.vector_load %arg6[%get3A_496, %get3A_497] {strides = array<i32>} : memref<200x128xf32, #tpu.memory_space<vmem>>, vector<1x16xf32>,
      %get3A_499 = vector.shape_cast %get3A_498 : vector<1x16xf32> to vector<16xf32>
      %swap3A_500 = arith.index_cast %add3A_432 : i32 to index
      %swap3A_501 = arith.constant 112 : index
      %swap3A_502 = tpu.vector_load %arg8[%swap3A_500, %swap3A_501] {strides = array<i32>} : memref<200x128xf32, #tpu.memory_space<vmem>>, vector<1x16xf32>,
      %swap3A_503 = vector.shape_cast %swap3A_502 : vector<1x16xf32> to vector<16xf32>
      %swap3A_504 = vector.shape_cast %get3A_499 : vector<16xf32> to vector<1x16xf32>
      tpu.vector_store %arg8[%swap3A_500, %swap3A_501], %swap3A_504 {add = true, strides = array<i32>} : memref<200x128xf32, #tpu.memory_space<vmem>>, vector<1x16xf32>,
      %mul3A_505 = arith.constant 4 : i32
      %mul3A_506 = arith.muli %scan3A_272, %mul3A_505 : i32
      %add3A_507 = arith.constant 0 : i32
      %add3A_508 = arith.addi %add3A_507, %mul3A_506 : i32
      %add3A_509 = arith.constant 3 : i32
      %add3A_510 = arith.addi %add3A_508, %add3A_509 : i32
      %get3A_511 = arith.index_cast %add3A_510 : i32 to index
      %get3A_512 = arith.constant 0 : index
      %get3A_513 = tpu.vector_load %arg6[%get3A_511, %get3A_512] {strides = array<i32>} : memref<200x128xf32, #tpu.memory_space<vmem>>, vector<1x16xf32>,
      %get3A_514 = vector.shape_cast %get3A_513 : vector<1x16xf32> to vector<16xf32>
      %swap3A_515 = arith.index_cast %add3A_510 : i32 to index
      %swap3A_516 = arith.constant 0 : index
      %swap3A_517 = tpu.vector_load %arg8[%swap3A_515, %swap3A_516] {strides = array<i32>} : memref<200x128xf32, #tpu.memory_space<vmem>>, vector<1x16xf32>,
      %swap3A_518 = vector.shape_cast %swap3A_517 : vector<1x16xf32> to vector<16xf32>
      %swap3A_519 = vector.shape_cast %get3A_514 : vector<16xf32> to vector<1x16xf32>
      tpu.vector_store %arg8[%swap3A_515, %swap3A_516], %swap3A_519 {add = true, strides = array<i32>} : memref<200x128xf32, #tpu.memory_space<vmem>>, vector<1x16xf32>,
      %get3A_520 = arith.index_cast %add3A_510 : i32 to index
      %get3A_521 = arith.constant 16 : index
      %get3A_522 = tpu.vector_load %arg6[%get3A_520, %get3A_521] {strides = array<i32>} : memref<200x128xf32, #tpu.memory_space<vmem>>, vector<1x16xf32>,
      %get3A_523 = vector.shape_cast %get3A_522 : vector<1x16xf32> to vector<16xf32>
      %swap3A_524 = arith.index_cast %add3A_510 : i32 to index
      %swap3A_525 = arith.constant 16 : index
      %swap3A_526 = tpu.vector_load %arg8[%swap3A_524, %swap3A_525] {strides = array<i32>} : memref<200x128xf32, #tpu.memory_space<vmem>>, vector<1x16xf32>,
      %swap3A_527 = vector.shape_cast %swap3A_526 : vector<1x16xf32> to vector<16xf32>
      %swap3A_528 = vector.shape_cast %get3A_523 : vector<16xf32> to vector<1x16xf32>
      tpu.vector_store %arg8[%swap3A_524, %swap3A_525], %swap3A_528 {add = true, strides = array<i32>} : memref<200x128xf32, #tpu.memory_space<vmem>>, vector<1x16xf32>,
      %get3A_529 = arith.index_cast %add3A_510 : i32 to index
      %get3A_530 = arith.constant 32 : index
      %get3A_531 = tpu.vector_load %arg6[%get3A_529, %get3A_530] {strides = array<i32>} : memref<200x128xf32, #tpu.memory_space<vmem>>, vector<1x16xf32>,
      %get3A_532 = vector.shape_cast %get3A_531 : vector<1x16xf32> to vector<16xf32>
      %swap3A_533 = arith.index_cast %add3A_510 : i32 to index
      %swap3A_534 = arith.constant 32 : index
      %swap3A_535 = tpu.vector_load %arg8[%swap3A_533, %swap3A_534] {strides = array<i32>} : memref<200x128xf32, #tpu.memory_space<vmem>>, vector<1x16xf32>,
      %swap3A_536 = vector.shape_cast %swap3A_535 : vector<1x16xf32> to vector<16xf32>
      %swap3A_537 = vector.shape_cast %get3A_532 : vector<16xf32> to vector<1x16xf32>
      tpu.vector_store %arg8[%swap3A_533, %swap3A_534], %swap3A_537 {add = true, strides = array<i32>} : memref<200x128xf32, #tpu.memory_space<vmem>>, vector<1x16xf32>,
      %get3A_538 = arith.index_cast %add3A_510 : i32 to index
      %get3A_539 = arith.constant 48 : index
      %get3A_540 = tpu.vector_load %arg6[%get3A_538, %get3A_539] {strides = array<i32>} : memref<200x128xf32, #tpu.memory_space<vmem>>, vector<1x16xf32>,
      %get3A_541 = vector.shape_cast %get3A_540 : vector<1x16xf32> to vector<16xf32>
      %swap3A_542 = arith.index_cast %add3A_510 : i32 to index
      %swap3A_543 = arith.constant 48 : index
      %swap3A_544 = tpu.vector_load %arg8[%swap3A_542, %swap3A_543] {strides = array<i32>} : memref<200x128xf32, #tpu.memory_space<vmem>>, vector<1x16xf32>,
      %swap3A_545 = vector.shape_cast %swap3A_544 : vector<1x16xf32> to vector<16xf32>
      %swap3A_546 = vector.shape_cast %get3A_541 : vector<16xf32> to vector<1x16xf32>
      tpu.vector_store %arg8[%swap3A_542, %swap3A_543], %swap3A_546 {add = true, strides = array<i32>} : memref<200x128xf32, #tpu.memory_space<vmem>>, vector<1x16xf32>,
      %get3A_547 = arith.index_cast %add3A_510 : i32 to index
      %get3A_548 = arith.constant 64 : index
      %get3A_549 = tpu.vector_load %arg6[%get3A_547, %get3A_548] {strides = array<i32>} : memref<200x128xf32, #tpu.memory_space<vmem>>, vector<1x16xf32>,
      %get3A_550 = vector.shape_cast %get3A_549 : vector<1x16xf32> to vector<16xf32>
      %swap3A_551 = arith.index_cast %add3A_510 : i32 to index
      %swap3A_552 = arith.constant 64 : index
      %swap3A_553 = tpu.vector_load %arg8[%swap3A_551, %swap3A_552] {strides = array<i32>} : memref<200x128xf32, #tpu.memory_space<vmem>>, vector<1x16xf32>,
      %swap3A_554 = vector.shape_cast %swap3A_553 : vector<1x16xf32> to vector<16xf32>
      %swap3A_555 = vector.shape_cast %get3A_550 : vector<16xf32> to vector<1x16xf32>
      tpu.vector_store %arg8[%swap3A_551, %swap3A_552], %swap3A_555 {add = true, strides = array<i32>} : memref<200x128xf32, #tpu.memory_space<vmem>>, vector<1x16xf32>,
      %get3A_556 = arith.index_cast %add3A_510 : i32 to index
      %get3A_557 = arith.constant 80 : index
      %get3A_558 = tpu.vector_load %arg6[%get3A_556, %get3A_557] {strides = array<i32>} : memref<200x128xf32, #tpu.memory_space<vmem>>, vector<1x16xf32>,
      %get3A_559 = vector.shape_cast %get3A_558 : vector<1x16xf32> to vector<16xf32>
      %swap3A_560 = arith.index_cast %add3A_510 : i32 to index
      %swap3A_561 = arith.constant 80 : index
      %swap3A_562 = tpu.vector_load %arg8[%swap3A_560, %swap3A_561] {strides = array<i32>} : memref<200x128xf32, #tpu.memory_space<vmem>>, vector<1x16xf32>,
      %swap3A_563 = vector.shape_cast %swap3A_562 : vector<1x16xf32> to vector<16xf32>
      %swap3A_564 = vector.shape_cast %get3A_559 : vector<16xf32> to vector<1x16xf32>
      tpu.vector_store %arg8[%swap3A_560, %swap3A_561], %swap3A_564 {add = true, strides = array<i32>} : memref<200x128xf32, #tpu.memory_space<vmem>>, vector<1x16xf32>,
      %get3A_565 = arith.index_cast %add3A_510 : i32 to index
      %get3A_566 = arith.constant 96 : index
      %get3A_567 = tpu.vector_load %arg6[%get3A_565, %get3A_566] {strides = array<i32>} : memref<200x128xf32, #tpu.memory_space<vmem>>, vector<1x16xf32>,
      %get3A_568 = vector.shape_cast %get3A_567 : vector<1x16xf32> to vector<16xf32>
      %swap3A_569 = arith.index_cast %add3A_510 : i32 to index
      %swap3A_570 = arith.constant 96 : index
      %swap3A_571 = tpu.vector_load %arg8[%swap3A_569, %swap3A_570] {strides = array<i32>} : memref<200x128xf32, #tpu.memory_space<vmem>>, vector<1x16xf32>,
      %swap3A_572 = vector.shape_cast %swap3A_571 : vector<1x16xf32> to vector<16xf32>
      %swap3A_573 = vector.shape_cast %get3A_568 : vector<16xf32> to vector<1x16xf32>
      tpu.vector_store %arg8[%swap3A_569, %swap3A_570], %swap3A_573 {add = true, strides = array<i32>} : memref<200x128xf32, #tpu.memory_space<vmem>>, vector<1x16xf32>,
      %get3A_574 = arith.index_cast %add3A_510 : i32 to index
      %get3A_575 = arith.constant 112 : index
      %get3A_576 = tpu.vector_load %arg6[%get3A_574, %get3A_575] {strides = array<i32>} : memref<200x128xf32, #tpu.memory_space<vmem>>, vector<1x16xf32>,
      %get3A_577 = vector.shape_cast %get3A_576 : vector<1x16xf32> to vector<16xf32>
      %swap3A_578 = arith.index_cast %add3A_510 : i32 to index
      %swap3A_579 = arith.constant 112 : index
      %swap3A_580 = tpu.vector_load %arg8[%swap3A_578, %swap3A_579] {strides = array<i32>} : memref<200x128xf32, #tpu.memory_space<vmem>>, vector<1x16xf32>,
      %swap3A_581 = vector.shape_cast %swap3A_580 : vector<1x16xf32> to vector<16xf32>
      %swap3A_582 = vector.shape_cast %get3A_577 : vector<16xf32> to vector<1x16xf32>
      tpu.vector_store %arg8[%swap3A_578, %swap3A_579], %swap3A_582 {add = true, strides = array<i32>} : memref<200x128xf32, #tpu.memory_space<vmem>>, vector<1x16xf32>,
    }
    %scan3A_129 = arith.constant 26 : i32
    %add3A_130 = arith.constant 127 : i32
    %add3A_131 = arith.addi %mul3A_2, %add3A_130 : i32
    %mul3A_132 = arith.constant 200 : i32
    %mul3A_133 = arith.muli %add3A_131, %mul3A_132 : i32
    %add3A_134 = arith.constant 0 : i32
    %add3A_135 = arith.addi %mul3A_133, %add3A_134 : i32
    %dma_start3A_136 = arith.constant 0 : i32
    %dma_start3A_137 = arith.constant 0 : i32
    %dma_start3A_138 = tpu.memref_slice %arg8[%dma_start3A_136, %dma_start3A_137] : memref<200x128xf32, #tpu.memory_space<vmem>> -> memref<104x128xf32, #tpu.memory_space<vmem>>
    %dma_start3A_139 = arith.constant 0 : i32
    %dma_start3A_140 = tpu.memref_slice %arg4[%add3A_135, %dma_start3A_139] : memref<819200x128xf32, #tpu.memory_space<hbm>> -> memref<104x128xf32, #tpu.memory_space<hbm>>
    %dma_start3A_141 = arith.constant 0 : i32
    %dma_start3A_142 = tpu.memref_slice %arg4[%add3A_135, %dma_start3A_141] : memref<819200x128xf32, #tpu.memory_space<hbm>> -> memref<104x128xf32, #tpu.memory_space<hbm>>
    %dma_start3A_143 = arith.constant 0 : i32
    %dma_start3A_144 = arith.constant 0 : i32
    %dma_start3A_145 = tpu.memref_slice %arg8[%dma_start3A_143, %dma_start3A_144] : memref<200x128xf32, #tpu.memory_space<vmem>> -> memref<104x128xf32, #tpu.memory_space<vmem>>
    tpu.enqueue_dma source(%dma_start3A_145 : memref<104x128xf32, #tpu.memory_space<vmem>>) target(%dma_start3A_142 : memref<104x128xf32, #tpu.memory_space<hbm>>) target_semaphore(%arg11 : memref<!tpu.dma_semaphore, #tpu.memory_space<semaphore_mem>>)
    %dma_wait3A_146 = arith.constant 104 : i32
    %dma_wait3A_147 = arith.constant 0 : i32
    %dma_wait3A_148 = tpu.memref_slice %arg8[%dma_wait3A_146, %dma_wait3A_147] : memref<200x128xf32, #tpu.memory_space<vmem>> -> memref<96x128xf32, #tpu.memory_space<vmem>>
    %dma_wait3A_149 = arith.constant 25504 : i32
    %dma_wait3A_150 = tpu.memref_slice %arg5[%dma_wait3A_149] : memref<25600xi32, #tpu.memory_space<vmem>> -> memref<96xi32, #tpu.memory_space<vmem>>
    %dma_wait3A_151 = arith.constant 0 : i32
    %dma_wait3A_152 = arith.constant 0 : i32
    %dma_wait3A_153 = tpu.memref_slice %arg3[%dma_wait3A_151, %dma_wait3A_152] : memref<102000x128xf32, #tpu.memory_space<hbm>> -> memref<102000x128xf32, #tpu.memory_space<hbm>>
    tpu.wait_indirect_dma semaphore(%arg10 : memref<!tpu.dma_semaphore, #tpu.memory_space<semaphore_mem>>) src(%dma_wait3A_153 : memref<102000x128xf32, #tpu.memory_space<hbm>>) dst(%dma_wait3A_148 : memref<96x128xf32, #tpu.memory_space<vmem>>)
    %scan3A_154 = arith.constant 0 : i32
    %scan3A_155 = arith.constant 0 : i32
    %scan3A_156 = arith.constant 24 : i32
    %scan3A_157 = arith.addi %scan3A_155, %scan3A_156 : i32
    %scan3A_158 = arith.constant 1 : i32
    scf.for %scan3A_272 = %scan3A_155 to %scan3A_157 step %scan3A_158  : i32 {
      %mul3A_273 = arith.constant 4 : i32
      %mul3A_274 = arith.muli %scan3A_272, %mul3A_273 : i32
      %add3A_275 = arith.constant 104 : i32
      %add3A_276 = arith.addi %add3A_275, %mul3A_274 : i32
      %add3A_277 = arith.constant 0 : i32
      %add3A_278 = arith.addi %add3A_276, %add3A_277 : i32
      %get3A = arith.index_cast %add3A_278 : i32 to index
      %get3A_279 = arith.constant 0 : index
      %get3A_280 = tpu.vector_load %arg6[%get3A, %get3A_279] {strides = array<i32>} : memref<200x128xf32, #tpu.memory_space<vmem>>, vector<1x16xf32>,
      %get3A_281 = vector.shape_cast %get3A_280 : vector<1x16xf32> to vector<16xf32>
      %swap3A = arith.index_cast %add3A_278 : i32 to index
      %swap3A_282 = arith.constant 0 : index
      %swap3A_283 = tpu.vector_load %arg8[%swap3A, %swap3A_282] {strides = array<i32>} : memref<200x128xf32, #tpu.memory_space<vmem>>, vector<1x16xf32>,
      %swap3A_284 = vector.shape_cast %swap3A_283 : vector<1x16xf32> to vector<16xf32>
      %swap3A_285 = vector.shape_cast %get3A_281 : vector<16xf32> to vector<1x16xf32>
      tpu.vector_store %arg8[%swap3A, %swap3A_282], %swap3A_285 {add = true, strides = array<i32>} : memref<200x128xf32, #tpu.memory_space<vmem>>, vector<1x16xf32>,
      %get3A_286 = arith.index_cast %add3A_278 : i32 to index
      %get3A_287 = arith.constant 16 : index
      %get3A_288 = tpu.vector_load %arg6[%get3A_286, %get3A_287] {strides = array<i32>} : memref<200x128xf32, #tpu.memory_space<vmem>>, vector<1x16xf32>,
      %get3A_289 = vector.shape_cast %get3A_288 : vector<1x16xf32> to vector<16xf32>
      %swap3A_290 = arith.index_cast %add3A_278 : i32 to index
      %swap3A_291 = arith.constant 16 : index
      %swap3A_292 = tpu.vector_load %arg8[%swap3A_290, %swap3A_291] {strides = array<i32>} : memref<200x128xf32, #tpu.memory_space<vmem>>, vector<1x16xf32>,
      %swap3A_293 = vector.shape_cast %swap3A_292 : vector<1x16xf32> to vector<16xf32>
      %swap3A_294 = vector.shape_cast %get3A_289 : vector<16xf32> to vector<1x16xf32>
      tpu.vector_store %arg8[%swap3A_290, %swap3A_291], %swap3A_294 {add = true, strides = array<i32>} : memref<200x128xf32, #tpu.memory_space<vmem>>, vector<1x16xf32>,
      %get3A_295 = arith.index_cast %add3A_278 : i32 to index
      %get3A_296 = arith.constant 32 : index
      %get3A_297 = tpu.vector_load %arg6[%get3A_295, %get3A_296] {strides = array<i32>} : memref<200x128xf32, #tpu.memory_space<vmem>>, vector<1x16xf32>,
      %get3A_298 = vector.shape_cast %get3A_297 : vector<1x16xf32> to vector<16xf32>
      %swap3A_299 = arith.index_cast %add3A_278 : i32 to index
      %swap3A_300 = arith.constant 32 : index
      %swap3A_301 = tpu.vector_load %arg8[%swap3A_299, %swap3A_300] {strides = array<i32>} : memref<200x128xf32, #tpu.memory_space<vmem>>, vector<1x16xf32>,
      %swap3A_302 = vector.shape_cast %swap3A_301 : vector<1x16xf32> to vector<16xf32>
      %swap3A_303 = vector.shape_cast %get3A_298 : vector<16xf32> to vector<1x16xf32>
      tpu.vector_store %arg8[%swap3A_299, %swap3A_300], %swap3A_303 {add = true, strides = array<i32>} : memref<200x128xf32, #tpu.memory_space<vmem>>, vector<1x16xf32>,
      %get3A_304 = arith.index_cast %add3A_278 : i32 to index
      %get3A_305 = arith.constant 48 : index
      %get3A_306 = tpu.vector_load %arg6[%get3A_304, %get3A_305] {strides = array<i32>} : memref<200x128xf32, #tpu.memory_space<vmem>>, vector<1x16xf32>,
      %get3A_307 = vector.shape_cast %get3A_306 : vector<1x16xf32> to vector<16xf32>
      %swap3A_308 = arith.index_cast %add3A_278 : i32 to index
      %swap3A_309 = arith.constant 48 : index
      %swap3A_310 = tpu.vector_load %arg8[%swap3A_308, %swap3A_309] {strides = array<i32>} : memref<200x128xf32, #tpu.memory_space<vmem>>, vector<1x16xf32>,
      %swap3A_311 = vector.shape_cast %swap3A_310 : vector<1x16xf32> to vector<16xf32>
      %swap3A_312 = vector.shape_cast %get3A_307 : vector<16xf32> to vector<1x16xf32>
      tpu.vector_store %arg8[%swap3A_308, %swap3A_309], %swap3A_312 {add = true, strides = array<i32>} : memref<200x128xf32, #tpu.memory_space<vmem>>, vector<1x16xf32>,
      %get3A_313 = arith.index_cast %add3A_278 : i32 to index
      %get3A_314 = arith.constant 64 : index
      %get3A_315 = tpu.vector_load %arg6[%get3A_313, %get3A_314] {strides = array<i32>} : memref<200x128xf32, #tpu.memory_space<vmem>>, vector<1x16xf32>,
      %get3A_316 = vector.shape_cast %get3A_315 : vector<1x16xf32> to vector<16xf32>
      %swap3A_317 = arith.index_cast %add3A_278 : i32 to index
      %swap3A_318 = arith.constant 64 : index
      %swap3A_319 = tpu.vector_load %arg8[%swap3A_317, %swap3A_318] {strides = array<i32>} : memref<200x128xf32, #tpu.memory_space<vmem>>, vector<1x16xf32>,
      %swap3A_320 = vector.shape_cast %swap3A_319 : vector<1x16xf32> to vector<16xf32>
      %swap3A_321 = vector.shape_cast %get3A_316 : vector<16xf32> to vector<1x16xf32>
      tpu.vector_store %arg8[%swap3A_317, %swap3A_318], %swap3A_321 {add = true, strides = array<i32>} : memref<200x128xf32, #tpu.memory_space<vmem>>, vector<1x16xf32>,
      %get3A_322 = arith.index_cast %add3A_278 : i32 to index
      %get3A_323 = arith.constant 80 : index
      %get3A_324 = tpu.vector_load %arg6[%get3A_322, %get3A_323] {strides = array<i32>} : memref<200x128xf32, #tpu.memory_space<vmem>>, vector<1x16xf32>,
      %get3A_325 = vector.shape_cast %get3A_324 : vector<1x16xf32> to vector<16xf32>
      %swap3A_326 = arith.index_cast %add3A_278 : i32 to index
      %swap3A_327 = arith.constant 80 : index
      %swap3A_328 = tpu.vector_load %arg8[%swap3A_326, %swap3A_327] {strides = array<i32>} : memref<200x128xf32, #tpu.memory_space<vmem>>, vector<1x16xf32>,
      %swap3A_329 = vector.shape_cast %swap3A_328 : vector<1x16xf32> to vector<16xf32>
      %swap3A_330 = vector.shape_cast %get3A_325 : vector<16xf32> to vector<1x16xf32>
      tpu.vector_store %arg8[%swap3A_326, %swap3A_327], %swap3A_330 {add = true, strides = array<i32>} : memref<200x128xf32, #tpu.memory_space<vmem>>, vector<1x16xf32>,
      %get3A_331 = arith.index_cast %add3A_278 : i32 to index
      %get3A_332 = arith.constant 96 : index
      %get3A_333 = tpu.vector_load %arg6[%get3A_331, %get3A_332] {strides = array<i32>} : memref<200x128xf32, #tpu.memory_space<vmem>>, vector<1x16xf32>,
      %get3A_334 = vector.shape_cast %get3A_333 : vector<1x16xf32> to vector<16xf32>
      %swap3A_335 = arith.index_cast %add3A_278 : i32 to index
      %swap3A_336 = arith.constant 96 : index
      %swap3A_337 = tpu.vector_load %arg8[%swap3A_335, %swap3A_336] {strides = array<i32>} : memref<200x128xf32, #tpu.memory_space<vmem>>, vector<1x16xf32>,
      %swap3A_338 = vector.shape_cast %swap3A_337 : vector<1x16xf32> to vector<16xf32>
      %swap3A_339 = vector.shape_cast %get3A_334 : vector<16xf32> to vector<1x16xf32>
      tpu.vector_store %arg8[%swap3A_335, %swap3A_336], %swap3A_339 {add = true, strides = array<i32>} : memref<200x128xf32, #tpu.memory_space<vmem>>, vector<1x16xf32>,
      %get3A_340 = arith.index_cast %add3A_278 : i32 to index
      %get3A_341 = arith.constant 112 : index
      %get3A_342 = tpu.vector_load %arg6[%get3A_340, %get3A_341] {strides = array<i32>} : memref<200x128xf32, #tpu.memory_space<vmem>>, vector<1x16xf32>,
      %get3A_343 = vector.shape_cast %get3A_342 : vector<1x16xf32> to vector<16xf32>
      %swap3A_344 = arith.index_cast %add3A_278 : i32 to index
      %swap3A_345 = arith.constant 112 : index
      %swap3A_346 = tpu.vector_load %arg8[%swap3A_344, %swap3A_345] {strides = array<i32>} : memref<200x128xf32, #tpu.memory_space<vmem>>, vector<1x16xf32>,
      %swap3A_347 = vector.shape_cast %swap3A_346 : vector<1x16xf32> to vector<16xf32>
      %swap3A_348 = vector.shape_cast %get3A_343 : vector<16xf32> to vector<1x16xf32>
      tpu.vector_store %arg8[%swap3A_344, %swap3A_345], %swap3A_348 {add = true, strides = array<i32>} : memref<200x128xf32, #tpu.memory_space<vmem>>, vector<1x16xf32>,
      %mul3A_349 = arith.constant 4 : i32
      %mul3A_350 = arith.muli %scan3A_272, %mul3A_349 : i32
      %add3A_351 = arith.constant 104 : i32
      %add3A_352 = arith.addi %add3A_351, %mul3A_350 : i32
      %add3A_353 = arith.constant 1 : i32
      %add3A_354 = arith.addi %add3A_352, %add3A_353 : i32
      %get3A_355 = arith.index_cast %add3A_354 : i32 to index
      %get3A_356 = arith.constant 0 : index
      %get3A_357 = tpu.vector_load %arg6[%get3A_355, %get3A_356] {strides = array<i32>} : memref<200x128xf32, #tpu.memory_space<vmem>>, vector<1x16xf32>,
      %get3A_358 = vector.shape_cast %get3A_357 : vector<1x16xf32> to vector<16xf32>
      %swap3A_359 = arith.index_cast %add3A_354 : i32 to index
      %swap3A_360 = arith.constant 0 : index
      %swap3A_361 = tpu.vector_load %arg8[%swap3A_359, %swap3A_360] {strides = array<i32>} : memref<200x128xf32, #tpu.memory_space<vmem>>, vector<1x16xf32>,
      %swap3A_362 = vector.shape_cast %swap3A_361 : vector<1x16xf32> to vector<16xf32>
      %swap3A_363 = vector.shape_cast %get3A_358 : vector<16xf32> to vector<1x16xf32>
      tpu.vector_store %arg8[%swap3A_359, %swap3A_360], %swap3A_363 {add = true, strides = array<i32>} : memref<200x128xf32, #tpu.memory_space<vmem>>, vector<1x16xf32>,
      %get3A_364 = arith.index_cast %add3A_354 : i32 to index
      %get3A_365 = arith.constant 16 : index
      %get3A_366 = tpu.vector_load %arg6[%get3A_364, %get3A_365] {strides = array<i32>} : memref<200x128xf32, #tpu.memory_space<vmem>>, vector<1x16xf32>,
      %get3A_367 = vector.shape_cast %get3A_366 : vector<1x16xf32> to vector<16xf32>
      %swap3A_368 = arith.index_cast %add3A_354 : i32 to index
      %swap3A_369 = arith.constant 16 : index
      %swap3A_370 = tpu.vector_load %arg8[%swap3A_368, %swap3A_369] {strides = array<i32>} : memref<200x128xf32, #tpu.memory_space<vmem>>, vector<1x16xf32>,
      %swap3A_371 = vector.shape_cast %swap3A_370 : vector<1x16xf32> to vector<16xf32>
      %swap3A_372 = vector.shape_cast %get3A_367 : vector<16xf32> to vector<1x16xf32>
      tpu.vector_store %arg8[%swap3A_368, %swap3A_369], %swap3A_372 {add = true, strides = array<i32>} : memref<200x128xf32, #tpu.memory_space<vmem>>, vector<1x16xf32>,
      %get3A_373 = arith.index_cast %add3A_354 : i32 to index
      %get3A_374 = arith.constant 32 : index
      %get3A_375 = tpu.vector_load %arg6[%get3A_373, %get3A_374] {strides = array<i32>} : memref<200x128xf32, #tpu.memory_space<vmem>>, vector<1x16xf32>,
      %get3A_376 = vector.shape_cast %get3A_375 : vector<1x16xf32> to vector<16xf32>
      %swap3A_377 = arith.index_cast %add3A_354 : i32 to index
      %swap3A_378 = arith.constant 32 : index
      %swap3A_379 = tpu.vector_load %arg8[%swap3A_377, %swap3A_378] {strides = array<i32>} : memref<200x128xf32, #tpu.memory_space<vmem>>, vector<1x16xf32>,
      %swap3A_380 = vector.shape_cast %swap3A_379 : vector<1x16xf32> to vector<16xf32>
      %swap3A_381 = vector.shape_cast %get3A_376 : vector<16xf32> to vector<1x16xf32>
      tpu.vector_store %arg8[%swap3A_377, %swap3A_378], %swap3A_381 {add = true, strides = array<i32>} : memref<200x128xf32, #tpu.memory_space<vmem>>, vector<1x16xf32>,
      %get3A_382 = arith.index_cast %add3A_354 : i32 to index
      %get3A_383 = arith.constant 48 : index
      %get3A_384 = tpu.vector_load %arg6[%get3A_382, %get3A_383] {strides = array<i32>} : memref<200x128xf32, #tpu.memory_space<vmem>>, vector<1x16xf32>,
      %get3A_385 = vector.shape_cast %get3A_384 : vector<1x16xf32> to vector<16xf32>
      %swap3A_386 = arith.index_cast %add3A_354 : i32 to index
      %swap3A_387 = arith.constant 48 : index
      %swap3A_388 = tpu.vector_load %arg8[%swap3A_386, %swap3A_387] {strides = array<i32>} : memref<200x128xf32, #tpu.memory_space<vmem>>, vector<1x16xf32>,
      %swap3A_389 = vector.shape_cast %swap3A_388 : vector<1x16xf32> to vector<16xf32>
      %swap3A_390 = vector.shape_cast %get3A_385 : vector<16xf32> to vector<1x16xf32>
      tpu.vector_store %arg8[%swap3A_386, %swap3A_387], %swap3A_390 {add = true, strides = array<i32>} : memref<200x128xf32, #tpu.memory_space<vmem>>, vector<1x16xf32>,
      %get3A_391 = arith.index_cast %add3A_354 : i32 to index
      %get3A_392 = arith.constant 64 : index
      %get3A_393 = tpu.vector_load %arg6[%get3A_391, %get3A_392] {strides = array<i32>} : memref<200x128xf32, #tpu.memory_space<vmem>>, vector<1x16xf32>,
      %get3A_394 = vector.shape_cast %get3A_393 : vector<1x16xf32> to vector<16xf32>
      %swap3A_395 = arith.index_cast %add3A_354 : i32 to index
      %swap3A_396 = arith.constant 64 : index
      %swap3A_397 = tpu.vector_load %arg8[%swap3A_395, %swap3A_396] {strides = array<i32>} : memref<200x128xf32, #tpu.memory_space<vmem>>, vector<1x16xf32>,
      %swap3A_398 = vector.shape_cast %swap3A_397 : vector<1x16xf32> to vector<16xf32>
      %swap3A_399 = vector.shape_cast %get3A_394 : vector<16xf32> to vector<1x16xf32>
      tpu.vector_store %arg8[%swap3A_395, %swap3A_396], %swap3A_399 {add = true, strides = array<i32>} : memref<200x128xf32, #tpu.memory_space<vmem>>, vector<1x16xf32>,
      %get3A_400 = arith.index_cast %add3A_354 : i32 to index
      %get3A_401 = arith.constant 80 : index
      %get3A_402 = tpu.vector_load %arg6[%get3A_400, %get3A_401] {strides = array<i32>} : memref<200x128xf32, #tpu.memory_space<vmem>>, vector<1x16xf32>,
      %get3A_403 = vector.shape_cast %get3A_402 : vector<1x16xf32> to vector<16xf32>
      %swap3A_404 = arith.index_cast %add3A_354 : i32 to index
      %swap3A_405 = arith.constant 80 : index
      %swap3A_406 = tpu.vector_load %arg8[%swap3A_404, %swap3A_405] {strides = array<i32>} : memref<200x128xf32, #tpu.memory_space<vmem>>, vector<1x16xf32>,
      %swap3A_407 = vector.shape_cast %swap3A_406 : vector<1x16xf32> to vector<16xf32>
      %swap3A_408 = vector.shape_cast %get3A_403 : vector<16xf32> to vector<1x16xf32>
      tpu.vector_store %arg8[%swap3A_404, %swap3A_405], %swap3A_408 {add = true, strides = array<i32>} : memref<200x128xf32, #tpu.memory_space<vmem>>, vector<1x16xf32>,
      %get3A_409 = arith.index_cast %add3A_354 : i32 to index
      %get3A_410 = arith.constant 96 : index
      %get3A_411 = tpu.vector_load %arg6[%get3A_409, %get3A_410] {strides = array<i32>} : memref<200x128xf32, #tpu.memory_space<vmem>>, vector<1x16xf32>,
      %get3A_412 = vector.shape_cast %get3A_411 : vector<1x16xf32> to vector<16xf32>
      %swap3A_413 = arith.index_cast %add3A_354 : i32 to index
      %swap3A_414 = arith.constant 96 : index
      %swap3A_415 = tpu.vector_load %arg8[%swap3A_413, %swap3A_414] {strides = array<i32>} : memref<200x128xf32, #tpu.memory_space<vmem>>, vector<1x16xf32>,
      %swap3A_416 = vector.shape_cast %swap3A_415 : vector<1x16xf32> to vector<16xf32>
      %swap3A_417 = vector.shape_cast %get3A_412 : vector<16xf32> to vector<1x16xf32>
      tpu.vector_store %arg8[%swap3A_413, %swap3A_414], %swap3A_417 {add = true, strides = array<i32>} : memref<200x128xf32, #tpu.memory_space<vmem>>, vector<1x16xf32>,
      %get3A_418 = arith.index_cast %add3A_354 : i32 to index
      %get3A_419 = arith.constant 112 : index
      %get3A_420 = tpu.vector_load %arg6[%get3A_418, %get3A_419] {strides = array<i32>} : memref<200x128xf32, #tpu.memory_space<vmem>>, vector<1x16xf32>,
      %get3A_421 = vector.shape_cast %get3A_420 : vector<1x16xf32> to vector<16xf32>
      %swap3A_422 = arith.index_cast %add3A_354 : i32 to index
      %swap3A_423 = arith.constant 112 : index
      %swap3A_424 = tpu.vector_load %arg8[%swap3A_422, %swap3A_423] {strides = array<i32>} : memref<200x128xf32, #tpu.memory_space<vmem>>, vector<1x16xf32>,
      %swap3A_425 = vector.shape_cast %swap3A_424 : vector<1x16xf32> to vector<16xf32>
      %swap3A_426 = vector.shape_cast %get3A_421 : vector<16xf32> to vector<1x16xf32>
      tpu.vector_store %arg8[%swap3A_422, %swap3A_423], %swap3A_426 {add = true, strides = array<i32>} : memref<200x128xf32, #tpu.memory_space<vmem>>, vector<1x16xf32>,
      %mul3A_427 = arith.constant 4 : i32
      %mul3A_428 = arith.muli %scan3A_272, %mul3A_427 : i32
      %add3A_429 = arith.constant 104 : i32
      %add3A_430 = arith.addi %add3A_429, %mul3A_428 : i32
      %add3A_431 = arith.constant 2 : i32
      %add3A_432 = arith.addi %add3A_430, %add3A_431 : i32
      %get3A_433 = arith.index_cast %add3A_432 : i32 to index
      %get3A_434 = arith.constant 0 : index
      %get3A_435 = tpu.vector_load %arg6[%get3A_433, %get3A_434] {strides = array<i32>} : memref<200x128xf32, #tpu.memory_space<vmem>>, vector<1x16xf32>,
      %get3A_436 = vector.shape_cast %get3A_435 : vector<1x16xf32> to vector<16xf32>
      %swap3A_437 = arith.index_cast %add3A_432 : i32 to index
      %swap3A_438 = arith.constant 0 : index
      %swap3A_439 = tpu.vector_load %arg8[%swap3A_437, %swap3A_438] {strides = array<i32>} : memref<200x128xf32, #tpu.memory_space<vmem>>, vector<1x16xf32>,
      %swap3A_440 = vector.shape_cast %swap3A_439 : vector<1x16xf32> to vector<16xf32>
      %swap3A_441 = vector.shape_cast %get3A_436 : vector<16xf32> to vector<1x16xf32>
      tpu.vector_store %arg8[%swap3A_437, %swap3A_438], %swap3A_441 {add = true, strides = array<i32>} : memref<200x128xf32, #tpu.memory_space<vmem>>, vector<1x16xf32>,
      %get3A_442 = arith.index_cast %add3A_432 : i32 to index
      %get3A_443 = arith.constant 16 : index
      %get3A_444 = tpu.vector_load %arg6[%get3A_442, %get3A_443] {strides = array<i32>} : memref<200x128xf32, #tpu.memory_space<vmem>>, vector<1x16xf32>,
      %get3A_445 = vector.shape_cast %get3A_444 : vector<1x16xf32> to vector<16xf32>
      %swap3A_446 = arith.index_cast %add3A_432 : i32 to index
      %swap3A_447 = arith.constant 16 : index
      %swap3A_448 = tpu.vector_load %arg8[%swap3A_446, %swap3A_447] {strides = array<i32>} : memref<200x128xf32, #tpu.memory_space<vmem>>, vector<1x16xf32>,
      %swap3A_449 = vector.shape_cast %swap3A_448 : vector<1x16xf32> to vector<16xf32>
      %swap3A_450 = vector.shape_cast %get3A_445 : vector<16xf32> to vector<1x16xf32>
      tpu.vector_store %arg8[%swap3A_446, %swap3A_447], %swap3A_450 {add = true, strides = array<i32>} : memref<200x128xf32, #tpu.memory_space<vmem>>, vector<1x16xf32>,
      %get3A_451 = arith.index_cast %add3A_432 : i32 to index
      %get3A_452 = arith.constant 32 : index
      %get3A_453 = tpu.vector_load %arg6[%get3A_451, %get3A_452] {strides = array<i32>} : memref<200x128xf32, #tpu.memory_space<vmem>>, vector<1x16xf32>,
      %get3A_454 = vector.shape_cast %get3A_453 : vector<1x16xf32> to vector<16xf32>
      %swap3A_455 = arith.index_cast %add3A_432 : i32 to index
      %swap3A_456 = arith.constant 32 : index
      %swap3A_457 = tpu.vector_load %arg8[%swap3A_455, %swap3A_456] {strides = array<i32>} : memref<200x128xf32, #tpu.memory_space<vmem>>, vector<1x16xf32>,
      %swap3A_458 = vector.shape_cast %swap3A_457 : vector<1x16xf32> to vector<16xf32>
      %swap3A_459 = vector.shape_cast %get3A_454 : vector<16xf32> to vector<1x16xf32>
      tpu.vector_store %arg8[%swap3A_455, %swap3A_456], %swap3A_459 {add = true, strides = array<i32>} : memref<200x128xf32, #tpu.memory_space<vmem>>, vector<1x16xf32>,
      %get3A_460 = arith.index_cast %add3A_432 : i32 to index
      %get3A_461 = arith.constant 48 : index
      %get3A_462 = tpu.vector_load %arg6[%get3A_460, %get3A_461] {strides = array<i32>} : memref<200x128xf32, #tpu.memory_space<vmem>>, vector<1x16xf32>,
      %get3A_463 = vector.shape_cast %get3A_462 : vector<1x16xf32> to vector<16xf32>
      %swap3A_464 = arith.index_cast %add3A_432 : i32 to index
      %swap3A_465 = arith.constant 48 : index
      %swap3A_466 = tpu.vector_load %arg8[%swap3A_464, %swap3A_465] {strides = array<i32>} : memref<200x128xf32, #tpu.memory_space<vmem>>, vector<1x16xf32>,
      %swap3A_467 = vector.shape_cast %swap3A_466 : vector<1x16xf32> to vector<16xf32>
      %swap3A_468 = vector.shape_cast %get3A_463 : vector<16xf32> to vector<1x16xf32>
      tpu.vector_store %arg8[%swap3A_464, %swap3A_465], %swap3A_468 {add = true, strides = array<i32>} : memref<200x128xf32, #tpu.memory_space<vmem>>, vector<1x16xf32>,
      %get3A_469 = arith.index_cast %add3A_432 : i32 to index
      %get3A_470 = arith.constant 64 : index
      %get3A_471 = tpu.vector_load %arg6[%get3A_469, %get3A_470] {strides = array<i32>} : memref<200x128xf32, #tpu.memory_space<vmem>>, vector<1x16xf32>,
      %get3A_472 = vector.shape_cast %get3A_471 : vector<1x16xf32> to vector<16xf32>
      %swap3A_473 = arith.index_cast %add3A_432 : i32 to index
      %swap3A_474 = arith.constant 64 : index
      %swap3A_475 = tpu.vector_load %arg8[%swap3A_473, %swap3A_474] {strides = array<i32>} : memref<200x128xf32, #tpu.memory_space<vmem>>, vector<1x16xf32>,
      %swap3A_476 = vector.shape_cast %swap3A_475 : vector<1x16xf32> to vector<16xf32>
      %swap3A_477 = vector.shape_cast %get3A_472 : vector<16xf32> to vector<1x16xf32>
      tpu.vector_store %arg8[%swap3A_473, %swap3A_474], %swap3A_477 {add = true, strides = array<i32>} : memref<200x128xf32, #tpu.memory_space<vmem>>, vector<1x16xf32>,
      %get3A_478 = arith.index_cast %add3A_432 : i32 to index
      %get3A_479 = arith.constant 80 : index
      %get3A_480 = tpu.vector_load %arg6[%get3A_478, %get3A_479] {strides = array<i32>} : memref<200x128xf32, #tpu.memory_space<vmem>>, vector<1x16xf32>,
      %get3A_481 = vector.shape_cast %get3A_480 : vector<1x16xf32> to vector<16xf32>
      %swap3A_482 = arith.index_cast %add3A_432 : i32 to index
      %swap3A_483 = arith.constant 80 : index
      %swap3A_484 = tpu.vector_load %arg8[%swap3A_482, %swap3A_483] {strides = array<i32>} : memref<200x128xf32, #tpu.memory_space<vmem>>, vector<1x16xf32>,
      %swap3A_485 = vector.shape_cast %swap3A_484 : vector<1x16xf32> to vector<16xf32>
      %swap3A_486 = vector.shape_cast %get3A_481 : vector<16xf32> to vector<1x16xf32>
      tpu.vector_store %arg8[%swap3A_482, %swap3A_483], %swap3A_486 {add = true, strides = array<i32>} : memref<200x128xf32, #tpu.memory_space<vmem>>, vector<1x16xf32>,
      %get3A_487 = arith.index_cast %add3A_432 : i32 to index
      %get3A_488 = arith.constant 96 : index
      %get3A_489 = tpu.vector_load %arg6[%get3A_487, %get3A_488] {strides = array<i32>} : memref<200x128xf32, #tpu.memory_space<vmem>>, vector<1x16xf32>,
      %get3A_490 = vector.shape_cast %get3A_489 : vector<1x16xf32> to vector<16xf32>
      %swap3A_491 = arith.index_cast %add3A_432 : i32 to index
      %swap3A_492 = arith.constant 96 : index
      %swap3A_493 = tpu.vector_load %arg8[%swap3A_491, %swap3A_492] {strides = array<i32>} : memref<200x128xf32, #tpu.memory_space<vmem>>, vector<1x16xf32>,
      %swap3A_494 = vector.shape_cast %swap3A_493 : vector<1x16xf32> to vector<16xf32>
      %swap3A_495 = vector.shape_cast %get3A_490 : vector<16xf32> to vector<1x16xf32>
      tpu.vector_store %arg8[%swap3A_491, %swap3A_492], %swap3A_495 {add = true, strides = array<i32>} : memref<200x128xf32, #tpu.memory_space<vmem>>, vector<1x16xf32>,
      %get3A_496 = arith.index_cast %add3A_432 : i32 to index
      %get3A_497 = arith.constant 112 : index
      %get3A_498 = tpu.vector_load %arg6[%get3A_496, %get3A_497] {strides = array<i32>} : memref<200x128xf32, #tpu.memory_space<vmem>>, vector<1x16xf32>,
      %get3A_499 = vector.shape_cast %get3A_498 : vector<1x16xf32> to vector<16xf32>
      %swap3A_500 = arith.index_cast %add3A_432 : i32 to index
      %swap3A_501 = arith.constant 112 : index
      %swap3A_502 = tpu.vector_load %arg8[%swap3A_500, %swap3A_501] {strides = array<i32>} : memref<200x128xf32, #tpu.memory_space<vmem>>, vector<1x16xf32>,
      %swap3A_503 = vector.shape_cast %swap3A_502 : vector<1x16xf32> to vector<16xf32>
      %swap3A_504 = vector.shape_cast %get3A_499 : vector<16xf32> to vector<1x16xf32>
      tpu.vector_store %arg8[%swap3A_500, %swap3A_501], %swap3A_504 {add = true, strides = array<i32>} : memref<200x128xf32, #tpu.memory_space<vmem>>, vector<1x16xf32>,
      %mul3A_505 = arith.constant 4 : i32
      %mul3A_506 = arith.muli %scan3A_272, %mul3A_505 : i32
      %add3A_507 = arith.constant 104 : i32
      %add3A_508 = arith.addi %add3A_507, %mul3A_506 : i32
      %add3A_509 = arith.constant 3 : i32
      %add3A_510 = arith.addi %add3A_508, %add3A_509 : i32
      %get3A_511 = arith.index_cast %add3A_510 : i32 to index
      %get3A_512 = arith.constant 0 : index
      %get3A_513 = tpu.vector_load %arg6[%get3A_511, %get3A_512] {strides = array<i32>} : memref<200x128xf32, #tpu.memory_space<vmem>>, vector<1x16xf32>,
      %get3A_514 = vector.shape_cast %get3A_513 : vector<1x16xf32> to vector<16xf32>
      %swap3A_515 = arith.index_cast %add3A_510 : i32 to index
      %swap3A_516 = arith.constant 0 : index
      %swap3A_517 = tpu.vector_load %arg8[%swap3A_515, %swap3A_516] {strides = array<i32>} : memref<200x128xf32, #tpu.memory_space<vmem>>, vector<1x16xf32>,
      %swap3A_518 = vector.shape_cast %swap3A_517 : vector<1x16xf32> to vector<16xf32>
      %swap3A_519 = vector.shape_cast %get3A_514 : vector<16xf32> to vector<1x16xf32>
      tpu.vector_store %arg8[%swap3A_515, %swap3A_516], %swap3A_519 {add = true, strides = array<i32>} : memref<200x128xf32, #tpu.memory_space<vmem>>, vector<1x16xf32>,
      %get3A_520 = arith.index_cast %add3A_510 : i32 to index
      %get3A_521 = arith.constant 16 : index
      %get3A_522 = tpu.vector_load %arg6[%get3A_520, %get3A_521] {strides = array<i32>} : memref<200x128xf32, #tpu.memory_space<vmem>>, vector<1x16xf32>,
      %get3A_523 = vector.shape_cast %get3A_522 : vector<1x16xf32> to vector<16xf32>
      %swap3A_524 = arith.index_cast %add3A_510 : i32 to index
      %swap3A_525 = arith.constant 16 : index
      %swap3A_526 = tpu.vector_load %arg8[%swap3A_524, %swap3A_525] {strides = array<i32>} : memref<200x128xf32, #tpu.memory_space<vmem>>, vector<1x16xf32>,
      %swap3A_527 = vector.shape_cast %swap3A_526 : vector<1x16xf32> to vector<16xf32>
      %swap3A_528 = vector.shape_cast %get3A_523 : vector<16xf32> to vector<1x16xf32>
      tpu.vector_store %arg8[%swap3A_524, %swap3A_525], %swap3A_528 {add = true, strides = array<i32>} : memref<200x128xf32, #tpu.memory_space<vmem>>, vector<1x16xf32>,
      %get3A_529 = arith.index_cast %add3A_510 : i32 to index
      %get3A_530 = arith.constant 32 : index
      %get3A_531 = tpu.vector_load %arg6[%get3A_529, %get3A_530] {strides = array<i32>} : memref<200x128xf32, #tpu.memory_space<vmem>>, vector<1x16xf32>,
      %get3A_532 = vector.shape_cast %get3A_531 : vector<1x16xf32> to vector<16xf32>
      %swap3A_533 = arith.index_cast %add3A_510 : i32 to index
      %swap3A_534 = arith.constant 32 : index
      %swap3A_535 = tpu.vector_load %arg8[%swap3A_533, %swap3A_534] {strides = array<i32>} : memref<200x128xf32, #tpu.memory_space<vmem>>, vector<1x16xf32>,
      %swap3A_536 = vector.shape_cast %swap3A_535 : vector<1x16xf32> to vector<16xf32>
      %swap3A_537 = vector.shape_cast %get3A_532 : vector<16xf32> to vector<1x16xf32>
      tpu.vector_store %arg8[%swap3A_533, %swap3A_534], %swap3A_537 {add = true, strides = array<i32>} : memref<200x128xf32, #tpu.memory_space<vmem>>, vector<1x16xf32>,
      %get3A_538 = arith.index_cast %add3A_510 : i32 to index
      %get3A_539 = arith.constant 48 : index
      %get3A_540 = tpu.vector_load %arg6[%get3A_538, %get3A_539] {strides = array<i32>} : memref<200x128xf32, #tpu.memory_space<vmem>>, vector<1x16xf32>,
      %get3A_541 = vector.shape_cast %get3A_540 : vector<1x16xf32> to vector<16xf32>
      %swap3A_542 = arith.index_cast %add3A_510 : i32 to index
      %swap3A_543 = arith.constant 48 : index
      %swap3A_544 = tpu.vector_load %arg8[%swap3A_542, %swap3A_543] {strides = array<i32>} : memref<200x128xf32, #tpu.memory_space<vmem>>, vector<1x16xf32>,
      %swap3A_545 = vector.shape_cast %swap3A_544 : vector<1x16xf32> to vector<16xf32>
      %swap3A_546 = vector.shape_cast %get3A_541 : vector<16xf32> to vector<1x16xf32>
      tpu.vector_store %arg8[%swap3A_542, %swap3A_543], %swap3A_546 {add = true, strides = array<i32>} : memref<200x128xf32, #tpu.memory_space<vmem>>, vector<1x16xf32>,
      %get3A_547 = arith.index_cast %add3A_510 : i32 to index
      %get3A_548 = arith.constant 64 : index
      %get3A_549 = tpu.vector_load %arg6[%get3A_547, %get3A_548] {strides = array<i32>} : memref<200x128xf32, #tpu.memory_space<vmem>>, vector<1x16xf32>,
      %get3A_550 = vector.shape_cast %get3A_549 : vector<1x16xf32> to vector<16xf32>
      %swap3A_551 = arith.index_cast %add3A_510 : i32 to index
      %swap3A_552 = arith.constant 64 : index
      %swap3A_553 = tpu.vector_load %arg8[%swap3A_551, %swap3A_552] {strides = array<i32>} : memref<200x128xf32, #tpu.memory_space<vmem>>, vector<1x16xf32>,
      %swap3A_554 = vector.shape_cast %swap3A_553 : vector<1x16xf32> to vector<16xf32>
      %swap3A_555 = vector.shape_cast %get3A_550 : vector<16xf32> to vector<1x16xf32>
      tpu.vector_store %arg8[%swap3A_551, %swap3A_552], %swap3A_555 {add = true, strides = array<i32>} : memref<200x128xf32, #tpu.memory_space<vmem>>, vector<1x16xf32>,
      %get3A_556 = arith.index_cast %add3A_510 : i32 to index
      %get3A_557 = arith.constant 80 : index
      %get3A_558 = tpu.vector_load %arg6[%get3A_556, %get3A_557] {strides = array<i32>} : memref<200x128xf32, #tpu.memory_space<vmem>>, vector<1x16xf32>,
      %get3A_559 = vector.shape_cast %get3A_558 : vector<1x16xf32> to vector<16xf32>
      %swap3A_560 = arith.index_cast %add3A_510 : i32 to index
      %swap3A_561 = arith.constant 80 : index
      %swap3A_562 = tpu.vector_load %arg8[%swap3A_560, %swap3A_561] {strides = array<i32>} : memref<200x128xf32, #tpu.memory_space<vmem>>, vector<1x16xf32>,
      %swap3A_563 = vector.shape_cast %swap3A_562 : vector<1x16xf32> to vector<16xf32>
      %swap3A_564 = vector.shape_cast %get3A_559 : vector<16xf32> to vector<1x16xf32>
      tpu.vector_store %arg8[%swap3A_560, %swap3A_561], %swap3A_564 {add = true, strides = array<i32>} : memref<200x128xf32, #tpu.memory_space<vmem>>, vector<1x16xf32>,
      %get3A_565 = arith.index_cast %add3A_510 : i32 to index
      %get3A_566 = arith.constant 96 : index
      %get3A_567 = tpu.vector_load %arg6[%get3A_565, %get3A_566] {strides = array<i32>} : memref<200x128xf32, #tpu.memory_space<vmem>>, vector<1x16xf32>,
      %get3A_568 = vector.shape_cast %get3A_567 : vector<1x16xf32> to vector<16xf32>
      %swap3A_569 = arith.index_cast %add3A_510 : i32 to index
      %swap3A_570 = arith.constant 96 : index
      %swap3A_571 = tpu.vector_load %arg8[%swap3A_569, %swap3A_570] {strides = array<i32>} : memref<200x128xf32, #tpu.memory_space<vmem>>, vector<1x16xf32>,
      %swap3A_572 = vector.shape_cast %swap3A_571 : vector<1x16xf32> to vector<16xf32>
      %swap3A_573 = vector.shape_cast %get3A_568 : vector<16xf32> to vector<1x16xf32>
      tpu.vector_store %arg8[%swap3A_569, %swap3A_570], %swap3A_573 {add = true, strides = array<i32>} : memref<200x128xf32, #tpu.memory_space<vmem>>, vector<1x16xf32>,
      %get3A_574 = arith.index_cast %add3A_510 : i32 to index
      %get3A_575 = arith.constant 112 : index
      %get3A_576 = tpu.vector_load %arg6[%get3A_574, %get3A_575] {strides = array<i32>} : memref<200x128xf32, #tpu.memory_space<vmem>>, vector<1x16xf32>,
      %get3A_577 = vector.shape_cast %get3A_576 : vector<1x16xf32> to vector<16xf32>
      %swap3A_578 = arith.index_cast %add3A_510 : i32 to index
      %swap3A_579 = arith.constant 112 : index
      %swap3A_580 = tpu.vector_load %arg8[%swap3A_578, %swap3A_579] {strides = array<i32>} : memref<200x128xf32, #tpu.memory_space<vmem>>, vector<1x16xf32>,
      %swap3A_581 = vector.shape_cast %swap3A_580 : vector<1x16xf32> to vector<16xf32>
      %swap3A_582 = vector.shape_cast %get3A_577 : vector<16xf32> to vector<1x16xf32>
      tpu.vector_store %arg8[%swap3A_578, %swap3A_579], %swap3A_582 {add = true, strides = array<i32>} : memref<200x128xf32, #tpu.memory_space<vmem>>, vector<1x16xf32>,
    }
    %scan3A_159 = arith.constant 24 : i32
    %add3A_160 = arith.constant 127 : i32
    %add3A_161 = arith.addi %mul3A_2, %add3A_160 : i32
    %mul3A_162 = arith.constant 200 : i32
    %mul3A_163 = arith.muli %add3A_161, %mul3A_162 : i32
    %add3A_164 = arith.constant 104 : i32
    %add3A_165 = arith.addi %mul3A_163, %add3A_164 : i32
    %dma_start3A_166 = arith.constant 104 : i32
    %dma_start3A_167 = arith.constant 0 : i32
    %dma_start3A_168 = tpu.memref_slice %arg8[%dma_start3A_166, %dma_start3A_167] : memref<200x128xf32, #tpu.memory_space<vmem>> -> memref<96x128xf32, #tpu.memory_space<vmem>>
    %dma_start3A_169 = arith.constant 0 : i32
    %dma_start3A_170 = tpu.memref_slice %arg4[%add3A_165, %dma_start3A_169] : memref<819200x128xf32, #tpu.memory_space<hbm>> -> memref<96x128xf32, #tpu.memory_space<hbm>>
    %dma_start3A_171 = arith.constant 0 : i32
    %dma_start3A_172 = tpu.memref_slice %arg4[%add3A_165, %dma_start3A_171] : memref<819200x128xf32, #tpu.memory_space<hbm>> -> memref<96x128xf32, #tpu.memory_space<hbm>>
    %dma_start3A_173 = arith.constant 104 : i32
    %dma_start3A_174 = arith.constant 0 : i32
    %dma_start3A_175 = tpu.memref_slice %arg8[%dma_start3A_173, %dma_start3A_174] : memref<200x128xf32, #tpu.memory_space<vmem>> -> memref<96x128xf32, #tpu.memory_space<vmem>>
    tpu.enqueue_dma source(%dma_start3A_175 : memref<96x128xf32, #tpu.memory_space<vmem>>) target(%dma_start3A_172 : memref<96x128xf32, #tpu.memory_space<hbm>>) target_semaphore(%arg11 : memref<!tpu.dma_semaphore, #tpu.memory_space<semaphore_mem>>)
    %add3A_176 = arith.constant 125 : i32
    %add3A_177 = arith.addi %mul3A_2, %add3A_176 : i32
    %mul3A_178 = arith.constant 200 : i32
    %mul3A_179 = arith.muli %add3A_177, %mul3A_178 : i32
    %add3A_180 = arith.constant 0 : i32
    %add3A_181 = arith.addi %mul3A_179, %add3A_180 : i32
    %dma_wait3A_182 = arith.constant 0 : i32
    %dma_wait3A_183 = arith.constant 0 : i32
    %dma_wait3A_184 = tpu.memref_slice %arg9[%dma_wait3A_182, %dma_wait3A_183] : memref<200x128xf32, #tpu.memory_space<vmem>> -> memref<104x128xf32, #tpu.memory_space<vmem>>
    %dma_wait3A_185 = arith.constant 0 : i32
    %dma_wait3A_186 = tpu.memref_slice %arg4[%add3A_181, %dma_wait3A_185] : memref<819200x128xf32, #tpu.memory_space<hbm>> -> memref<104x128xf32, #tpu.memory_space<hbm>>
    %dma_wait3A_187 = arith.constant 0 : i32
    %dma_wait3A_188 = tpu.memref_slice %arg4[%add3A_181, %dma_wait3A_187] : memref<819200x128xf32, #tpu.memory_space<hbm>> -> memref<104x128xf32, #tpu.memory_space<hbm>>
    %dma_wait3A_189 = arith.constant 0 : i32
    %dma_wait3A_190 = arith.constant 0 : i32
    %dma_wait3A_191 = tpu.memref_slice %arg9[%dma_wait3A_189, %dma_wait3A_190] : memref<200x128xf32, #tpu.memory_space<vmem>> -> memref<104x128xf32, #tpu.memory_space<vmem>>
    tpu.wait_dma2 semaphore(%arg11 : memref<!tpu.dma_semaphore, #tpu.memory_space<semaphore_mem>>) src(%dma_wait3A_191 : memref<104x128xf32, #tpu.memory_space<vmem>>) dst(%dma_wait3A_188 : memref<104x128xf32, #tpu.memory_space<hbm>>)
    %add3A_192 = arith.constant 125 : i32
    %add3A_193 = arith.addi %mul3A_2, %add3A_192 : i32
    %mul3A_194 = arith.constant 200 : i32
    %mul3A_195 = arith.muli %add3A_193, %mul3A_194 : i32
    %add3A_196 = arith.constant 104 : i32
    %add3A_197 = arith.addi %mul3A_195, %add3A_196 : i32
    %dma_wait3A_198 = arith.constant 104 : i32
    %dma_wait3A_199 = arith.constant 0 : i32
    %dma_wait3A_200 = tpu.memref_slice %arg9[%dma_wait3A_198, %dma_wait3A_199] : memref<200x128xf32, #tpu.memory_space<vmem>> -> memref<96x128xf32, #tpu.memory_space<vmem>>
    %dma_wait3A_201 = arith.constant 0 : i32
    %dma_wait3A_202 = tpu.memref_slice %arg4[%add3A_197, %dma_wait3A_201] : memref<819200x128xf32, #tpu.memory_space<hbm>> -> memref<96x128xf32, #tpu.memory_space<hbm>>
    %dma_wait3A_203 = arith.constant 0 : i32
    %dma_wait3A_204 = tpu.memref_slice %arg4[%add3A_197, %dma_wait3A_203] : memref<819200x128xf32, #tpu.memory_space<hbm>> -> memref<96x128xf32, #tpu.memory_space<hbm>>
    %dma_wait3A_205 = arith.constant 104 : i32
    %dma_wait3A_206 = arith.constant 0 : i32
    %dma_wait3A_207 = tpu.memref_slice %arg9[%dma_wait3A_205, %dma_wait3A_206] : memref<200x128xf32, #tpu.memory_space<vmem>> -> memref<96x128xf32, #tpu.memory_space<vmem>>
    tpu.wait_dma2 semaphore(%arg11 : memref<!tpu.dma_semaphore, #tpu.memory_space<semaphore_mem>>) src(%dma_wait3A_207 : memref<96x128xf32, #tpu.memory_space<vmem>>) dst(%dma_wait3A_204 : memref<96x128xf32, #tpu.memory_space<hbm>>)
    %add3A_208 = arith.constant 126 : i32
    %add3A_209 = arith.addi %mul3A_2, %add3A_208 : i32
    %mul3A_210 = arith.constant 200 : i32
    %mul3A_211 = arith.muli %add3A_209, %mul3A_210 : i32
    %add3A_212 = arith.constant 0 : i32
    %add3A_213 = arith.addi %mul3A_211, %add3A_212 : i32
    %dma_wait3A_214 = arith.constant 0 : i32
    %dma_wait3A_215 = arith.constant 0 : i32
    %dma_wait3A_216 = tpu.memref_slice %arg7[%dma_wait3A_214, %dma_wait3A_215] : memref<200x128xf32, #tpu.memory_space<vmem>> -> memref<104x128xf32, #tpu.memory_space<vmem>>
    %dma_wait3A_217 = arith.constant 0 : i32
    %dma_wait3A_218 = tpu.memref_slice %arg4[%add3A_213, %dma_wait3A_217] : memref<819200x128xf32, #tpu.memory_space<hbm>> -> memref<104x128xf32, #tpu.memory_space<hbm>>
    %dma_wait3A_219 = arith.constant 0 : i32
    %dma_wait3A_220 = tpu.memref_slice %arg4[%add3A_213, %dma_wait3A_219] : memref<819200x128xf32, #tpu.memory_space<hbm>> -> memref<104x128xf32, #tpu.memory_space<hbm>>
    %dma_wait3A_221 = arith.constant 0 : i32
    %dma_wait3A_222 = arith.constant 0 : i32
    %dma_wait3A_223 = tpu.memref_slice %arg7[%dma_wait3A_221, %dma_wait3A_222] : memref<200x128xf32, #tpu.memory_space<vmem>> -> memref<104x128xf32, #tpu.memory_space<vmem>>
    tpu.wait_dma2 semaphore(%arg11 : memref<!tpu.dma_semaphore, #tpu.memory_space<semaphore_mem>>) src(%dma_wait3A_223 : memref<104x128xf32, #tpu.memory_space<vmem>>) dst(%dma_wait3A_220 : memref<104x128xf32, #tpu.memory_space<hbm>>)
    %add3A_224 = arith.constant 126 : i32
    %add3A_225 = arith.addi %mul3A_2, %add3A_224 : i32
    %mul3A_226 = arith.constant 200 : i32
    %mul3A_227 = arith.muli %add3A_225, %mul3A_226 : i32
    %add3A_228 = arith.constant 104 : i32
    %add3A_229 = arith.addi %mul3A_227, %add3A_228 : i32
    %dma_wait3A_230 = arith.constant 104 : i32
    %dma_wait3A_231 = arith.constant 0 : i32
    %dma_wait3A_232 = tpu.memref_slice %arg7[%dma_wait3A_230, %dma_wait3A_231] : memref<200x128xf32, #tpu.memory_space<vmem>> -> memref<96x128xf32, #tpu.memory_space<vmem>>
    %dma_wait3A_233 = arith.constant 0 : i32
    %dma_wait3A_234 = tpu.memref_slice %arg4[%add3A_229, %dma_wait3A_233] : memref<819200x128xf32, #tpu.memory_space<hbm>> -> memref<96x128xf32, #tpu.memory_space<hbm>>
    %dma_wait3A_235 = arith.constant 0 : i32
    %dma_wait3A_236 = tpu.memref_slice %arg4[%add3A_229, %dma_wait3A_235] : memref<819200x128xf32, #tpu.memory_space<hbm>> -> memref<96x128xf32, #tpu.memory_space<hbm>>
    %dma_wait3A_237 = arith.constant 104 : i32
    %dma_wait3A_238 = arith.constant 0 : i32
    %dma_wait3A_239 = tpu.memref_slice %arg7[%dma_wait3A_237, %dma_wait3A_238] : memref<200x128xf32, #tpu.memory_space<vmem>> -> memref<96x128xf32, #tpu.memory_space<vmem>>
    tpu.wait_dma2 semaphore(%arg11 : memref<!tpu.dma_semaphore, #tpu.memory_space<semaphore_mem>>) src(%dma_wait3A_239 : memref<96x128xf32, #tpu.memory_space<vmem>>) dst(%dma_wait3A_236 : memref<96x128xf32, #tpu.memory_space<hbm>>)
    %add3A_240 = arith.constant 127 : i32
    %add3A_241 = arith.addi %mul3A_2, %add3A_240 : i32
    %mul3A_242 = arith.constant 200 : i32
    %mul3A_243 = arith.muli %add3A_241, %mul3A_242 : i32
    %add3A_244 = arith.constant 0 : i32
    %add3A_245 = arith.addi %mul3A_243, %add3A_244 : i32
    %dma_wait3A_246 = arith.constant 0 : i32
    %dma_wait3A_247 = arith.constant 0 : i32
    %dma_wait3A_248 = tpu.memref_slice %arg8[%dma_wait3A_246, %dma_wait3A_247] : memref<200x128xf32, #tpu.memory_space<vmem>> -> memref<104x128xf32, #tpu.memory_space<vmem>>
    %dma_wait3A_249 = arith.constant 0 : i32
    %dma_wait3A_250 = tpu.memref_slice %arg4[%add3A_245, %dma_wait3A_249] : memref<819200x128xf32, #tpu.memory_space<hbm>> -> memref<104x128xf32, #tpu.memory_space<hbm>>
    %dma_wait3A_251 = arith.constant 0 : i32
    %dma_wait3A_252 = tpu.memref_slice %arg4[%add3A_245, %dma_wait3A_251] : memref<819200x128xf32, #tpu.memory_space<hbm>> -> memref<104x128xf32, #tpu.memory_space<hbm>>
    %dma_wait3A_253 = arith.constant 0 : i32
    %dma_wait3A_254 = arith.constant 0 : i32
    %dma_wait3A_255 = tpu.memref_slice %arg8[%dma_wait3A_253, %dma_wait3A_254] : memref<200x128xf32, #tpu.memory_space<vmem>> -> memref<104x128xf32, #tpu.memory_space<vmem>>
    tpu.wait_dma2 semaphore(%arg11 : memref<!tpu.dma_semaphore, #tpu.memory_space<semaphore_mem>>) src(%dma_wait3A_255 : memref<104x128xf32, #tpu.memory_space<vmem>>) dst(%dma_wait3A_252 : memref<104x128xf32, #tpu.memory_space<hbm>>)
    %add3A_256 = arith.constant 127 : i32
    %add3A_257 = arith.addi %mul3A_2, %add3A_256 : i32
    %mul3A_258 = arith.constant 200 : i32
    %mul3A_259 = arith.muli %add3A_257, %mul3A_258 : i32
    %add3A_260 = arith.constant 104 : i32
    %add3A_261 = arith.addi %mul3A_259, %add3A_260 : i32
    %dma_wait3A_262 = arith.constant 104 : i32
    %dma_wait3A_263 = arith.constant 0 : i32
    %dma_wait3A_264 = tpu.memref_slice %arg8[%dma_wait3A_262, %dma_wait3A_263] : memref<200x128xf32, #tpu.memory_space<vmem>> -> memref<96x128xf32, #tpu.memory_space<vmem>>
    %dma_wait3A_265 = arith.constant 0 : i32
    %dma_wait3A_266 = tpu.memref_slice %arg4[%add3A_261, %dma_wait3A_265] : memref<819200x128xf32, #tpu.memory_space<hbm>> -> memref<96x128xf32, #tpu.memory_space<hbm>>
    %dma_wait3A_267 = arith.constant 0 : i32
    %dma_wait3A_268 = tpu.memref_slice %arg4[%add3A_261, %dma_wait3A_267] : memref<819200x128xf32, #tpu.memory_space<hbm>> -> memref<96x128xf32, #tpu.memory_space<hbm>>
    %dma_wait3A_269 = arith.constant 104 : i32
    %dma_wait3A_270 = arith.constant 0 : i32
    %dma_wait3A_271 = tpu.memref_slice %arg8[%dma_wait3A_269, %dma_wait3A_270] : memref<200x128xf32, #tpu.memory_space<vmem>> -> memref<96x128xf32, #tpu.memory_space<vmem>>
    tpu.wait_dma2 semaphore(%arg11 : memref<!tpu.dma_semaphore, #tpu.memory_space<semaphore_mem>>) src(%dma_wait3A_271 : memref<96x128xf32, #tpu.memory_space<vmem>>) dst(%dma_wait3A_268 : memref<96x128xf32, #tpu.memory_space<hbm>>)
    return
  }
}

module attributes {stable_mosaic.version = 14 : i64} {
  func.func @body(%arg0: i32, %arg1: memref<2000x128xf32, #tpu.memory_space<vmem>>, %arg2: memref<200x128xf32, #tpu.memory_space<vmem>>, %arg3: memref<256x128xf32, #tpu.memory_space<vmem>>, %arg4: memref<1x128xf32, #tpu.memory_space<vmem>>, %arg5: memref<2000x128xf32, #tpu.memory_space<vmem>>) attributes {dimension_semantics = [#tpu.dimension_semantics<arbitrary>], iteration_bounds = array<i64: 51>, scalar_prefetch = 0 : i64, scratch_operands = 0 : i64, tpu.core_type = #tpu.core_type<tc>, window_params = [{transform_indices = @transform_0, window_bounds = array<i64: 2000, 128>}, {pipeline_mode = #tpu.pipeline_mode<synchronous>, transform_indices = @transform_1, window_bounds = array<i64: 200, 128>}, {pipeline_mode = #tpu.pipeline_mode<synchronous>, transform_indices = @transform_2, window_bounds = array<i64: 256, 128>}, {pipeline_mode = #tpu.pipeline_mode<synchronous>, transform_indices = @transform_3, window_bounds = array<i64: 1, 128>}, {transform_indices = @transform_4, window_bounds = array<i64: 2000, 128>}]} {
    %lt3A = arith.constant 50 : i32
    %lt3A_0 = arith.cmpi slt, %arg0, %lt3A : i32
    %convert_element_type3A = arith.extui %lt3A_0 : i1 to i32
    %cond3A = arith.constant 0 : i32
    %cond3A_1 = arith.cmpi ne, %convert_element_type3A, %cond3A : i32
    scf.if %cond3A_1 {
      %get3A = arith.constant 0 : index
      %get3A_6 = arith.constant 0 : index
      %get3A_7 = vector.load %arg1[%get3A, %get3A_6] : memref<2000x128xf32, #tpu.memory_space<vmem>>, vector<2000x128xf32>
      %get3A_8 = arith.constant 0 : index
      %get3A_9 = arith.constant 0 : index
      %get3A_10 = vector.load %arg3[%get3A_8, %get3A_9] : memref<256x128xf32, #tpu.memory_space<vmem>>, vector<128x128xf32>
      %dot_general3A = arith.constant dense<0.000000e+00> : vector<2000x128xf32>
      %dot_general3A_11 = tpu.matmul %get3A_7, %get3A_10, %dot_general3A {dimension_numbers = #tpu.dot_dimension_numbers<[1], [0], [0], [1], [0, 0, 1, 1], [], []>, transpose_lhs_hint = false} : vector<2000x128xf32>, vector<128x128xf32>, vector<2000x128xf32> -> vector<2000x128xf32>
      %swap3A = arith.constant 0 : index
      %swap3A_12 = arith.constant 0 : index
      %swap3A_13 = vector.load %arg5[%swap3A, %swap3A_12] : memref<2000x128xf32, #tpu.memory_space<vmem>>, vector<2000x128xf32>
      tpu.vector_store %arg5[%swap3A, %swap3A_12], %dot_general3A_11 {strides = array<i32>} : memref<2000x128xf32, #tpu.memory_space<vmem>>, vector<2000x128xf32>,
    } else {
    }
    %eq3A = arith.constant 50 : i32
    %eq3A_2 = arith.cmpi eq, %arg0, %eq3A : i32
    %convert_element_type3A_3 = arith.extui %eq3A_2 : i1 to i32
    %cond3A_4 = arith.constant 0 : i32
    %cond3A_5 = arith.cmpi ne, %convert_element_type3A_3, %cond3A_4 : i32
    scf.if %cond3A_5 {
      %get3A = arith.constant 0 : index
      %get3A_6 = arith.constant 0 : index
      %get3A_7 = vector.load %arg2[%get3A, %get3A_6] : memref<200x128xf32, #tpu.memory_space<vmem>>, vector<200x128xf32>
      %get3A_8 = arith.constant 128 : index
      %get3A_9 = arith.constant 0 : index
      %get3A_10 = vector.load %arg3[%get3A_8, %get3A_9] : memref<256x128xf32, #tpu.memory_space<vmem>>, vector<128x128xf32>
      %dot_general3A = arith.constant dense<0.000000e+00> : vector<200x128xf32>
      %dot_general3A_11 = tpu.matmul %get3A_7, %get3A_10, %dot_general3A {dimension_numbers = #tpu.dot_dimension_numbers<[1], [0], [0], [1], [0, 0, 1, 1], [], []>, transpose_lhs_hint = false} : vector<200x128xf32>, vector<128x128xf32>, vector<200x128xf32> -> vector<200x128xf32>
      %get3A_12 = arith.constant 0 : index
      %get3A_13 = arith.constant 0 : index
      %get3A_14 = vector.load %arg4[%get3A_12, %get3A_13] : memref<1x128xf32, #tpu.memory_space<vmem>>, vector<1x128xf32>
      %add3A = vector.broadcast %get3A_14 : vector<1x128xf32> to vector<200x128xf32>
      %add3A_15 = arith.addf %dot_general3A_11, %add3A : vector<200x128xf32>
      %swap3A = arith.constant 0 : index
      %swap3A_16 = arith.constant 0 : index
      %swap3A_17 = vector.load %arg5[%swap3A, %swap3A_16] : memref<2000x128xf32, #tpu.memory_space<vmem>>, vector<200x128xf32>
      tpu.vector_store %arg5[%swap3A, %swap3A_16], %add3A_15 {strides = array<i32>} : memref<2000x128xf32, #tpu.memory_space<vmem>>, vector<200x128xf32>,
    } else {
    }
    return
  }
  func.func @transform_0(%arg0: i32) -> (i32, i32) {
    %min3A = arith.constant 49 : i32
    %min3A_0 = arith.minsi %arg0, %min3A : i32
    %c0_i32 = arith.constant 0 : i32
    %c0_i32_1 = arith.constant 0 : i32
    return %min3A_0, %c0_i32 : i32, i32
  }
  func.func @transform_1(%arg0: i32) -> (i32, i32) {
    %c0_i32 = arith.constant 0 : i32
    %c0_i32_0 = arith.constant 0 : i32
    %c0_i32_1 = arith.constant 0 : i32
    return %c0_i32, %c0_i32_0 : i32, i32
  }
  func.func @transform_2(%arg0: i32) -> (i32, i32) {
    %c0_i32 = arith.constant 0 : i32
    %c0_i32_0 = arith.constant 0 : i32
    %c0_i32_1 = arith.constant 0 : i32
    return %c0_i32, %c0_i32_0 : i32, i32
  }
  func.func @transform_3(%arg0: i32) -> (i32, i32) {
    %c0_i32 = arith.constant 0 : i32
    %c0_i32_0 = arith.constant 0 : i32
    %c0_i32_1 = arith.constant 0 : i32
    return %c0_i32, %c0_i32_0 : i32, i32
  }
  func.func @transform_4(%arg0: i32) -> (i32, i32) {
    %c0_i32 = arith.constant 0 : i32
    %c0_i32_0 = arith.constant 0 : i32
    return %arg0, %c0_i32 : i32, i32
  }
}

</mosaic_0001>

<sc_bundles>
// kernel: kernel.4.cloned.1.call-start
scs
__scs_entry_jumppad:
0x0: {  	(pc) =	sbr.rel $0x88, $3  }
0x1: {  	(tag) =	ssettag $0x0;
	lr =	simm.s32 $0x1  }
0x2: {  	[smem:$0x3F9C] =	sst lr;
	_ =	strace $0xD0000000  }
0x3: {  	_ = 	snop  }
0x4: {  	_ = 	snop  }
0x5: {  	_ = 	snop  }
0x6: {  	_ = 	snop  }
0x7: {  	_ = 	snop  }
__scs_overlays_trampoline_lowered:
0x8: {  	[smem:$0x3FAB] =	sst s0  }
0x9: {  	[smem:$0x3FAC] =	sst s1  }
0xa: {  	[smem:$0x3FAD] =	sst s2  }
0xb: {  	[smem:$0x3FAE] =	sst s3  }
0xc: {  	[smem:$0x3FAF] =	sst s4  }
0xd: {  	[smem:$0x3FB0] =	sst s5  }
0xe: {  	[smem:$0x3FB1] =	sst s6  }
0xf: {  	[smem:$0x3FB2] =	sst s7  }
0x10: {  	[smem:$0x3FB3] =	sst s8  }
0x11: {  	[smem:$0x3FB4] =	sst s9;
	s0 =	simm.s32 @!p0 $0x0  }
0x12: {  	s1 =	sld [smem:$0x3F9A];
	s0 =	simm.s32 @p0 $0x1  }
0x13: {  	[smem:$0x3FB5] =	sst s0;
	s0 =	simm.s32 @!p1 $0x0  }
0x14: {  	s2 =	sld [smem:$0x3F99];
	s0 =	simm.s32 @p1 $0x1  }
0x15: {  	[smem:$0x3FB6] =	sst s0;
	s0 =	simm.s32 @!p2 $0x0  }
0x16: {  	s3 =	sld [smem:$0x3FDB];
	s0 =	simm.s32 @p2 $0x1  }
0x17: {  	s4 =	simm.s32 $0x1BF5;
	[smem:$0x3FB8] =	sst s0  }
0x18: {  	s0 =	sld [smem:$0x3F9B];
	_ =	swait.ge [sflag:s4], $0x0  }
0x19: {  	s7 =	sld [smem:$0x3F9C]  }
0x1a: {  	s8 =	sadd.s32 $0xFFFFE003, lr  }
0x1b: {  	s9 =	sadd.s32 $0xFFFFFEF7, lr;
	s5 =	simm.s32 $0xFFFFFFFF;
	p2 =	slt.u32 s8, $0xFFFFF086  }
0x1c: {  	p1 =	slt.u32 s9, $0xF7A;
	s5 =	simm.s32 @!p2 $0x0  }
0x1d: {  	s5 =	simm.s32 @p1 $0x1;
	p0 =	seq.s32 s7, s2  }
0x1e: {  	s7 =	smul.u32 @!p0 $0xF7A, s2;
	p2 =	seq.s32 @!p0 s5, $0x0  }
0x1f: {  	s9 =	smul.u32 $0xF7A, s1;
	s8 =	simm.s32 @!p0 $0x1BF5;
	p2 =	por !p2, p0  }
0x20: {  	[sflag:s8] =	ssyncset.s32 @!p0 $0xFFFFF086;
	s6 =	sadd.s32 @!p0 s3, s7;
	s7 =	simm.s32 @!p0 $0x108  }
0x21: {  	s3 =	sadd.s32 s3, s9;
	s6 =	sadd.s32 @!p0 $0x88, s6;
	s7 =	simm.s32 @p2 $0x1082  }
0x22: {  	[simem:s7], [sflag:s8] =	dma.local @!p0 [hbm:s6], $0xF7A  }
0x23: {  	s9 =	sor.u32 $0xD0000000, s2;
	s6 =	simm.s32 $0x108;
	_ =	swait.ge @!p0 [sflag:s8], $0x0  }
0x24: {  	s3 =	sadd.s32 $0x88, s3;
	s6 =	simm.s32 @!p1 $0x1082;
	[sflag:s4] =	ssyncset.s32 $0xFFFFF086  }
0x25: {  	[simem:s6], [sflag:s4] =	dma.local [hbm:s3], $0xF7A  }
0x26: {  	[smem:$0x3F9C] =	sst s1;
	(tag) =	ssettag s2;
	_ =	strace s9  }
0x27: {  	s1 =	sld [smem:$0x3FAC]  }
0x28: {  	s2 =	sld [smem:$0x3FAD]  }
0x29: {  	s4 =	sld [smem:$0x3FAF]  }
0x2a: {  	p0 =	seq.s32 s5, $0x0;
	s5 =	sld [smem:$0x3FB0]  }
0x2b: {  	s6 =	sld [smem:$0x3FB1]  }
0x2c: {  	s7 =	sld [smem:$0x3FB2]  }
0x2d: {  	s3 =	simm.s32 $0x108;
	s8 =	sld [smem:$0x3FB3]  }
0x2e: {  	s3 =	simm.s32 @!p0 $0x1082;
	s9 =	sld [smem:$0x3FB4]  }
0x2f: {  	lr =	sadd.s32 s0, s3;
	s0 =	sld [smem:$0x3FAB]  }
0x30: {  	s3 =	sld [smem:$0x3FAE]  }
0x31: {  	[smem:$0x3FB7] =	sst s10  }
0x32: {  	s10 =	sld [smem:$0x3FB5];
	_ =	sdelay $0x3  }
0x33: {  	p0 =	seq.s32 s10, $0x1;
	s10 =	sld [smem:$0x3FB7];
	_ =	sdelay $0x3  }
0x34: {  	[smem:$0x3FB7] =	sst s10  }
0x35: {  	s10 =	sld [smem:$0x3FB6];
	_ =	sdelay $0x3  }
0x36: {  	p1 =	seq.s32 s10, $0x1;
	s10 =	sld [smem:$0x3FB7];
	_ =	sdelay $0x3  }
0x37: {  	[smem:$0x3FB7] =	sst s10  }
0x38: {  	s10 =	sld [smem:$0x3FB8]  }
0x39: {  	_ = 	snop;
	(pc) =	sbr.ind lr, $3  }
0x3a: {  	_ = 	snop  }
0x3b: {  	_ = 	snop  }
0x3c: {  	p2 =	seq.s32 s10, $0x1;
	s10 =	sld [smem:$0x3FB7]  }
0x3d: {  	_ =	shalt  }
0x3e: {  	_ =	shalt  }
0x3f: {  	_ =	shalt  }
0x40: {  	_ =	shalt  }
0x41: {  	_ =	shalt  }
0x42: {  	_ =	shalt  }
0x43: {  	_ =	shalt  }
0x44: {  	_ =	shalt  }
0x45: {  	_ =	shalt  }
0x46: {  	_ =	shalt  }
0x47: {  	_ =	shalt  }
0x48: {  	_ =	shalt  }
0x49: {  	_ =	shalt  }
0x4a: {  	_ =	shalt  }
0x4b: {  	_ =	shalt  }
0x4c: {  	_ =	shalt  }
0x4d: {  	_ =	shalt  }
0x4e: {  	_ =	shalt  }
0x4f: {  	_ =	shalt  }
0x50: {  	_ =	shalt  }
0x51: {  	_ =	shalt  }
0x52: {  	_ =	shalt  }
0x53: {  	_ =	shalt  }
0x54: {  	_ =	shalt  }
0x55: {  	_ =	shalt  }
0x56: {  	_ =	shalt  }
0x57: {  	_ =	shalt  }
0x58: {  	_ =	shalt  }
0x59: {  	_ =	shalt  }
0x5a: {  	_ =	shalt  }
0x5b: {  	_ =	shalt  }
0x5c: {  	_ =	shalt  }
0x5d: {  	_ =	shalt  }
0x5e: {  	_ =	shalt  }
0x5f: {  	_ =	shalt  }
0x60: {  	_ =	shalt  }
0x61: {  	_ =	shalt  }
0x62: {  	_ =	shalt  }
0x63: {  	_ =	shalt  }
0x64: {  	_ =	shalt  }
0x65: {  	_ =	shalt  }
0x66: {  	_ =	shalt  }
0x67: {  	_ =	shalt  }
0x68: {  	_ =	shalt  }
0x69: {  	_ =	shalt  }
0x6a: {  	_ =	shalt  }
0x6b: {  	_ =	shalt  }
0x6c: {  	_ =	shalt  }
0x6d: {  	_ =	shalt  }
0x6e: {  	_ =	shalt  }
0x6f: {  	_ =	shalt  }
0x70: {  	_ =	shalt  }
0x71: {  	_ =	shalt  }
0x72: {  	_ =	shalt  }
0x73: {  	_ =	shalt  }
0x74: {  	_ =	shalt  }
0x75: {  	_ =	shalt  }
0x76: {  	_ =	shalt  }
0x77: {  	_ =	shalt  }
0x78: {  	_ =	shalt  }
0x79: {  	_ =	shalt  }
0x7a: {  	_ =	shalt  }
0x7b: {  	_ =	shalt  }
0x7c: {  	_ =	shalt  }
0x7d: {  	_ =	shalt  }
0x7e: {  	_ =	shalt  }
0x7f: {  	_ =	shalt  }
0x80: {  	_ =	shalt  }
0x81: {  	_ =	shalt  }
0x82: {  	_ =	shalt  }
0x83: {  	_ =	shalt  }
0x84: {  	_ =	shalt  }
0x85: {  	_ =	shalt  }
0x86: {  	_ =	shalt  }
0x87: {  	_ =	shalt  }
.Lfunc_end0:
.L_simem_size_0:
called_computation_lowered:
.L_overlay_start_0:
0x88: {  	s2 =	sld [smem:$0x3FD9]  }
0x89: {  	s3 =	sld [smem:$0x3FFE];
	_ =	sdelay $0x1  }
0x8a: {  	s1 =	srdreg.scid  }
0x8b: {  	s0 =	sand.u32 $0x1, s1  }
0x8c: {  	s14 =	sshll.u32 s0, $0xA;
	s2 =	sadd.s32 s3, s2  }
0x8d: {  	s2 =	sadd.s32 s2, s14  }
0x8e: {  	[smem:$0x3FC3] =	sst s2  }
0x8f: {  	_ = 	snop  }
0x90: {  	s2 =	sld [smem:$0x3FD0];
	_ =	sdelay $0x2  }
0x91: {  	s15 =	simm.s32 $0xA;
	s4 =	simm.s32 $0x10  }
0x92: {  	[smem:s4], [sflag:s15] =	dma.local [hbm:s2], $0x1  }
0x93: {  	_ =	swait.eq [sflag:s15], $0x1  }
0x94: {  	[sflag:s15] =	ssyncset.done $0x0  }
0x95: {  	[sflag:s15] =	ssyncadd.s32 $0xFFFFFFFF  }
0x96: {  	s16 =	sld [smem:$0x10];
	(tm) =	ssettm $0x1  }
0x97: {  	s17 =	sld [smem:$0x3FFB];
	_ =	sdelay $0x3  }
0x98: {  	_ =	strace s17  }
0x99: {  	s3 =	sld [smem:$0x3FFC];
	_ =	sdelay $0x3  }
0x9a: {  	_ =	strace s3  }
0x9b: {  	s3 =	sld [smem:$0x3FFD];
	_ =	sdelay $0x3  }
0x9c: {  	_ =	strace s3  }
0x9d: {  	_ =	strace $0x8FFFFFFF  }
0x9e: {  	s18 =	sld [smem:$0x3FDB];
	_ =	sdelay $0x1  }
0x9f: {  	s19 =	simm.s32 $_scs_section_size  }
0xa0: {  	s5 =	simm.s32 $_size__tile_overlayer_lowered;
	s6 =	simm.s32 $_tile_overlayer_lowered  }
0xa1: {  	s22 =	simm.s32 $0x1BFF;
	s21 =	sshll.u32 s6, $0x1;
	s3 =	sadd.s32 s19, s18  }
0xa2: {  	s7 =	simm.s32 $0x0;
	s20 =	sshll.u32 s5, $0x1;
	s5 =	sadd.s32 s21, s3  }
0xa3: {  	[timem:s7], [sflag:s22] =	dma.local [hbm:s5], s20  }
0xa4: {  	_ =	swait.ge [sflag:s22], s20  }
0xa5: {  	s4 =	ssub.s32 $0x0, s20;
	[sflag:s22] =	ssyncset.done $0x0  }
0xa6: {  	[sflag:s22] =	ssyncadd.s32 s4;
	_ =	sdelay $0x1  }
0xa7: {  	s23 =	simm.s32 $0x1B8B  }
0xa8: {  	_ =	swait.ge [sflag:s23], $0x1  }
0xa9: {  	[sflag:s23] =	ssyncset.done $0x0  }
0xaa: {  	s25 =	simm.s32 $0x1B8E;
	s24 =	sld [smem:$0x3FFE];
	[sflag:s23] =	ssyncadd.s32 $0xFFFFFFFF  }
0xab: {  	s26 =	simm.s32 $execute0_lowered;
	[smem:$0x3FD2] =	sst s25  }
0xac: {  	s5 =	sshll.u32 s26, $0x1;
	_ =	strace $0x80000046;
	[dreg:$0x1] =	wrdreg $0xFFFFFFFF  }
0xad: {  	s28 =	simm.s32 $_size_execute0_lowered;
	s3 =	sadd.s32 s3, s5;
	[dreg:$0x0] =	wrdreg $0x0  }
0xae: {  	s5 =	sshll.u32 s28, $0x1;
	[dreg:$0x2] =	wrdreg s3  }
0xaf: {  	[dreg:$0x3] =	wrdreg s5  }
0xb0: {  	[dreg:$0x4] =	wrdreg $0xC0  }
0xb1: {  	_ =	task [dreg:s7], $0x5FFFF  }
0xb2: {  	[dreg:$0x1] =	wrdreg $0xFFFFFFFF  }
0xb3: {  	[dreg:$0x0] =	wrdreg $0x60  }
0xb4: {  	[dreg:$0x2] =	wrdreg s24  }
0xb5: {  	[dreg:$0x3] =	wrdreg s16  }
0xb6: {  	[dreg:$0x4] =	wrdreg $0x9  }
0xb7: {  	_ =	task.clear_ibuf [dreg:s7], $0x5FFFF;
	_ =	strace $0x90000046  }
0xb8: {  	s29 =	simm.s32 $0x9;
	_ =	strace $0x80000048  }
0xb9: {  	_ =	swait.ge [sflag:s29], $0x1  }
0xba: {  	[sflag:s29] =	ssyncadd.s32 $0xFFFFFFFF  }
0xbb: {  	_ =	strace $0x90000048  }
0xbc: {  	_ =	sfence  }
0xbd: {  	s30 =	sld [smem:$0x0];
	_ =	sdelay $0x2  }
0xbe: {  	s31 =	sshll.u32 s1, $0xD;
	s1 =	sshrl.u32 s1, $0x2  }
0xbf: {  	s3 =	sand.u32 $0x4000, s31;
	s1 =	sadd.s32 s1, s30  }
0xc0: {  	s0 =	sor.u32 s3, s0;
	s1 =	sshll.u32 s1, $0x11  }
0xc1: {  	s0 =	sor.u32 s1, s0  }
0xc2: {  	s0 =	sadd.s32 $0x8F2B, s0  }
0xc3: {  	[sflag:s0] =	ssyncadd.remote.s32 $0x1  }
0xc4: {  	_ =	sfence.sel $0xFFFF  }
0xc5: {  	[dreg:$0x0] =	wrdreg $0xFFFFFFFF;
	(pc) =	sbr.abs _section_cstart, $3  }
0xc6: {  	[dreg:$0x1] =	wrdreg $0xFFFFFFFF  }
0xc7: {  	_ =	task.clear_ibuf [dreg:s7], $0x2FFFF;
	_ =	strace $0x9FFFFFFF  }
0xc8: {  	(tm) =	ssettm $0x7FFFFFFF  }
0xc9: {  	_ =	shalt  }
tec
execute0_lowered:
.L_overlay_start_1:
0x0: {  	(tag) =	ssettag $0x1  }
0x1: {  	s0 =	rddreg [dreg:$0x0]  }
0x2: {  	s1 =	srdreg.scid;
	s3 =	stileid.u32  }
0x3: {  	s2 =	rddreg [dreg:$0x1];
	s14 =	simm.s32 $0x3;
	s15 =	simm.s32 $0x68  }
0x4: {  	s16 =	simm.s32 $0xC800;
	s17 =	simm.s32 $0x60;
	s18 =	simm.s32 $0xFC00  }
0x5: {  	s20 =	simm.s32 $0x12C00;
	s21 =	simm.s32 $0x1;
	s22 =	simm.s32 $0x16000  }
0x6: {  	s23 =	simm.s32 $0x19000;
	s24 =	simm.s32 $0x1C400;
	s25 =	simm.s32 $0x2  }
0x7: {  	s26 =	simm.s32 $0x63A0;
	s1 =	sand.u32 $0x1, s1;
	s4 =	sshll.u32 s3, $0x1  }
0x8: {  	s28 =	simm.s32 $0x0;
	s3 =	simm.s32 $0x0;
	s5 =	sor.u32 s1, s4  }
0x9: {  	[smem:$0x7FF] =	sst s3;
	s1 =	ssub.s32 $0x2, s1;
	s4 =	smul.u32 $0xC80, s5  }
0xa: {  	_ =	strace $0x80000047;
	s6 =	smul.u32 $0x320000, s5;
	s8 =	sshrl.u32 s1, $0x1  }
0xb: {  	s9 =	smul.u32 $0x64000, s5;
	s5 =	sshll.u32 s5, $0x7;
	s1 =	ssub.s32 s1, s8  }
0xc: {  	s7 =	sadd.s32 s4, s0;
	s4 =	sadd.s32 $0x19C00, s0;
	s30 =	sshrl.u32 s6, $0x3  }
0xd: {  	s6 =	sadd.s32 $0x1A0600, s0;
	s31 =	sadd.s32 s9, s2;
	s12 =	smax.u32 s1, $0x1  }
0xe: {  	s11 =	sadd.s32 s2, s30;
	s7 =	sadd.s32 $0xC00, s7;
	s8 =	sadd.s32 $0x62700, s31  }
0xf: {  	s10 =	sadd.s32 $0x63380, s31;
	s9 =	sadd.s32 $0x62D80, s11;
	s11 =	sadd.s32 $0x63A00, s11  }
.LBB2_1:
0x10: {  	s0 =	simm.s32 $0x6400  }
0x11: {  	[tilespmem:s0], [sflag:$0x3] =	stream.linear.gather [hbm4b:s6+s3], $0x6400, $0x38;
	[tilespmem:$0x1F400] =	vst v63  }
0x12: {  	_ =	swait.ge [sflag:s14], $0x6400  }
0x13: {  	[sflag:s14] =	ssyncset.done $0x0  }
0x14: {  	[sflag:s14] =	ssyncadd.s32 $0xFFFF9C00  }
0x15: {  	[tilespmem:s3], [sflag:$0x3] =	stream.linear.gather [hbm4b:s7+s3], $0x6400, $0x38;
	[tilespmem:$0x1F400] =	vst v63  }
0x16: {  	_ =	swait.ge [sflag:s14], $0x6400  }
0x17: {  	[sflag:s14] =	ssyncset.done $0x0  }
0x18: {  	[sflag:s14] =	ssyncadd.s32 $0xFFFF9C00  }
0x19: {  	[tilespmem:s16], [sflag:$0x1] =	stream.indirect.gather [hbm4b:s4+s15], $0x80, s3, s15, $0xb8;
	[tilespmem:$0x1F400] =	vst v63  }
0x1a: {  	_ = 	snop  }
0x1b: {  	[tilespmem:s18], [sflag:$0x1] =	stream.indirect.gather [hbm4b:s4+s17], $0x80, s15, s17, $0xb8;
	[tilespmem:$0x1F400] =	vst v63  }
0x1c: {  	s31 =	simm.s32 $0xC8;
	s29 =	simm.s32 $0x0  }
0x1d: {  	[tilespmem:s20], [sflag:$0x1] =	stream.indirect.gather [hbm4b:s4+s15], $0x80, s31, s15, $0xb8;
	[tilespmem:$0x1F400] =	vst v63  }
.LBB2_2:
0x1e: {  	s30 =	smul.u32 $0x3, s29;
	_ =	swait.ge [sflag:s21], $0x3400  }
0x1f: {  	p0 =	seq.s32 s29, $0x0;
	[sflag:s21] =	ssyncset.done $0x0  }
0x20: {  	s0 =	simm.s32 @!p0 $0x2;
	s31 =	sadd.s32 $0x1, s30;
	[sflag:s21] =	ssyncadd.s32 $0xFFFFCC00  }
0x21: {  	s1 =	smul.u32 $0x320, s31;
	_ =	swait.ge @!p0 [sflag:s0], $0x3000  }
0x22: {  	[sflag:s0] =	ssyncset.done @!p0 $0x0  }
0x23: {  	s1 =	sshra.s32 s1, $0x2;
	[sflag:s0] =	ssyncadd.s32 @!p0 $0xFFFFD000  }
0x24: {  	s0 =	simm.s32 $0x0;
	s19 =	sadd.s32 $0x68, s1;
	s1 =	simm.s32 $0x800  }
0x25: {  	[tilespmem:s22], [sflag:$0x1] =	stream.indirect.gather [hbm4b:s4+s17], $0x80, s19, s17, $0xb8;
	[tilespmem:$0x1F400] =	vst v63  }
.LBB2_3:
0x26: {  	p1 =	sne.s32 s1, $0xC800;
	v0 =	vld [tilespmem:s0+$0x65F0]  }
0x27: {  	v1 =	vld [tilespmem:s0+$0x6400]  }
0x28: {  	v2 =	vld [tilespmem:s0+$0x6410]  }
0x29: {  	v3 =	vld [tilespmem:s0+$0x6420]  }
0x2a: {  	v4 =	vld [tilespmem:s0+$0x6430]  }
0x2b: {  	[tilespmem:s0+$0xC9F0] =	vst.add.f32.msk $0xffff, v0  }
0x2c: {  	v0 =	vld [tilespmem:s0+$0x6440]  }
0x2d: {  	v5 =	vld [tilespmem:s0+$0x6450]  }
0x2e: {  	v6 =	vld [tilespmem:s0+$0x6460]  }
0x2f: {  	v7 =	vld [tilespmem:s0+$0x6470]  }
0x30: {  	v8 =	vld [tilespmem:s0+$0x6480]  }
0x31: {  	v9 =	vld [tilespmem:s0+$0x6490]  }
0x32: {  	v10 =	vld [tilespmem:s0+$0x64A0]  }
0x33: {  	v11 =	vld [tilespmem:s0+$0x64B0]  }
0x34: {  	v12 =	vld [tilespmem:s0+$0x64C0]  }
0x35: {  	v13 =	vld [tilespmem:s0+$0x64D0]  }
0x36: {  	v14 =	vld [tilespmem:s0+$0x64E0]  }
0x37: {  	v15 =	vld [tilespmem:s0+$0x64F0]  }
0x38: {  	v16 =	vld [tilespmem:s0+$0x6500]  }
0x39: {  	v17 =	vld [tilespmem:s0+$0x6510]  }
0x3a: {  	v18 =	vld [tilespmem:s0+$0x6520]  }
0x3b: {  	v19 =	vld [tilespmem:s0+$0x6530]  }
0x3c: {  	v20 =	vld [tilespmem:s0+$0x6540]  }
0x3d: {  	v21 =	vld [tilespmem:s0+$0x6550]  }
0x3e: {  	v22 =	vld [tilespmem:s0+$0x6560]  }
0x3f: {  	v23 =	vld [tilespmem:s0+$0x6570]  }
0x40: {  	v24 =	vld [tilespmem:s0+$0x6580]  }
0x41: {  	v25 =	vld [tilespmem:s0+$0x6590]  }
0x42: {  	v26 =	vld [tilespmem:s0+$0x65A0]  }
0x43: {  	v27 =	vld [tilespmem:s0+$0x65B0]  }
0x44: {  	v28 =	vld [tilespmem:s0+$0x65C0]  }
0x45: {  	v29 =	vld [tilespmem:s0+$0x65D0]  }
0x46: {  	v30 =	vld [tilespmem:s0+$0x65E0]  }
0x47: {  	[tilespmem:s0+$0xC800] =	vst.add.f32.msk $0xffff, v1  }
0x48: {  	[tilespmem:s0+$0xC810] =	vst.add.f32.msk $0xffff, v2  }
0x49: {  	[tilespmem:s0+$0xC820] =	vst.add.f32.msk $0xffff, v3  }
0x4a: {  	[tilespmem:s0+$0xC830] =	vst.add.f32.msk $0xffff, v4  }
0x4b: {  	[tilespmem:s0+$0xC840] =	vst.add.f32.msk $0xffff, v0  }
0x4c: {  	[tilespmem:s0+$0xC850] =	vst.add.f32.msk $0xffff, v5  }
0x4d: {  	[tilespmem:s0+$0xC860] =	vst.add.f32.msk $0xffff, v6  }
0x4e: {  	[tilespmem:s0+$0xC870] =	vst.add.f32.msk $0xffff, v7  }
0x4f: {  	[tilespmem:s0+$0xC880] =	vst.add.f32.msk $0xffff, v8  }
0x50: {  	[tilespmem:s0+$0xC890] =	vst.add.f32.msk $0xffff, v9  }
0x51: {  	[tilespmem:s0+$0xC8A0] =	vst.add.f32.msk $0xffff, v10  }
0x52: {  	[tilespmem:s0+$0xC8B0] =	vst.add.f32.msk $0xffff, v11  }
0x53: {  	[tilespmem:s0+$0xC8C0] =	vst.add.f32.msk $0xffff, v12  }
0x54: {  	[tilespmem:s0+$0xC8D0] =	vst.add.f32.msk $0xffff, v13  }
0x55: {  	[tilespmem:s0+$0xC8E0] =	vst.add.f32.msk $0xffff, v14  }
0x56: {  	[tilespmem:s0+$0xC8F0] =	vst.add.f32.msk $0xffff, v15  }
0x57: {  	[tilespmem:s0+$0xC900] =	vst.add.f32.msk $0xffff, v16  }
0x58: {  	[tilespmem:s0+$0xC910] =	vst.add.f32.msk $0xffff, v17  }
0x59: {  	[tilespmem:s0+$0xC920] =	vst.add.f32.msk $0xffff, v18  }
0x5a: {  	[tilespmem:s0+$0xC930] =	vst.add.f32.msk $0xffff, v19  }
0x5b: {  	[tilespmem:s0+$0xC940] =	vst.add.f32.msk $0xffff, v20  }
0x5c: {  	[tilespmem:s0+$0xC950] =	vst.add.f32.msk $0xffff, v21  }
0x5d: {  	[tilespmem:s0+$0xC960] =	vst.add.f32.msk $0xffff, v22  }
0x5e: {  	[tilespmem:s0+$0xC970] =	vst.add.f32.msk $0xffff, v23  }
0x5f: {  	[tilespmem:s0+$0xC980] =	vst.add.f32.msk $0xffff, v24  }
0x60: {  	[tilespmem:s0+$0xC990] =	vst.add.f32.msk $0xffff, v25  }
.Ltmp0:
0x61: {  	[tilespmem:s0+$0xC9A0] =	vst.add.f32.msk $0xffff, v26;
	(pc) =	sbr.rel @p1 .LBB2_3-.Ltmp0, $4  }
0x62: {  	[tilespmem:s0+$0xC9B0] =	vst.add.f32.msk $0xffff, v27  }
0x63: {  	[tilespmem:s0+$0xC9C0] =	vst.add.f32.msk $0xffff, v28  }
0x64: {  	[tilespmem:s0+$0xC9D0] =	vst.add.f32.msk $0xffff, v29  }
0x65: {  	[tilespmem:s0+$0xC9E0] =	vst.add.f32.msk $0xffff, v30;
	s0 =	sshra.s32 s1, $0x2;
	s1 =	sadd.s32 $0x800, s1  }
0x66: {  	v0 =	vld [tilespmem:s0+$0x65F0]  }
0x67: {  	v1 =	vld [tilespmem:s0+$0x6400]  }
0x68: {  	v2 =	vld [tilespmem:s0+$0x6410]  }
0x69: {  	v3 =	vld [tilespmem:s0+$0x6420]  }
0x6a: {  	v4 =	vld [tilespmem:s0+$0x6430]  }
0x6b: {  	v63 =	vld [tilespmem:s0+$0x6440]  }
0x6c: {  	v5 =	vld [tilespmem:s0+$0x6450]  }
0x6d: {  	v6 =	vld [tilespmem:s0+$0x6460]  }
0x6e: {  	v7 =	vld [tilespmem:s0+$0x6470]  }
0x6f: {  	v8 =	vld [tilespmem:s0+$0x6480]  }
0x70: {  	v9 =	vld [tilespmem:s0+$0x6490]  }
0x71: {  	v10 =	vld [tilespmem:s0+$0x64A0]  }
0x72: {  	v11 =	vld [tilespmem:s0+$0x64B0]  }
0x73: {  	v12 =	vld [tilespmem:s0+$0x64C0]  }
0x74: {  	v13 =	vld [tilespmem:s0+$0x64D0]  }
0x75: {  	v14 =	vld [tilespmem:s0+$0x64E0]  }
0x76: {  	v15 =	vld [tilespmem:s0+$0x64F0]  }
0x77: {  	v16 =	vld [tilespmem:s0+$0x6500]  }
0x78: {  	v17 =	vld [tilespmem:s0+$0x6510]  }
0x79: {  	v18 =	vld [tilespmem:s0+$0x6520]  }
0x7a: {  	v19 =	vld [tilespmem:s0+$0x6530]  }
0x7b: {  	v20 =	vld [tilespmem:s0+$0x6540]  }
0x7c: {  	v21 =	vld [tilespmem:s0+$0x6550]  }
0x7d: {  	v22 =	vld [tilespmem:s0+$0x6560]  }
0x7e: {  	v23 =	vld [tilespmem:s0+$0x6570]  }
0x7f: {  	v24 =	vld [tilespmem:s0+$0x6580]  }
0x80: {  	v25 =	vld [tilespmem:s0+$0x6590]  }
0x81: {  	v26 =	vld [tilespmem:s0+$0x65A0]  }
0x82: {  	v27 =	vld [tilespmem:s0+$0x65B0]  }
0x83: {  	v28 =	vld [tilespmem:s0+$0x65C0]  }
0x84: {  	v29 =	vld [tilespmem:s0+$0x65D0]  }
0x85: {  	v30 =	vld [tilespmem:s0+$0x65E0]  }
0x86: {  	[tilespmem:s0+$0xC9F0] =	vst.add.f32.msk $0xffff, v0  }
0x87: {  	[tilespmem:s0+$0xC800] =	vst.add.f32.msk $0xffff, v1  }
0x88: {  	[tilespmem:s0+$0xC810] =	vst.add.f32.msk $0xffff, v2  }
0x89: {  	[tilespmem:s0+$0xC820] =	vst.add.f32.msk $0xffff, v3  }
0x8a: {  	[tilespmem:s0+$0xC830] =	vst.add.f32.msk $0xffff, v4  }
0x8b: {  	[tilespmem:s0+$0xC840] =	vst.add.f32.msk $0xffff, v63  }
0x8c: {  	[tilespmem:s0+$0xC850] =	vst.add.f32.msk $0xffff, v5  }
0x8d: {  	[tilespmem:s0+$0xC860] =	vst.add.f32.msk $0xffff, v6  }
0x8e: {  	[tilespmem:s0+$0xC870] =	vst.add.f32.msk $0xffff, v7  }
0x8f: {  	[tilespmem:s0+$0xC880] =	vst.add.f32.msk $0xffff, v8  }
0x90: {  	[tilespmem:s0+$0xC890] =	vst.add.f32.msk $0xffff, v9  }
0x91: {  	[tilespmem:s0+$0xC8A0] =	vst.add.f32.msk $0xffff, v10  }
0x92: {  	[tilespmem:s0+$0xC8B0] =	vst.add.f32.msk $0xffff, v11  }
0x93: {  	[tilespmem:s0+$0xC8C0] =	vst.add.f32.msk $0xffff, v12  }
0x94: {  	[tilespmem:s0+$0xC8D0] =	vst.add.f32.msk $0xffff, v13  }
0x95: {  	[tilespmem:s0+$0xC8E0] =	vst.add.f32.msk $0xffff, v14  }
0x96: {  	[tilespmem:s0+$0xC8F0] =	vst.add.f32.msk $0xffff, v15  }
0x97: {  	[tilespmem:s0+$0xC900] =	vst.add.f32.msk $0xffff, v16  }
0x98: {  	[tilespmem:s0+$0xC910] =	vst.add.f32.msk $0xffff, v17  }
0x99: {  	[tilespmem:s0+$0xC920] =	vst.add.f32.msk $0xffff, v18  }
0x9a: {  	[tilespmem:s0+$0xC930] =	vst.add.f32.msk $0xffff, v19  }
0x9b: {  	[tilespmem:s0+$0xC940] =	vst.add.f32.msk $0xffff, v20  }
0x9c: {  	[tilespmem:s0+$0xC950] =	vst.add.f32.msk $0xffff, v21  }
0x9d: {  	[tilespmem:s0+$0xC960] =	vst.add.f32.msk $0xffff, v22  }
0x9e: {  	[tilespmem:s0+$0xC970] =	vst.add.f32.msk $0xffff, v23  }
0x9f: {  	[tilespmem:s0+$0xC980] =	vst.add.f32.msk $0xffff, v24  }
0xa0: {  	[tilespmem:s0+$0xC990] =	vst.add.f32.msk $0xffff, v25  }
0xa1: {  	[tilespmem:s0+$0xC9A0] =	vst.add.f32.msk $0xffff, v26  }
0xa2: {  	s1 =	sadd.s32 s5, s30;
	[tilespmem:s0+$0xC9B0] =	vst.add.f32.msk $0xffff, v27  }
0xa3: {  	s13 =	smul.u32 $0xC80, s1;
	[tilespmem:s0+$0xC9C0] =	vst.add.f32.msk $0xffff, v28  }
0xa4: {  	[tilespmem:s0+$0xC9D0] =	vst.add.f32.msk $0xffff, v29  }
0xa5: {  	s13 =	sadd.s32 s2, s13;
	[tilespmem:s0+$0xC9E0] =	vst.add.f32.msk $0xffff, v30  }
0xa6: {  	[hbm4b:s13+s3] =	stream.linear.scatter [tilespmem:s16], [sflag:$0x2], $0x3400, $0x38;
	[tilespmem:$0x1F400] =	vst v63  }
0xa7: {  	_ =	swait.ge [sflag:s21], $0x3000  }
0xa8: {  	[sflag:s21] =	ssyncset.done $0x0  }
0xa9: {  	s30 =	sadd.s32 $0x2, s30;
	s0 =	simm.s32 @!p0 $0x2;
	[sflag:s21] =	ssyncadd.s32 $0xFFFFD000  }
0xaa: {  	s19 =	smul.u32 $0x320, s30;
	_ =	swait.ge @!p0 [sflag:s0], $0x3400  }
0xab: {  	s13 =	simm.s32 $0x0;
	[sflag:s0] =	ssyncset.done @!p0 $0x0  }
0xac: {  	[sflag:s0] =	ssyncadd.s32 @!p0 $0xFFFFCC00;
	s0 =	sshra.s32 s19, $0x2;
	s19 =	simm.s32 $0x800  }
0xad: {  	[tilespmem:s23], [sflag:$0x1] =	stream.indirect.gather [hbm4b:s4+s15], $0x80, s0, s15, $0xb8;
	[tilespmem:$0x1F400] =	vst v63  }
.LBB2_5:
0xae: {  	p1 =	sne.s32 s19, $0xB800;
	v0 =	vld [tilespmem:s13+$0x99F0]  }
0xaf: {  	v1 =	vld [tilespmem:s13+$0x9800]  }
0xb0: {  	v2 =	vld [tilespmem:s13+$0x9810]  }
0xb1: {  	v3 =	vld [tilespmem:s13+$0x9820]  }
0xb2: {  	v4 =	vld [tilespmem:s13+$0x9830]  }
0xb3: {  	[tilespmem:s13+$0xFDF0] =	vst.add.f32.msk $0xffff, v0  }
0xb4: {  	v0 =	vld [tilespmem:s13+$0x9840]  }
0xb5: {  	v5 =	vld [tilespmem:s13+$0x9850]  }
0xb6: {  	v6 =	vld [tilespmem:s13+$0x9860]  }
0xb7: {  	v7 =	vld [tilespmem:s13+$0x9870]  }
0xb8: {  	v8 =	vld [tilespmem:s13+$0x9880]  }
0xb9: {  	v9 =	vld [tilespmem:s13+$0x9890]  }
0xba: {  	v10 =	vld [tilespmem:s13+$0x98A0]  }
0xbb: {  	v11 =	vld [tilespmem:s13+$0x98B0]  }
0xbc: {  	v12 =	vld [tilespmem:s13+$0x98C0]  }
0xbd: {  	v13 =	vld [tilespmem:s13+$0x98D0]  }
0xbe: {  	v14 =	vld [tilespmem:s13+$0x98E0]  }
0xbf: {  	v15 =	vld [tilespmem:s13+$0x98F0]  }
0xc0: {  	v16 =	vld [tilespmem:s13+$0x9900]  }
0xc1: {  	v17 =	vld [tilespmem:s13+$0x9910]  }
0xc2: {  	v18 =	vld [tilespmem:s13+$0x9920]  }
0xc3: {  	v19 =	vld [tilespmem:s13+$0x9930]  }
0xc4: {  	v20 =	vld [tilespmem:s13+$0x9940]  }
0xc5: {  	v21 =	vld [tilespmem:s13+$0x9950]  }
0xc6: {  	v22 =	vld [tilespmem:s13+$0x9960]  }
0xc7: {  	v23 =	vld [tilespmem:s13+$0x9970]  }
0xc8: {  	v24 =	vld [tilespmem:s13+$0x9980]  }
0xc9: {  	v25 =	vld [tilespmem:s13+$0x9990]  }
0xca: {  	v26 =	vld [tilespmem:s13+$0x99A0]  }
0xcb: {  	v27 =	vld [tilespmem:s13+$0x99B0]  }
0xcc: {  	v28 =	vld [tilespmem:s13+$0x99C0]  }
0xcd: {  	v29 =	vld [tilespmem:s13+$0x99D0]  }
0xce: {  	v30 =	vld [tilespmem:s13+$0x99E0]  }
0xcf: {  	[tilespmem:s13+$0xFC00] =	vst.add.f32.msk $0xffff, v1  }
0xd0: {  	[tilespmem:s13+$0xFC10] =	vst.add.f32.msk $0xffff, v2  }
0xd1: {  	[tilespmem:s13+$0xFC20] =	vst.add.f32.msk $0xffff, v3  }
0xd2: {  	[tilespmem:s13+$0xFC30] =	vst.add.f32.msk $0xffff, v4  }
0xd3: {  	[tilespmem:s13+$0xFC40] =	vst.add.f32.msk $0xffff, v0  }
0xd4: {  	[tilespmem:s13+$0xFC50] =	vst.add.f32.msk $0xffff, v5  }
0xd5: {  	[tilespmem:s13+$0xFC60] =	vst.add.f32.msk $0xffff, v6  }
0xd6: {  	[tilespmem:s13+$0xFC70] =	vst.add.f32.msk $0xffff, v7  }
0xd7: {  	[tilespmem:s13+$0xFC80] =	vst.add.f32.msk $0xffff, v8  }
0xd8: {  	[tilespmem:s13+$0xFC90] =	vst.add.f32.msk $0xffff, v9  }
0xd9: {  	[tilespmem:s13+$0xFCA0] =	vst.add.f32.msk $0xffff, v10  }
0xda: {  	[tilespmem:s13+$0xFCB0] =	vst.add.f32.msk $0xffff, v11  }
0xdb: {  	[tilespmem:s13+$0xFCC0] =	vst.add.f32.msk $0xffff, v12  }
0xdc: {  	[tilespmem:s13+$0xFCD0] =	vst.add.f32.msk $0xffff, v13  }
0xdd: {  	[tilespmem:s13+$0xFCE0] =	vst.add.f32.msk $0xffff, v14  }
0xde: {  	[tilespmem:s13+$0xFCF0] =	vst.add.f32.msk $0xffff, v15  }
0xdf: {  	[tilespmem:s13+$0xFD00] =	vst.add.f32.msk $0xffff, v16  }
0xe0: {  	[tilespmem:s13+$0xFD10] =	vst.add.f32.msk $0xffff, v17  }
0xe1: {  	[tilespmem:s13+$0xFD20] =	vst.add.f32.msk $0xffff, v18  }
0xe2: {  	[tilespmem:s13+$0xFD30] =	vst.add.f32.msk $0xffff, v19  }
0xe3: {  	[tilespmem:s13+$0xFD40] =	vst.add.f32.msk $0xffff, v20  }
0xe4: {  	[tilespmem:s13+$0xFD50] =	vst.add.f32.msk $0xffff, v21  }
0xe5: {  	[tilespmem:s13+$0xFD60] =	vst.add.f32.msk $0xffff, v22  }
0xe6: {  	[tilespmem:s13+$0xFD70] =	vst.add.f32.msk $0xffff, v23  }
0xe7: {  	[tilespmem:s13+$0xFD80] =	vst.add.f32.msk $0xffff, v24  }
0xe8: {  	[tilespmem:s13+$0xFD90] =	vst.add.f32.msk $0xffff, v25  }
.Ltmp1:
0xe9: {  	[tilespmem:s13+$0xFDA0] =	vst.add.f32.msk $0xffff, v26;
	(pc) =	sbr.rel @p1 .LBB2_5-.Ltmp1, $4  }
0xea: {  	[tilespmem:s13+$0xFDB0] =	vst.add.f32.msk $0xffff, v27  }
0xeb: {  	[tilespmem:s13+$0xFDC0] =	vst.add.f32.msk $0xffff, v28  }
0xec: {  	[tilespmem:s13+$0xFDD0] =	vst.add.f32.msk $0xffff, v29  }
0xed: {  	[tilespmem:s13+$0xFDE0] =	vst.add.f32.msk $0xffff, v30;
	s13 =	sshra.s32 s19, $0x2;
	s19 =	sadd.s32 $0x800, s19  }
0xee: {  	v0 =	vld [tilespmem:s13+$0x99F0]  }
0xef: {  	v1 =	vld [tilespmem:s13+$0x9800]  }
0xf0: {  	v2 =	vld [tilespmem:s13+$0x9810]  }
0xf1: {  	v3 =	vld [tilespmem:s13+$0x9820]  }
0xf2: {  	v4 =	vld [tilespmem:s13+$0x9830]  }
0xf3: {  	v63 =	vld [tilespmem:s13+$0x9840]  }
0xf4: {  	v5 =	vld [tilespmem:s13+$0x9850]  }
0xf5: {  	v6 =	vld [tilespmem:s13+$0x9860]  }
0xf6: {  	v7 =	vld [tilespmem:s13+$0x9870]  }
0xf7: {  	v8 =	vld [tilespmem:s13+$0x9880]  }
0xf8: {  	v9 =	vld [tilespmem:s13+$0x9890]  }
0xf9: {  	v10 =	vld [tilespmem:s13+$0x98A0]  }
0xfa: {  	v11 =	vld [tilespmem:s13+$0x98B0]  }
0xfb: {  	v12 =	vld [tilespmem:s13+$0x98C0]  }
0xfc: {  	v13 =	vld [tilespmem:s13+$0x98D0]  }
0xfd: {  	v14 =	vld [tilespmem:s13+$0x98E0]  }
0xfe: {  	v15 =	vld [tilespmem:s13+$0x98F0]  }
0xff: {  	v16 =	vld [tilespmem:s13+$0x9900]  }
0x100: {  	v17 =	vld [tilespmem:s13+$0x9910]  }
0x101: {  	v18 =	vld [tilespmem:s13+$0x9920]  }
0x102: {  	v19 =	vld [tilespmem:s13+$0x9930]  }
0x103: {  	v20 =	vld [tilespmem:s13+$0x9940]  }
0x104: {  	v21 =	vld [tilespmem:s13+$0x9950]  }
0x105: {  	v22 =	vld [tilespmem:s13+$0x9960]  }
0x106: {  	v23 =	vld [tilespmem:s13+$0x9970]  }
0x107: {  	v24 =	vld [tilespmem:s13+$0x9980]  }
0x108: {  	v25 =	vld [tilespmem:s13+$0x9990]  }
0x109: {  	v26 =	vld [tilespmem:s13+$0x99A0]  }
0x10a: {  	v27 =	vld [tilespmem:s13+$0x99B0]  }
0x10b: {  	v28 =	vld [tilespmem:s13+$0x99C0]  }
0x10c: {  	v29 =	vld [tilespmem:s13+$0x99D0]  }
0x10d: {  	v30 =	vld [tilespmem:s13+$0x99E0]  }
0x10e: {  	[tilespmem:s13+$0xFDF0] =	vst.add.f32.msk $0xffff, v0  }
0x10f: {  	[tilespmem:s13+$0xFC00] =	vst.add.f32.msk $0xffff, v1  }
0x110: {  	[tilespmem:s13+$0xFC10] =	vst.add.f32.msk $0xffff, v2  }
0x111: {  	[tilespmem:s13+$0xFC20] =	vst.add.f32.msk $0xffff, v3  }
0x112: {  	[tilespmem:s13+$0xFC30] =	vst.add.f32.msk $0xffff, v4  }
0x113: {  	[tilespmem:s13+$0xFC40] =	vst.add.f32.msk $0xffff, v63  }
0x114: {  	[tilespmem:s13+$0xFC50] =	vst.add.f32.msk $0xffff, v5  }
0x115: {  	[tilespmem:s13+$0xFC60] =	vst.add.f32.msk $0xffff, v6  }
0x116: {  	[tilespmem:s13+$0xFC70] =	vst.add.f32.msk $0xffff, v7  }
0x117: {  	[tilespmem:s13+$0xFC80] =	vst.add.f32.msk $0xffff, v8  }
0x118: {  	[tilespmem:s13+$0xFC90] =	vst.add.f32.msk $0xffff, v9  }
0x119: {  	[tilespmem:s13+$0xFCA0] =	vst.add.f32.msk $0xffff, v10  }
0x11a: {  	[tilespmem:s13+$0xFCB0] =	vst.add.f32.msk $0xffff, v11  }
0x11b: {  	[tilespmem:s13+$0xFCC0] =	vst.add.f32.msk $0xffff, v12  }
0x11c: {  	[tilespmem:s13+$0xFCD0] =	vst.add.f32.msk $0xffff, v13  }
0x11d: {  	[tilespmem:s13+$0xFCE0] =	vst.add.f32.msk $0xffff, v14  }
0x11e: {  	[tilespmem:s13+$0xFCF0] =	vst.add.f32.msk $0xffff, v15  }
0x11f: {  	[tilespmem:s13+$0xFD00] =	vst.add.f32.msk $0xffff, v16  }
0x120: {  	[tilespmem:s13+$0xFD10] =	vst.add.f32.msk $0xffff, v17  }
0x121: {  	[tilespmem:s13+$0xFD20] =	vst.add.f32.msk $0xffff, v18  }
0x122: {  	[tilespmem:s13+$0xFD30] =	vst.add.f32.msk $0xffff, v19  }
0x123: {  	[tilespmem:s13+$0xFD40] =	vst.add.f32.msk $0xffff, v20  }
0x124: {  	[tilespmem:s13+$0xFD50] =	vst.add.f32.msk $0xffff, v21  }
0x125: {  	[tilespmem:s13+$0xFD60] =	vst.add.f32.msk $0xffff, v22  }
0x126: {  	[tilespmem:s13+$0xFD70] =	vst.add.f32.msk $0xffff, v23  }
0x127: {  	[tilespmem:s13+$0xFD80] =	vst.add.f32.msk $0xffff, v24  }
0x128: {  	[tilespmem:s13+$0xFD90] =	vst.add.f32.msk $0xffff, v25  }
0x129: {  	s1 =	smul.u32 $0x6400, s1;
	[tilespmem:s13+$0xFDA0] =	vst.add.f32.msk $0xffff, v26  }
0x12a: {  	[tilespmem:s13+$0xFDB0] =	vst.add.f32.msk $0xffff, v27  }
0x12b: {  	s1 =	sshrl.u32 s1, $0x3;
	[tilespmem:s13+$0xFDC0] =	vst.add.f32.msk $0xffff, v28  }
0x12c: {  	s1 =	sadd.s32 s2, s1;
	[tilespmem:s13+$0xFDD0] =	vst.add.f32.msk $0xffff, v29  }
0x12d: {  	s1 =	sadd.s32 $0x680, s1;
	[tilespmem:s13+$0xFDE0] =	vst.add.f32.msk $0xffff, v30  }
0x12e: {  	[hbm4b:s1+s3] =	stream.linear.scatter [tilespmem:s18], [sflag:$0x2], $0x3000, $0x38;
	[tilespmem:$0x1F400] =	vst v63  }
0x12f: {  	_ =	swait.ge [sflag:s21], $0x3400  }
0x130: {  	[sflag:s21] =	ssyncset.done $0x0  }
0x131: {  	s1 =	simm.s32 @!p0 $0x2;
	[sflag:s21] =	ssyncadd.s32 $0xFFFFCC00  }
0x132: {  	_ =	swait.ge @!p0 [sflag:s1], $0x3000  }
0x133: {  	[sflag:s1] =	ssyncset.done @!p0 $0x0  }
0x134: {  	s0 =	sadd.s32 $0x68, s0;
	[sflag:s1] =	ssyncadd.s32 @!p0 $0xFFFFD000  }
0x135: {  	[tilespmem:s24], [sflag:$0x1] =	stream.indirect.gather [hbm4b:s4+s17], $0x80, s0, s17, $0xb8;
	[tilespmem:$0x1F400] =	vst v63  }
0x136: {  	s1 =	simm.s32 $0x0;
	s0 =	simm.s32 $0x800  }
.LBB2_7:
0x137: {  	p0 =	sne.s32 s0, $0xC800;
	v0 =	vld [tilespmem:s1+$0x65F0]  }
0x138: {  	v1 =	vld [tilespmem:s1+$0x6400]  }
0x139: {  	v2 =	vld [tilespmem:s1+$0x6410]  }
0x13a: {  	v3 =	vld [tilespmem:s1+$0x6420]  }
0x13b: {  	v4 =	vld [tilespmem:s1+$0x6430]  }
0x13c: {  	[tilespmem:s1+$0x12DF0] =	vst.add.f32.msk $0xffff, v0  }
0x13d: {  	v0 =	vld [tilespmem:s1+$0x6440]  }
0x13e: {  	v5 =	vld [tilespmem:s1+$0x6450]  }
0x13f: {  	v6 =	vld [tilespmem:s1+$0x6460]  }
0x140: {  	v7 =	vld [tilespmem:s1+$0x6470]  }
0x141: {  	v8 =	vld [tilespmem:s1+$0x6480]  }
0x142: {  	v9 =	vld [tilespmem:s1+$0x6490]  }
0x143: {  	v10 =	vld [tilespmem:s1+$0x64A0]  }
0x144: {  	v11 =	vld [tilespmem:s1+$0x64B0]  }
0x145: {  	v12 =	vld [tilespmem:s1+$0x64C0]  }
0x146: {  	v13 =	vld [tilespmem:s1+$0x64D0]  }
0x147: {  	v14 =	vld [tilespmem:s1+$0x64E0]  }
0x148: {  	v15 =	vld [tilespmem:s1+$0x64F0]  }
0x149: {  	v16 =	vld [tilespmem:s1+$0x6500]  }
0x14a: {  	v17 =	vld [tilespmem:s1+$0x6510]  }
0x14b: {  	v18 =	vld [tilespmem:s1+$0x6520]  }
0x14c: {  	v19 =	vld [tilespmem:s1+$0x6530]  }
0x14d: {  	v20 =	vld [tilespmem:s1+$0x6540]  }
0x14e: {  	v21 =	vld [tilespmem:s1+$0x6550]  }
0x14f: {  	v22 =	vld [tilespmem:s1+$0x6560]  }
0x150: {  	v23 =	vld [tilespmem:s1+$0x6570]  }
0x151: {  	v24 =	vld [tilespmem:s1+$0x6580]  }
0x152: {  	v25 =	vld [tilespmem:s1+$0x6590]  }
0x153: {  	v26 =	vld [tilespmem:s1+$0x65A0]  }
0x154: {  	v27 =	vld [tilespmem:s1+$0x65B0]  }
0x155: {  	v28 =	vld [tilespmem:s1+$0x65C0]  }
0x156: {  	v29 =	vld [tilespmem:s1+$0x65D0]  }
0x157: {  	v30 =	vld [tilespmem:s1+$0x65E0]  }
0x158: {  	[tilespmem:s1+$0x12C00] =	vst.add.f32.msk $0xffff, v1  }
0x159: {  	[tilespmem:s1+$0x12C10] =	vst.add.f32.msk $0xffff, v2  }
0x15a: {  	[tilespmem:s1+$0x12C20] =	vst.add.f32.msk $0xffff, v3  }
0x15b: {  	[tilespmem:s1+$0x12C30] =	vst.add.f32.msk $0xffff, v4  }
0x15c: {  	[tilespmem:s1+$0x12C40] =	vst.add.f32.msk $0xffff, v0  }
0x15d: {  	[tilespmem:s1+$0x12C50] =	vst.add.f32.msk $0xffff, v5  }
0x15e: {  	[tilespmem:s1+$0x12C60] =	vst.add.f32.msk $0xffff, v6  }
0x15f: {  	[tilespmem:s1+$0x12C70] =	vst.add.f32.msk $0xffff, v7  }
0x160: {  	[tilespmem:s1+$0x12C80] =	vst.add.f32.msk $0xffff, v8  }
0x161: {  	[tilespmem:s1+$0x12C90] =	vst.add.f32.msk $0xffff, v9  }
0x162: {  	[tilespmem:s1+$0x12CA0] =	vst.add.f32.msk $0xffff, v10  }
0x163: {  	[tilespmem:s1+$0x12CB0] =	vst.add.f32.msk $0xffff, v11  }
0x164: {  	[tilespmem:s1+$0x12CC0] =	vst.add.f32.msk $0xffff, v12  }
0x165: {  	[tilespmem:s1+$0x12CD0] =	vst.add.f32.msk $0xffff, v13  }
0x166: {  	[tilespmem:s1+$0x12CE0] =	vst.add.f32.msk $0xffff, v14  }
0x167: {  	[tilespmem:s1+$0x12CF0] =	vst.add.f32.msk $0xffff, v15  }
0x168: {  	[tilespmem:s1+$0x12D00] =	vst.add.f32.msk $0xffff, v16  }
0x169: {  	[tilespmem:s1+$0x12D10] =	vst.add.f32.msk $0xffff, v17  }
0x16a: {  	[tilespmem:s1+$0x12D20] =	vst.add.f32.msk $0xffff, v18  }
0x16b: {  	[tilespmem:s1+$0x12D30] =	vst.add.f32.msk $0xffff, v19  }
0x16c: {  	[tilespmem:s1+$0x12D40] =	vst.add.f32.msk $0xffff, v20  }
0x16d: {  	[tilespmem:s1+$0x12D50] =	vst.add.f32.msk $0xffff, v21  }
0x16e: {  	[tilespmem:s1+$0x12D60] =	vst.add.f32.msk $0xffff, v22  }
0x16f: {  	[tilespmem:s1+$0x12D70] =	vst.add.f32.msk $0xffff, v23  }
0x170: {  	[tilespmem:s1+$0x12D80] =	vst.add.f32.msk $0xffff, v24  }
0x171: {  	[tilespmem:s1+$0x12D90] =	vst.add.f32.msk $0xffff, v25  }
.Ltmp2:
0x172: {  	[tilespmem:s1+$0x12DA0] =	vst.add.f32.msk $0xffff, v26;
	(pc) =	sbr.rel @p0 .LBB2_7-.Ltmp2, $4  }
0x173: {  	[tilespmem:s1+$0x12DB0] =	vst.add.f32.msk $0xffff, v27  }
0x174: {  	[tilespmem:s1+$0x12DC0] =	vst.add.f32.msk $0xffff, v28  }
0x175: {  	[tilespmem:s1+$0x12DD0] =	vst.add.f32.msk $0xffff, v29  }
0x176: {  	[tilespmem:s1+$0x12DE0] =	vst.add.f32.msk $0xffff, v30;
	s1 =	sshra.s32 s0, $0x2;
	s0 =	sadd.s32 $0x800, s0  }
0x177: {  	v0 =	vld [tilespmem:s1+$0x65F0]  }
0x178: {  	v1 =	vld [tilespmem:s1+$0x6400]  }
0x179: {  	v2 =	vld [tilespmem:s1+$0x6410]  }
0x17a: {  	v3 =	vld [tilespmem:s1+$0x6420]  }
0x17b: {  	v4 =	vld [tilespmem:s1+$0x6430]  }
0x17c: {  	v63 =	vld [tilespmem:s1+$0x6440]  }
0x17d: {  	v5 =	vld [tilespmem:s1+$0x6450]  }
0x17e: {  	v6 =	vld [tilespmem:s1+$0x6460]  }
0x17f: {  	v7 =	vld [tilespmem:s1+$0x6470]  }
0x180: {  	v8 =	vld [tilespmem:s1+$0x6480]  }
0x181: {  	v9 =	vld [tilespmem:s1+$0x6490]  }
0x182: {  	v10 =	vld [tilespmem:s1+$0x64A0]  }
0x183: {  	v11 =	vld [tilespmem:s1+$0x64B0]  }
0x184: {  	v12 =	vld [tilespmem:s1+$0x64C0]  }
0x185: {  	v13 =	vld [tilespmem:s1+$0x64D0]  }
0x186: {  	v14 =	vld [tilespmem:s1+$0x64E0]  }
0x187: {  	v15 =	vld [tilespmem:s1+$0x64F0]  }
0x188: {  	v16 =	vld [tilespmem:s1+$0x6500]  }
0x189: {  	v17 =	vld [tilespmem:s1+$0x6510]  }
0x18a: {  	v18 =	vld [tilespmem:s1+$0x6520]  }
0x18b: {  	v19 =	vld [tilespmem:s1+$0x6530]  }
0x18c: {  	v20 =	vld [tilespmem:s1+$0x6540]  }
0x18d: {  	v21 =	vld [tilespmem:s1+$0x6550]  }
0x18e: {  	v22 =	vld [tilespmem:s1+$0x6560]  }
0x18f: {  	v23 =	vld [tilespmem:s1+$0x6570]  }
0x190: {  	v24 =	vld [tilespmem:s1+$0x6580]  }
0x191: {  	v25 =	vld [tilespmem:s1+$0x6590]  }
0x192: {  	v26 =	vld [tilespmem:s1+$0x65A0]  }
0x193: {  	v27 =	vld [tilespmem:s1+$0x65B0]  }
0x194: {  	v28 =	vld [tilespmem:s1+$0x65C0]  }
0x195: {  	v29 =	vld [tilespmem:s1+$0x65D0]  }
0x196: {  	v30 =	vld [tilespmem:s1+$0x65E0]  }
0x197: {  	[tilespmem:s1+$0x12DF0] =	vst.add.f32.msk $0xffff, v0  }
0x198: {  	[tilespmem:s1+$0x12C00] =	vst.add.f32.msk $0xffff, v1  }
0x199: {  	[tilespmem:s1+$0x12C10] =	vst.add.f32.msk $0xffff, v2  }
0x19a: {  	[tilespmem:s1+$0x12C20] =	vst.add.f32.msk $0xffff, v3  }
0x19b: {  	[tilespmem:s1+$0x12C30] =	vst.add.f32.msk $0xffff, v4  }
0x19c: {  	[tilespmem:s1+$0x12C40] =	vst.add.f32.msk $0xffff, v63  }
0x19d: {  	[tilespmem:s1+$0x12C50] =	vst.add.f32.msk $0xffff, v5  }
0x19e: {  	[tilespmem:s1+$0x12C60] =	vst.add.f32.msk $0xffff, v6  }
0x19f: {  	[tilespmem:s1+$0x12C70] =	vst.add.f32.msk $0xffff, v7  }
0x1a0: {  	[tilespmem:s1+$0x12C80] =	vst.add.f32.msk $0xffff, v8  }
0x1a1: {  	[tilespmem:s1+$0x12C90] =	vst.add.f32.msk $0xffff, v9  }
0x1a2: {  	[tilespmem:s1+$0x12CA0] =	vst.add.f32.msk $0xffff, v10  }
0x1a3: {  	[tilespmem:s1+$0x12CB0] =	vst.add.f32.msk $0xffff, v11  }
0x1a4: {  	[tilespmem:s1+$0x12CC0] =	vst.add.f32.msk $0xffff, v12  }
0x1a5: {  	[tilespmem:s1+$0x12CD0] =	vst.add.f32.msk $0xffff, v13  }
0x1a6: {  	[tilespmem:s1+$0x12CE0] =	vst.add.f32.msk $0xffff, v14  }
0x1a7: {  	[tilespmem:s1+$0x12CF0] =	vst.add.f32.msk $0xffff, v15  }
0x1a8: {  	[tilespmem:s1+$0x12D00] =	vst.add.f32.msk $0xffff, v16  }
0x1a9: {  	[tilespmem:s1+$0x12D10] =	vst.add.f32.msk $0xffff, v17  }
0x1aa: {  	[tilespmem:s1+$0x12D20] =	vst.add.f32.msk $0xffff, v18  }
0x1ab: {  	[tilespmem:s1+$0x12D30] =	vst.add.f32.msk $0xffff, v19  }
0x1ac: {  	[tilespmem:s1+$0x12D40] =	vst.add.f32.msk $0xffff, v20  }
0x1ad: {  	[tilespmem:s1+$0x12D50] =	vst.add.f32.msk $0xffff, v21  }
0x1ae: {  	[tilespmem:s1+$0x12D60] =	vst.add.f32.msk $0xffff, v22  }
0x1af: {  	[tilespmem:s1+$0x12D70] =	vst.add.f32.msk $0xffff, v23  }
0x1b0: {  	[tilespmem:s1+$0x12D80] =	vst.add.f32.msk $0xffff, v24  }
0x1b1: {  	[tilespmem:s1+$0x12D90] =	vst.add.f32.msk $0xffff, v25  }
0x1b2: {  	[tilespmem:s1+$0x12DA0] =	vst.add.f32.msk $0xffff, v26  }
0x1b3: {  	s0 =	sadd.s32 s5, s31;
	[tilespmem:s1+$0x12DB0] =	vst.add.f32.msk $0xffff, v27  }
0x1b4: {  	s13 =	smul.u32 $0xC80, s0;
	[tilespmem:s1+$0x12DC0] =	vst.add.f32.msk $0xffff, v28  }
0x1b5: {  	[tilespmem:s1+$0x12DD0] =	vst.add.f32.msk $0xffff, v29  }
0x1b6: {  	s19 =	simm.s32 $0x0;
	s13 =	sadd.s32 s2, s13;
	[tilespmem:s1+$0x12DE0] =	vst.add.f32.msk $0xffff, v30  }
0x1b7: {  	[hbm4b:s13+s19] =	stream.linear.scatter [tilespmem:s20], [sflag:$0x2], $0x3400, $0x38;
	[tilespmem:$0x1F400] =	vst v63  }
0x1b8: {  	_ =	swait.ge [sflag:s21], $0x3000  }
0x1b9: {  	[sflag:s21] =	ssyncset.done $0x0  }
0x1ba: {  	s19 =	smul.u32 $0x960, s29;
	[sflag:s21] =	ssyncadd.s32 $0xFFFFD000  }
0x1bb: {  	_ =	swait.ge [sflag:s25], $0x3400  }
0x1bc: {  	s31 =	sshra.s32 s19, $0x2;
	[sflag:s25] =	ssyncset.done $0x0  }
0x1bd: {  	s1 =	sadd.s32 $0x258, s31;
	[sflag:s25] =	ssyncadd.s32 $0xFFFFCC00  }
0x1be: {  	[tilespmem:s16], [sflag:$0x1] =	stream.indirect.gather [hbm4b:s4+s15], $0x80, s1, s15, $0xb8;
	[tilespmem:$0x1F400] =	vst v63  }
0x1bf: {  	s13 =	simm.s32 $0x800;
	s1 =	simm.s32 $0x0  }
.LBB2_9:
0x1c0: {  	p0 =	sne.s32 s13, $0xB800;
	v0 =	vld [tilespmem:s1+$0x99F0]  }
0x1c1: {  	v1 =	vld [tilespmem:s1+$0x9800]  }
0x1c2: {  	v2 =	vld [tilespmem:s1+$0x9810]  }
0x1c3: {  	v3 =	vld [tilespmem:s1+$0x9820]  }
0x1c4: {  	v4 =	vld [tilespmem:s1+$0x9830]  }
0x1c5: {  	[tilespmem:s1+$0x161F0] =	vst.add.f32.msk $0xffff, v0  }
0x1c6: {  	v0 =	vld [tilespmem:s1+$0x9840]  }
0x1c7: {  	v5 =	vld [tilespmem:s1+$0x9850]  }
0x1c8: {  	v6 =	vld [tilespmem:s1+$0x9860]  }
0x1c9: {  	v7 =	vld [tilespmem:s1+$0x9870]  }
0x1ca: {  	v8 =	vld [tilespmem:s1+$0x9880]  }
0x1cb: {  	v9 =	vld [tilespmem:s1+$0x9890]  }
0x1cc: {  	v10 =	vld [tilespmem:s1+$0x98A0]  }
0x1cd: {  	v11 =	vld [tilespmem:s1+$0x98B0]  }
0x1ce: {  	v12 =	vld [tilespmem:s1+$0x98C0]  }
0x1cf: {  	v13 =	vld [tilespmem:s1+$0x98D0]  }
0x1d0: {  	v14 =	vld [tilespmem:s1+$0x98E0]  }
0x1d1: {  	v15 =	vld [tilespmem:s1+$0x98F0]  }
0x1d2: {  	v16 =	vld [tilespmem:s1+$0x9900]  }
0x1d3: {  	v17 =	vld [tilespmem:s1+$0x9910]  }
0x1d4: {  	v18 =	vld [tilespmem:s1+$0x9920]  }
0x1d5: {  	v19 =	vld [tilespmem:s1+$0x9930]  }
0x1d6: {  	v20 =	vld [tilespmem:s1+$0x9940]  }
0x1d7: {  	v21 =	vld [tilespmem:s1+$0x9950]  }
0x1d8: {  	v22 =	vld [tilespmem:s1+$0x9960]  }
0x1d9: {  	v23 =	vld [tilespmem:s1+$0x9970]  }
0x1da: {  	v24 =	vld [tilespmem:s1+$0x9980]  }
0x1db: {  	v25 =	vld [tilespmem:s1+$0x9990]  }
0x1dc: {  	v26 =	vld [tilespmem:s1+$0x99A0]  }
0x1dd: {  	v27 =	vld [tilespmem:s1+$0x99B0]  }
0x1de: {  	v28 =	vld [tilespmem:s1+$0x99C0]  }
0x1df: {  	v29 =	vld [tilespmem:s1+$0x99D0]  }
0x1e0: {  	v30 =	vld [tilespmem:s1+$0x99E0]  }
0x1e1: {  	[tilespmem:s1+$0x16000] =	vst.add.f32.msk $0xffff, v1  }
0x1e2: {  	[tilespmem:s1+$0x16010] =	vst.add.f32.msk $0xffff, v2  }
0x1e3: {  	[tilespmem:s1+$0x16020] =	vst.add.f32.msk $0xffff, v3  }
0x1e4: {  	[tilespmem:s1+$0x16030] =	vst.add.f32.msk $0xffff, v4  }
0x1e5: {  	[tilespmem:s1+$0x16040] =	vst.add.f32.msk $0xffff, v0  }
0x1e6: {  	[tilespmem:s1+$0x16050] =	vst.add.f32.msk $0xffff, v5  }
0x1e7: {  	[tilespmem:s1+$0x16060] =	vst.add.f32.msk $0xffff, v6  }
0x1e8: {  	[tilespmem:s1+$0x16070] =	vst.add.f32.msk $0xffff, v7  }
0x1e9: {  	[tilespmem:s1+$0x16080] =	vst.add.f32.msk $0xffff, v8  }
0x1ea: {  	[tilespmem:s1+$0x16090] =	vst.add.f32.msk $0xffff, v9  }
0x1eb: {  	[tilespmem:s1+$0x160A0] =	vst.add.f32.msk $0xffff, v10  }
0x1ec: {  	[tilespmem:s1+$0x160B0] =	vst.add.f32.msk $0xffff, v11  }
0x1ed: {  	[tilespmem:s1+$0x160C0] =	vst.add.f32.msk $0xffff, v12  }
0x1ee: {  	[tilespmem:s1+$0x160D0] =	vst.add.f32.msk $0xffff, v13  }
0x1ef: {  	[tilespmem:s1+$0x160E0] =	vst.add.f32.msk $0xffff, v14  }
0x1f0: {  	[tilespmem:s1+$0x160F0] =	vst.add.f32.msk $0xffff, v15  }
0x1f1: {  	[tilespmem:s1+$0x16100] =	vst.add.f32.msk $0xffff, v16  }
0x1f2: {  	[tilespmem:s1+$0x16110] =	vst.add.f32.msk $0xffff, v17  }
0x1f3: {  	[tilespmem:s1+$0x16120] =	vst.add.f32.msk $0xffff, v18  }
0x1f4: {  	[tilespmem:s1+$0x16130] =	vst.add.f32.msk $0xffff, v19  }
0x1f5: {  	[tilespmem:s1+$0x16140] =	vst.add.f32.msk $0xffff, v20  }
0x1f6: {  	[tilespmem:s1+$0x16150] =	vst.add.f32.msk $0xffff, v21  }
0x1f7: {  	[tilespmem:s1+$0x16160] =	vst.add.f32.msk $0xffff, v22  }
0x1f8: {  	[tilespmem:s1+$0x16170] =	vst.add.f32.msk $0xffff, v23  }
0x1f9: {  	[tilespmem:s1+$0x16180] =	vst.add.f32.msk $0xffff, v24  }
0x1fa: {  	[tilespmem:s1+$0x16190] =	vst.add.f32.msk $0xffff, v25  }
.Ltmp3:
0x1fb: {  	[tilespmem:s1+$0x161A0] =	vst.add.f32.msk $0xffff, v26;
	(pc) =	sbr.rel @p0 .LBB2_9-.Ltmp3, $4  }
0x1fc: {  	[tilespmem:s1+$0x161B0] =	vst.add.f32.msk $0xffff, v27  }
0x1fd: {  	[tilespmem:s1+$0x161C0] =	vst.add.f32.msk $0xffff, v28  }
0x1fe: {  	[tilespmem:s1+$0x161D0] =	vst.add.f32.msk $0xffff, v29  }
0x1ff: {  	[tilespmem:s1+$0x161E0] =	vst.add.f32.msk $0xffff, v30;
	s1 =	sshra.s32 s13, $0x2;
	s13 =	sadd.s32 $0x800, s13  }
0x200: {  	v0 =	vld [tilespmem:s1+$0x99F0]  }
0x201: {  	v1 =	vld [tilespmem:s1+$0x9800]  }
0x202: {  	v2 =	vld [tilespmem:s1+$0x9810]  }
0x203: {  	v3 =	vld [tilespmem:s1+$0x9820]  }
0x204: {  	v4 =	vld [tilespmem:s1+$0x9830]  }
0x205: {  	v63 =	vld [tilespmem:s1+$0x9840]  }
0x206: {  	v5 =	vld [tilespmem:s1+$0x9850]  }
0x207: {  	v6 =	vld [tilespmem:s1+$0x9860]  }
0x208: {  	v7 =	vld [tilespmem:s1+$0x9870]  }
0x209: {  	v8 =	vld [tilespmem:s1+$0x9880]  }
0x20a: {  	v9 =	vld [tilespmem:s1+$0x9890]  }
0x20b: {  	v10 =	vld [tilespmem:s1+$0x98A0]  }
0x20c: {  	v11 =	vld [tilespmem:s1+$0x98B0]  }
0x20d: {  	v12 =	vld [tilespmem:s1+$0x98C0]  }
0x20e: {  	v13 =	vld [tilespmem:s1+$0x98D0]  }
0x20f: {  	v14 =	vld [tilespmem:s1+$0x98E0]  }
0x210: {  	v15 =	vld [tilespmem:s1+$0x98F0]  }
0x211: {  	v16 =	vld [tilespmem:s1+$0x9900]  }
0x212: {  	v17 =	vld [tilespmem:s1+$0x9910]  }
0x213: {  	v18 =	vld [tilespmem:s1+$0x9920]  }
0x214: {  	v19 =	vld [tilespmem:s1+$0x9930]  }
0x215: {  	v20 =	vld [tilespmem:s1+$0x9940]  }
0x216: {  	v21 =	vld [tilespmem:s1+$0x9950]  }
0x217: {  	v22 =	vld [tilespmem:s1+$0x9960]  }
0x218: {  	v23 =	vld [tilespmem:s1+$0x9970]  }
0x219: {  	v24 =	vld [tilespmem:s1+$0x9980]  }
0x21a: {  	v25 =	vld [tilespmem:s1+$0x9990]  }
0x21b: {  	v26 =	vld [tilespmem:s1+$0x99A0]  }
0x21c: {  	v27 =	vld [tilespmem:s1+$0x99B0]  }
0x21d: {  	v28 =	vld [tilespmem:s1+$0x99C0]  }
0x21e: {  	v29 =	vld [tilespmem:s1+$0x99D0]  }
0x21f: {  	v30 =	vld [tilespmem:s1+$0x99E0]  }
0x220: {  	[tilespmem:s1+$0x161F0] =	vst.add.f32.msk $0xffff, v0  }
0x221: {  	[tilespmem:s1+$0x16000] =	vst.add.f32.msk $0xffff, v1  }
0x222: {  	[tilespmem:s1+$0x16010] =	vst.add.f32.msk $0xffff, v2  }
0x223: {  	[tilespmem:s1+$0x16020] =	vst.add.f32.msk $0xffff, v3  }
0x224: {  	[tilespmem:s1+$0x16030] =	vst.add.f32.msk $0xffff, v4  }
0x225: {  	[tilespmem:s1+$0x16040] =	vst.add.f32.msk $0xffff, v63  }
0x226: {  	[tilespmem:s1+$0x16050] =	vst.add.f32.msk $0xffff, v5  }
0x227: {  	[tilespmem:s1+$0x16060] =	vst.add.f32.msk $0xffff, v6  }
0x228: {  	[tilespmem:s1+$0x16070] =	vst.add.f32.msk $0xffff, v7  }
0x229: {  	[tilespmem:s1+$0x16080] =	vst.add.f32.msk $0xffff, v8  }
0x22a: {  	[tilespmem:s1+$0x16090] =	vst.add.f32.msk $0xffff, v9  }
0x22b: {  	[tilespmem:s1+$0x160A0] =	vst.add.f32.msk $0xffff, v10  }
0x22c: {  	[tilespmem:s1+$0x160B0] =	vst.add.f32.msk $0xffff, v11  }
0x22d: {  	[tilespmem:s1+$0x160C0] =	vst.add.f32.msk $0xffff, v12  }
0x22e: {  	[tilespmem:s1+$0x160D0] =	vst.add.f32.msk $0xffff, v13  }
0x22f: {  	[tilespmem:s1+$0x160E0] =	vst.add.f32.msk $0xffff, v14  }
0x230: {  	[tilespmem:s1+$0x160F0] =	vst.add.f32.msk $0xffff, v15  }
0x231: {  	[tilespmem:s1+$0x16100] =	vst.add.f32.msk $0xffff, v16  }
0x232: {  	[tilespmem:s1+$0x16110] =	vst.add.f32.msk $0xffff, v17  }
0x233: {  	[tilespmem:s1+$0x16120] =	vst.add.f32.msk $0xffff, v18  }
0x234: {  	[tilespmem:s1+$0x16130] =	vst.add.f32.msk $0xffff, v19  }
0x235: {  	[tilespmem:s1+$0x16140] =	vst.add.f32.msk $0xffff, v20  }
0x236: {  	[tilespmem:s1+$0x16150] =	vst.add.f32.msk $0xffff, v21  }
0x237: {  	[tilespmem:s1+$0x16160] =	vst.add.f32.msk $0xffff, v22  }
0x238: {  	[tilespmem:s1+$0x16170] =	vst.add.f32.msk $0xffff, v23  }
0x239: {  	[tilespmem:s1+$0x16180] =	vst.add.f32.msk $0xffff, v24  }
0x23a: {  	[tilespmem:s1+$0x16190] =	vst.add.f32.msk $0xffff, v25  }
0x23b: {  	s0 =	smul.u32 $0x6400, s0;
	[tilespmem:s1+$0x161A0] =	vst.add.f32.msk $0xffff, v26  }
0x23c: {  	[tilespmem:s1+$0x161B0] =	vst.add.f32.msk $0xffff, v27  }
0x23d: {  	s0 =	sshrl.u32 s0, $0x3;
	[tilespmem:s1+$0x161C0] =	vst.add.f32.msk $0xffff, v28  }
0x23e: {  	s0 =	sadd.s32 s2, s0;
	[tilespmem:s1+$0x161D0] =	vst.add.f32.msk $0xffff, v29  }
0x23f: {  	s13 =	simm.s32 $0x0;
	s0 =	sadd.s32 $0x680, s0;
	[tilespmem:s1+$0x161E0] =	vst.add.f32.msk $0xffff, v30  }
0x240: {  	[hbm4b:s0+s13] =	stream.linear.scatter [tilespmem:s22], [sflag:$0x2], $0x3000, $0x38;
	[tilespmem:$0x1F400] =	vst v63  }
0x241: {  	_ =	swait.ge [sflag:s21], $0x3400  }
0x242: {  	[sflag:s21] =	ssyncset.done $0x0  }
0x243: {  	[sflag:s21] =	ssyncadd.s32 $0xFFFFCC00  }
0x244: {  	_ =	swait.ge [sflag:s25], $0x3000  }
0x245: {  	s19 =	sadd.s32 $0x2C0, s31;
	[sflag:s25] =	ssyncset.done $0x0  }
0x246: {  	s1 =	simm.s32 $0x0;
	s0 =	simm.s32 $0x800;
	[sflag:s25] =	ssyncadd.s32 $0xFFFFD000  }
0x247: {  	[tilespmem:s18], [sflag:$0x1] =	stream.indirect.gather [hbm4b:s4+s17], $0x80, s19, s17, $0xb8;
	[tilespmem:$0x1F400] =	vst v63  }
.LBB2_11:
0x248: {  	p0 =	sne.s32 s0, $0xC800;
	v0 =	vld [tilespmem:s1+$0x65F0]  }
0x249: {  	v1 =	vld [tilespmem:s1+$0x6400]  }
0x24a: {  	v2 =	vld [tilespmem:s1+$0x6410]  }
0x24b: {  	v3 =	vld [tilespmem:s1+$0x6420]  }
0x24c: {  	v4 =	vld [tilespmem:s1+$0x6430]  }
0x24d: {  	[tilespmem:s1+$0x191F0] =	vst.add.f32.msk $0xffff, v0  }
0x24e: {  	v0 =	vld [tilespmem:s1+$0x6440]  }
0x24f: {  	v5 =	vld [tilespmem:s1+$0x6450]  }
0x250: {  	v6 =	vld [tilespmem:s1+$0x6460]  }
0x251: {  	v7 =	vld [tilespmem:s1+$0x6470]  }
0x252: {  	v8 =	vld [tilespmem:s1+$0x6480]  }
0x253: {  	v9 =	vld [tilespmem:s1+$0x6490]  }
0x254: {  	v10 =	vld [tilespmem:s1+$0x64A0]  }
0x255: {  	v11 =	vld [tilespmem:s1+$0x64B0]  }
0x256: {  	v12 =	vld [tilespmem:s1+$0x64C0]  }
0x257: {  	v13 =	vld [tilespmem:s1+$0x64D0]  }
0x258: {  	v14 =	vld [tilespmem:s1+$0x64E0]  }
0x259: {  	v15 =	vld [tilespmem:s1+$0x64F0]  }
0x25a: {  	v16 =	vld [tilespmem:s1+$0x6500]  }
0x25b: {  	v17 =	vld [tilespmem:s1+$0x6510]  }
0x25c: {  	v18 =	vld [tilespmem:s1+$0x6520]  }
0x25d: {  	v19 =	vld [tilespmem:s1+$0x6530]  }
0x25e: {  	v20 =	vld [tilespmem:s1+$0x6540]  }
0x25f: {  	v21 =	vld [tilespmem:s1+$0x6550]  }
0x260: {  	v22 =	vld [tilespmem:s1+$0x6560]  }
0x261: {  	v23 =	vld [tilespmem:s1+$0x6570]  }
0x262: {  	v24 =	vld [tilespmem:s1+$0x6580]  }
0x263: {  	v25 =	vld [tilespmem:s1+$0x6590]  }
0x264: {  	v26 =	vld [tilespmem:s1+$0x65A0]  }
0x265: {  	v27 =	vld [tilespmem:s1+$0x65B0]  }
0x266: {  	v28 =	vld [tilespmem:s1+$0x65C0]  }
0x267: {  	v29 =	vld [tilespmem:s1+$0x65D0]  }
0x268: {  	v30 =	vld [tilespmem:s1+$0x65E0]  }
0x269: {  	[tilespmem:s1+$0x19000] =	vst.add.f32.msk $0xffff, v1  }
0x26a: {  	[tilespmem:s1+$0x19010] =	vst.add.f32.msk $0xffff, v2  }
0x26b: {  	[tilespmem:s1+$0x19020] =	vst.add.f32.msk $0xffff, v3  }
0x26c: {  	[tilespmem:s1+$0x19030] =	vst.add.f32.msk $0xffff, v4  }
0x26d: {  	[tilespmem:s1+$0x19040] =	vst.add.f32.msk $0xffff, v0  }
0x26e: {  	[tilespmem:s1+$0x19050] =	vst.add.f32.msk $0xffff, v5  }
0x26f: {  	[tilespmem:s1+$0x19060] =	vst.add.f32.msk $0xffff, v6  }
0x270: {  	[tilespmem:s1+$0x19070] =	vst.add.f32.msk $0xffff, v7  }
0x271: {  	[tilespmem:s1+$0x19080] =	vst.add.f32.msk $0xffff, v8  }
0x272: {  	[tilespmem:s1+$0x19090] =	vst.add.f32.msk $0xffff, v9  }
0x273: {  	[tilespmem:s1+$0x190A0] =	vst.add.f32.msk $0xffff, v10  }
0x274: {  	[tilespmem:s1+$0x190B0] =	vst.add.f32.msk $0xffff, v11  }
0x275: {  	[tilespmem:s1+$0x190C0] =	vst.add.f32.msk $0xffff, v12  }
0x276: {  	[tilespmem:s1+$0x190D0] =	vst.add.f32.msk $0xffff, v13  }
0x277: {  	[tilespmem:s1+$0x190E0] =	vst.add.f32.msk $0xffff, v14  }
0x278: {  	[tilespmem:s1+$0x190F0] =	vst.add.f32.msk $0xffff, v15  }
0x279: {  	[tilespmem:s1+$0x19100] =	vst.add.f32.msk $0xffff, v16  }
0x27a: {  	[tilespmem:s1+$0x19110] =	vst.add.f32.msk $0xffff, v17  }
0x27b: {  	[tilespmem:s1+$0x19120] =	vst.add.f32.msk $0xffff, v18  }
0x27c: {  	[tilespmem:s1+$0x19130] =	vst.add.f32.msk $0xffff, v19  }
0x27d: {  	[tilespmem:s1+$0x19140] =	vst.add.f32.msk $0xffff, v20  }
0x27e: {  	[tilespmem:s1+$0x19150] =	vst.add.f32.msk $0xffff, v21  }
0x27f: {  	[tilespmem:s1+$0x19160] =	vst.add.f32.msk $0xffff, v22  }
0x280: {  	[tilespmem:s1+$0x19170] =	vst.add.f32.msk $0xffff, v23  }
0x281: {  	[tilespmem:s1+$0x19180] =	vst.add.f32.msk $0xffff, v24  }
0x282: {  	[tilespmem:s1+$0x19190] =	vst.add.f32.msk $0xffff, v25  }
.Ltmp4:
0x283: {  	[tilespmem:s1+$0x191A0] =	vst.add.f32.msk $0xffff, v26;
	(pc) =	sbr.rel @p0 .LBB2_11-.Ltmp4, $4  }
0x284: {  	[tilespmem:s1+$0x191B0] =	vst.add.f32.msk $0xffff, v27  }
0x285: {  	[tilespmem:s1+$0x191C0] =	vst.add.f32.msk $0xffff, v28  }
0x286: {  	[tilespmem:s1+$0x191D0] =	vst.add.f32.msk $0xffff, v29  }
0x287: {  	[tilespmem:s1+$0x191E0] =	vst.add.f32.msk $0xffff, v30;
	s1 =	sshra.s32 s0, $0x2;
	s0 =	sadd.s32 $0x800, s0  }
0x288: {  	v0 =	vld [tilespmem:s1+$0x65F0]  }
0x289: {  	v1 =	vld [tilespmem:s1+$0x6400]  }
0x28a: {  	v2 =	vld [tilespmem:s1+$0x6410]  }
0x28b: {  	v3 =	vld [tilespmem:s1+$0x6420]  }
0x28c: {  	v4 =	vld [tilespmem:s1+$0x6430]  }
0x28d: {  	v63 =	vld [tilespmem:s1+$0x6440]  }
0x28e: {  	v5 =	vld [tilespmem:s1+$0x6450]  }
0x28f: {  	v6 =	vld [tilespmem:s1+$0x6460]  }
0x290: {  	v7 =	vld [tilespmem:s1+$0x6470]  }
0x291: {  	v8 =	vld [tilespmem:s1+$0x6480]  }
0x292: {  	v9 =	vld [tilespmem:s1+$0x6490]  }
0x293: {  	v10 =	vld [tilespmem:s1+$0x64A0]  }
0x294: {  	v11 =	vld [tilespmem:s1+$0x64B0]  }
0x295: {  	v12 =	vld [tilespmem:s1+$0x64C0]  }
0x296: {  	v13 =	vld [tilespmem:s1+$0x64D0]  }
0x297: {  	v14 =	vld [tilespmem:s1+$0x64E0]  }
0x298: {  	v15 =	vld [tilespmem:s1+$0x64F0]  }
0x299: {  	v16 =	vld [tilespmem:s1+$0x6500]  }
0x29a: {  	v17 =	vld [tilespmem:s1+$0x6510]  }
0x29b: {  	v18 =	vld [tilespmem:s1+$0x6520]  }
0x29c: {  	v19 =	vld [tilespmem:s1+$0x6530]  }
0x29d: {  	v20 =	vld [tilespmem:s1+$0x6540]  }
0x29e: {  	v21 =	vld [tilespmem:s1+$0x6550]  }
0x29f: {  	v22 =	vld [tilespmem:s1+$0x6560]  }
0x2a0: {  	v23 =	vld [tilespmem:s1+$0x6570]  }
0x2a1: {  	v24 =	vld [tilespmem:s1+$0x6580]  }
0x2a2: {  	v25 =	vld [tilespmem:s1+$0x6590]  }
0x2a3: {  	v26 =	vld [tilespmem:s1+$0x65A0]  }
0x2a4: {  	v27 =	vld [tilespmem:s1+$0x65B0]  }
0x2a5: {  	v28 =	vld [tilespmem:s1+$0x65C0]  }
0x2a6: {  	v29 =	vld [tilespmem:s1+$0x65D0]  }
0x2a7: {  	v30 =	vld [tilespmem:s1+$0x65E0]  }
0x2a8: {  	[tilespmem:s1+$0x191F0] =	vst.add.f32.msk $0xffff, v0  }
0x2a9: {  	[tilespmem:s1+$0x19000] =	vst.add.f32.msk $0xffff, v1  }
0x2aa: {  	[tilespmem:s1+$0x19010] =	vst.add.f32.msk $0xffff, v2  }
0x2ab: {  	[tilespmem:s1+$0x19020] =	vst.add.f32.msk $0xffff, v3  }
0x2ac: {  	[tilespmem:s1+$0x19030] =	vst.add.f32.msk $0xffff, v4  }
0x2ad: {  	[tilespmem:s1+$0x19040] =	vst.add.f32.msk $0xffff, v63  }
0x2ae: {  	[tilespmem:s1+$0x19050] =	vst.add.f32.msk $0xffff, v5  }
0x2af: {  	[tilespmem:s1+$0x19060] =	vst.add.f32.msk $0xffff, v6  }
0x2b0: {  	[tilespmem:s1+$0x19070] =	vst.add.f32.msk $0xffff, v7  }
0x2b1: {  	[tilespmem:s1+$0x19080] =	vst.add.f32.msk $0xffff, v8  }
0x2b2: {  	[tilespmem:s1+$0x19090] =	vst.add.f32.msk $0xffff, v9  }
0x2b3: {  	[tilespmem:s1+$0x190A0] =	vst.add.f32.msk $0xffff, v10  }
0x2b4: {  	[tilespmem:s1+$0x190B0] =	vst.add.f32.msk $0xffff, v11  }
0x2b5: {  	[tilespmem:s1+$0x190C0] =	vst.add.f32.msk $0xffff, v12  }
0x2b6: {  	[tilespmem:s1+$0x190D0] =	vst.add.f32.msk $0xffff, v13  }
0x2b7: {  	[tilespmem:s1+$0x190E0] =	vst.add.f32.msk $0xffff, v14  }
0x2b8: {  	[tilespmem:s1+$0x190F0] =	vst.add.f32.msk $0xffff, v15  }
0x2b9: {  	[tilespmem:s1+$0x19100] =	vst.add.f32.msk $0xffff, v16  }
0x2ba: {  	[tilespmem:s1+$0x19110] =	vst.add.f32.msk $0xffff, v17  }
0x2bb: {  	[tilespmem:s1+$0x19120] =	vst.add.f32.msk $0xffff, v18  }
0x2bc: {  	[tilespmem:s1+$0x19130] =	vst.add.f32.msk $0xffff, v19  }
0x2bd: {  	[tilespmem:s1+$0x19140] =	vst.add.f32.msk $0xffff, v20  }
0x2be: {  	[tilespmem:s1+$0x19150] =	vst.add.f32.msk $0xffff, v21  }
0x2bf: {  	[tilespmem:s1+$0x19160] =	vst.add.f32.msk $0xffff, v22  }
0x2c0: {  	[tilespmem:s1+$0x19170] =	vst.add.f32.msk $0xffff, v23  }
0x2c1: {  	[tilespmem:s1+$0x19180] =	vst.add.f32.msk $0xffff, v24  }
0x2c2: {  	[tilespmem:s1+$0x19190] =	vst.add.f32.msk $0xffff, v25  }
0x2c3: {  	[tilespmem:s1+$0x191A0] =	vst.add.f32.msk $0xffff, v26  }
0x2c4: {  	s0 =	sadd.s32 s5, s30;
	[tilespmem:s1+$0x191B0] =	vst.add.f32.msk $0xffff, v27  }
0x2c5: {  	s13 =	smul.u32 $0xC80, s0;
	[tilespmem:s1+$0x191C0] =	vst.add.f32.msk $0xffff, v28  }
0x2c6: {  	[tilespmem:s1+$0x191D0] =	vst.add.f32.msk $0xffff, v29  }
0x2c7: {  	s30 =	simm.s32 $0x0;
	s19 =	sadd.s32 s2, s13;
	[tilespmem:s1+$0x191E0] =	vst.add.f32.msk $0xffff, v30  }
0x2c8: {  	[hbm4b:s19+s30] =	stream.linear.scatter [tilespmem:s23], [sflag:$0x2], $0x3400, $0x38;
	[tilespmem:$0x1F400] =	vst v63  }
0x2c9: {  	_ =	swait.ge [sflag:s21], $0x3000  }
0x2ca: {  	[sflag:s21] =	ssyncset.done $0x0  }
0x2cb: {  	[sflag:s21] =	ssyncadd.s32 $0xFFFFD000  }
0x2cc: {  	_ =	swait.ge [sflag:s25], $0x3400  }
0x2cd: {  	s31 =	sadd.s32 $0x320, s31;
	[sflag:s25] =	ssyncset.done $0x0  }
0x2ce: {  	s13 =	simm.s32 $0x800;
	s1 =	simm.s32 $0x0;
	[sflag:s25] =	ssyncadd.s32 $0xFFFFCC00  }
0x2cf: {  	[tilespmem:s20], [sflag:$0x1] =	stream.indirect.gather [hbm4b:s4+s15], $0x80, s31, s15, $0xb8;
	[tilespmem:$0x1F400] =	vst v63  }
.LBB2_13:
0x2d0: {  	p0 =	sne.s32 s13, $0xB800;
	v0 =	vld [tilespmem:s1+$0x99F0]  }
0x2d1: {  	v1 =	vld [tilespmem:s1+$0x9800]  }
0x2d2: {  	v2 =	vld [tilespmem:s1+$0x9810]  }
0x2d3: {  	v3 =	vld [tilespmem:s1+$0x9820]  }
0x2d4: {  	v4 =	vld [tilespmem:s1+$0x9830]  }
0x2d5: {  	[tilespmem:s1+$0x1C5F0] =	vst.add.f32.msk $0xffff, v0  }
0x2d6: {  	v0 =	vld [tilespmem:s1+$0x9840]  }
0x2d7: {  	v5 =	vld [tilespmem:s1+$0x9850]  }
0x2d8: {  	v6 =	vld [tilespmem:s1+$0x9860]  }
0x2d9: {  	v7 =	vld [tilespmem:s1+$0x9870]  }
0x2da: {  	v8 =	vld [tilespmem:s1+$0x9880]  }
0x2db: {  	v9 =	vld [tilespmem:s1+$0x9890]  }
0x2dc: {  	v10 =	vld [tilespmem:s1+$0x98A0]  }
0x2dd: {  	v11 =	vld [tilespmem:s1+$0x98B0]  }
0x2de: {  	v12 =	vld [tilespmem:s1+$0x98C0]  }
0x2df: {  	v13 =	vld [tilespmem:s1+$0x98D0]  }
0x2e0: {  	v14 =	vld [tilespmem:s1+$0x98E0]  }
0x2e1: {  	v15 =	vld [tilespmem:s1+$0x98F0]  }
0x2e2: {  	v16 =	vld [tilespmem:s1+$0x9900]  }
0x2e3: {  	v17 =	vld [tilespmem:s1+$0x9910]  }
0x2e4: {  	v18 =	vld [tilespmem:s1+$0x9920]  }
0x2e5: {  	v19 =	vld [tilespmem:s1+$0x9930]  }
0x2e6: {  	v20 =	vld [tilespmem:s1+$0x9940]  }
0x2e7: {  	v21 =	vld [tilespmem:s1+$0x9950]  }
0x2e8: {  	v22 =	vld [tilespmem:s1+$0x9960]  }
0x2e9: {  	v23 =	vld [tilespmem:s1+$0x9970]  }
0x2ea: {  	v24 =	vld [tilespmem:s1+$0x9980]  }
0x2eb: {  	v25 =	vld [tilespmem:s1+$0x9990]  }
0x2ec: {  	v26 =	vld [tilespmem:s1+$0x99A0]  }
0x2ed: {  	v27 =	vld [tilespmem:s1+$0x99B0]  }
0x2ee: {  	v28 =	vld [tilespmem:s1+$0x99C0]  }
0x2ef: {  	v29 =	vld [tilespmem:s1+$0x99D0]  }
0x2f0: {  	v30 =	vld [tilespmem:s1+$0x99E0]  }
0x2f1: {  	[tilespmem:s1+$0x1C400] =	vst.add.f32.msk $0xffff, v1  }
0x2f2: {  	[tilespmem:s1+$0x1C410] =	vst.add.f32.msk $0xffff, v2  }
0x2f3: {  	[tilespmem:s1+$0x1C420] =	vst.add.f32.msk $0xffff, v3  }
0x2f4: {  	[tilespmem:s1+$0x1C430] =	vst.add.f32.msk $0xffff, v4  }
0x2f5: {  	[tilespmem:s1+$0x1C440] =	vst.add.f32.msk $0xffff, v0  }
0x2f6: {  	[tilespmem:s1+$0x1C450] =	vst.add.f32.msk $0xffff, v5  }
0x2f7: {  	[tilespmem:s1+$0x1C460] =	vst.add.f32.msk $0xffff, v6  }
0x2f8: {  	[tilespmem:s1+$0x1C470] =	vst.add.f32.msk $0xffff, v7  }
0x2f9: {  	[tilespmem:s1+$0x1C480] =	vst.add.f32.msk $0xffff, v8  }
0x2fa: {  	[tilespmem:s1+$0x1C490] =	vst.add.f32.msk $0xffff, v9  }
0x2fb: {  	[tilespmem:s1+$0x1C4A0] =	vst.add.f32.msk $0xffff, v10  }
0x2fc: {  	[tilespmem:s1+$0x1C4B0] =	vst.add.f32.msk $0xffff, v11  }
0x2fd: {  	[tilespmem:s1+$0x1C4C0] =	vst.add.f32.msk $0xffff, v12  }
0x2fe: {  	[tilespmem:s1+$0x1C4D0] =	vst.add.f32.msk $0xffff, v13  }
0x2ff: {  	[tilespmem:s1+$0x1C4E0] =	vst.add.f32.msk $0xffff, v14  }
0x300: {  	[tilespmem:s1+$0x1C4F0] =	vst.add.f32.msk $0xffff, v15  }
0x301: {  	[tilespmem:s1+$0x1C500] =	vst.add.f32.msk $0xffff, v16  }
0x302: {  	[tilespmem:s1+$0x1C510] =	vst.add.f32.msk $0xffff, v17  }
0x303: {  	[tilespmem:s1+$0x1C520] =	vst.add.f32.msk $0xffff, v18  }
0x304: {  	[tilespmem:s1+$0x1C530] =	vst.add.f32.msk $0xffff, v19  }
0x305: {  	[tilespmem:s1+$0x1C540] =	vst.add.f32.msk $0xffff, v20  }
0x306: {  	[tilespmem:s1+$0x1C550] =	vst.add.f32.msk $0xffff, v21  }
0x307: {  	[tilespmem:s1+$0x1C560] =	vst.add.f32.msk $0xffff, v22  }
0x308: {  	[tilespmem:s1+$0x1C570] =	vst.add.f32.msk $0xffff, v23  }
0x309: {  	[tilespmem:s1+$0x1C580] =	vst.add.f32.msk $0xffff, v24  }
0x30a: {  	[tilespmem:s1+$0x1C590] =	vst.add.f32.msk $0xffff, v25  }
.Ltmp5:
0x30b: {  	[tilespmem:s1+$0x1C5A0] =	vst.add.f32.msk $0xffff, v26;
	(pc) =	sbr.rel @p0 .LBB2_13-.Ltmp5, $4  }
0x30c: {  	[tilespmem:s1+$0x1C5B0] =	vst.add.f32.msk $0xffff, v27  }
0x30d: {  	[tilespmem:s1+$0x1C5C0] =	vst.add.f32.msk $0xffff, v28  }
0x30e: {  	[tilespmem:s1+$0x1C5D0] =	vst.add.f32.msk $0xffff, v29  }
0x30f: {  	[tilespmem:s1+$0x1C5E0] =	vst.add.f32.msk $0xffff, v30;
	s1 =	sshra.s32 s13, $0x2;
	s13 =	sadd.s32 $0x800, s13  }
0x310: {  	v0 =	vld [tilespmem:s1+$0x99F0]  }
0x311: {  	v1 =	vld [tilespmem:s1+$0x9800]  }
0x312: {  	v2 =	vld [tilespmem:s1+$0x9810]  }
0x313: {  	v3 =	vld [tilespmem:s1+$0x9820]  }
0x314: {  	v4 =	vld [tilespmem:s1+$0x9830]  }
0x315: {  	v63 =	vld [tilespmem:s1+$0x9840]  }
0x316: {  	v5 =	vld [tilespmem:s1+$0x9850]  }
0x317: {  	v6 =	vld [tilespmem:s1+$0x9860]  }
0x318: {  	v7 =	vld [tilespmem:s1+$0x9870]  }
0x319: {  	v8 =	vld [tilespmem:s1+$0x9880]  }
0x31a: {  	v9 =	vld [tilespmem:s1+$0x9890]  }
0x31b: {  	v10 =	vld [tilespmem:s1+$0x98A0]  }
0x31c: {  	v11 =	vld [tilespmem:s1+$0x98B0]  }
0x31d: {  	v12 =	vld [tilespmem:s1+$0x98C0]  }
0x31e: {  	v13 =	vld [tilespmem:s1+$0x98D0]  }
0x31f: {  	v14 =	vld [tilespmem:s1+$0x98E0]  }
0x320: {  	v15 =	vld [tilespmem:s1+$0x98F0]  }
0x321: {  	v16 =	vld [tilespmem:s1+$0x9900]  }
0x322: {  	v17 =	vld [tilespmem:s1+$0x9910]  }
0x323: {  	v18 =	vld [tilespmem:s1+$0x9920]  }
0x324: {  	v19 =	vld [tilespmem:s1+$0x9930]  }
0x325: {  	v20 =	vld [tilespmem:s1+$0x9940]  }
0x326: {  	v21 =	vld [tilespmem:s1+$0x9950]  }
0x327: {  	v22 =	vld [tilespmem:s1+$0x9960]  }
0x328: {  	v23 =	vld [tilespmem:s1+$0x9970]  }
0x329: {  	v24 =	vld [tilespmem:s1+$0x9980]  }
0x32a: {  	v25 =	vld [tilespmem:s1+$0x9990]  }
0x32b: {  	v26 =	vld [tilespmem:s1+$0x99A0]  }
0x32c: {  	v27 =	vld [tilespmem:s1+$0x99B0]  }
0x32d: {  	v28 =	vld [tilespmem:s1+$0x99C0]  }
0x32e: {  	v29 =	vld [tilespmem:s1+$0x99D0]  }
0x32f: {  	v30 =	vld [tilespmem:s1+$0x99E0]  }
0x330: {  	[tilespmem:s1+$0x1C5F0] =	vst.add.f32.msk $0xffff, v0  }
0x331: {  	[tilespmem:s1+$0x1C400] =	vst.add.f32.msk $0xffff, v1  }
0x332: {  	[tilespmem:s1+$0x1C410] =	vst.add.f32.msk $0xffff, v2  }
0x333: {  	[tilespmem:s1+$0x1C420] =	vst.add.f32.msk $0xffff, v3  }
0x334: {  	[tilespmem:s1+$0x1C430] =	vst.add.f32.msk $0xffff, v4  }
0x335: {  	[tilespmem:s1+$0x1C440] =	vst.add.f32.msk $0xffff, v63  }
0x336: {  	[tilespmem:s1+$0x1C450] =	vst.add.f32.msk $0xffff, v5  }
0x337: {  	[tilespmem:s1+$0x1C460] =	vst.add.f32.msk $0xffff, v6  }
0x338: {  	[tilespmem:s1+$0x1C470] =	vst.add.f32.msk $0xffff, v7  }
0x339: {  	[tilespmem:s1+$0x1C480] =	vst.add.f32.msk $0xffff, v8  }
0x33a: {  	[tilespmem:s1+$0x1C490] =	vst.add.f32.msk $0xffff, v9  }
0x33b: {  	[tilespmem:s1+$0x1C4A0] =	vst.add.f32.msk $0xffff, v10  }
0x33c: {  	[tilespmem:s1+$0x1C4B0] =	vst.add.f32.msk $0xffff, v11  }
0x33d: {  	[tilespmem:s1+$0x1C4C0] =	vst.add.f32.msk $0xffff, v12  }
0x33e: {  	[tilespmem:s1+$0x1C4D0] =	vst.add.f32.msk $0xffff, v13  }
0x33f: {  	[tilespmem:s1+$0x1C4E0] =	vst.add.f32.msk $0xffff, v14  }
0x340: {  	[tilespmem:s1+$0x1C4F0] =	vst.add.f32.msk $0xffff, v15  }
0x341: {  	[tilespmem:s1+$0x1C500] =	vst.add.f32.msk $0xffff, v16  }
0x342: {  	[tilespmem:s1+$0x1C510] =	vst.add.f32.msk $0xffff, v17  }
0x343: {  	[tilespmem:s1+$0x1C520] =	vst.add.f32.msk $0xffff, v18  }
0x344: {  	[tilespmem:s1+$0x1C530] =	vst.add.f32.msk $0xffff, v19  }
0x345: {  	[tilespmem:s1+$0x1C540] =	vst.add.f32.msk $0xffff, v20  }
0x346: {  	[tilespmem:s1+$0x1C550] =	vst.add.f32.msk $0xffff, v21  }
0x347: {  	[tilespmem:s1+$0x1C560] =	vst.add.f32.msk $0xffff, v22  }
0x348: {  	[tilespmem:s1+$0x1C570] =	vst.add.f32.msk $0xffff, v23  }
0x349: {  	[tilespmem:s1+$0x1C580] =	vst.add.f32.msk $0xffff, v24  }
0x34a: {  	s29 =	sadd.s32 $0x1, s29;
	[tilespmem:s1+$0x1C590] =	vst.add.f32.msk $0xffff, v25  }
0x34b: {  	s0 =	smul.u32 $0x6400, s0;
	p0 =	sne.s32 s29, $0x2A;
	[tilespmem:s1+$0x1C5A0] =	vst.add.f32.msk $0xffff, v26  }
.Ltmp6:
0x34c: {  	[tilespmem:s1+$0x1C5B0] =	vst.add.f32.msk $0xffff, v27;
	(pc) =	sbr.rel @p0 .LBB2_2-.Ltmp6, $4  }
0x34d: {  	s0 =	sshrl.u32 s0, $0x3;
	[tilespmem:s1+$0x1C5C0] =	vst.add.f32.msk $0xffff, v28  }
0x34e: {  	s0 =	sadd.s32 s2, s0;
	[tilespmem:s1+$0x1C5D0] =	vst.add.f32.msk $0xffff, v29  }
0x34f: {  	s0 =	sadd.s32 $0x680, s0;
	[tilespmem:s1+$0x1C5E0] =	vst.add.f32.msk $0xffff, v30  }
0x350: {  	[hbm4b:s0+s3] =	stream.linear.scatter [tilespmem:s24], [sflag:$0x2], $0x3000, $0x38;
	[tilespmem:$0x1F400] =	vst v63  }
0x351: {  	_ =	swait.ge [sflag:s21], $0x3400  }
0x352: {  	[sflag:s21] =	ssyncset.done $0x0  }
0x353: {  	[sflag:s21] =	ssyncadd.s32 $0xFFFFCC00  }
0x354: {  	_ =	swait.ge [sflag:s25], $0x3000  }
0x355: {  	[sflag:s25] =	ssyncset.done $0x0  }
0x356: {  	s0 =	simm.s32 $0x0;
	s1 =	simm.s32 $0x800;
	[sflag:s25] =	ssyncadd.s32 $0xFFFFD000  }
0x357: {  	[tilespmem:s22], [sflag:$0x1] =	stream.indirect.gather [hbm4b:s4+s17], $0x80, s26, s17, $0xb8;
	[tilespmem:$0x1F400] =	vst v63  }
.LBB2_16:
0x358: {  	p0 =	sne.s32 s1, $0xC800;
	v0 =	vld [tilespmem:s0+$0x65F0]  }
0x359: {  	v1 =	vld [tilespmem:s0+$0x6400]  }
0x35a: {  	v2 =	vld [tilespmem:s0+$0x6410]  }
0x35b: {  	v3 =	vld [tilespmem:s0+$0x6420]  }
0x35c: {  	v4 =	vld [tilespmem:s0+$0x6430]  }
0x35d: {  	[tilespmem:s0+$0xC9F0] =	vst.add.f32.msk $0xffff, v0  }
0x35e: {  	v0 =	vld [tilespmem:s0+$0x6440]  }
0x35f: {  	v5 =	vld [tilespmem:s0+$0x6450]  }
0x360: {  	v6 =	vld [tilespmem:s0+$0x6460]  }
0x361: {  	v7 =	vld [tilespmem:s0+$0x6470]  }
0x362: {  	v8 =	vld [tilespmem:s0+$0x6480]  }
0x363: {  	v9 =	vld [tilespmem:s0+$0x6490]  }
0x364: {  	v10 =	vld [tilespmem:s0+$0x64A0]  }
0x365: {  	v11 =	vld [tilespmem:s0+$0x64B0]  }
0x366: {  	v12 =	vld [tilespmem:s0+$0x64C0]  }
0x367: {  	v13 =	vld [tilespmem:s0+$0x64D0]  }
0x368: {  	v14 =	vld [tilespmem:s0+$0x64E0]  }
0x369: {  	v15 =	vld [tilespmem:s0+$0x64F0]  }
0x36a: {  	v16 =	vld [tilespmem:s0+$0x6500]  }
0x36b: {  	v17 =	vld [tilespmem:s0+$0x6510]  }
0x36c: {  	v18 =	vld [tilespmem:s0+$0x6520]  }
0x36d: {  	v19 =	vld [tilespmem:s0+$0x6530]  }
0x36e: {  	v20 =	vld [tilespmem:s0+$0x6540]  }
0x36f: {  	v21 =	vld [tilespmem:s0+$0x6550]  }
0x370: {  	v22 =	vld [tilespmem:s0+$0x6560]  }
0x371: {  	v23 =	vld [tilespmem:s0+$0x6570]  }
0x372: {  	v24 =	vld [tilespmem:s0+$0x6580]  }
0x373: {  	v25 =	vld [tilespmem:s0+$0x6590]  }
0x374: {  	v26 =	vld [tilespmem:s0+$0x65A0]  }
0x375: {  	v27 =	vld [tilespmem:s0+$0x65B0]  }
0x376: {  	v28 =	vld [tilespmem:s0+$0x65C0]  }
0x377: {  	v29 =	vld [tilespmem:s0+$0x65D0]  }
0x378: {  	v30 =	vld [tilespmem:s0+$0x65E0]  }
0x379: {  	[tilespmem:s0+$0xC800] =	vst.add.f32.msk $0xffff, v1  }
0x37a: {  	[tilespmem:s0+$0xC810] =	vst.add.f32.msk $0xffff, v2  }
0x37b: {  	[tilespmem:s0+$0xC820] =	vst.add.f32.msk $0xffff, v3  }
0x37c: {  	[tilespmem:s0+$0xC830] =	vst.add.f32.msk $0xffff, v4  }
0x37d: {  	[tilespmem:s0+$0xC840] =	vst.add.f32.msk $0xffff, v0  }
0x37e: {  	[tilespmem:s0+$0xC850] =	vst.add.f32.msk $0xffff, v5  }
0x37f: {  	[tilespmem:s0+$0xC860] =	vst.add.f32.msk $0xffff, v6  }
0x380: {  	[tilespmem:s0+$0xC870] =	vst.add.f32.msk $0xffff, v7  }
0x381: {  	[tilespmem:s0+$0xC880] =	vst.add.f32.msk $0xffff, v8  }
0x382: {  	[tilespmem:s0+$0xC890] =	vst.add.f32.msk $0xffff, v9  }
0x383: {  	[tilespmem:s0+$0xC8A0] =	vst.add.f32.msk $0xffff, v10  }
0x384: {  	[tilespmem:s0+$0xC8B0] =	vst.add.f32.msk $0xffff, v11  }
0x385: {  	[tilespmem:s0+$0xC8C0] =	vst.add.f32.msk $0xffff, v12  }
0x386: {  	[tilespmem:s0+$0xC8D0] =	vst.add.f32.msk $0xffff, v13  }
0x387: {  	[tilespmem:s0+$0xC8E0] =	vst.add.f32.msk $0xffff, v14  }
0x388: {  	[tilespmem:s0+$0xC8F0] =	vst.add.f32.msk $0xffff, v15  }
0x389: {  	[tilespmem:s0+$0xC900] =	vst.add.f32.msk $0xffff, v16  }
0x38a: {  	[tilespmem:s0+$0xC910] =	vst.add.f32.msk $0xffff, v17  }
0x38b: {  	[tilespmem:s0+$0xC920] =	vst.add.f32.msk $0xffff, v18  }
0x38c: {  	[tilespmem:s0+$0xC930] =	vst.add.f32.msk $0xffff, v19  }
0x38d: {  	[tilespmem:s0+$0xC940] =	vst.add.f32.msk $0xffff, v20  }
0x38e: {  	[tilespmem:s0+$0xC950] =	vst.add.f32.msk $0xffff, v21  }
0x38f: {  	[tilespmem:s0+$0xC960] =	vst.add.f32.msk $0xffff, v22  }
0x390: {  	[tilespmem:s0+$0xC970] =	vst.add.f32.msk $0xffff, v23  }
0x391: {  	[tilespmem:s0+$0xC980] =	vst.add.f32.msk $0xffff, v24  }
0x392: {  	[tilespmem:s0+$0xC990] =	vst.add.f32.msk $0xffff, v25  }
.Ltmp7:
0x393: {  	[tilespmem:s0+$0xC9A0] =	vst.add.f32.msk $0xffff, v26;
	(pc) =	sbr.rel @p0 .LBB2_16-.Ltmp7, $4  }
0x394: {  	[tilespmem:s0+$0xC9B0] =	vst.add.f32.msk $0xffff, v27  }
0x395: {  	[tilespmem:s0+$0xC9C0] =	vst.add.f32.msk $0xffff, v28  }
0x396: {  	[tilespmem:s0+$0xC9D0] =	vst.add.f32.msk $0xffff, v29  }
0x397: {  	[tilespmem:s0+$0xC9E0] =	vst.add.f32.msk $0xffff, v30;
	s0 =	sshra.s32 s1, $0x2;
	s1 =	sadd.s32 $0x800, s1  }
0x398: {  	v0 =	vld [tilespmem:s0+$0x65F0]  }
0x399: {  	v1 =	vld [tilespmem:s0+$0x6400]  }
0x39a: {  	v2 =	vld [tilespmem:s0+$0x6410]  }
0x39b: {  	v3 =	vld [tilespmem:s0+$0x6420]  }
0x39c: {  	v4 =	vld [tilespmem:s0+$0x6430]  }
0x39d: {  	v63 =	vld [tilespmem:s0+$0x6440]  }
0x39e: {  	v5 =	vld [tilespmem:s0+$0x6450]  }
0x39f: {  	v6 =	vld [tilespmem:s0+$0x6460]  }
0x3a0: {  	v7 =	vld [tilespmem:s0+$0x6470]  }
0x3a1: {  	v8 =	vld [tilespmem:s0+$0x6480]  }
0x3a2: {  	v9 =	vld [tilespmem:s0+$0x6490]  }
0x3a3: {  	v10 =	vld [tilespmem:s0+$0x64A0]  }
0x3a4: {  	v11 =	vld [tilespmem:s0+$0x64B0]  }
0x3a5: {  	v12 =	vld [tilespmem:s0+$0x64C0]  }
0x3a6: {  	v13 =	vld [tilespmem:s0+$0x64D0]  }
0x3a7: {  	v14 =	vld [tilespmem:s0+$0x64E0]  }
0x3a8: {  	v15 =	vld [tilespmem:s0+$0x64F0]  }
0x3a9: {  	v16 =	vld [tilespmem:s0+$0x6500]  }
0x3aa: {  	v17 =	vld [tilespmem:s0+$0x6510]  }
0x3ab: {  	v18 =	vld [tilespmem:s0+$0x6520]  }
0x3ac: {  	v19 =	vld [tilespmem:s0+$0x6530]  }
0x3ad: {  	v20 =	vld [tilespmem:s0+$0x6540]  }
0x3ae: {  	v21 =	vld [tilespmem:s0+$0x6550]  }
0x3af: {  	v22 =	vld [tilespmem:s0+$0x6560]  }
0x3b0: {  	v23 =	vld [tilespmem:s0+$0x6570]  }
0x3b1: {  	v24 =	vld [tilespmem:s0+$0x6580]  }
0x3b2: {  	v25 =	vld [tilespmem:s0+$0x6590]  }
0x3b3: {  	v26 =	vld [tilespmem:s0+$0x65A0]  }
0x3b4: {  	v27 =	vld [tilespmem:s0+$0x65B0]  }
0x3b5: {  	v28 =	vld [tilespmem:s0+$0x65C0]  }
0x3b6: {  	v29 =	vld [tilespmem:s0+$0x65D0]  }
0x3b7: {  	v30 =	vld [tilespmem:s0+$0x65E0]  }
0x3b8: {  	[tilespmem:s0+$0xC9F0] =	vst.add.f32.msk $0xffff, v0  }
0x3b9: {  	[tilespmem:s0+$0xC800] =	vst.add.f32.msk $0xffff, v1  }
0x3ba: {  	[tilespmem:s0+$0xC810] =	vst.add.f32.msk $0xffff, v2  }
0x3bb: {  	[tilespmem:s0+$0xC820] =	vst.add.f32.msk $0xffff, v3  }
0x3bc: {  	[tilespmem:s0+$0xC830] =	vst.add.f32.msk $0xffff, v4  }
0x3bd: {  	[tilespmem:s0+$0xC840] =	vst.add.f32.msk $0xffff, v63  }
0x3be: {  	[tilespmem:s0+$0xC850] =	vst.add.f32.msk $0xffff, v5  }
0x3bf: {  	[tilespmem:s0+$0xC860] =	vst.add.f32.msk $0xffff, v6  }
0x3c0: {  	[tilespmem:s0+$0xC870] =	vst.add.f32.msk $0xffff, v7  }
0x3c1: {  	[tilespmem:s0+$0xC880] =	vst.add.f32.msk $0xffff, v8  }
0x3c2: {  	[tilespmem:s0+$0xC890] =	vst.add.f32.msk $0xffff, v9  }
0x3c3: {  	[tilespmem:s0+$0xC8A0] =	vst.add.f32.msk $0xffff, v10  }
0x3c4: {  	[tilespmem:s0+$0xC8B0] =	vst.add.f32.msk $0xffff, v11  }
0x3c5: {  	[tilespmem:s0+$0xC8C0] =	vst.add.f32.msk $0xffff, v12  }
0x3c6: {  	[tilespmem:s0+$0xC8D0] =	vst.add.f32.msk $0xffff, v13  }
0x3c7: {  	[tilespmem:s0+$0xC8E0] =	vst.add.f32.msk $0xffff, v14  }
0x3c8: {  	[tilespmem:s0+$0xC8F0] =	vst.add.f32.msk $0xffff, v15  }
0x3c9: {  	[tilespmem:s0+$0xC900] =	vst.add.f32.msk $0xffff, v16  }
0x3ca: {  	[tilespmem:s0+$0xC910] =	vst.add.f32.msk $0xffff, v17  }
0x3cb: {  	[tilespmem:s0+$0xC920] =	vst.add.f32.msk $0xffff, v18  }
0x3cc: {  	[tilespmem:s0+$0xC930] =	vst.add.f32.msk $0xffff, v19  }
0x3cd: {  	[tilespmem:s0+$0xC940] =	vst.add.f32.msk $0xffff, v20  }
0x3ce: {  	[tilespmem:s0+$0xC950] =	vst.add.f32.msk $0xffff, v21  }
0x3cf: {  	[tilespmem:s0+$0xC960] =	vst.add.f32.msk $0xffff, v22  }
0x3d0: {  	[tilespmem:s0+$0xC970] =	vst.add.f32.msk $0xffff, v23  }
0x3d1: {  	[tilespmem:s0+$0xC980] =	vst.add.f32.msk $0xffff, v24  }
0x3d2: {  	[tilespmem:s0+$0xC990] =	vst.add.f32.msk $0xffff, v25  }
0x3d3: {  	[tilespmem:s0+$0xC9A0] =	vst.add.f32.msk $0xffff, v26  }
0x3d4: {  	[tilespmem:s0+$0xC9B0] =	vst.add.f32.msk $0xffff, v27  }
0x3d5: {  	[tilespmem:s0+$0xC9C0] =	vst.add.f32.msk $0xffff, v28  }
0x3d6: {  	[tilespmem:s0+$0xC9D0] =	vst.add.f32.msk $0xffff, v29  }
0x3d7: {  	s31 =	simm.s32 $0x0;
	[tilespmem:s0+$0xC9E0] =	vst.add.f32.msk $0xffff, v30  }
0x3d8: {  	[hbm4b:s8+s31] =	stream.linear.scatter [tilespmem:s16], [sflag:$0x2], $0x3400, $0x38;
	[tilespmem:$0x1F400] =	vst v63  }
0x3d9: {  	_ =	swait.ge [sflag:s21], $0x3000  }
0x3da: {  	[sflag:s21] =	ssyncset.done $0x0  }
0x3db: {  	s1 =	simm.s32 $0x800;
	s0 =	simm.s32 $0x0;
	[sflag:s21] =	ssyncadd.s32 $0xFFFFD000  }
.LBB2_18:
0x3dc: {  	p0 =	sne.s32 s1, $0xB800;
	v0 =	vld [tilespmem:s0+$0x99F0]  }
0x3dd: {  	v1 =	vld [tilespmem:s0+$0x9800]  }
0x3de: {  	v2 =	vld [tilespmem:s0+$0x9810]  }
0x3df: {  	v3 =	vld [tilespmem:s0+$0x9820]  }
0x3e0: {  	v4 =	vld [tilespmem:s0+$0x9830]  }
0x3e1: {  	[tilespmem:s0+$0xFDF0] =	vst.add.f32.msk $0xffff, v0  }
0x3e2: {  	v0 =	vld [tilespmem:s0+$0x9840]  }
0x3e3: {  	v5 =	vld [tilespmem:s0+$0x9850]  }
0x3e4: {  	v6 =	vld [tilespmem:s0+$0x9860]  }
0x3e5: {  	v7 =	vld [tilespmem:s0+$0x9870]  }
0x3e6: {  	v8 =	vld [tilespmem:s0+$0x9880]  }
0x3e7: {  	v9 =	vld [tilespmem:s0+$0x9890]  }
0x3e8: {  	v10 =	vld [tilespmem:s0+$0x98A0]  }
0x3e9: {  	v11 =	vld [tilespmem:s0+$0x98B0]  }
0x3ea: {  	v12 =	vld [tilespmem:s0+$0x98C0]  }
0x3eb: {  	v13 =	vld [tilespmem:s0+$0x98D0]  }
0x3ec: {  	v14 =	vld [tilespmem:s0+$0x98E0]  }
0x3ed: {  	v15 =	vld [tilespmem:s0+$0x98F0]  }
0x3ee: {  	v16 =	vld [tilespmem:s0+$0x9900]  }
0x3ef: {  	v17 =	vld [tilespmem:s0+$0x9910]  }
0x3f0: {  	v18 =	vld [tilespmem:s0+$0x9920]  }
0x3f1: {  	v19 =	vld [tilespmem:s0+$0x9930]  }
0x3f2: {  	v20 =	vld [tilespmem:s0+$0x9940]  }
0x3f3: {  	v21 =	vld [tilespmem:s0+$0x9950]  }
0x3f4: {  	v22 =	vld [tilespmem:s0+$0x9960]  }
0x3f5: {  	v23 =	vld [tilespmem:s0+$0x9970]  }
0x3f6: {  	v24 =	vld [tilespmem:s0+$0x9980]  }
0x3f7: {  	v25 =	vld [tilespmem:s0+$0x9990]  }
0x3f8: {  	v26 =	vld [tilespmem:s0+$0x99A0]  }
0x3f9: {  	v27 =	vld [tilespmem:s0+$0x99B0]  }
0x3fa: {  	v28 =	vld [tilespmem:s0+$0x99C0]  }
0x3fb: {  	v29 =	vld [tilespmem:s0+$0x99D0]  }
0x3fc: {  	v30 =	vld [tilespmem:s0+$0x99E0]  }
0x3fd: {  	[tilespmem:s0+$0xFC00] =	vst.add.f32.msk $0xffff, v1  }
0x3fe: {  	[tilespmem:s0+$0xFC10] =	vst.add.f32.msk $0xffff, v2  }
0x3ff: {  	[tilespmem:s0+$0xFC20] =	vst.add.f32.msk $0xffff, v3  }
0x400: {  	[tilespmem:s0+$0xFC30] =	vst.add.f32.msk $0xffff, v4  }
0x401: {  	[tilespmem:s0+$0xFC40] =	vst.add.f32.msk $0xffff, v0  }
0x402: {  	[tilespmem:s0+$0xFC50] =	vst.add.f32.msk $0xffff, v5  }
0x403: {  	[tilespmem:s0+$0xFC60] =	vst.add.f32.msk $0xffff, v6  }
0x404: {  	[tilespmem:s0+$0xFC70] =	vst.add.f32.msk $0xffff, v7  }
0x405: {  	[tilespmem:s0+$0xFC80] =	vst.add.f32.msk $0xffff, v8  }
0x406: {  	[tilespmem:s0+$0xFC90] =	vst.add.f32.msk $0xffff, v9  }
0x407: {  	[tilespmem:s0+$0xFCA0] =	vst.add.f32.msk $0xffff, v10  }
0x408: {  	[tilespmem:s0+$0xFCB0] =	vst.add.f32.msk $0xffff, v11  }
0x409: {  	[tilespmem:s0+$0xFCC0] =	vst.add.f32.msk $0xffff, v12  }
0x40a: {  	[tilespmem:s0+$0xFCD0] =	vst.add.f32.msk $0xffff, v13  }
0x40b: {  	[tilespmem:s0+$0xFCE0] =	vst.add.f32.msk $0xffff, v14  }
0x40c: {  	[tilespmem:s0+$0xFCF0] =	vst.add.f32.msk $0xffff, v15  }
0x40d: {  	[tilespmem:s0+$0xFD00] =	vst.add.f32.msk $0xffff, v16  }
0x40e: {  	[tilespmem:s0+$0xFD10] =	vst.add.f32.msk $0xffff, v17  }
0x40f: {  	[tilespmem:s0+$0xFD20] =	vst.add.f32.msk $0xffff, v18  }
0x410: {  	[tilespmem:s0+$0xFD30] =	vst.add.f32.msk $0xffff, v19  }
0x411: {  	[tilespmem:s0+$0xFD40] =	vst.add.f32.msk $0xffff, v20  }
0x412: {  	[tilespmem:s0+$0xFD50] =	vst.add.f32.msk $0xffff, v21  }
0x413: {  	[tilespmem:s0+$0xFD60] =	vst.add.f32.msk $0xffff, v22  }
0x414: {  	[tilespmem:s0+$0xFD70] =	vst.add.f32.msk $0xffff, v23  }
0x415: {  	[tilespmem:s0+$0xFD80] =	vst.add.f32.msk $0xffff, v24  }
0x416: {  	[tilespmem:s0+$0xFD90] =	vst.add.f32.msk $0xffff, v25  }
.Ltmp8:
0x417: {  	[tilespmem:s0+$0xFDA0] =	vst.add.f32.msk $0xffff, v26;
	(pc) =	sbr.rel @p0 .LBB2_18-.Ltmp8, $4  }
0x418: {  	[tilespmem:s0+$0xFDB0] =	vst.add.f32.msk $0xffff, v27  }
0x419: {  	[tilespmem:s0+$0xFDC0] =	vst.add.f32.msk $0xffff, v28  }
0x41a: {  	[tilespmem:s0+$0xFDD0] =	vst.add.f32.msk $0xffff, v29  }
0x41b: {  	[tilespmem:s0+$0xFDE0] =	vst.add.f32.msk $0xffff, v30;
	s0 =	sshra.s32 s1, $0x2;
	s1 =	sadd.s32 $0x800, s1  }
0x41c: {  	v0 =	vld [tilespmem:s0+$0x99F0]  }
0x41d: {  	v1 =	vld [tilespmem:s0+$0x9800]  }
0x41e: {  	v2 =	vld [tilespmem:s0+$0x9810]  }
0x41f: {  	v3 =	vld [tilespmem:s0+$0x9820]  }
0x420: {  	v4 =	vld [tilespmem:s0+$0x9830]  }
0x421: {  	v63 =	vld [tilespmem:s0+$0x9840]  }
0x422: {  	v5 =	vld [tilespmem:s0+$0x9850]  }
0x423: {  	v6 =	vld [tilespmem:s0+$0x9860]  }
0x424: {  	v7 =	vld [tilespmem:s0+$0x9870]  }
0x425: {  	v8 =	vld [tilespmem:s0+$0x9880]  }
0x426: {  	v9 =	vld [tilespmem:s0+$0x9890]  }
0x427: {  	v10 =	vld [tilespmem:s0+$0x98A0]  }
0x428: {  	v11 =	vld [tilespmem:s0+$0x98B0]  }
0x429: {  	v12 =	vld [tilespmem:s0+$0x98C0]  }
0x42a: {  	v13 =	vld [tilespmem:s0+$0x98D0]  }
0x42b: {  	v14 =	vld [tilespmem:s0+$0x98E0]  }
0x42c: {  	v15 =	vld [tilespmem:s0+$0x98F0]  }
0x42d: {  	v16 =	vld [tilespmem:s0+$0x9900]  }
0x42e: {  	v17 =	vld [tilespmem:s0+$0x9910]  }
0x42f: {  	v18 =	vld [tilespmem:s0+$0x9920]  }
0x430: {  	v19 =	vld [tilespmem:s0+$0x9930]  }
0x431: {  	v20 =	vld [tilespmem:s0+$0x9940]  }
0x432: {  	v21 =	vld [tilespmem:s0+$0x9950]  }
0x433: {  	v22 =	vld [tilespmem:s0+$0x9960]  }
0x434: {  	v23 =	vld [tilespmem:s0+$0x9970]  }
0x435: {  	v24 =	vld [tilespmem:s0+$0x9980]  }
0x436: {  	v25 =	vld [tilespmem:s0+$0x9990]  }
0x437: {  	v26 =	vld [tilespmem:s0+$0x99A0]  }
0x438: {  	v27 =	vld [tilespmem:s0+$0x99B0]  }
0x439: {  	v28 =	vld [tilespmem:s0+$0x99C0]  }
0x43a: {  	v29 =	vld [tilespmem:s0+$0x99D0]  }
0x43b: {  	v30 =	vld [tilespmem:s0+$0x99E0]  }
0x43c: {  	[tilespmem:s0+$0xFDF0] =	vst.add.f32.msk $0xffff, v0  }
0x43d: {  	[tilespmem:s0+$0xFC00] =	vst.add.f32.msk $0xffff, v1  }
0x43e: {  	[tilespmem:s0+$0xFC10] =	vst.add.f32.msk $0xffff, v2  }
0x43f: {  	[tilespmem:s0+$0xFC20] =	vst.add.f32.msk $0xffff, v3  }
0x440: {  	[tilespmem:s0+$0xFC30] =	vst.add.f32.msk $0xffff, v4  }
0x441: {  	[tilespmem:s0+$0xFC40] =	vst.add.f32.msk $0xffff, v63  }
0x442: {  	[tilespmem:s0+$0xFC50] =	vst.add.f32.msk $0xffff, v5  }
0x443: {  	[tilespmem:s0+$0xFC60] =	vst.add.f32.msk $0xffff, v6  }
0x444: {  	[tilespmem:s0+$0xFC70] =	vst.add.f32.msk $0xffff, v7  }
0x445: {  	[tilespmem:s0+$0xFC80] =	vst.add.f32.msk $0xffff, v8  }
0x446: {  	[tilespmem:s0+$0xFC90] =	vst.add.f32.msk $0xffff, v9  }
0x447: {  	[tilespmem:s0+$0xFCA0] =	vst.add.f32.msk $0xffff, v10  }
0x448: {  	[tilespmem:s0+$0xFCB0] =	vst.add.f32.msk $0xffff, v11  }
0x449: {  	[tilespmem:s0+$0xFCC0] =	vst.add.f32.msk $0xffff, v12  }
0x44a: {  	[tilespmem:s0+$0xFCD0] =	vst.add.f32.msk $0xffff, v13  }
0x44b: {  	[tilespmem:s0+$0xFCE0] =	vst.add.f32.msk $0xffff, v14  }
0x44c: {  	[tilespmem:s0+$0xFCF0] =	vst.add.f32.msk $0xffff, v15  }
0x44d: {  	[tilespmem:s0+$0xFD00] =	vst.add.f32.msk $0xffff, v16  }
0x44e: {  	[tilespmem:s0+$0xFD10] =	vst.add.f32.msk $0xffff, v17  }
0x44f: {  	[tilespmem:s0+$0xFD20] =	vst.add.f32.msk $0xffff, v18  }
0x450: {  	[tilespmem:s0+$0xFD30] =	vst.add.f32.msk $0xffff, v19  }
0x451: {  	[tilespmem:s0+$0xFD40] =	vst.add.f32.msk $0xffff, v20  }
0x452: {  	[tilespmem:s0+$0xFD50] =	vst.add.f32.msk $0xffff, v21  }
0x453: {  	[tilespmem:s0+$0xFD60] =	vst.add.f32.msk $0xffff, v22  }
0x454: {  	[tilespmem:s0+$0xFD70] =	vst.add.f32.msk $0xffff, v23  }
0x455: {  	[tilespmem:s0+$0xFD80] =	vst.add.f32.msk $0xffff, v24  }
0x456: {  	[tilespmem:s0+$0xFD90] =	vst.add.f32.msk $0xffff, v25  }
0x457: {  	[tilespmem:s0+$0xFDA0] =	vst.add.f32.msk $0xffff, v26  }
0x458: {  	[tilespmem:s0+$0xFDB0] =	vst.add.f32.msk $0xffff, v27  }
0x459: {  	[tilespmem:s0+$0xFDC0] =	vst.add.f32.msk $0xffff, v28  }
0x45a: {  	[tilespmem:s0+$0xFDD0] =	vst.add.f32.msk $0xffff, v29  }
0x45b: {  	s31 =	simm.s32 $0x0;
	[tilespmem:s0+$0xFDE0] =	vst.add.f32.msk $0xffff, v30  }
0x45c: {  	[hbm4b:s9+s31] =	stream.linear.scatter [tilespmem:s18], [sflag:$0x2], $0x3000, $0x38;
	[tilespmem:$0x1F400] =	vst v63  }
0x45d: {  	_ =	swait.ge [sflag:s21], $0x3400  }
0x45e: {  	[sflag:s21] =	ssyncset.done $0x0  }
0x45f: {  	s1 =	simm.s32 $0x800;
	s0 =	simm.s32 $0x0;
	[sflag:s21] =	ssyncadd.s32 $0xFFFFCC00  }
.LBB2_20:
0x460: {  	p0 =	sne.s32 s1, $0xC800;
	v0 =	vld [tilespmem:s0+$0x65F0]  }
0x461: {  	v1 =	vld [tilespmem:s0+$0x6400]  }
0x462: {  	v2 =	vld [tilespmem:s0+$0x6410]  }
0x463: {  	v3 =	vld [tilespmem:s0+$0x6420]  }
0x464: {  	v4 =	vld [tilespmem:s0+$0x6430]  }
0x465: {  	[tilespmem:s0+$0x12DF0] =	vst.add.f32.msk $0xffff, v0  }
0x466: {  	v0 =	vld [tilespmem:s0+$0x6440]  }
0x467: {  	v5 =	vld [tilespmem:s0+$0x6450]  }
0x468: {  	v6 =	vld [tilespmem:s0+$0x6460]  }
0x469: {  	v7 =	vld [tilespmem:s0+$0x6470]  }
0x46a: {  	v8 =	vld [tilespmem:s0+$0x6480]  }
0x46b: {  	v9 =	vld [tilespmem:s0+$0x6490]  }
0x46c: {  	v10 =	vld [tilespmem:s0+$0x64A0]  }
0x46d: {  	v11 =	vld [tilespmem:s0+$0x64B0]  }
0x46e: {  	v12 =	vld [tilespmem:s0+$0x64C0]  }
0x46f: {  	v13 =	vld [tilespmem:s0+$0x64D0]  }
0x470: {  	v14 =	vld [tilespmem:s0+$0x64E0]  }
0x471: {  	v15 =	vld [tilespmem:s0+$0x64F0]  }
0x472: {  	v16 =	vld [tilespmem:s0+$0x6500]  }
0x473: {  	v17 =	vld [tilespmem:s0+$0x6510]  }
0x474: {  	v18 =	vld [tilespmem:s0+$0x6520]  }
0x475: {  	v19 =	vld [tilespmem:s0+$0x6530]  }
0x476: {  	v20 =	vld [tilespmem:s0+$0x6540]  }
0x477: {  	v21 =	vld [tilespmem:s0+$0x6550]  }
0x478: {  	v22 =	vld [tilespmem:s0+$0x6560]  }
0x479: {  	v23 =	vld [tilespmem:s0+$0x6570]  }
0x47a: {  	v24 =	vld [tilespmem:s0+$0x6580]  }
0x47b: {  	v25 =	vld [tilespmem:s0+$0x6590]  }
0x47c: {  	v26 =	vld [tilespmem:s0+$0x65A0]  }
0x47d: {  	v27 =	vld [tilespmem:s0+$0x65B0]  }
0x47e: {  	v28 =	vld [tilespmem:s0+$0x65C0]  }
0x47f: {  	v29 =	vld [tilespmem:s0+$0x65D0]  }
0x480: {  	v30 =	vld [tilespmem:s0+$0x65E0]  }
0x481: {  	[tilespmem:s0+$0x12C00] =	vst.add.f32.msk $0xffff, v1  }
0x482: {  	[tilespmem:s0+$0x12C10] =	vst.add.f32.msk $0xffff, v2  }
0x483: {  	[tilespmem:s0+$0x12C20] =	vst.add.f32.msk $0xffff, v3  }
0x484: {  	[tilespmem:s0+$0x12C30] =	vst.add.f32.msk $0xffff, v4  }
0x485: {  	[tilespmem:s0+$0x12C40] =	vst.add.f32.msk $0xffff, v0  }
0x486: {  	[tilespmem:s0+$0x12C50] =	vst.add.f32.msk $0xffff, v5  }
0x487: {  	[tilespmem:s0+$0x12C60] =	vst.add.f32.msk $0xffff, v6  }
0x488: {  	[tilespmem:s0+$0x12C70] =	vst.add.f32.msk $0xffff, v7  }
0x489: {  	[tilespmem:s0+$0x12C80] =	vst.add.f32.msk $0xffff, v8  }
0x48a: {  	[tilespmem:s0+$0x12C90] =	vst.add.f32.msk $0xffff, v9  }
0x48b: {  	[tilespmem:s0+$0x12CA0] =	vst.add.f32.msk $0xffff, v10  }
0x48c: {  	[tilespmem:s0+$0x12CB0] =	vst.add.f32.msk $0xffff, v11  }
0x48d: {  	[tilespmem:s0+$0x12CC0] =	vst.add.f32.msk $0xffff, v12  }
0x48e: {  	[tilespmem:s0+$0x12CD0] =	vst.add.f32.msk $0xffff, v13  }
0x48f: {  	[tilespmem:s0+$0x12CE0] =	vst.add.f32.msk $0xffff, v14  }
0x490: {  	[tilespmem:s0+$0x12CF0] =	vst.add.f32.msk $0xffff, v15  }
0x491: {  	[tilespmem:s0+$0x12D00] =	vst.add.f32.msk $0xffff, v16  }
0x492: {  	[tilespmem:s0+$0x12D10] =	vst.add.f32.msk $0xffff, v17  }
0x493: {  	[tilespmem:s0+$0x12D20] =	vst.add.f32.msk $0xffff, v18  }
0x494: {  	[tilespmem:s0+$0x12D30] =	vst.add.f32.msk $0xffff, v19  }
0x495: {  	[tilespmem:s0+$0x12D40] =	vst.add.f32.msk $0xffff, v20  }
0x496: {  	[tilespmem:s0+$0x12D50] =	vst.add.f32.msk $0xffff, v21  }
0x497: {  	[tilespmem:s0+$0x12D60] =	vst.add.f32.msk $0xffff, v22  }
0x498: {  	[tilespmem:s0+$0x12D70] =	vst.add.f32.msk $0xffff, v23  }
0x499: {  	[tilespmem:s0+$0x12D80] =	vst.add.f32.msk $0xffff, v24  }
0x49a: {  	[tilespmem:s0+$0x12D90] =	vst.add.f32.msk $0xffff, v25  }
.Ltmp9:
0x49b: {  	[tilespmem:s0+$0x12DA0] =	vst.add.f32.msk $0xffff, v26;
	(pc) =	sbr.rel @p0 .LBB2_20-.Ltmp9, $4  }
0x49c: {  	[tilespmem:s0+$0x12DB0] =	vst.add.f32.msk $0xffff, v27  }
0x49d: {  	[tilespmem:s0+$0x12DC0] =	vst.add.f32.msk $0xffff, v28  }
0x49e: {  	[tilespmem:s0+$0x12DD0] =	vst.add.f32.msk $0xffff, v29  }
0x49f: {  	[tilespmem:s0+$0x12DE0] =	vst.add.f32.msk $0xffff, v30;
	s0 =	sshra.s32 s1, $0x2;
	s1 =	sadd.s32 $0x800, s1  }
0x4a0: {  	v0 =	vld [tilespmem:s0+$0x65F0]  }
0x4a1: {  	v1 =	vld [tilespmem:s0+$0x6400]  }
0x4a2: {  	v2 =	vld [tilespmem:s0+$0x6410]  }
0x4a3: {  	v3 =	vld [tilespmem:s0+$0x6420]  }
0x4a4: {  	v4 =	vld [tilespmem:s0+$0x6430]  }
0x4a5: {  	v63 =	vld [tilespmem:s0+$0x6440]  }
0x4a6: {  	v5 =	vld [tilespmem:s0+$0x6450]  }
0x4a7: {  	v6 =	vld [tilespmem:s0+$0x6460]  }
0x4a8: {  	v7 =	vld [tilespmem:s0+$0x6470]  }
0x4a9: {  	v8 =	vld [tilespmem:s0+$0x6480]  }
0x4aa: {  	v9 =	vld [tilespmem:s0+$0x6490]  }
0x4ab: {  	v10 =	vld [tilespmem:s0+$0x64A0]  }
0x4ac: {  	v11 =	vld [tilespmem:s0+$0x64B0]  }
0x4ad: {  	v12 =	vld [tilespmem:s0+$0x64C0]  }
0x4ae: {  	v13 =	vld [tilespmem:s0+$0x64D0]  }
0x4af: {  	v14 =	vld [tilespmem:s0+$0x64E0]  }
0x4b0: {  	v15 =	vld [tilespmem:s0+$0x64F0]  }
0x4b1: {  	v16 =	vld [tilespmem:s0+$0x6500]  }
0x4b2: {  	v17 =	vld [tilespmem:s0+$0x6510]  }
0x4b3: {  	v18 =	vld [tilespmem:s0+$0x6520]  }
0x4b4: {  	v19 =	vld [tilespmem:s0+$0x6530]  }
0x4b5: {  	v20 =	vld [tilespmem:s0+$0x6540]  }
0x4b6: {  	v21 =	vld [tilespmem:s0+$0x6550]  }
0x4b7: {  	v22 =	vld [tilespmem:s0+$0x6560]  }
0x4b8: {  	v23 =	vld [tilespmem:s0+$0x6570]  }
0x4b9: {  	v24 =	vld [tilespmem:s0+$0x6580]  }
0x4ba: {  	v25 =	vld [tilespmem:s0+$0x6590]  }
0x4bb: {  	v26 =	vld [tilespmem:s0+$0x65A0]  }
0x4bc: {  	v27 =	vld [tilespmem:s0+$0x65B0]  }
0x4bd: {  	v28 =	vld [tilespmem:s0+$0x65C0]  }
0x4be: {  	v29 =	vld [tilespmem:s0+$0x65D0]  }
0x4bf: {  	v30 =	vld [tilespmem:s0+$0x65E0]  }
0x4c0: {  	[tilespmem:s0+$0x12DF0] =	vst.add.f32.msk $0xffff, v0  }
0x4c1: {  	[tilespmem:s0+$0x12C00] =	vst.add.f32.msk $0xffff, v1  }
0x4c2: {  	[tilespmem:s0+$0x12C10] =	vst.add.f32.msk $0xffff, v2  }
0x4c3: {  	[tilespmem:s0+$0x12C20] =	vst.add.f32.msk $0xffff, v3  }
0x4c4: {  	[tilespmem:s0+$0x12C30] =	vst.add.f32.msk $0xffff, v4  }
0x4c5: {  	[tilespmem:s0+$0x12C40] =	vst.add.f32.msk $0xffff, v63  }
0x4c6: {  	[tilespmem:s0+$0x12C50] =	vst.add.f32.msk $0xffff, v5  }
0x4c7: {  	[tilespmem:s0+$0x12C60] =	vst.add.f32.msk $0xffff, v6  }
0x4c8: {  	[tilespmem:s0+$0x12C70] =	vst.add.f32.msk $0xffff, v7  }
0x4c9: {  	[tilespmem:s0+$0x12C80] =	vst.add.f32.msk $0xffff, v8  }
0x4ca: {  	[tilespmem:s0+$0x12C90] =	vst.add.f32.msk $0xffff, v9  }
0x4cb: {  	[tilespmem:s0+$0x12CA0] =	vst.add.f32.msk $0xffff, v10  }
0x4cc: {  	[tilespmem:s0+$0x12CB0] =	vst.add.f32.msk $0xffff, v11  }
0x4cd: {  	[tilespmem:s0+$0x12CC0] =	vst.add.f32.msk $0xffff, v12  }
0x4ce: {  	[tilespmem:s0+$0x12CD0] =	vst.add.f32.msk $0xffff, v13  }
0x4cf: {  	[tilespmem:s0+$0x12CE0] =	vst.add.f32.msk $0xffff, v14  }
0x4d0: {  	[tilespmem:s0+$0x12CF0] =	vst.add.f32.msk $0xffff, v15  }
0x4d1: {  	[tilespmem:s0+$0x12D00] =	vst.add.f32.msk $0xffff, v16  }
0x4d2: {  	[tilespmem:s0+$0x12D10] =	vst.add.f32.msk $0xffff, v17  }
0x4d3: {  	[tilespmem:s0+$0x12D20] =	vst.add.f32.msk $0xffff, v18  }
0x4d4: {  	[tilespmem:s0+$0x12D30] =	vst.add.f32.msk $0xffff, v19  }
0x4d5: {  	[tilespmem:s0+$0x12D40] =	vst.add.f32.msk $0xffff, v20  }
0x4d6: {  	[tilespmem:s0+$0x12D50] =	vst.add.f32.msk $0xffff, v21  }
0x4d7: {  	[tilespmem:s0+$0x12D60] =	vst.add.f32.msk $0xffff, v22  }
0x4d8: {  	[tilespmem:s0+$0x12D70] =	vst.add.f32.msk $0xffff, v23  }
0x4d9: {  	[tilespmem:s0+$0x12D80] =	vst.add.f32.msk $0xffff, v24  }
0x4da: {  	[tilespmem:s0+$0x12D90] =	vst.add.f32.msk $0xffff, v25  }
0x4db: {  	[tilespmem:s0+$0x12DA0] =	vst.add.f32.msk $0xffff, v26  }
0x4dc: {  	[tilespmem:s0+$0x12DB0] =	vst.add.f32.msk $0xffff, v27  }
0x4dd: {  	[tilespmem:s0+$0x12DC0] =	vst.add.f32.msk $0xffff, v28  }
0x4de: {  	[tilespmem:s0+$0x12DD0] =	vst.add.f32.msk $0xffff, v29  }
0x4df: {  	s31 =	simm.s32 $0x0;
	[tilespmem:s0+$0x12DE0] =	vst.add.f32.msk $0xffff, v30  }
0x4e0: {  	[hbm4b:s10+s31] =	stream.linear.scatter [tilespmem:s20], [sflag:$0x2], $0x3400, $0x38;
	[tilespmem:$0x1F400] =	vst v63  }
0x4e1: {  	_ =	swait.ge [sflag:s21], $0x3000  }
0x4e2: {  	[sflag:s21] =	ssyncset.done $0x0  }
0x4e3: {  	s1 =	simm.s32 $0x800;
	s0 =	simm.s32 $0x0;
	[sflag:s21] =	ssyncadd.s32 $0xFFFFD000  }
.LBB2_22:
0x4e4: {  	p0 =	sne.s32 s1, $0xB800;
	v0 =	vld [tilespmem:s0+$0x99F0]  }
0x4e5: {  	v1 =	vld [tilespmem:s0+$0x9800]  }
0x4e6: {  	v2 =	vld [tilespmem:s0+$0x9810]  }
0x4e7: {  	v3 =	vld [tilespmem:s0+$0x9820]  }
0x4e8: {  	v4 =	vld [tilespmem:s0+$0x9830]  }
0x4e9: {  	[tilespmem:s0+$0x161F0] =	vst.add.f32.msk $0xffff, v0  }
0x4ea: {  	v0 =	vld [tilespmem:s0+$0x9840]  }
0x4eb: {  	v5 =	vld [tilespmem:s0+$0x9850]  }
0x4ec: {  	v6 =	vld [tilespmem:s0+$0x9860]  }
0x4ed: {  	v7 =	vld [tilespmem:s0+$0x9870]  }
0x4ee: {  	v8 =	vld [tilespmem:s0+$0x9880]  }
0x4ef: {  	v9 =	vld [tilespmem:s0+$0x9890]  }
0x4f0: {  	v10 =	vld [tilespmem:s0+$0x98A0]  }
0x4f1: {  	v11 =	vld [tilespmem:s0+$0x98B0]  }
0x4f2: {  	v12 =	vld [tilespmem:s0+$0x98C0]  }
0x4f3: {  	v13 =	vld [tilespmem:s0+$0x98D0]  }
0x4f4: {  	v14 =	vld [tilespmem:s0+$0x98E0]  }
0x4f5: {  	v15 =	vld [tilespmem:s0+$0x98F0]  }
0x4f6: {  	v16 =	vld [tilespmem:s0+$0x9900]  }
0x4f7: {  	v17 =	vld [tilespmem:s0+$0x9910]  }
0x4f8: {  	v18 =	vld [tilespmem:s0+$0x9920]  }
0x4f9: {  	v19 =	vld [tilespmem:s0+$0x9930]  }
0x4fa: {  	v20 =	vld [tilespmem:s0+$0x9940]  }
0x4fb: {  	v21 =	vld [tilespmem:s0+$0x9950]  }
0x4fc: {  	v22 =	vld [tilespmem:s0+$0x9960]  }
0x4fd: {  	v23 =	vld [tilespmem:s0+$0x9970]  }
0x4fe: {  	v24 =	vld [tilespmem:s0+$0x9980]  }
0x4ff: {  	v25 =	vld [tilespmem:s0+$0x9990]  }
0x500: {  	v26 =	vld [tilespmem:s0+$0x99A0]  }
0x501: {  	v27 =	vld [tilespmem:s0+$0x99B0]  }
0x502: {  	v28 =	vld [tilespmem:s0+$0x99C0]  }
0x503: {  	v29 =	vld [tilespmem:s0+$0x99D0]  }
0x504: {  	v30 =	vld [tilespmem:s0+$0x99E0]  }
0x505: {  	[tilespmem:s0+$0x16000] =	vst.add.f32.msk $0xffff, v1  }
0x506: {  	[tilespmem:s0+$0x16010] =	vst.add.f32.msk $0xffff, v2  }
0x507: {  	[tilespmem:s0+$0x16020] =	vst.add.f32.msk $0xffff, v3  }
0x508: {  	[tilespmem:s0+$0x16030] =	vst.add.f32.msk $0xffff, v4  }
0x509: {  	[tilespmem:s0+$0x16040] =	vst.add.f32.msk $0xffff, v0  }
0x50a: {  	[tilespmem:s0+$0x16050] =	vst.add.f32.msk $0xffff, v5  }
0x50b: {  	[tilespmem:s0+$0x16060] =	vst.add.f32.msk $0xffff, v6  }
0x50c: {  	[tilespmem:s0+$0x16070] =	vst.add.f32.msk $0xffff, v7  }
0x50d: {  	[tilespmem:s0+$0x16080] =	vst.add.f32.msk $0xffff, v8  }
0x50e: {  	[tilespmem:s0+$0x16090] =	vst.add.f32.msk $0xffff, v9  }
0x50f: {  	[tilespmem:s0+$0x160A0] =	vst.add.f32.msk $0xffff, v10  }
0x510: {  	[tilespmem:s0+$0x160B0] =	vst.add.f32.msk $0xffff, v11  }
0x511: {  	[tilespmem:s0+$0x160C0] =	vst.add.f32.msk $0xffff, v12  }
0x512: {  	[tilespmem:s0+$0x160D0] =	vst.add.f32.msk $0xffff, v13  }
0x513: {  	[tilespmem:s0+$0x160E0] =	vst.add.f32.msk $0xffff, v14  }
0x514: {  	[tilespmem:s0+$0x160F0] =	vst.add.f32.msk $0xffff, v15  }
0x515: {  	[tilespmem:s0+$0x16100] =	vst.add.f32.msk $0xffff, v16  }
0x516: {  	[tilespmem:s0+$0x16110] =	vst.add.f32.msk $0xffff, v17  }
0x517: {  	[tilespmem:s0+$0x16120] =	vst.add.f32.msk $0xffff, v18  }
0x518: {  	[tilespmem:s0+$0x16130] =	vst.add.f32.msk $0xffff, v19  }
0x519: {  	[tilespmem:s0+$0x16140] =	vst.add.f32.msk $0xffff, v20  }
0x51a: {  	[tilespmem:s0+$0x16150] =	vst.add.f32.msk $0xffff, v21  }
0x51b: {  	[tilespmem:s0+$0x16160] =	vst.add.f32.msk $0xffff, v22  }
0x51c: {  	[tilespmem:s0+$0x16170] =	vst.add.f32.msk $0xffff, v23  }
0x51d: {  	[tilespmem:s0+$0x16180] =	vst.add.f32.msk $0xffff, v24  }
0x51e: {  	[tilespmem:s0+$0x16190] =	vst.add.f32.msk $0xffff, v25  }
.Ltmp10:
0x51f: {  	[tilespmem:s0+$0x161A0] =	vst.add.f32.msk $0xffff, v26;
	(pc) =	sbr.rel @p0 .LBB2_22-.Ltmp10, $4  }
0x520: {  	[tilespmem:s0+$0x161B0] =	vst.add.f32.msk $0xffff, v27  }
0x521: {  	[tilespmem:s0+$0x161C0] =	vst.add.f32.msk $0xffff, v28  }
0x522: {  	[tilespmem:s0+$0x161D0] =	vst.add.f32.msk $0xffff, v29  }
0x523: {  	[tilespmem:s0+$0x161E0] =	vst.add.f32.msk $0xffff, v30;
	s0 =	sshra.s32 s1, $0x2;
	s1 =	sadd.s32 $0x800, s1  }
0x524: {  	v0 =	vld [tilespmem:s0+$0x99F0]  }
0x525: {  	v1 =	vld [tilespmem:s0+$0x9800]  }
0x526: {  	v2 =	vld [tilespmem:s0+$0x9810]  }
0x527: {  	v3 =	vld [tilespmem:s0+$0x9820]  }
0x528: {  	v4 =	vld [tilespmem:s0+$0x9830]  }
0x529: {  	v63 =	vld [tilespmem:s0+$0x9840]  }
0x52a: {  	v5 =	vld [tilespmem:s0+$0x9850]  }
0x52b: {  	v6 =	vld [tilespmem:s0+$0x9860]  }
0x52c: {  	v7 =	vld [tilespmem:s0+$0x9870]  }
0x52d: {  	v8 =	vld [tilespmem:s0+$0x9880]  }
0x52e: {  	v9 =	vld [tilespmem:s0+$0x9890]  }
0x52f: {  	v10 =	vld [tilespmem:s0+$0x98A0]  }
0x530: {  	v11 =	vld [tilespmem:s0+$0x98B0]  }
0x531: {  	v12 =	vld [tilespmem:s0+$0x98C0]  }
0x532: {  	v13 =	vld [tilespmem:s0+$0x98D0]  }
0x533: {  	v14 =	vld [tilespmem:s0+$0x98E0]  }
0x534: {  	v15 =	vld [tilespmem:s0+$0x98F0]  }
0x535: {  	v16 =	vld [tilespmem:s0+$0x9900]  }
0x536: {  	v17 =	vld [tilespmem:s0+$0x9910]  }
0x537: {  	v18 =	vld [tilespmem:s0+$0x9920]  }
0x538: {  	v19 =	vld [tilespmem:s0+$0x9930]  }
0x539: {  	v20 =	vld [tilespmem:s0+$0x9940]  }
0x53a: {  	v21 =	vld [tilespmem:s0+$0x9950]  }
0x53b: {  	v22 =	vld [tilespmem:s0+$0x9960]  }
0x53c: {  	v23 =	vld [tilespmem:s0+$0x9970]  }
0x53d: {  	v24 =	vld [tilespmem:s0+$0x9980]  }
0x53e: {  	v25 =	vld [tilespmem:s0+$0x9990]  }
0x53f: {  	v26 =	vld [tilespmem:s0+$0x99A0]  }
0x540: {  	v27 =	vld [tilespmem:s0+$0x99B0]  }
0x541: {  	v28 =	vld [tilespmem:s0+$0x99C0]  }
0x542: {  	v29 =	vld [tilespmem:s0+$0x99D0]  }
0x543: {  	v30 =	vld [tilespmem:s0+$0x99E0]  }
0x544: {  	[tilespmem:s0+$0x161F0] =	vst.add.f32.msk $0xffff, v0  }
0x545: {  	[tilespmem:s0+$0x16000] =	vst.add.f32.msk $0xffff, v1  }
0x546: {  	[tilespmem:s0+$0x16010] =	vst.add.f32.msk $0xffff, v2  }
0x547: {  	[tilespmem:s0+$0x16020] =	vst.add.f32.msk $0xffff, v3  }
0x548: {  	[tilespmem:s0+$0x16030] =	vst.add.f32.msk $0xffff, v4  }
0x549: {  	[tilespmem:s0+$0x16040] =	vst.add.f32.msk $0xffff, v63  }
0x54a: {  	[tilespmem:s0+$0x16050] =	vst.add.f32.msk $0xffff, v5  }
0x54b: {  	[tilespmem:s0+$0x16060] =	vst.add.f32.msk $0xffff, v6  }
0x54c: {  	[tilespmem:s0+$0x16070] =	vst.add.f32.msk $0xffff, v7  }
0x54d: {  	[tilespmem:s0+$0x16080] =	vst.add.f32.msk $0xffff, v8  }
0x54e: {  	[tilespmem:s0+$0x16090] =	vst.add.f32.msk $0xffff, v9  }
0x54f: {  	[tilespmem:s0+$0x160A0] =	vst.add.f32.msk $0xffff, v10  }
0x550: {  	[tilespmem:s0+$0x160B0] =	vst.add.f32.msk $0xffff, v11  }
0x551: {  	[tilespmem:s0+$0x160C0] =	vst.add.f32.msk $0xffff, v12  }
0x552: {  	[tilespmem:s0+$0x160D0] =	vst.add.f32.msk $0xffff, v13  }
0x553: {  	[tilespmem:s0+$0x160E0] =	vst.add.f32.msk $0xffff, v14  }
0x554: {  	[tilespmem:s0+$0x160F0] =	vst.add.f32.msk $0xffff, v15  }
0x555: {  	[tilespmem:s0+$0x16100] =	vst.add.f32.msk $0xffff, v16  }
0x556: {  	[tilespmem:s0+$0x16110] =	vst.add.f32.msk $0xffff, v17  }
0x557: {  	[tilespmem:s0+$0x16120] =	vst.add.f32.msk $0xffff, v18  }
0x558: {  	[tilespmem:s0+$0x16130] =	vst.add.f32.msk $0xffff, v19  }
0x559: {  	[tilespmem:s0+$0x16140] =	vst.add.f32.msk $0xffff, v20  }
0x55a: {  	[tilespmem:s0+$0x16150] =	vst.add.f32.msk $0xffff, v21  }
0x55b: {  	[tilespmem:s0+$0x16160] =	vst.add.f32.msk $0xffff, v22  }
0x55c: {  	[tilespmem:s0+$0x16170] =	vst.add.f32.msk $0xffff, v23  }
0x55d: {  	[tilespmem:s0+$0x16180] =	vst.add.f32.msk $0xffff, v24  }
0x55e: {  	[tilespmem:s0+$0x16190] =	vst.add.f32.msk $0xffff, v25  }
0x55f: {  	[tilespmem:s0+$0x161A0] =	vst.add.f32.msk $0xffff, v26  }
0x560: {  	[tilespmem:s0+$0x161B0] =	vst.add.f32.msk $0xffff, v27  }
0x561: {  	[tilespmem:s0+$0x161C0] =	vst.add.f32.msk $0xffff, v28  }
0x562: {  	[tilespmem:s0+$0x161D0] =	vst.add.f32.msk $0xffff, v29  }
0x563: {  	[tilespmem:s0+$0x161E0] =	vst.add.f32.msk $0xffff, v30  }
0x564: {  	[hbm4b:s11+s3] =	stream.linear.scatter [tilespmem:s22], [sflag:$0x2], $0x3000, $0x38;
	[tilespmem:$0x1F400] =	vst v63  }
0x565: {  	_ =	swait.ge [sflag:s25], $0x3400  }
0x566: {  	[sflag:s25] =	ssyncset.done $0x0  }
0x567: {  	[sflag:s25] =	ssyncadd.s32 $0xFFFFCC00  }
0x568: {  	_ =	swait.ge [sflag:s25], $0x3000  }
0x569: {  	[sflag:s25] =	ssyncset.done $0x0  }
0x56a: {  	[sflag:s25] =	ssyncadd.s32 $0xFFFFD000  }
0x56b: {  	_ =	swait.ge [sflag:s25], $0x3400  }
0x56c: {  	[sflag:s25] =	ssyncset.done $0x0  }
0x56d: {  	[sflag:s25] =	ssyncadd.s32 $0xFFFFCC00  }
0x56e: {  	_ =	swait.ge [sflag:s25], $0x3000  }
0x56f: {  	[sflag:s25] =	ssyncset.done $0x0  }
0x570: {  	s28 =	sadd.s32 $0x1, s28;
	[sflag:s25] =	ssyncadd.s32 $0xFFFFD000  }
0x571: {  	p0 =	sne.s32 s28, s12;
	_ =	swait.ge [sflag:s25], $0x3400  }
.Ltmp11:
0x572: {  	[sflag:s25] =	ssyncset.done $0x0;
	(pc) =	sbr.rel @p0 .LBB2_1-.Ltmp11, $4  }
0x573: {  	[sflag:s25] =	ssyncadd.s32 $0xFFFFCC00  }
0x574: {  	_ =	swait.ge [sflag:s25], $0x3000  }
0x575: {  	[sflag:s25] =	ssyncset.done $0x0  }
0x576: {  	[sflag:s25] =	ssyncadd.s32 $0xFFFFD000  }
0x577: {  	_ =	sfence.sel $0x180000  }
0x578: {  	[bflag:$0x0] =	sbarrier.arrive $0xFFFF  }
0x579: {  	_ =	strace $0x90000047  }
0x57a: {  	s0 =	stileid.u32;
	[bflag:$0x2] =	sbarrier.arrive $0xFFFF  }
0x57b: {  	p0 =	sne.s32 s0, $0x0;
	s0 =	rddreg [dreg:$0x2]  }
0x57c: {  	s0 =	sadd.s32 @!p0 $0x100000, s0  }
0x57d: {  	[sflag:s0] =	ssyncadd.tile.s32 @!p0 $0x1;
	_ =	shalt  }
.Lfunc_end2:
_tile_overlayer_lowered:
.L_overlay_start_2:
0x57e: {  	(tag) =	ssettag $0x2  }
0x57f: {  	s0 =	rddreg [dreg:$0x0];
	s2 =	stileid.u32  }
0x580: {  	s1 =	rddreg [dreg:$0x1];
	p0 =	sne.s32 s2, $0x0  }
0x581: {  	s3 =	rddreg [dreg:$0x2];
	[bflag:$0x3] =	sbarrier.arrive $0xFFFF;
	s2 =	simm.s32 @!p0 $0x1C03  }
0x582: {  	[timem:s3], [sflag:s2] =	dma.local @!p0 [hbm:s0], s1  }
0x583: {  	s0 =	simm.s32 @!p0 $0x3  }
0x584: {  	_ =	swait.ge @!p0 [sflag:s0], s1  }
0x585: {  	s1 =	ssub.s32 @!p0 $0x0, s1;
	[sflag:s0] =	ssyncset.done @!p0 $0x0  }
0x586: {  	[sflag:s0] =	ssyncadd.s32 @!p0 s1  }
0x587: {  	[bflag:$0x3] =	sbarrier.arrive $0xFFFF  }
0x588: {  	_ =	shalt  }

</sc_bundles>
